<compile_context>
chip_gen: v7x
topology: tpu7x:2x2x1
jax: 0.10.2.dev20260603
libtpu: 0.0.44.dev20260713+nightly
codegen_flags: <defaults>
</compile_context>

<pallas_src>
import functools

import jax
import jax.numpy as jnp
from jax import lax
from jax.experimental import pallas as pl
from jax.experimental.pallas import tpu as pltpu
from jax.experimental.pallas import tpu_sc as plsc

NC = 2
NS = 16
NW = NC * NS
LANES = 16

ROW = 125
DW = 16


def _mesh():
    return plsc.VectorSubcoreMesh(core_axis_name="c", subcore_axis_name="s")


def _make_deg_kernel(NP, E):
    n_rows = E // ROW
    BR = 8
    n_blocks = n_rows // BR
    T = n_blocks // NW
    RPT = NP // NS
    assert E % ROW == 0 and n_rows % BR == 0 and n_blocks % NW == 0
    assert RPT % 8 == 0

    @functools.partial(
        pl.kernel,
        out_type=jax.ShapeDtypeStruct((NC, NP, DW), jnp.float32),
        mesh=_mesh(),
        compiler_params=pltpu.CompilerParams(use_tc_tiling_on_sc=False),
        scratch_types=[
            pltpu.VMEM((2, BR, ROW), jnp.int32),
            pltpu.VMEM((ROW, DW), jnp.float32),
            pltpu.VMEM_SHARED((NP, DW), jnp.float32),
            pltpu.SemaphoreType.DMA,
            pltpu.SemaphoreType.DMA,
        ],
    )
    def deg_kernel(dst2d_hbm, ones_hbm, zeros1_hbm, out_hbm,
                   didxb, ones_v, acc, sd0, sd1):
        cid = lax.axis_index("c")
        sid = lax.axis_index("s")
        wid = sid * NC + cid
        sds = [sd0, sd1]
        assert T % 2 == 0

        row0 = sid * RPT
        pltpu.sync_copy(zeros1_hbm.at[pl.ds(row0, RPT)],
                        acc.at[pl.ds(row0, RPT)])
        pltpu.sync_copy(ones_hbm, ones_v)
        plsc.subcore_barrier()

        def drain(h):
            for _ in range(BR):
                pltpu.make_async_copy(ones_v, acc.at[didxb.at[h, 0]],
                                      sds[h]).wait()

        def blk2_body(tt, _):
            for h in range(2):
                t = tt * 2 + h

                @pl.when(tt > 0)
                def _(h=h):
                    drain(h)

                blk = wid + NW * t
                pltpu.sync_copy(dst2d_hbm.at[pl.ds(blk * BR, BR)],
                                didxb.at[h])
                for j in range(BR):
                    pltpu.async_copy(ones_v, acc.at[didxb.at[h, j]],
                                     sds[h], add=True)
            return 0

        lax.fori_loop(0, T // 2, blk2_body, 0)
        drain(0)
        drain(1)
        plsc.subcore_barrier()
        pltpu.sync_copy(acc.at[pl.ds(row0, RPT)],
                        out_hbm.at[cid, pl.ds(row0, RPT)])

    return deg_kernel


def _make_scatter_kernel(NP, E, H):
    n_rows = E // ROW
    BR = 8
    n_blocks = n_rows // BR
    T = n_blocks // NW
    RPT = NP // NS
    assert E % ROW == 0 and n_rows % BR == 0 and n_blocks % NW == 0
    assert RPT % 8 == 0

    assert T % 2 == 0

    @functools.partial(
        pl.kernel,
        out_type=jax.ShapeDtypeStruct((NC, NP, H), jnp.float32),
        mesh=_mesh(),
        compiler_params=pltpu.CompilerParams(use_tc_tiling_on_sc=False),
        scratch_types=[
            pltpu.VMEM((2, BR, ROW), jnp.int32),
            pltpu.VMEM((2, BR, ROW), jnp.int32),
            pltpu.VMEM((2, ROW, H), jnp.float32),
            pltpu.VMEM_SHARED((NP, H), jnp.float32),
            pltpu.SemaphoreType.DMA,
            pltpu.SemaphoreType.DMA,
            pltpu.SemaphoreType.DMA,
            pltpu.SemaphoreType.DMA,
        ],
    )
    def scatter_kernel(g_hbm, src2d_hbm, dst2d_hbm, zeros_hbm, part_hbm,
                       sidxb, didxb, rows, acc, sg0, sg1, ss0, ss1):
        cid = lax.axis_index("c")
        sid = lax.axis_index("s")
        wid = sid * NC + cid
        sgs = [sg0, sg1]
        sss = [ss0, ss1]

        row0 = sid * RPT
        pltpu.sync_copy(zeros_hbm.at[pl.ds(row0, RPT)],
                        acc.at[pl.ds(row0, RPT)])
        plsc.subcore_barrier()

        def scat_wait(b, pb):
            pltpu.make_async_copy(rows.at[b], acc.at[didxb.at[pb, 0]],
                                  sss[b]).wait()

        def blk2_body(tt, _):
            for h in range(2):
                t = tt * 2 + h
                blk = wid + NW * t
                pltpu.sync_copy(src2d_hbm.at[pl.ds(blk * BR, BR)],
                                sidxb.at[h])
                pltpu.sync_copy(dst2d_hbm.at[pl.ds(blk * BR, BR)],
                                didxb.at[h])
                g = {}
                s = {}

                def issue_scatter(k, h=h):
                    return pltpu.async_copy(rows.at[k % 2],
                                            acc.at[didxb.at[h, k]],
                                            sss[k % 2], add=True)

                for j in range(BR):
                    b = j % 2
                    if j >= 2:
                        s[j - 2].wait()
                    elif h == 0:
                        @pl.when(tt > 0)
                        def _(b=b):
                            scat_wait(b, 1)
                    else:
                        scat_wait(b, 0)
                    g[j] = pltpu.async_copy(g_hbm.at[sidxb.at[h, j]],
                                            rows.at[b], sgs[b])
                    if j >= 1:
                        g[j - 1].wait()
                        s[j - 1] = issue_scatter(j - 1)
                g[BR - 1].wait()
                s[BR - 1] = issue_scatter(BR - 1)
            return 0

        lax.fori_loop(0, T // 2, blk2_body, 0)
        for b in range(2):
            scat_wait(b, 1)
        plsc.subcore_barrier()
        pltpu.sync_copy(acc.at[pl.ds(row0, RPT)],
                        part_hbm.at[cid, pl.ds(row0, RPT)])

    return scatter_kernel


def _t1a_body(x_ref, w_ref, h_ref):
    h_ref[...] = jnp.dot(x_ref[...], w_ref[...],
                         preferred_element_type=jnp.float32)


def _t1b_body(h_ref, degp_ref, g_ref, dinv_ref):
    n = h_ref.shape[0]
    deg = degp_ref[0, :n, 0:1] + degp_ref[1, :n, 0:1] + 1.0
    dinv = lax.rsqrt(deg)
    g_ref[...] = h_ref[...] * dinv
    dinv_ref[...] = dinv


def _t2_body(p_ref, g_ref, dinv_ref, b_ref, w_ref, g2_ref):
    n = g_ref.shape[0]
    dinv = dinv_ref[...]
    s = p_ref[0, :n] + p_ref[1, :n] + g_ref[...]
    z = jnp.maximum(dinv * s + b_ref[...], 0.0)
    g2_ref[...] = jnp.dot(z, w_ref[...],
                          preferred_element_type=jnp.float32) * dinv


def _t3_body(p_ref, g_ref, dinv_ref, b_ref, wc_ref, bc_ref, out_ref):
    n = g_ref.shape[0]
    dinv = dinv_ref[...]
    z = jnp.maximum(
        dinv * (p_ref[0, :n] + p_ref[1, :n] + g_ref[...]) + b_ref[...], 0.0)
    out_ref[...] = jnp.dot(z, wc_ref[...],
                           preferred_element_type=jnp.float32) + bc_ref[...]


def kernel(x, edge_index, W1, b1, W2, b2, Wc, bc):
    N, D = x.shape
    E = edge_index.shape[1]
    H = W1.shape[1]
    C = Wc.shape[1]
    f32 = jnp.float32

    NP = ((N + NS * 8 - 1) // (NS * 8)) * (NS * 8)
    src2d = edge_index[0].reshape(E // ROW, ROW)
    dst2d = edge_index[1].reshape(E // ROW, ROW)
    zeros = jnp.zeros((NP, H), f32)
    zeros1 = jnp.zeros((NP, DW), f32)
    ones_rows = jnp.ones((ROW, DW), f32)

    deg_kernel = _make_deg_kernel(NP, E)
    scatter_kernel = _make_scatter_kernel(NP, E, H)

    degp = deg_kernel(dst2d, ones_rows, zeros1)

    h1 = pl.pallas_call(
        _t1a_body,
        out_shape=jax.ShapeDtypeStruct((N, H), f32),
    )(x, W1)

    g1, dinv = pl.pallas_call(
        _t1b_body,
        out_shape=[jax.ShapeDtypeStruct((N, H), f32),
                   jax.ShapeDtypeStruct((N, 1), f32)],
    )(h1, degp)

    p1 = scatter_kernel(g1, src2d, dst2d, zeros)

    g2 = pl.pallas_call(
        _t2_body,
        out_shape=jax.ShapeDtypeStruct((N, H), f32),
    )(p1, g1, dinv, b1, W2)

    p2 = scatter_kernel(g2, src2d, dst2d, zeros)

    logits = pl.pallas_call(
        _t3_body,
        out_shape=jax.ShapeDtypeStruct((N, C), f32),
    )(p2, g2, dinv, b2, Wc, bc)

    return logits

# --- scband reference (transcript-rebuilt; emitter-appended) ---
"""Pipeline reference for scband-vanilla-gnn-1855425872280 (READ-ONLY COPY).

The authoritative reference and input builder live on the scoring server;
editing this copy changes nothing except your own understanding.
"""

import jax, jax.numpy as jnp
import numpy as np

N = 10000
E = 320000
D = 128
H = 128
C = 2

def setup_inputs(seed: int = 0) -> dict:
    key = jax.random.key(seed)
    ks = jax.random.split(key, 8)
    x = jax.random.normal(ks[0], (N, D), dtype=jnp.float32)
    edge_index = jax.random.randint(ks[1], (2, E), 0, N, dtype=jnp.int32)
    W1 = jax.random.normal(ks[2], (D, H), dtype=jnp.float32) * (1.0 / np.sqrt(D))
    b1 = jnp.zeros((H,), dtype=jnp.float32)
    W2 = jax.random.normal(ks[3], (H, H), dtype=jnp.float32) * (1.0 / np.sqrt(H))
    b2 = jnp.zeros((H,), dtype=jnp.float32)
    Wc = jax.random.normal(ks[4], (H, C), dtype=jnp.float32) * (1.0 / np.sqrt(H))
    bc = jnp.zeros((C,), dtype=jnp.float32)
    return {"x": x, "edge_index": edge_index, "W1": W1, "b1": b1, "W2": W2, "b2": b2, "Wc": Wc, "bc": bc}


def gcn_conv(x, edge_index, W, b):
    # PyG-style GCNConv: add self-loops, symmetric normalization, linear transform + bias
    n = x.shape[0]
    sl = jnp.arange(n, dtype=edge_index.dtype)
    src = jnp.concatenate([edge_index[0], sl])
    dst = jnp.concatenate([edge_index[1], sl])
    deg = jnp.zeros((n,), dtype=x.dtype).at[dst].add(1.0)
    dinv = jnp.where(deg > 0, 1.0 / jnp.sqrt(deg), 0.0)
    h = x @ W
    norm = dinv[src] * dinv[dst]
    msg = h[src] * norm[:, None]
    out = jnp.zeros((n, h.shape[1]), dtype=x.dtype).at[dst].add(msg)
    return out + b


def reference(x, edge_index, W1, b1, W2, b2, Wc, bc):
    h = jax.nn.relu(gcn_conv(x, edge_index, W1, b1))
    # dropout p=0.5 is identity in eval mode (training=False)
    h = jax.nn.relu(gcn_conv(h, edge_index, W2, b2))
    logits = h @ Wc + bc
    return logits

if __name__ == "__main__":
    import jax
    _d = setup_inputs()
    print(jax.jit(kernel)(*tuple(_d.values())))

</pallas_src>

<mosaic_0001>
#map = affine_map<(d0, d1) -> (0, 0)>
#map1 = affine_map<(d0, d1) -> (0, 0, 0)>
module attributes {stable_mosaic.version = 14 : i64} {
  func.func @deg_kernel(%arg0: i32, %arg1: i32, %arg2: memref<2560x125xi32, #tpu.memory_space<hbm>>, %arg3: memref<125x16xf32, #tpu.memory_space<hbm>>, %arg4: memref<10112x16xf32, #tpu.memory_space<hbm>>, %arg5: memref<2x10112x16xf32, #tpu.memory_space<hbm>>, %arg6: memref<2x8x125xi32, #tpu.memory_space<vmem>>, %arg7: memref<125x16xf32, #tpu.memory_space<vmem>>, %arg8: memref<10112x16xf32, #tpu.memory_space<vmem_shared>>, %arg9: memref<!tpu.dma_semaphore, #tpu.memory_space<semaphore_mem>>, %arg10: memref<!tpu.dma_semaphore, #tpu.memory_space<semaphore_mem>>) attributes {dimension_semantics = [#tpu.dimension_semantics<core_parallel>, #tpu.dimension_semantics<subcore_parallel>], iteration_bounds = array<i64: 2, 16>, scalar_prefetch = 0 : i64, scratch_operands = 5 : i64, tpu.core_type = #tpu.core_type<sc_vector_subcore>, window_params = [{transform_indices = #map}, {transform_indices = #map}, {transform_indices = #map}, {transform_indices = #map1}]} {
    %mul3A = arith.constant 2 : i32
    %mul3A_0 = arith.muli %arg1, %mul3A : i32
    %add3A = arith.addi %mul3A_0, %arg0 : i32
    %mul3A_1 = arith.constant 632 : i32
    %mul3A_2 = arith.muli %arg1, %mul3A_1 : i32
    "tpu.region"() ({
      %run_scoped3A = tpu.sem_alloc : memref<!tpu.dma_semaphore, #tpu.memory_space<semaphore_mem>>
      %dma_start3A = arith.constant 0 : i32
      %dma_start3A_137 = tpu.memref_slice %arg8[%mul3A_2, %dma_start3A] : memref<10112x16xf32, #tpu.memory_space<vmem_shared>> -> memref<632x16xf32, #tpu.memory_space<vmem_shared>>
      %dma_start3A_138 = arith.constant 0 : i32
      %dma_start3A_139 = tpu.memref_slice %arg4[%mul3A_2, %dma_start3A_138] : memref<10112x16xf32, #tpu.memory_space<hbm>> -> memref<632x16xf32, #tpu.memory_space<hbm>>
      tpu.enqueue_dma source(%dma_start3A_139 : memref<632x16xf32, #tpu.memory_space<hbm>>) target(%dma_start3A_137 : memref<632x16xf32, #tpu.memory_space<vmem_shared>>) target_semaphore(%run_scoped3A : memref<!tpu.dma_semaphore, #tpu.memory_space<semaphore_mem>>)
      %dma_wait3A_140 = arith.constant 0 : i32
      %dma_wait3A_141 = tpu.memref_slice %arg8[%mul3A_2, %dma_wait3A_140] : memref<10112x16xf32, #tpu.memory_space<vmem_shared>> -> memref<632x16xf32, #tpu.memory_space<vmem_shared>>
      %dma_wait3A_142 = arith.constant 0 : i32
      %dma_wait3A_143 = tpu.memref_slice %arg4[%mul3A_2, %dma_wait3A_142] : memref<10112x16xf32, #tpu.memory_space<hbm>> -> memref<632x16xf32, #tpu.memory_space<hbm>>
      tpu.wait_dma2 semaphore(%run_scoped3A : memref<!tpu.dma_semaphore, #tpu.memory_space<semaphore_mem>>) src(%dma_wait3A_143 : memref<632x16xf32, #tpu.memory_space<hbm>>) dst(%dma_wait3A_141 : memref<632x16xf32, #tpu.memory_space<vmem_shared>>)
      tpu.yield
    }) : () -> ()
    "tpu.region"() ({
      %run_scoped3A = tpu.sem_alloc : memref<!tpu.dma_semaphore, #tpu.memory_space<semaphore_mem>>
      tpu.enqueue_dma source(%arg3 : memref<125x16xf32, #tpu.memory_space<hbm>>) target(%arg7 : memref<125x16xf32, #tpu.memory_space<vmem>>) target_semaphore(%run_scoped3A : memref<!tpu.dma_semaphore, #tpu.memory_space<semaphore_mem>>)
      tpu.wait_dma2 semaphore(%run_scoped3A : memref<!tpu.dma_semaphore, #tpu.memory_space<semaphore_mem>>) src(%arg3 : memref<125x16xf32, #tpu.memory_space<hbm>>) dst(%arg7 : memref<125x16xf32, #tpu.memory_space<vmem>>)
      tpu.yield
    }) : () -> ()
    %barrier3A = arith.constant 0 : index
    tpu.barrier barrier_id(%barrier3A)
    %scan3A = arith.constant 0 : i32
    %scan3A_3 = arith.constant 0 : i32
    %scan3A_4 = arith.constant 5 : i32
    %scan3A_5 = arith.addi %scan3A_3, %scan3A_4 : i32
    %scan3A_6 = arith.constant 1 : i32
    %scan3A_7 = scf.for %scan3A_137 = %scan3A_3 to %scan3A_5 step %scan3A_6 iter_args(%scan3A_138 = %scan3A) -> (i32)  : i32 {
      %mul3A_139 = arith.constant 2 : i32
      %mul3A_140 = arith.muli %scan3A_137, %mul3A_139 : i32
      %add3A_141 = arith.constant 0 : i32
      %add3A_142 = arith.addi %mul3A_140, %add3A_141 : i32
      %gt3A = arith.constant 0 : i32
      %gt3A_143 = arith.cmpi sgt, %scan3A_137, %gt3A : i32
      %convert_element_type3A = arith.extui %gt3A_143 : i1 to i32
      %cond3A = arith.constant 0 : i32
      %cond3A_144 = arith.cmpi ne, %convert_element_type3A, %cond3A : i32
      scf.if %cond3A_144 {
        %dma_wait3A_293 = arith.constant 0 : i32
        %dma_wait3A_294 = arith.constant 0 : i32
        %dma_wait3A_295 = arith.constant 0 : i32
        %dma_wait3A_296 = tpu.memref_slice %arg6[%dma_wait3A_293, %dma_wait3A_294, %dma_wait3A_295] : memref<2x8x125xi32, #tpu.memory_space<vmem>> -> memref<1x1x125xi32, #tpu.memory_space<vmem>>
        %dma_wait3A_297 = tpu.memref_squeeze %dma_wait3A_296 : memref<1x1x125xi32, #tpu.memory_space<vmem>> -> memref<125xi32, #tpu.memory_space<vmem>>
        %dma_wait3A_298 = arith.constant 0 : i32
        %dma_wait3A_299 = arith.constant 0 : i32
        %dma_wait3A_300 = tpu.memref_slice %arg8[%dma_wait3A_298, %dma_wait3A_299] : memref<10112x16xf32, #tpu.memory_space<vmem_shared>> -> memref<10112x16xf32, #tpu.memory_space<vmem_shared>>
        tpu.wait_indirect_dma semaphore(%arg9 : memref<!tpu.dma_semaphore, #tpu.memory_space<semaphore_mem>>) src(%arg7 : memref<125x16xf32, #tpu.memory_space<vmem>>) dst(%dma_wait3A_300 : memref<10112x16xf32, #tpu.memory_space<vmem_shared>>)
        %dma_wait3A_301 = arith.constant 0 : i32
        %dma_wait3A_302 = arith.constant 0 : i32
        %dma_wait3A_303 = arith.constant 0 : i32
        %dma_wait3A_304 = tpu.memref_slice %arg6[%dma_wait3A_301, %dma_wait3A_302, %dma_wait3A_303] : memref<2x8x125xi32, #tpu.memory_space<vmem>> -> memref<1x1x125xi32, #tpu.memory_space<vmem>>
        %dma_wait3A_305 = tpu.memref_squeeze %dma_wait3A_304 : memref<1x1x125xi32, #tpu.memory_space<vmem>> -> memref<125xi32, #tpu.memory_space<vmem>>
        %dma_wait3A_306 = arith.constant 0 : i32
        %dma_wait3A_307 = arith.constant 0 : i32
        %dma_wait3A_308 = tpu.memref_slice %arg8[%dma_wait3A_306, %dma_wait3A_307] : memref<10112x16xf32, #tpu.memory_space<vmem_shared>> -> memref<10112x16xf32, #tpu.memory_space<vmem_shared>>
        tpu.wait_indirect_dma semaphore(%arg9 : memref<!tpu.dma_semaphore, #tpu.memory_space<semaphore_mem>>) src(%arg7 : memref<125x16xf32, #tpu.memory_space<vmem>>) dst(%dma_wait3A_308 : memref<10112x16xf32, #tpu.memory_space<vmem_shared>>)
        %dma_wait3A_309 = arith.constant 0 : i32
        %dma_wait3A_310 = arith.constant 0 : i32
        %dma_wait3A_311 = arith.constant 0 : i32
        %dma_wait3A_312 = tpu.memref_slice %arg6[%dma_wait3A_309, %dma_wait3A_310, %dma_wait3A_311] : memref<2x8x125xi32, #tpu.memory_space<vmem>> -> memref<1x1x125xi32, #tpu.memory_space<vmem>>
        %dma_wait3A_313 = tpu.memref_squeeze %dma_wait3A_312 : memref<1x1x125xi32, #tpu.memory_space<vmem>> -> memref<125xi32, #tpu.memory_space<vmem>>
        %dma_wait3A_314 = arith.constant 0 : i32
        %dma_wait3A_315 = arith.constant 0 : i32
        %dma_wait3A_316 = tpu.memref_slice %arg8[%dma_wait3A_314, %dma_wait3A_315] : memref<10112x16xf32, #tpu.memory_space<vmem_shared>> -> memref<10112x16xf32, #tpu.memory_space<vmem_shared>>
        tpu.wait_indirect_dma semaphore(%arg9 : memref<!tpu.dma_semaphore, #tpu.memory_space<semaphore_mem>>) src(%arg7 : memref<125x16xf32, #tpu.memory_space<vmem>>) dst(%dma_wait3A_316 : memref<10112x16xf32, #tpu.memory_space<vmem_shared>>)
        %dma_wait3A_317 = arith.constant 0 : i32
        %dma_wait3A_318 = arith.constant 0 : i32
        %dma_wait3A_319 = arith.constant 0 : i32
        %dma_wait3A_320 = tpu.memref_slice %arg6[%dma_wait3A_317, %dma_wait3A_318, %dma_wait3A_319] : memref<2x8x125xi32, #tpu.memory_space<vmem>> -> memref<1x1x125xi32, #tpu.memory_space<vmem>>
        %dma_wait3A_321 = tpu.memref_squeeze %dma_wait3A_320 : memref<1x1x125xi32, #tpu.memory_space<vmem>> -> memref<125xi32, #tpu.memory_space<vmem>>
        %dma_wait3A_322 = arith.constant 0 : i32
        %dma_wait3A_323 = arith.constant 0 : i32
        %dma_wait3A_324 = tpu.memref_slice %arg8[%dma_wait3A_322, %dma_wait3A_323] : memref<10112x16xf32, #tpu.memory_space<vmem_shared>> -> memref<10112x16xf32, #tpu.memory_space<vmem_shared>>
        tpu.wait_indirect_dma semaphore(%arg9 : memref<!tpu.dma_semaphore, #tpu.memory_space<semaphore_mem>>) src(%arg7 : memref<125x16xf32, #tpu.memory_space<vmem>>) dst(%dma_wait3A_324 : memref<10112x16xf32, #tpu.memory_space<vmem_shared>>)
        %dma_wait3A_325 = arith.constant 0 : i32
        %dma_wait3A_326 = arith.constant 0 : i32
        %dma_wait3A_327 = arith.constant 0 : i32
        %dma_wait3A_328 = tpu.memref_slice %arg6[%dma_wait3A_325, %dma_wait3A_326, %dma_wait3A_327] : memref<2x8x125xi32, #tpu.memory_space<vmem>> -> memref<1x1x125xi32, #tpu.memory_space<vmem>>
        %dma_wait3A_329 = tpu.memref_squeeze %dma_wait3A_328 : memref<1x1x125xi32, #tpu.memory_space<vmem>> -> memref<125xi32, #tpu.memory_space<vmem>>
        %dma_wait3A_330 = arith.constant 0 : i32
        %dma_wait3A_331 = arith.constant 0 : i32
        %dma_wait3A_332 = tpu.memref_slice %arg8[%dma_wait3A_330, %dma_wait3A_331] : memref<10112x16xf32, #tpu.memory_space<vmem_shared>> -> memref<10112x16xf32, #tpu.memory_space<vmem_shared>>
        tpu.wait_indirect_dma semaphore(%arg9 : memref<!tpu.dma_semaphore, #tpu.memory_space<semaphore_mem>>) src(%arg7 : memref<125x16xf32, #tpu.memory_space<vmem>>) dst(%dma_wait3A_332 : memref<10112x16xf32, #tpu.memory_space<vmem_shared>>)
        %dma_wait3A_333 = arith.constant 0 : i32
        %dma_wait3A_334 = arith.constant 0 : i32
        %dma_wait3A_335 = arith.constant 0 : i32
        %dma_wait3A_336 = tpu.memref_slice %arg6[%dma_wait3A_333, %dma_wait3A_334, %dma_wait3A_335] : memref<2x8x125xi32, #tpu.memory_space<vmem>> -> memref<1x1x125xi32, #tpu.memory_space<vmem>>
        %dma_wait3A_337 = tpu.memref_squeeze %dma_wait3A_336 : memref<1x1x125xi32, #tpu.memory_space<vmem>> -> memref<125xi32, #tpu.memory_space<vmem>>
        %dma_wait3A_338 = arith.constant 0 : i32
        %dma_wait3A_339 = arith.constant 0 : i32
        %dma_wait3A_340 = tpu.memref_slice %arg8[%dma_wait3A_338, %dma_wait3A_339] : memref<10112x16xf32, #tpu.memory_space<vmem_shared>> -> memref<10112x16xf32, #tpu.memory_space<vmem_shared>>
        tpu.wait_indirect_dma semaphore(%arg9 : memref<!tpu.dma_semaphore, #tpu.memory_space<semaphore_mem>>) src(%arg7 : memref<125x16xf32, #tpu.memory_space<vmem>>) dst(%dma_wait3A_340 : memref<10112x16xf32, #tpu.memory_space<vmem_shared>>)
        %dma_wait3A_341 = arith.constant 0 : i32
        %dma_wait3A_342 = arith.constant 0 : i32
        %dma_wait3A_343 = arith.constant 0 : i32
        %dma_wait3A_344 = tpu.memref_slice %arg6[%dma_wait3A_341, %dma_wait3A_342, %dma_wait3A_343] : memref<2x8x125xi32, #tpu.memory_space<vmem>> -> memref<1x1x125xi32, #tpu.memory_space<vmem>>
        %dma_wait3A_345 = tpu.memref_squeeze %dma_wait3A_344 : memref<1x1x125xi32, #tpu.memory_space<vmem>> -> memref<125xi32, #tpu.memory_space<vmem>>
        %dma_wait3A_346 = arith.constant 0 : i32
        %dma_wait3A_347 = arith.constant 0 : i32
        %dma_wait3A_348 = tpu.memref_slice %arg8[%dma_wait3A_346, %dma_wait3A_347] : memref<10112x16xf32, #tpu.memory_space<vmem_shared>> -> memref<10112x16xf32, #tpu.memory_space<vmem_shared>>
        tpu.wait_indirect_dma semaphore(%arg9 : memref<!tpu.dma_semaphore, #tpu.memory_space<semaphore_mem>>) src(%arg7 : memref<125x16xf32, #tpu.memory_space<vmem>>) dst(%dma_wait3A_348 : memref<10112x16xf32, #tpu.memory_space<vmem_shared>>)
        %dma_wait3A_349 = arith.constant 0 : i32
        %dma_wait3A_350 = arith.constant 0 : i32
        %dma_wait3A_351 = arith.constant 0 : i32
        %dma_wait3A_352 = tpu.memref_slice %arg6[%dma_wait3A_349, %dma_wait3A_350, %dma_wait3A_351] : memref<2x8x125xi32, #tpu.memory_space<vmem>> -> memref<1x1x125xi32, #tpu.memory_space<vmem>>
        %dma_wait3A_353 = tpu.memref_squeeze %dma_wait3A_352 : memref<1x1x125xi32, #tpu.memory_space<vmem>> -> memref<125xi32, #tpu.memory_space<vmem>>
        %dma_wait3A_354 = arith.constant 0 : i32
        %dma_wait3A_355 = arith.constant 0 : i32
        %dma_wait3A_356 = tpu.memref_slice %arg8[%dma_wait3A_354, %dma_wait3A_355] : memref<10112x16xf32, #tpu.memory_space<vmem_shared>> -> memref<10112x16xf32, #tpu.memory_space<vmem_shared>>
        tpu.wait_indirect_dma semaphore(%arg9 : memref<!tpu.dma_semaphore, #tpu.memory_space<semaphore_mem>>) src(%arg7 : memref<125x16xf32, #tpu.memory_space<vmem>>) dst(%dma_wait3A_356 : memref<10112x16xf32, #tpu.memory_space<vmem_shared>>)
      } else {
      }
      %mul3A_145 = arith.constant 32 : i32
      %mul3A_146 = arith.muli %mul3A_145, %add3A_142 : i32
      %add3A_147 = arith.addi %add3A, %mul3A_146 : i32
      %mul3A_148 = arith.constant 8 : i32
      %mul3A_149 = arith.muli %add3A_147, %mul3A_148 : i32
      %run_scoped3A = arith.constant 0 : i32
      "tpu.region"() ({
        %run_scoped3A_293 = tpu.sem_alloc : memref<!tpu.dma_semaphore, #tpu.memory_space<semaphore_mem>>
        %dma_start3A_294 = arith.constant 0 : i32
        %dma_start3A_295 = arith.constant 0 : i32
        %dma_start3A_296 = tpu.memref_slice %arg6[%run_scoped3A, %dma_start3A_294, %dma_start3A_295] : memref<2x8x125xi32, #tpu.memory_space<vmem>> -> memref<1x8x125xi32, #tpu.memory_space<vmem>>
        %dma_start3A_297 = tpu.memref_squeeze %dma_start3A_296 : memref<1x8x125xi32, #tpu.memory_space<vmem>> -> memref<8x125xi32, #tpu.memory_space<vmem>>
        %dma_start3A_298 = arith.constant 0 : i32
        %dma_start3A_299 = tpu.memref_slice %arg2[%mul3A_149, %dma_start3A_298] : memref<2560x125xi32, #tpu.memory_space<hbm>> -> memref<8x125xi32, #tpu.memory_space<hbm>>
        %dma_start3A_300 = arith.constant 0 : i32
        %dma_start3A_301 = arith.constant 0 : i32
        %dma_start3A_302 = tpu.memref_slice %arg6[%run_scoped3A, %dma_start3A_300, %dma_start3A_301] : memref<2x8x125xi32, #tpu.memory_space<vmem>> -> memref<1x8x125xi32, #tpu.memory_space<vmem>>
        %dma_start3A_303 = tpu.memref_squeeze %dma_start3A_302 : memref<1x8x125xi32, #tpu.memory_space<vmem>> -> memref<8x125xi32, #tpu.memory_space<vmem>>
        %dma_start3A_304 = arith.constant 0 : i32
        %dma_start3A_305 = tpu.memref_slice %arg2[%mul3A_149, %dma_start3A_304] : memref<2560x125xi32, #tpu.memory_space<hbm>> -> memref<8x125xi32, #tpu.memory_space<hbm>>
        tpu.enqueue_dma source(%dma_start3A_305 : memref<8x125xi32, #tpu.memory_space<hbm>>) target(%dma_start3A_303 : memref<8x125xi32, #tpu.memory_space<vmem>>) target_semaphore(%run_scoped3A_293 : memref<!tpu.dma_semaphore, #tpu.memory_space<semaphore_mem>>)
        %dma_wait3A_306 = arith.constant 0 : i32
        %dma_wait3A_307 = arith.constant 0 : i32
        %dma_wait3A_308 = tpu.memref_slice %arg6[%run_scoped3A, %dma_wait3A_306, %dma_wait3A_307] : memref<2x8x125xi32, #tpu.memory_space<vmem>> -> memref<1x8x125xi32, #tpu.memory_space<vmem>>
        %dma_wait3A_309 = tpu.memref_squeeze %dma_wait3A_308 : memref<1x8x125xi32, #tpu.memory_space<vmem>> -> memref<8x125xi32, #tpu.memory_space<vmem>>
        %dma_wait3A_310 = arith.constant 0 : i32
        %dma_wait3A_311 = tpu.memref_slice %arg2[%mul3A_149, %dma_wait3A_310] : memref<2560x125xi32, #tpu.memory_space<hbm>> -> memref<8x125xi32, #tpu.memory_space<hbm>>
        %dma_wait3A_312 = arith.constant 0 : i32
        %dma_wait3A_313 = arith.constant 0 : i32
        %dma_wait3A_314 = tpu.memref_slice %arg6[%run_scoped3A, %dma_wait3A_312, %dma_wait3A_313] : memref<2x8x125xi32, #tpu.memory_space<vmem>> -> memref<1x8x125xi32, #tpu.memory_space<vmem>>
        %dma_wait3A_315 = tpu.memref_squeeze %dma_wait3A_314 : memref<1x8x125xi32, #tpu.memory_space<vmem>> -> memref<8x125xi32, #tpu.memory_space<vmem>>
        %dma_wait3A_316 = arith.constant 0 : i32
        %dma_wait3A_317 = tpu.memref_slice %arg2[%mul3A_149, %dma_wait3A_316] : memref<2560x125xi32, #tpu.memory_space<hbm>> -> memref<8x125xi32, #tpu.memory_space<hbm>>
        tpu.wait_dma2 semaphore(%run_scoped3A_293 : memref<!tpu.dma_semaphore, #tpu.memory_space<semaphore_mem>>) src(%dma_wait3A_317 : memref<8x125xi32, #tpu.memory_space<hbm>>) dst(%dma_wait3A_315 : memref<8x125xi32, #tpu.memory_space<vmem>>)
        tpu.yield
      }) : () -> ()
      %dma_start3A = arith.constant 0 : i32
      %dma_start3A_150 = arith.constant 0 : i32
      %dma_start3A_151 = arith.constant 0 : i32
      %dma_start3A_152 = tpu.memref_slice %arg6[%dma_start3A, %dma_start3A_150, %dma_start3A_151] : memref<2x8x125xi32, #tpu.memory_space<vmem>> -> memref<1x1x125xi32, #tpu.memory_space<vmem>>
      %dma_start3A_153 = tpu.memref_squeeze %dma_start3A_152 : memref<1x1x125xi32, #tpu.memory_space<vmem>> -> memref<125xi32, #tpu.memory_space<vmem>>
      %dma_start3A_154 = arith.constant 0 : i32
      %dma_start3A_155 = arith.constant 0 : i32
      %dma_start3A_156 = tpu.memref_slice %arg8[%dma_start3A_154, %dma_start3A_155] : memref<10112x16xf32, #tpu.memory_space<vmem_shared>> -> memref<10112x16xf32, #tpu.memory_space<vmem_shared>>
      tpu.enqueue_indirect_dma source(%arg7 : memref<125x16xf32, #tpu.memory_space<vmem>>) target(%dma_start3A_156 : memref<10112x16xf32, #tpu.memory_space<vmem_shared>>) offsets(%dma_start3A_153 : memref<125xi32, #tpu.memory_space<vmem>>) semaphore(%arg9 : memref<!tpu.dma_semaphore, #tpu.memory_space<semaphore_mem>>) {add = true}
      %dma_start3A_157 = arith.constant 0 : i32
      %dma_start3A_158 = arith.constant 1 : i32
      %dma_start3A_159 = arith.constant 0 : i32
      %dma_start3A_160 = tpu.memref_slice %arg6[%dma_start3A_157, %dma_start3A_158, %dma_start3A_159] : memref<2x8x125xi32, #tpu.memory_space<vmem>> -> memref<1x1x125xi32, #tpu.memory_space<vmem>>
      %dma_start3A_161 = tpu.memref_squeeze %dma_start3A_160 : memref<1x1x125xi32, #tpu.memory_space<vmem>> -> memref<125xi32, #tpu.memory_space<vmem>>
      %dma_start3A_162 = arith.constant 0 : i32
      %dma_start3A_163 = arith.constant 0 : i32
      %dma_start3A_164 = tpu.memref_slice %arg8[%dma_start3A_162, %dma_start3A_163] : memref<10112x16xf32, #tpu.memory_space<vmem_shared>> -> memref<10112x16xf32, #tpu.memory_space<vmem_shared>>
      tpu.enqueue_indirect_dma source(%arg7 : memref<125x16xf32, #tpu.memory_space<vmem>>) target(%dma_start3A_164 : memref<10112x16xf32, #tpu.memory_space<vmem_shared>>) offsets(%dma_start3A_161 : memref<125xi32, #tpu.memory_space<vmem>>) semaphore(%arg9 : memref<!tpu.dma_semaphore, #tpu.memory_space<semaphore_mem>>) {add = true}
      %dma_start3A_165 = arith.constant 0 : i32
      %dma_start3A_166 = arith.constant 2 : i32
      %dma_start3A_167 = arith.constant 0 : i32
      %dma_start3A_168 = tpu.memref_slice %arg6[%dma_start3A_165, %dma_start3A_166, %dma_start3A_167] : memref<2x8x125xi32, #tpu.memory_space<vmem>> -> memref<1x1x125xi32, #tpu.memory_space<vmem>>
      %dma_start3A_169 = tpu.memref_squeeze %dma_start3A_168 : memref<1x1x125xi32, #tpu.memory_space<vmem>> -> memref<125xi32, #tpu.memory_space<vmem>>
      %dma_start3A_170 = arith.constant 0 : i32
      %dma_start3A_171 = arith.constant 0 : i32
      %dma_start3A_172 = tpu.memref_slice %arg8[%dma_start3A_170, %dma_start3A_171] : memref<10112x16xf32, #tpu.memory_space<vmem_shared>> -> memref<10112x16xf32, #tpu.memory_space<vmem_shared>>
      tpu.enqueue_indirect_dma source(%arg7 : memref<125x16xf32, #tpu.memory_space<vmem>>) target(%dma_start3A_172 : memref<10112x16xf32, #tpu.memory_space<vmem_shared>>) offsets(%dma_start3A_169 : memref<125xi32, #tpu.memory_space<vmem>>) semaphore(%arg9 : memref<!tpu.dma_semaphore, #tpu.memory_space<semaphore_mem>>) {add = true}
      %dma_start3A_173 = arith.constant 0 : i32
      %dma_start3A_174 = arith.constant 3 : i32
      %dma_start3A_175 = arith.constant 0 : i32
      %dma_start3A_176 = tpu.memref_slice %arg6[%dma_start3A_173, %dma_start3A_174, %dma_start3A_175] : memref<2x8x125xi32, #tpu.memory_space<vmem>> -> memref<1x1x125xi32, #tpu.memory_space<vmem>>
      %dma_start3A_177 = tpu.memref_squeeze %dma_start3A_176 : memref<1x1x125xi32, #tpu.memory_space<vmem>> -> memref<125xi32, #tpu.memory_space<vmem>>
      %dma_start3A_178 = arith.constant 0 : i32
      %dma_start3A_179 = arith.constant 0 : i32
      %dma_start3A_180 = tpu.memref_slice %arg8[%dma_start3A_178, %dma_start3A_179] : memref<10112x16xf32, #tpu.memory_space<vmem_shared>> -> memref<10112x16xf32, #tpu.memory_space<vmem_shared>>
      tpu.enqueue_indirect_dma source(%arg7 : memref<125x16xf32, #tpu.memory_space<vmem>>) target(%dma_start3A_180 : memref<10112x16xf32, #tpu.memory_space<vmem_shared>>) offsets(%dma_start3A_177 : memref<125xi32, #tpu.memory_space<vmem>>) semaphore(%arg9 : memref<!tpu.dma_semaphore, #tpu.memory_space<semaphore_mem>>) {add = true}
      %dma_start3A_181 = arith.constant 0 : i32
      %dma_start3A_182 = arith.constant 4 : i32
      %dma_start3A_183 = arith.constant 0 : i32
      %dma_start3A_184 = tpu.memref_slice %arg6[%dma_start3A_181, %dma_start3A_182, %dma_start3A_183] : memref<2x8x125xi32, #tpu.memory_space<vmem>> -> memref<1x1x125xi32, #tpu.memory_space<vmem>>
      %dma_start3A_185 = tpu.memref_squeeze %dma_start3A_184 : memref<1x1x125xi32, #tpu.memory_space<vmem>> -> memref<125xi32, #tpu.memory_space<vmem>>
      %dma_start3A_186 = arith.constant 0 : i32
      %dma_start3A_187 = arith.constant 0 : i32
      %dma_start3A_188 = tpu.memref_slice %arg8[%dma_start3A_186, %dma_start3A_187] : memref<10112x16xf32, #tpu.memory_space<vmem_shared>> -> memref<10112x16xf32, #tpu.memory_space<vmem_shared>>
      tpu.enqueue_indirect_dma source(%arg7 : memref<125x16xf32, #tpu.memory_space<vmem>>) target(%dma_start3A_188 : memref<10112x16xf32, #tpu.memory_space<vmem_shared>>) offsets(%dma_start3A_185 : memref<125xi32, #tpu.memory_space<vmem>>) semaphore(%arg9 : memref<!tpu.dma_semaphore, #tpu.memory_space<semaphore_mem>>) {add = true}
      %dma_start3A_189 = arith.constant 0 : i32
      %dma_start3A_190 = arith.constant 5 : i32
      %dma_start3A_191 = arith.constant 0 : i32
      %dma_start3A_192 = tpu.memref_slice %arg6[%dma_start3A_189, %dma_start3A_190, %dma_start3A_191] : memref<2x8x125xi32, #tpu.memory_space<vmem>> -> memref<1x1x125xi32, #tpu.memory_space<vmem>>
      %dma_start3A_193 = tpu.memref_squeeze %dma_start3A_192 : memref<1x1x125xi32, #tpu.memory_space<vmem>> -> memref<125xi32, #tpu.memory_space<vmem>>
      %dma_start3A_194 = arith.constant 0 : i32
      %dma_start3A_195 = arith.constant 0 : i32
      %dma_start3A_196 = tpu.memref_slice %arg8[%dma_start3A_194, %dma_start3A_195] : memref<10112x16xf32, #tpu.memory_space<vmem_shared>> -> memref<10112x16xf32, #tpu.memory_space<vmem_shared>>
      tpu.enqueue_indirect_dma source(%arg7 : memref<125x16xf32, #tpu.memory_space<vmem>>) target(%dma_start3A_196 : memref<10112x16xf32, #tpu.memory_space<vmem_shared>>) offsets(%dma_start3A_193 : memref<125xi32, #tpu.memory_space<vmem>>) semaphore(%arg9 : memref<!tpu.dma_semaphore, #tpu.memory_space<semaphore_mem>>) {add = true}
      %dma_start3A_197 = arith.constant 0 : i32
      %dma_start3A_198 = arith.constant 6 : i32
      %dma_start3A_199 = arith.constant 0 : i32
      %dma_start3A_200 = tpu.memref_slice %arg6[%dma_start3A_197, %dma_start3A_198, %dma_start3A_199] : memref<2x8x125xi32, #tpu.memory_space<vmem>> -> memref<1x1x125xi32, #tpu.memory_space<vmem>>
      %dma_start3A_201 = tpu.memref_squeeze %dma_start3A_200 : memref<1x1x125xi32, #tpu.memory_space<vmem>> -> memref<125xi32, #tpu.memory_space<vmem>>
      %dma_start3A_202 = arith.constant 0 : i32
      %dma_start3A_203 = arith.constant 0 : i32
      %dma_start3A_204 = tpu.memref_slice %arg8[%dma_start3A_202, %dma_start3A_203] : memref<10112x16xf32, #tpu.memory_space<vmem_shared>> -> memref<10112x16xf32, #tpu.memory_space<vmem_shared>>
      tpu.enqueue_indirect_dma source(%arg7 : memref<125x16xf32, #tpu.memory_space<vmem>>) target(%dma_start3A_204 : memref<10112x16xf32, #tpu.memory_space<vmem_shared>>) offsets(%dma_start3A_201 : memref<125xi32, #tpu.memory_space<vmem>>) semaphore(%arg9 : memref<!tpu.dma_semaphore, #tpu.memory_space<semaphore_mem>>) {add = true}
      %dma_start3A_205 = arith.constant 0 : i32
      %dma_start3A_206 = arith.constant 7 : i32
      %dma_start3A_207 = arith.constant 0 : i32
      %dma_start3A_208 = tpu.memref_slice %arg6[%dma_start3A_205, %dma_start3A_206, %dma_start3A_207] : memref<2x8x125xi32, #tpu.memory_space<vmem>> -> memref<1x1x125xi32, #tpu.memory_space<vmem>>
      %dma_start3A_209 = tpu.memref_squeeze %dma_start3A_208 : memref<1x1x125xi32, #tpu.memory_space<vmem>> -> memref<125xi32, #tpu.memory_space<vmem>>
      %dma_start3A_210 = arith.constant 0 : i32
      %dma_start3A_211 = arith.constant 0 : i32
      %dma_start3A_212 = tpu.memref_slice %arg8[%dma_start3A_210, %dma_start3A_211] : memref<10112x16xf32, #tpu.memory_space<vmem_shared>> -> memref<10112x16xf32, #tpu.memory_space<vmem_shared>>
      tpu.enqueue_indirect_dma source(%arg7 : memref<125x16xf32, #tpu.memory_space<vmem>>) target(%dma_start3A_212 : memref<10112x16xf32, #tpu.memory_space<vmem_shared>>) offsets(%dma_start3A_209 : memref<125xi32, #tpu.memory_space<vmem>>) semaphore(%arg9 : memref<!tpu.dma_semaphore, #tpu.memory_space<semaphore_mem>>) {add = true}
      %mul3A_213 = arith.constant 2 : i32
      %mul3A_214 = arith.muli %scan3A_137, %mul3A_213 : i32
      %add3A_215 = arith.constant 1 : i32
      %add3A_216 = arith.addi %mul3A_214, %add3A_215 : i32
      %gt3A_217 = arith.constant 0 : i32
      %gt3A_218 = arith.cmpi sgt, %scan3A_137, %gt3A_217 : i32
      %convert_element_type3A_219 = arith.extui %gt3A_218 : i1 to i32
      %cond3A_220 = arith.constant 0 : i32
      %cond3A_221 = arith.cmpi ne, %convert_element_type3A_219, %cond3A_220 : i32
      scf.if %cond3A_221 {
        %dma_wait3A_293 = arith.constant 1 : i32
        %dma_wait3A_294 = arith.constant 0 : i32
        %dma_wait3A_295 = arith.constant 0 : i32
        %dma_wait3A_296 = tpu.memref_slice %arg6[%dma_wait3A_293, %dma_wait3A_294, %dma_wait3A_295] : memref<2x8x125xi32, #tpu.memory_space<vmem>> -> memref<1x1x125xi32, #tpu.memory_space<vmem>>
        %dma_wait3A_297 = tpu.memref_squeeze %dma_wait3A_296 : memref<1x1x125xi32, #tpu.memory_space<vmem>> -> memref<125xi32, #tpu.memory_space<vmem>>
        %dma_wait3A_298 = arith.constant 0 : i32
        %dma_wait3A_299 = arith.constant 0 : i32
        %dma_wait3A_300 = tpu.memref_slice %arg8[%dma_wait3A_298, %dma_wait3A_299] : memref<10112x16xf32, #tpu.memory_space<vmem_shared>> -> memref<10112x16xf32, #tpu.memory_space<vmem_shared>>
        tpu.wait_indirect_dma semaphore(%arg10 : memref<!tpu.dma_semaphore, #tpu.memory_space<semaphore_mem>>) src(%arg7 : memref<125x16xf32, #tpu.memory_space<vmem>>) dst(%dma_wait3A_300 : memref<10112x16xf32, #tpu.memory_space<vmem_shared>>)
        %dma_wait3A_301 = arith.constant 1 : i32
        %dma_wait3A_302 = arith.constant 0 : i32
        %dma_wait3A_303 = arith.constant 0 : i32
        %dma_wait3A_304 = tpu.memref_slice %arg6[%dma_wait3A_301, %dma_wait3A_302, %dma_wait3A_303] : memref<2x8x125xi32, #tpu.memory_space<vmem>> -> memref<1x1x125xi32, #tpu.memory_space<vmem>>
        %dma_wait3A_305 = tpu.memref_squeeze %dma_wait3A_304 : memref<1x1x125xi32, #tpu.memory_space<vmem>> -> memref<125xi32, #tpu.memory_space<vmem>>
        %dma_wait3A_306 = arith.constant 0 : i32
        %dma_wait3A_307 = arith.constant 0 : i32
        %dma_wait3A_308 = tpu.memref_slice %arg8[%dma_wait3A_306, %dma_wait3A_307] : memref<10112x16xf32, #tpu.memory_space<vmem_shared>> -> memref<10112x16xf32, #tpu.memory_space<vmem_shared>>
        tpu.wait_indirect_dma semaphore(%arg10 : memref<!tpu.dma_semaphore, #tpu.memory_space<semaphore_mem>>) src(%arg7 : memref<125x16xf32, #tpu.memory_space<vmem>>) dst(%dma_wait3A_308 : memref<10112x16xf32, #tpu.memory_space<vmem_shared>>)
        %dma_wait3A_309 = arith.constant 1 : i32
        %dma_wait3A_310 = arith.constant 0 : i32
        %dma_wait3A_311 = arith.constant 0 : i32
        %dma_wait3A_312 = tpu.memref_slice %arg6[%dma_wait3A_309, %dma_wait3A_310, %dma_wait3A_311] : memref<2x8x125xi32, #tpu.memory_space<vmem>> -> memref<1x1x125xi32, #tpu.memory_space<vmem>>
        %dma_wait3A_313 = tpu.memref_squeeze %dma_wait3A_312 : memref<1x1x125xi32, #tpu.memory_space<vmem>> -> memref<125xi32, #tpu.memory_space<vmem>>
        %dma_wait3A_314 = arith.constant 0 : i32
        %dma_wait3A_315 = arith.constant 0 : i32
        %dma_wait3A_316 = tpu.memref_slice %arg8[%dma_wait3A_314, %dma_wait3A_315] : memref<10112x16xf32, #tpu.memory_space<vmem_shared>> -> memref<10112x16xf32, #tpu.memory_space<vmem_shared>>
        tpu.wait_indirect_dma semaphore(%arg10 : memref<!tpu.dma_semaphore, #tpu.memory_space<semaphore_mem>>) src(%arg7 : memref<125x16xf32, #tpu.memory_space<vmem>>) dst(%dma_wait3A_316 : memref<10112x16xf32, #tpu.memory_space<vmem_shared>>)
        %dma_wait3A_317 = arith.constant 1 : i32
        %dma_wait3A_318 = arith.constant 0 : i32
        %dma_wait3A_319 = arith.constant 0 : i32
        %dma_wait3A_320 = tpu.memref_slice %arg6[%dma_wait3A_317, %dma_wait3A_318, %dma_wait3A_319] : memref<2x8x125xi32, #tpu.memory_space<vmem>> -> memref<1x1x125xi32, #tpu.memory_space<vmem>>
        %dma_wait3A_321 = tpu.memref_squeeze %dma_wait3A_320 : memref<1x1x125xi32, #tpu.memory_space<vmem>> -> memref<125xi32, #tpu.memory_space<vmem>>
        %dma_wait3A_322 = arith.constant 0 : i32
        %dma_wait3A_323 = arith.constant 0 : i32
        %dma_wait3A_324 = tpu.memref_slice %arg8[%dma_wait3A_322, %dma_wait3A_323] : memref<10112x16xf32, #tpu.memory_space<vmem_shared>> -> memref<10112x16xf32, #tpu.memory_space<vmem_shared>>
        tpu.wait_indirect_dma semaphore(%arg10 : memref<!tpu.dma_semaphore, #tpu.memory_space<semaphore_mem>>) src(%arg7 : memref<125x16xf32, #tpu.memory_space<vmem>>) dst(%dma_wait3A_324 : memref<10112x16xf32, #tpu.memory_space<vmem_shared>>)
        %dma_wait3A_325 = arith.constant 1 : i32
        %dma_wait3A_326 = arith.constant 0 : i32
        %dma_wait3A_327 = arith.constant 0 : i32
        %dma_wait3A_328 = tpu.memref_slice %arg6[%dma_wait3A_325, %dma_wait3A_326, %dma_wait3A_327] : memref<2x8x125xi32, #tpu.memory_space<vmem>> -> memref<1x1x125xi32, #tpu.memory_space<vmem>>
        %dma_wait3A_329 = tpu.memref_squeeze %dma_wait3A_328 : memref<1x1x125xi32, #tpu.memory_space<vmem>> -> memref<125xi32, #tpu.memory_space<vmem>>
        %dma_wait3A_330 = arith.constant 0 : i32
        %dma_wait3A_331 = arith.constant 0 : i32
        %dma_wait3A_332 = tpu.memref_slice %arg8[%dma_wait3A_330, %dma_wait3A_331] : memref<10112x16xf32, #tpu.memory_space<vmem_shared>> -> memref<10112x16xf32, #tpu.memory_space<vmem_shared>>
        tpu.wait_indirect_dma semaphore(%arg10 : memref<!tpu.dma_semaphore, #tpu.memory_space<semaphore_mem>>) src(%arg7 : memref<125x16xf32, #tpu.memory_space<vmem>>) dst(%dma_wait3A_332 : memref<10112x16xf32, #tpu.memory_space<vmem_shared>>)
        %dma_wait3A_333 = arith.constant 1 : i32
        %dma_wait3A_334 = arith.constant 0 : i32
        %dma_wait3A_335 = arith.constant 0 : i32
        %dma_wait3A_336 = tpu.memref_slice %arg6[%dma_wait3A_333, %dma_wait3A_334, %dma_wait3A_335] : memref<2x8x125xi32, #tpu.memory_space<vmem>> -> memref<1x1x125xi32, #tpu.memory_space<vmem>>
        %dma_wait3A_337 = tpu.memref_squeeze %dma_wait3A_336 : memref<1x1x125xi32, #tpu.memory_space<vmem>> -> memref<125xi32, #tpu.memory_space<vmem>>
        %dma_wait3A_338 = arith.constant 0 : i32
        %dma_wait3A_339 = arith.constant 0 : i32
        %dma_wait3A_340 = tpu.memref_slice %arg8[%dma_wait3A_338, %dma_wait3A_339] : memref<10112x16xf32, #tpu.memory_space<vmem_shared>> -> memref<10112x16xf32, #tpu.memory_space<vmem_shared>>
        tpu.wait_indirect_dma semaphore(%arg10 : memref<!tpu.dma_semaphore, #tpu.memory_space<semaphore_mem>>) src(%arg7 : memref<125x16xf32, #tpu.memory_space<vmem>>) dst(%dma_wait3A_340 : memref<10112x16xf32, #tpu.memory_space<vmem_shared>>)
        %dma_wait3A_341 = arith.constant 1 : i32
        %dma_wait3A_342 = arith.constant 0 : i32
        %dma_wait3A_343 = arith.constant 0 : i32
        %dma_wait3A_344 = tpu.memref_slice %arg6[%dma_wait3A_341, %dma_wait3A_342, %dma_wait3A_343] : memref<2x8x125xi32, #tpu.memory_space<vmem>> -> memref<1x1x125xi32, #tpu.memory_space<vmem>>
        %dma_wait3A_345 = tpu.memref_squeeze %dma_wait3A_344 : memref<1x1x125xi32, #tpu.memory_space<vmem>> -> memref<125xi32, #tpu.memory_space<vmem>>
        %dma_wait3A_346 = arith.constant 0 : i32
        %dma_wait3A_347 = arith.constant 0 : i32
        %dma_wait3A_348 = tpu.memref_slice %arg8[%dma_wait3A_346, %dma_wait3A_347] : memref<10112x16xf32, #tpu.memory_space<vmem_shared>> -> memref<10112x16xf32, #tpu.memory_space<vmem_shared>>
        tpu.wait_indirect_dma semaphore(%arg10 : memref<!tpu.dma_semaphore, #tpu.memory_space<semaphore_mem>>) src(%arg7 : memref<125x16xf32, #tpu.memory_space<vmem>>) dst(%dma_wait3A_348 : memref<10112x16xf32, #tpu.memory_space<vmem_shared>>)
        %dma_wait3A_349 = arith.constant 1 : i32
        %dma_wait3A_350 = arith.constant 0 : i32
        %dma_wait3A_351 = arith.constant 0 : i32
        %dma_wait3A_352 = tpu.memref_slice %arg6[%dma_wait3A_349, %dma_wait3A_350, %dma_wait3A_351] : memref<2x8x125xi32, #tpu.memory_space<vmem>> -> memref<1x1x125xi32, #tpu.memory_space<vmem>>
        %dma_wait3A_353 = tpu.memref_squeeze %dma_wait3A_352 : memref<1x1x125xi32, #tpu.memory_space<vmem>> -> memref<125xi32, #tpu.memory_space<vmem>>
        %dma_wait3A_354 = arith.constant 0 : i32
        %dma_wait3A_355 = arith.constant 0 : i32
        %dma_wait3A_356 = tpu.memref_slice %arg8[%dma_wait3A_354, %dma_wait3A_355] : memref<10112x16xf32, #tpu.memory_space<vmem_shared>> -> memref<10112x16xf32, #tpu.memory_space<vmem_shared>>
        tpu.wait_indirect_dma semaphore(%arg10 : memref<!tpu.dma_semaphore, #tpu.memory_space<semaphore_mem>>) src(%arg7 : memref<125x16xf32, #tpu.memory_space<vmem>>) dst(%dma_wait3A_356 : memref<10112x16xf32, #tpu.memory_space<vmem_shared>>)
      } else {
      }
      %mul3A_222 = arith.constant 32 : i32
      %mul3A_223 = arith.muli %mul3A_222, %add3A_216 : i32
      %add3A_224 = arith.addi %add3A, %mul3A_223 : i32
      %mul3A_225 = arith.constant 8 : i32
      %mul3A_226 = arith.muli %add3A_224, %mul3A_225 : i32
      %run_scoped3A_227 = arith.constant 1 : i32
      "tpu.region"() ({
        %run_scoped3A_293 = tpu.sem_alloc : memref<!tpu.dma_semaphore, #tpu.memory_space<semaphore_mem>>
        %dma_start3A_294 = arith.constant 0 : i32
        %dma_start3A_295 = arith.constant 0 : i32
        %dma_start3A_296 = tpu.memref_slice %arg6[%run_scoped3A_227, %dma_start3A_294, %dma_start3A_295] : memref<2x8x125xi32, #tpu.memory_space<vmem>> -> memref<1x8x125xi32, #tpu.memory_space<vmem>>
        %dma_start3A_297 = tpu.memref_squeeze %dma_start3A_296 : memref<1x8x125xi32, #tpu.memory_space<vmem>> -> memref<8x125xi32, #tpu.memory_space<vmem>>
        %dma_start3A_298 = arith.constant 0 : i32
        %dma_start3A_299 = tpu.memref_slice %arg2[%mul3A_226, %dma_start3A_298] : memref<2560x125xi32, #tpu.memory_space<hbm>> -> memref<8x125xi32, #tpu.memory_space<hbm>>
        %dma_start3A_300 = arith.constant 0 : i32
        %dma_start3A_301 = arith.constant 0 : i32
        %dma_start3A_302 = tpu.memref_slice %arg6[%run_scoped3A_227, %dma_start3A_300, %dma_start3A_301] : memref<2x8x125xi32, #tpu.memory_space<vmem>> -> memref<1x8x125xi32, #tpu.memory_space<vmem>>
        %dma_start3A_303 = tpu.memref_squeeze %dma_start3A_302 : memref<1x8x125xi32, #tpu.memory_space<vmem>> -> memref<8x125xi32, #tpu.memory_space<vmem>>
        %dma_start3A_304 = arith.constant 0 : i32
        %dma_start3A_305 = tpu.memref_slice %arg2[%mul3A_226, %dma_start3A_304] : memref<2560x125xi32, #tpu.memory_space<hbm>> -> memref<8x125xi32, #tpu.memory_space<hbm>>
        tpu.enqueue_dma source(%dma_start3A_305 : memref<8x125xi32, #tpu.memory_space<hbm>>) target(%dma_start3A_303 : memref<8x125xi32, #tpu.memory_space<vmem>>) target_semaphore(%run_scoped3A_293 : memref<!tpu.dma_semaphore, #tpu.memory_space<semaphore_mem>>)
        %dma_wait3A_306 = arith.constant 0 : i32
        %dma_wait3A_307 = arith.constant 0 : i32
        %dma_wait3A_308 = tpu.memref_slice %arg6[%run_scoped3A_227, %dma_wait3A_306, %dma_wait3A_307] : memref<2x8x125xi32, #tpu.memory_space<vmem>> -> memref<1x8x125xi32, #tpu.memory_space<vmem>>
        %dma_wait3A_309 = tpu.memref_squeeze %dma_wait3A_308 : memref<1x8x125xi32, #tpu.memory_space<vmem>> -> memref<8x125xi32, #tpu.memory_space<vmem>>
        %dma_wait3A_310 = arith.constant 0 : i32
        %dma_wait3A_311 = tpu.memref_slice %arg2[%mul3A_226, %dma_wait3A_310] : memref<2560x125xi32, #tpu.memory_space<hbm>> -> memref<8x125xi32, #tpu.memory_space<hbm>>
        %dma_wait3A_312 = arith.constant 0 : i32
        %dma_wait3A_313 = arith.constant 0 : i32
        %dma_wait3A_314 = tpu.memref_slice %arg6[%run_scoped3A_227, %dma_wait3A_312, %dma_wait3A_313] : memref<2x8x125xi32, #tpu.memory_space<vmem>> -> memref<1x8x125xi32, #tpu.memory_space<vmem>>
        %dma_wait3A_315 = tpu.memref_squeeze %dma_wait3A_314 : memref<1x8x125xi32, #tpu.memory_space<vmem>> -> memref<8x125xi32, #tpu.memory_space<vmem>>
        %dma_wait3A_316 = arith.constant 0 : i32
        %dma_wait3A_317 = tpu.memref_slice %arg2[%mul3A_226, %dma_wait3A_316] : memref<2560x125xi32, #tpu.memory_space<hbm>> -> memref<8x125xi32, #tpu.memory_space<hbm>>
        tpu.wait_dma2 semaphore(%run_scoped3A_293 : memref<!tpu.dma_semaphore, #tpu.memory_space<semaphore_mem>>) src(%dma_wait3A_317 : memref<8x125xi32, #tpu.memory_space<hbm>>) dst(%dma_wait3A_315 : memref<8x125xi32, #tpu.memory_space<vmem>>)
        tpu.yield
      }) : () -> ()
      %dma_start3A_228 = arith.constant 1 : i32
      %dma_start3A_229 = arith.constant 0 : i32
      %dma_start3A_230 = arith.constant 0 : i32
      %dma_start3A_231 = tpu.memref_slice %arg6[%dma_start3A_228, %dma_start3A_229, %dma_start3A_230] : memref<2x8x125xi32, #tpu.memory_space<vmem>> -> memref<1x1x125xi32, #tpu.memory_space<vmem>>
      %dma_start3A_232 = tpu.memref_squeeze %dma_start3A_231 : memref<1x1x125xi32, #tpu.memory_space<vmem>> -> memref<125xi32, #tpu.memory_space<vmem>>
      %dma_start3A_233 = arith.constant 0 : i32
      %dma_start3A_234 = arith.constant 0 : i32
      %dma_start3A_235 = tpu.memref_slice %arg8[%dma_start3A_233, %dma_start3A_234] : memref<10112x16xf32, #tpu.memory_space<vmem_shared>> -> memref<10112x16xf32, #tpu.memory_space<vmem_shared>>
      tpu.enqueue_indirect_dma source(%arg7 : memref<125x16xf32, #tpu.memory_space<vmem>>) target(%dma_start3A_235 : memref<10112x16xf32, #tpu.memory_space<vmem_shared>>) offsets(%dma_start3A_232 : memref<125xi32, #tpu.memory_space<vmem>>) semaphore(%arg10 : memref<!tpu.dma_semaphore, #tpu.memory_space<semaphore_mem>>) {add = true}
      %dma_start3A_236 = arith.constant 1 : i32
      %dma_start3A_237 = arith.constant 1 : i32
      %dma_start3A_238 = arith.constant 0 : i32
      %dma_start3A_239 = tpu.memref_slice %arg6[%dma_start3A_236, %dma_start3A_237, %dma_start3A_238] : memref<2x8x125xi32, #tpu.memory_space<vmem>> -> memref<1x1x125xi32, #tpu.memory_space<vmem>>
      %dma_start3A_240 = tpu.memref_squeeze %dma_start3A_239 : memref<1x1x125xi32, #tpu.memory_space<vmem>> -> memref<125xi32, #tpu.memory_space<vmem>>
      %dma_start3A_241 = arith.constant 0 : i32
      %dma_start3A_242 = arith.constant 0 : i32
      %dma_start3A_243 = tpu.memref_slice %arg8[%dma_start3A_241, %dma_start3A_242] : memref<10112x16xf32, #tpu.memory_space<vmem_shared>> -> memref<10112x16xf32, #tpu.memory_space<vmem_shared>>
      tpu.enqueue_indirect_dma source(%arg7 : memref<125x16xf32, #tpu.memory_space<vmem>>) target(%dma_start3A_243 : memref<10112x16xf32, #tpu.memory_space<vmem_shared>>) offsets(%dma_start3A_240 : memref<125xi32, #tpu.memory_space<vmem>>) semaphore(%arg10 : memref<!tpu.dma_semaphore, #tpu.memory_space<semaphore_mem>>) {add = true}
      %dma_start3A_244 = arith.constant 1 : i32
      %dma_start3A_245 = arith.constant 2 : i32
      %dma_start3A_246 = arith.constant 0 : i32
      %dma_start3A_247 = tpu.memref_slice %arg6[%dma_start3A_244, %dma_start3A_245, %dma_start3A_246] : memref<2x8x125xi32, #tpu.memory_space<vmem>> -> memref<1x1x125xi32, #tpu.memory_space<vmem>>
      %dma_start3A_248 = tpu.memref_squeeze %dma_start3A_247 : memref<1x1x125xi32, #tpu.memory_space<vmem>> -> memref<125xi32, #tpu.memory_space<vmem>>
      %dma_start3A_249 = arith.constant 0 : i32
      %dma_start3A_250 = arith.constant 0 : i32
      %dma_start3A_251 = tpu.memref_slice %arg8[%dma_start3A_249, %dma_start3A_250] : memref<10112x16xf32, #tpu.memory_space<vmem_shared>> -> memref<10112x16xf32, #tpu.memory_space<vmem_shared>>
      tpu.enqueue_indirect_dma source(%arg7 : memref<125x16xf32, #tpu.memory_space<vmem>>) target(%dma_start3A_251 : memref<10112x16xf32, #tpu.memory_space<vmem_shared>>) offsets(%dma_start3A_248 : memref<125xi32, #tpu.memory_space<vmem>>) semaphore(%arg10 : memref<!tpu.dma_semaphore, #tpu.memory_space<semaphore_mem>>) {add = true}
      %dma_start3A_252 = arith.constant 1 : i32
      %dma_start3A_253 = arith.constant 3 : i32
      %dma_start3A_254 = arith.constant 0 : i32
      %dma_start3A_255 = tpu.memref_slice %arg6[%dma_start3A_252, %dma_start3A_253, %dma_start3A_254] : memref<2x8x125xi32, #tpu.memory_space<vmem>> -> memref<1x1x125xi32, #tpu.memory_space<vmem>>
      %dma_start3A_256 = tpu.memref_squeeze %dma_start3A_255 : memref<1x1x125xi32, #tpu.memory_space<vmem>> -> memref<125xi32, #tpu.memory_space<vmem>>
      %dma_start3A_257 = arith.constant 0 : i32
      %dma_start3A_258 = arith.constant 0 : i32
      %dma_start3A_259 = tpu.memref_slice %arg8[%dma_start3A_257, %dma_start3A_258] : memref<10112x16xf32, #tpu.memory_space<vmem_shared>> -> memref<10112x16xf32, #tpu.memory_space<vmem_shared>>
      tpu.enqueue_indirect_dma source(%arg7 : memref<125x16xf32, #tpu.memory_space<vmem>>) target(%dma_start3A_259 : memref<10112x16xf32, #tpu.memory_space<vmem_shared>>) offsets(%dma_start3A_256 : memref<125xi32, #tpu.memory_space<vmem>>) semaphore(%arg10 : memref<!tpu.dma_semaphore, #tpu.memory_space<semaphore_mem>>) {add = true}
      %dma_start3A_260 = arith.constant 1 : i32
      %dma_start3A_261 = arith.constant 4 : i32
      %dma_start3A_262 = arith.constant 0 : i32
      %dma_start3A_263 = tpu.memref_slice %arg6[%dma_start3A_260, %dma_start3A_261, %dma_start3A_262] : memref<2x8x125xi32, #tpu.memory_space<vmem>> -> memref<1x1x125xi32, #tpu.memory_space<vmem>>
      %dma_start3A_264 = tpu.memref_squeeze %dma_start3A_263 : memref<1x1x125xi32, #tpu.memory_space<vmem>> -> memref<125xi32, #tpu.memory_space<vmem>>
      %dma_start3A_265 = arith.constant 0 : i32
      %dma_start3A_266 = arith.constant 0 : i32
      %dma_start3A_267 = tpu.memref_slice %arg8[%dma_start3A_265, %dma_start3A_266] : memref<10112x16xf32, #tpu.memory_space<vmem_shared>> -> memref<10112x16xf32, #tpu.memory_space<vmem_shared>>
      tpu.enqueue_indirect_dma source(%arg7 : memref<125x16xf32, #tpu.memory_space<vmem>>) target(%dma_start3A_267 : memref<10112x16xf32, #tpu.memory_space<vmem_shared>>) offsets(%dma_start3A_264 : memref<125xi32, #tpu.memory_space<vmem>>) semaphore(%arg10 : memref<!tpu.dma_semaphore, #tpu.memory_space<semaphore_mem>>) {add = true}
      %dma_start3A_268 = arith.constant 1 : i32
      %dma_start3A_269 = arith.constant 5 : i32
      %dma_start3A_270 = arith.constant 0 : i32
      %dma_start3A_271 = tpu.memref_slice %arg6[%dma_start3A_268, %dma_start3A_269, %dma_start3A_270] : memref<2x8x125xi32, #tpu.memory_space<vmem>> -> memref<1x1x125xi32, #tpu.memory_space<vmem>>
      %dma_start3A_272 = tpu.memref_squeeze %dma_start3A_271 : memref<1x1x125xi32, #tpu.memory_space<vmem>> -> memref<125xi32, #tpu.memory_space<vmem>>
      %dma_start3A_273 = arith.constant 0 : i32
      %dma_start3A_274 = arith.constant 0 : i32
      %dma_start3A_275 = tpu.memref_slice %arg8[%dma_start3A_273, %dma_start3A_274] : memref<10112x16xf32, #tpu.memory_space<vmem_shared>> -> memref<10112x16xf32, #tpu.memory_space<vmem_shared>>
      tpu.enqueue_indirect_dma source(%arg7 : memref<125x16xf32, #tpu.memory_space<vmem>>) target(%dma_start3A_275 : memref<10112x16xf32, #tpu.memory_space<vmem_shared>>) offsets(%dma_start3A_272 : memref<125xi32, #tpu.memory_space<vmem>>) semaphore(%arg10 : memref<!tpu.dma_semaphore, #tpu.memory_space<semaphore_mem>>) {add = true}
      %dma_start3A_276 = arith.constant 1 : i32
      %dma_start3A_277 = arith.constant 6 : i32
      %dma_start3A_278 = arith.constant 0 : i32
      %dma_start3A_279 = tpu.memref_slice %arg6[%dma_start3A_276, %dma_start3A_277, %dma_start3A_278] : memref<2x8x125xi32, #tpu.memory_space<vmem>> -> memref<1x1x125xi32, #tpu.memory_space<vmem>>
      %dma_start3A_280 = tpu.memref_squeeze %dma_start3A_279 : memref<1x1x125xi32, #tpu.memory_space<vmem>> -> memref<125xi32, #tpu.memory_space<vmem>>
      %dma_start3A_281 = arith.constant 0 : i32
      %dma_start3A_282 = arith.constant 0 : i32
      %dma_start3A_283 = tpu.memref_slice %arg8[%dma_start3A_281, %dma_start3A_282] : memref<10112x16xf32, #tpu.memory_space<vmem_shared>> -> memref<10112x16xf32, #tpu.memory_space<vmem_shared>>
      tpu.enqueue_indirect_dma source(%arg7 : memref<125x16xf32, #tpu.memory_space<vmem>>) target(%dma_start3A_283 : memref<10112x16xf32, #tpu.memory_space<vmem_shared>>) offsets(%dma_start3A_280 : memref<125xi32, #tpu.memory_space<vmem>>) semaphore(%arg10 : memref<!tpu.dma_semaphore, #tpu.memory_space<semaphore_mem>>) {add = true}
      %dma_start3A_284 = arith.constant 1 : i32
      %dma_start3A_285 = arith.constant 7 : i32
      %dma_start3A_286 = arith.constant 0 : i32
      %dma_start3A_287 = tpu.memref_slice %arg6[%dma_start3A_284, %dma_start3A_285, %dma_start3A_286] : memref<2x8x125xi32, #tpu.memory_space<vmem>> -> memref<1x1x125xi32, #tpu.memory_space<vmem>>
      %dma_start3A_288 = tpu.memref_squeeze %dma_start3A_287 : memref<1x1x125xi32, #tpu.memory_space<vmem>> -> memref<125xi32, #tpu.memory_space<vmem>>
      %dma_start3A_289 = arith.constant 0 : i32
      %dma_start3A_290 = arith.constant 0 : i32
      %dma_start3A_291 = tpu.memref_slice %arg8[%dma_start3A_289, %dma_start3A_290] : memref<10112x16xf32, #tpu.memory_space<vmem_shared>> -> memref<10112x16xf32, #tpu.memory_space<vmem_shared>>
      tpu.enqueue_indirect_dma source(%arg7 : memref<125x16xf32, #tpu.memory_space<vmem>>) target(%dma_start3A_291 : memref<10112x16xf32, #tpu.memory_space<vmem_shared>>) offsets(%dma_start3A_288 : memref<125xi32, #tpu.memory_space<vmem>>) semaphore(%arg10 : memref<!tpu.dma_semaphore, #tpu.memory_space<semaphore_mem>>) {add = true}
      %scan3A_292 = arith.constant 0 : i32
      scf.yield %scan3A_292 : i32
    }
    %scan3A_8 = arith.constant 5 : i32
    %dma_wait3A = arith.constant 0 : i32
    %dma_wait3A_9 = arith.constant 0 : i32
    %dma_wait3A_10 = arith.constant 0 : i32
    %dma_wait3A_11 = tpu.memref_slice %arg6[%dma_wait3A, %dma_wait3A_9, %dma_wait3A_10] : memref<2x8x125xi32, #tpu.memory_space<vmem>> -> memref<1x1x125xi32, #tpu.memory_space<vmem>>
    %dma_wait3A_12 = tpu.memref_squeeze %dma_wait3A_11 : memref<1x1x125xi32, #tpu.memory_space<vmem>> -> memref<125xi32, #tpu.memory_space<vmem>>
    %dma_wait3A_13 = arith.constant 0 : i32
    %dma_wait3A_14 = arith.constant 0 : i32
    %dma_wait3A_15 = tpu.memref_slice %arg8[%dma_wait3A_13, %dma_wait3A_14] : memref<10112x16xf32, #tpu.memory_space<vmem_shared>> -> memref<10112x16xf32, #tpu.memory_space<vmem_shared>>
    tpu.wait_indirect_dma semaphore(%arg9 : memref<!tpu.dma_semaphore, #tpu.memory_space<semaphore_mem>>) src(%arg7 : memref<125x16xf32, #tpu.memory_space<vmem>>) dst(%dma_wait3A_15 : memref<10112x16xf32, #tpu.memory_space<vmem_shared>>)
    %dma_wait3A_16 = arith.constant 0 : i32
    %dma_wait3A_17 = arith.constant 0 : i32
    %dma_wait3A_18 = arith.constant 0 : i32
    %dma_wait3A_19 = tpu.memref_slice %arg6[%dma_wait3A_16, %dma_wait3A_17, %dma_wait3A_18] : memref<2x8x125xi32, #tpu.memory_space<vmem>> -> memref<1x1x125xi32, #tpu.memory_space<vmem>>
    %dma_wait3A_20 = tpu.memref_squeeze %dma_wait3A_19 : memref<1x1x125xi32, #tpu.memory_space<vmem>> -> memref<125xi32, #tpu.memory_space<vmem>>
    %dma_wait3A_21 = arith.constant 0 : i32
    %dma_wait3A_22 = arith.constant 0 : i32
    %dma_wait3A_23 = tpu.memref_slice %arg8[%dma_wait3A_21, %dma_wait3A_22] : memref<10112x16xf32, #tpu.memory_space<vmem_shared>> -> memref<10112x16xf32, #tpu.memory_space<vmem_shared>>
    tpu.wait_indirect_dma semaphore(%arg9 : memref<!tpu.dma_semaphore, #tpu.memory_space<semaphore_mem>>) src(%arg7 : memref<125x16xf32, #tpu.memory_space<vmem>>) dst(%dma_wait3A_23 : memref<10112x16xf32, #tpu.memory_space<vmem_shared>>)
    %dma_wait3A_24 = arith.constant 0 : i32
    %dma_wait3A_25 = arith.constant 0 : i32
    %dma_wait3A_26 = arith.constant 0 : i32
    %dma_wait3A_27 = tpu.memref_slice %arg6[%dma_wait3A_24, %dma_wait3A_25, %dma_wait3A_26] : memref<2x8x125xi32, #tpu.memory_space<vmem>> -> memref<1x1x125xi32, #tpu.memory_space<vmem>>
    %dma_wait3A_28 = tpu.memref_squeeze %dma_wait3A_27 : memref<1x1x125xi32, #tpu.memory_space<vmem>> -> memref<125xi32, #tpu.memory_space<vmem>>
    %dma_wait3A_29 = arith.constant 0 : i32
    %dma_wait3A_30 = arith.constant 0 : i32
    %dma_wait3A_31 = tpu.memref_slice %arg8[%dma_wait3A_29, %dma_wait3A_30] : memref<10112x16xf32, #tpu.memory_space<vmem_shared>> -> memref<10112x16xf32, #tpu.memory_space<vmem_shared>>
    tpu.wait_indirect_dma semaphore(%arg9 : memref<!tpu.dma_semaphore, #tpu.memory_space<semaphore_mem>>) src(%arg7 : memref<125x16xf32, #tpu.memory_space<vmem>>) dst(%dma_wait3A_31 : memref<10112x16xf32, #tpu.memory_space<vmem_shared>>)
    %dma_wait3A_32 = arith.constant 0 : i32
    %dma_wait3A_33 = arith.constant 0 : i32
    %dma_wait3A_34 = arith.constant 0 : i32
    %dma_wait3A_35 = tpu.memref_slice %arg6[%dma_wait3A_32, %dma_wait3A_33, %dma_wait3A_34] : memref<2x8x125xi32, #tpu.memory_space<vmem>> -> memref<1x1x125xi32, #tpu.memory_space<vmem>>
    %dma_wait3A_36 = tpu.memref_squeeze %dma_wait3A_35 : memref<1x1x125xi32, #tpu.memory_space<vmem>> -> memref<125xi32, #tpu.memory_space<vmem>>
    %dma_wait3A_37 = arith.constant 0 : i32
    %dma_wait3A_38 = arith.constant 0 : i32
    %dma_wait3A_39 = tpu.memref_slice %arg8[%dma_wait3A_37, %dma_wait3A_38] : memref<10112x16xf32, #tpu.memory_space<vmem_shared>> -> memref<10112x16xf32, #tpu.memory_space<vmem_shared>>
    tpu.wait_indirect_dma semaphore(%arg9 : memref<!tpu.dma_semaphore, #tpu.memory_space<semaphore_mem>>) src(%arg7 : memref<125x16xf32, #tpu.memory_space<vmem>>) dst(%dma_wait3A_39 : memref<10112x16xf32, #tpu.memory_space<vmem_shared>>)
    %dma_wait3A_40 = arith.constant 0 : i32
    %dma_wait3A_41 = arith.constant 0 : i32
    %dma_wait3A_42 = arith.constant 0 : i32
    %dma_wait3A_43 = tpu.memref_slice %arg6[%dma_wait3A_40, %dma_wait3A_41, %dma_wait3A_42] : memref<2x8x125xi32, #tpu.memory_space<vmem>> -> memref<1x1x125xi32, #tpu.memory_space<vmem>>
    %dma_wait3A_44 = tpu.memref_squeeze %dma_wait3A_43 : memref<1x1x125xi32, #tpu.memory_space<vmem>> -> memref<125xi32, #tpu.memory_space<vmem>>
    %dma_wait3A_45 = arith.constant 0 : i32
    %dma_wait3A_46 = arith.constant 0 : i32
    %dma_wait3A_47 = tpu.memref_slice %arg8[%dma_wait3A_45, %dma_wait3A_46] : memref<10112x16xf32, #tpu.memory_space<vmem_shared>> -> memref<10112x16xf32, #tpu.memory_space<vmem_shared>>
    tpu.wait_indirect_dma semaphore(%arg9 : memref<!tpu.dma_semaphore, #tpu.memory_space<semaphore_mem>>) src(%arg7 : memref<125x16xf32, #tpu.memory_space<vmem>>) dst(%dma_wait3A_47 : memref<10112x16xf32, #tpu.memory_space<vmem_shared>>)
    %dma_wait3A_48 = arith.constant 0 : i32
    %dma_wait3A_49 = arith.constant 0 : i32
    %dma_wait3A_50 = arith.constant 0 : i32
    %dma_wait3A_51 = tpu.memref_slice %arg6[%dma_wait3A_48, %dma_wait3A_49, %dma_wait3A_50] : memref<2x8x125xi32, #tpu.memory_space<vmem>> -> memref<1x1x125xi32, #tpu.memory_space<vmem>>
    %dma_wait3A_52 = tpu.memref_squeeze %dma_wait3A_51 : memref<1x1x125xi32, #tpu.memory_space<vmem>> -> memref<125xi32, #tpu.memory_space<vmem>>
    %dma_wait3A_53 = arith.constant 0 : i32
    %dma_wait3A_54 = arith.constant 0 : i32
    %dma_wait3A_55 = tpu.memref_slice %arg8[%dma_wait3A_53, %dma_wait3A_54] : memref<10112x16xf32, #tpu.memory_space<vmem_shared>> -> memref<10112x16xf32, #tpu.memory_space<vmem_shared>>
    tpu.wait_indirect_dma semaphore(%arg9 : memref<!tpu.dma_semaphore, #tpu.memory_space<semaphore_mem>>) src(%arg7 : memref<125x16xf32, #tpu.memory_space<vmem>>) dst(%dma_wait3A_55 : memref<10112x16xf32, #tpu.memory_space<vmem_shared>>)
    %dma_wait3A_56 = arith.constant 0 : i32
    %dma_wait3A_57 = arith.constant 0 : i32
    %dma_wait3A_58 = arith.constant 0 : i32
    %dma_wait3A_59 = tpu.memref_slice %arg6[%dma_wait3A_56, %dma_wait3A_57, %dma_wait3A_58] : memref<2x8x125xi32, #tpu.memory_space<vmem>> -> memref<1x1x125xi32, #tpu.memory_space<vmem>>
    %dma_wait3A_60 = tpu.memref_squeeze %dma_wait3A_59 : memref<1x1x125xi32, #tpu.memory_space<vmem>> -> memref<125xi32, #tpu.memory_space<vmem>>
    %dma_wait3A_61 = arith.constant 0 : i32
    %dma_wait3A_62 = arith.constant 0 : i32
    %dma_wait3A_63 = tpu.memref_slice %arg8[%dma_wait3A_61, %dma_wait3A_62] : memref<10112x16xf32, #tpu.memory_space<vmem_shared>> -> memref<10112x16xf32, #tpu.memory_space<vmem_shared>>
    tpu.wait_indirect_dma semaphore(%arg9 : memref<!tpu.dma_semaphore, #tpu.memory_space<semaphore_mem>>) src(%arg7 : memref<125x16xf32, #tpu.memory_space<vmem>>) dst(%dma_wait3A_63 : memref<10112x16xf32, #tpu.memory_space<vmem_shared>>)
    %dma_wait3A_64 = arith.constant 0 : i32
    %dma_wait3A_65 = arith.constant 0 : i32
    %dma_wait3A_66 = arith.constant 0 : i32
    %dma_wait3A_67 = tpu.memref_slice %arg6[%dma_wait3A_64, %dma_wait3A_65, %dma_wait3A_66] : memref<2x8x125xi32, #tpu.memory_space<vmem>> -> memref<1x1x125xi32, #tpu.memory_space<vmem>>
    %dma_wait3A_68 = tpu.memref_squeeze %dma_wait3A_67 : memref<1x1x125xi32, #tpu.memory_space<vmem>> -> memref<125xi32, #tpu.memory_space<vmem>>
    %dma_wait3A_69 = arith.constant 0 : i32
    %dma_wait3A_70 = arith.constant 0 : i32
    %dma_wait3A_71 = tpu.memref_slice %arg8[%dma_wait3A_69, %dma_wait3A_70] : memref<10112x16xf32, #tpu.memory_space<vmem_shared>> -> memref<10112x16xf32, #tpu.memory_space<vmem_shared>>
    tpu.wait_indirect_dma semaphore(%arg9 : memref<!tpu.dma_semaphore, #tpu.memory_space<semaphore_mem>>) src(%arg7 : memref<125x16xf32, #tpu.memory_space<vmem>>) dst(%dma_wait3A_71 : memref<10112x16xf32, #tpu.memory_space<vmem_shared>>)
    %dma_wait3A_72 = arith.constant 1 : i32
    %dma_wait3A_73 = arith.constant 0 : i32
    %dma_wait3A_74 = arith.constant 0 : i32
    %dma_wait3A_75 = tpu.memref_slice %arg6[%dma_wait3A_72, %dma_wait3A_73, %dma_wait3A_74] : memref<2x8x125xi32, #tpu.memory_space<vmem>> -> memref<1x1x125xi32, #tpu.memory_space<vmem>>
    %dma_wait3A_76 = tpu.memref_squeeze %dma_wait3A_75 : memref<1x1x125xi32, #tpu.memory_space<vmem>> -> memref<125xi32, #tpu.memory_space<vmem>>
    %dma_wait3A_77 = arith.constant 0 : i32
    %dma_wait3A_78 = arith.constant 0 : i32
    %dma_wait3A_79 = tpu.memref_slice %arg8[%dma_wait3A_77, %dma_wait3A_78] : memref<10112x16xf32, #tpu.memory_space<vmem_shared>> -> memref<10112x16xf32, #tpu.memory_space<vmem_shared>>
    tpu.wait_indirect_dma semaphore(%arg10 : memref<!tpu.dma_semaphore, #tpu.memory_space<semaphore_mem>>) src(%arg7 : memref<125x16xf32, #tpu.memory_space<vmem>>) dst(%dma_wait3A_79 : memref<10112x16xf32, #tpu.memory_space<vmem_shared>>)
    %dma_wait3A_80 = arith.constant 1 : i32
    %dma_wait3A_81 = arith.constant 0 : i32
    %dma_wait3A_82 = arith.constant 0 : i32
    %dma_wait3A_83 = tpu.memref_slice %arg6[%dma_wait3A_80, %dma_wait3A_81, %dma_wait3A_82] : memref<2x8x125xi32, #tpu.memory_space<vmem>> -> memref<1x1x125xi32, #tpu.memory_space<vmem>>
    %dma_wait3A_84 = tpu.memref_squeeze %dma_wait3A_83 : memref<1x1x125xi32, #tpu.memory_space<vmem>> -> memref<125xi32, #tpu.memory_space<vmem>>
    %dma_wait3A_85 = arith.constant 0 : i32
    %dma_wait3A_86 = arith.constant 0 : i32
    %dma_wait3A_87 = tpu.memref_slice %arg8[%dma_wait3A_85, %dma_wait3A_86] : memref<10112x16xf32, #tpu.memory_space<vmem_shared>> -> memref<10112x16xf32, #tpu.memory_space<vmem_shared>>
    tpu.wait_indirect_dma semaphore(%arg10 : memref<!tpu.dma_semaphore, #tpu.memory_space<semaphore_mem>>) src(%arg7 : memref<125x16xf32, #tpu.memory_space<vmem>>) dst(%dma_wait3A_87 : memref<10112x16xf32, #tpu.memory_space<vmem_shared>>)
    %dma_wait3A_88 = arith.constant 1 : i32
    %dma_wait3A_89 = arith.constant 0 : i32
    %dma_wait3A_90 = arith.constant 0 : i32
    %dma_wait3A_91 = tpu.memref_slice %arg6[%dma_wait3A_88, %dma_wait3A_89, %dma_wait3A_90] : memref<2x8x125xi32, #tpu.memory_space<vmem>> -> memref<1x1x125xi32, #tpu.memory_space<vmem>>
    %dma_wait3A_92 = tpu.memref_squeeze %dma_wait3A_91 : memref<1x1x125xi32, #tpu.memory_space<vmem>> -> memref<125xi32, #tpu.memory_space<vmem>>
    %dma_wait3A_93 = arith.constant 0 : i32
    %dma_wait3A_94 = arith.constant 0 : i32
    %dma_wait3A_95 = tpu.memref_slice %arg8[%dma_wait3A_93, %dma_wait3A_94] : memref<10112x16xf32, #tpu.memory_space<vmem_shared>> -> memref<10112x16xf32, #tpu.memory_space<vmem_shared>>
    tpu.wait_indirect_dma semaphore(%arg10 : memref<!tpu.dma_semaphore, #tpu.memory_space<semaphore_mem>>) src(%arg7 : memref<125x16xf32, #tpu.memory_space<vmem>>) dst(%dma_wait3A_95 : memref<10112x16xf32, #tpu.memory_space<vmem_shared>>)
    %dma_wait3A_96 = arith.constant 1 : i32
    %dma_wait3A_97 = arith.constant 0 : i32
    %dma_wait3A_98 = arith.constant 0 : i32
    %dma_wait3A_99 = tpu.memref_slice %arg6[%dma_wait3A_96, %dma_wait3A_97, %dma_wait3A_98] : memref<2x8x125xi32, #tpu.memory_space<vmem>> -> memref<1x1x125xi32, #tpu.memory_space<vmem>>
    %dma_wait3A_100 = tpu.memref_squeeze %dma_wait3A_99 : memref<1x1x125xi32, #tpu.memory_space<vmem>> -> memref<125xi32, #tpu.memory_space<vmem>>
    %dma_wait3A_101 = arith.constant 0 : i32
    %dma_wait3A_102 = arith.constant 0 : i32
    %dma_wait3A_103 = tpu.memref_slice %arg8[%dma_wait3A_101, %dma_wait3A_102] : memref<10112x16xf32, #tpu.memory_space<vmem_shared>> -> memref<10112x16xf32, #tpu.memory_space<vmem_shared>>
    tpu.wait_indirect_dma semaphore(%arg10 : memref<!tpu.dma_semaphore, #tpu.memory_space<semaphore_mem>>) src(%arg7 : memref<125x16xf32, #tpu.memory_space<vmem>>) dst(%dma_wait3A_103 : memref<10112x16xf32, #tpu.memory_space<vmem_shared>>)
    %dma_wait3A_104 = arith.constant 1 : i32
    %dma_wait3A_105 = arith.constant 0 : i32
    %dma_wait3A_106 = arith.constant 0 : i32
    %dma_wait3A_107 = tpu.memref_slice %arg6[%dma_wait3A_104, %dma_wait3A_105, %dma_wait3A_106] : memref<2x8x125xi32, #tpu.memory_space<vmem>> -> memref<1x1x125xi32, #tpu.memory_space<vmem>>
    %dma_wait3A_108 = tpu.memref_squeeze %dma_wait3A_107 : memref<1x1x125xi32, #tpu.memory_space<vmem>> -> memref<125xi32, #tpu.memory_space<vmem>>
    %dma_wait3A_109 = arith.constant 0 : i32
    %dma_wait3A_110 = arith.constant 0 : i32
    %dma_wait3A_111 = tpu.memref_slice %arg8[%dma_wait3A_109, %dma_wait3A_110] : memref<10112x16xf32, #tpu.memory_space<vmem_shared>> -> memref<10112x16xf32, #tpu.memory_space<vmem_shared>>
    tpu.wait_indirect_dma semaphore(%arg10 : memref<!tpu.dma_semaphore, #tpu.memory_space<semaphore_mem>>) src(%arg7 : memref<125x16xf32, #tpu.memory_space<vmem>>) dst(%dma_wait3A_111 : memref<10112x16xf32, #tpu.memory_space<vmem_shared>>)
    %dma_wait3A_112 = arith.constant 1 : i32
    %dma_wait3A_113 = arith.constant 0 : i32
    %dma_wait3A_114 = arith.constant 0 : i32
    %dma_wait3A_115 = tpu.memref_slice %arg6[%dma_wait3A_112, %dma_wait3A_113, %dma_wait3A_114] : memref<2x8x125xi32, #tpu.memory_space<vmem>> -> memref<1x1x125xi32, #tpu.memory_space<vmem>>
    %dma_wait3A_116 = tpu.memref_squeeze %dma_wait3A_115 : memref<1x1x125xi32, #tpu.memory_space<vmem>> -> memref<125xi32, #tpu.memory_space<vmem>>
    %dma_wait3A_117 = arith.constant 0 : i32
    %dma_wait3A_118 = arith.constant 0 : i32
    %dma_wait3A_119 = tpu.memref_slice %arg8[%dma_wait3A_117, %dma_wait3A_118] : memref<10112x16xf32, #tpu.memory_space<vmem_shared>> -> memref<10112x16xf32, #tpu.memory_space<vmem_shared>>
    tpu.wait_indirect_dma semaphore(%arg10 : memref<!tpu.dma_semaphore, #tpu.memory_space<semaphore_mem>>) src(%arg7 : memref<125x16xf32, #tpu.memory_space<vmem>>) dst(%dma_wait3A_119 : memref<10112x16xf32, #tpu.memory_space<vmem_shared>>)
    %dma_wait3A_120 = arith.constant 1 : i32
    %dma_wait3A_121 = arith.constant 0 : i32
    %dma_wait3A_122 = arith.constant 0 : i32
    %dma_wait3A_123 = tpu.memref_slice %arg6[%dma_wait3A_120, %dma_wait3A_121, %dma_wait3A_122] : memref<2x8x125xi32, #tpu.memory_space<vmem>> -> memref<1x1x125xi32, #tpu.memory_space<vmem>>
    %dma_wait3A_124 = tpu.memref_squeeze %dma_wait3A_123 : memref<1x1x125xi32, #tpu.memory_space<vmem>> -> memref<125xi32, #tpu.memory_space<vmem>>
    %dma_wait3A_125 = arith.constant 0 : i32
    %dma_wait3A_126 = arith.constant 0 : i32
    %dma_wait3A_127 = tpu.memref_slice %arg8[%dma_wait3A_125, %dma_wait3A_126] : memref<10112x16xf32, #tpu.memory_space<vmem_shared>> -> memref<10112x16xf32, #tpu.memory_space<vmem_shared>>
    tpu.wait_indirect_dma semaphore(%arg10 : memref<!tpu.dma_semaphore, #tpu.memory_space<semaphore_mem>>) src(%arg7 : memref<125x16xf32, #tpu.memory_space<vmem>>) dst(%dma_wait3A_127 : memref<10112x16xf32, #tpu.memory_space<vmem_shared>>)
    %dma_wait3A_128 = arith.constant 1 : i32
    %dma_wait3A_129 = arith.constant 0 : i32
    %dma_wait3A_130 = arith.constant 0 : i32
    %dma_wait3A_131 = tpu.memref_slice %arg6[%dma_wait3A_128, %dma_wait3A_129, %dma_wait3A_130] : memref<2x8x125xi32, #tpu.memory_space<vmem>> -> memref<1x1x125xi32, #tpu.memory_space<vmem>>
    %dma_wait3A_132 = tpu.memref_squeeze %dma_wait3A_131 : memref<1x1x125xi32, #tpu.memory_space<vmem>> -> memref<125xi32, #tpu.memory_space<vmem>>
    %dma_wait3A_133 = arith.constant 0 : i32
    %dma_wait3A_134 = arith.constant 0 : i32
    %dma_wait3A_135 = tpu.memref_slice %arg8[%dma_wait3A_133, %dma_wait3A_134] : memref<10112x16xf32, #tpu.memory_space<vmem_shared>> -> memref<10112x16xf32, #tpu.memory_space<vmem_shared>>
    tpu.wait_indirect_dma semaphore(%arg10 : memref<!tpu.dma_semaphore, #tpu.memory_space<semaphore_mem>>) src(%arg7 : memref<125x16xf32, #tpu.memory_space<vmem>>) dst(%dma_wait3A_135 : memref<10112x16xf32, #tpu.memory_space<vmem_shared>>)
    %barrier3A_136 = arith.constant 0 : index
    tpu.barrier barrier_id(%barrier3A_136)
    "tpu.region"() ({
      %run_scoped3A = tpu.sem_alloc : memref<!tpu.dma_semaphore, #tpu.memory_space<semaphore_mem>>
      %dma_start3A = arith.constant 0 : i32
      %dma_start3A_137 = tpu.memref_slice %arg5[%arg0, %mul3A_2, %dma_start3A] : memref<2x10112x16xf32, #tpu.memory_space<hbm>> -> memref<1x632x16xf32, #tpu.memory_space<hbm>>
      %dma_start3A_138 = tpu.memref_squeeze %dma_start3A_137 : memref<1x632x16xf32, #tpu.memory_space<hbm>> -> memref<632x16xf32, #tpu.memory_space<hbm>>
      %dma_start3A_139 = arith.constant 0 : i32
      %dma_start3A_140 = tpu.memref_slice %arg8[%mul3A_2, %dma_start3A_139] : memref<10112x16xf32, #tpu.memory_space<vmem_shared>> -> memref<632x16xf32, #tpu.memory_space<vmem_shared>>
      tpu.enqueue_dma source(%dma_start3A_140 : memref<632x16xf32, #tpu.memory_space<vmem_shared>>) target(%dma_start3A_138 : memref<632x16xf32, #tpu.memory_space<hbm>>) target_semaphore(%run_scoped3A : memref<!tpu.dma_semaphore, #tpu.memory_space<semaphore_mem>>)
      %dma_wait3A_141 = arith.constant 0 : i32
      %dma_wait3A_142 = tpu.memref_slice %arg5[%arg0, %mul3A_2, %dma_wait3A_141] : memref<2x10112x16xf32, #tpu.memory_space<hbm>> -> memref<1x632x16xf32, #tpu.memory_space<hbm>>
      %dma_wait3A_143 = tpu.memref_squeeze %dma_wait3A_142 : memref<1x632x16xf32, #tpu.memory_space<hbm>> -> memref<632x16xf32, #tpu.memory_space<hbm>>
      %dma_wait3A_144 = arith.constant 0 : i32
      %dma_wait3A_145 = tpu.memref_slice %arg8[%mul3A_2, %dma_wait3A_144] : memref<10112x16xf32, #tpu.memory_space<vmem_shared>> -> memref<632x16xf32, #tpu.memory_space<vmem_shared>>
      tpu.wait_dma2 semaphore(%run_scoped3A : memref<!tpu.dma_semaphore, #tpu.memory_space<semaphore_mem>>) src(%dma_wait3A_145 : memref<632x16xf32, #tpu.memory_space<vmem_shared>>) dst(%dma_wait3A_143 : memref<632x16xf32, #tpu.memory_space<hbm>>)
      tpu.yield
    }) : () -> ()
    return
  }
}

#map = affine_map<(d0, d1) -> (0, 0)>
#map1 = affine_map<(d0, d1) -> (0, 0, 0)>
module attributes {stable_mosaic.version = 14 : i64} {
  func.func @scatter_kernel(%arg0: i32, %arg1: i32, %arg2: memref<10000x128xf32, #tpu.memory_space<hbm>>, %arg3: memref<2560x125xi32, #tpu.memory_space<hbm>>, %arg4: memref<2560x125xi32, #tpu.memory_space<hbm>>, %arg5: memref<10112x128xf32, #tpu.memory_space<hbm>>, %arg6: memref<2x10112x128xf32, #tpu.memory_space<hbm>>, %arg7: memref<2x8x125xi32, #tpu.memory_space<vmem>>, %arg8: memref<2x8x125xi32, #tpu.memory_space<vmem>>, %arg9: memref<2x125x128xf32, #tpu.memory_space<vmem>>, %arg10: memref<10112x128xf32, #tpu.memory_space<vmem_shared>>, %arg11: memref<!tpu.dma_semaphore, #tpu.memory_space<semaphore_mem>>, %arg12: memref<!tpu.dma_semaphore, #tpu.memory_space<semaphore_mem>>, %arg13: memref<!tpu.dma_semaphore, #tpu.memory_space<semaphore_mem>>, %arg14: memref<!tpu.dma_semaphore, #tpu.memory_space<semaphore_mem>>) attributes {dimension_semantics = [#tpu.dimension_semantics<core_parallel>, #tpu.dimension_semantics<subcore_parallel>], iteration_bounds = array<i64: 2, 16>, scalar_prefetch = 0 : i64, scratch_operands = 8 : i64, tpu.core_type = #tpu.core_type<sc_vector_subcore>, window_params = [{transform_indices = #map}, {transform_indices = #map}, {transform_indices = #map}, {transform_indices = #map}, {transform_indices = #map1}]} {
    %mul3A = arith.constant 2 : i32
    %mul3A_0 = arith.muli %arg1, %mul3A : i32
    %add3A = arith.addi %mul3A_0, %arg0 : i32
    %mul3A_1 = arith.constant 632 : i32
    %mul3A_2 = arith.muli %arg1, %mul3A_1 : i32
    "tpu.region"() ({
      %run_scoped3A = tpu.sem_alloc : memref<!tpu.dma_semaphore, #tpu.memory_space<semaphore_mem>>
      %dma_start3A = arith.constant 0 : i32
      %dma_start3A_35 = tpu.memref_slice %arg10[%mul3A_2, %dma_start3A] : memref<10112x128xf32, #tpu.memory_space<vmem_shared>> -> memref<632x128xf32, #tpu.memory_space<vmem_shared>>
      %dma_start3A_36 = arith.constant 0 : i32
      %dma_start3A_37 = tpu.memref_slice %arg5[%mul3A_2, %dma_start3A_36] : memref<10112x128xf32, #tpu.memory_space<hbm>> -> memref<632x128xf32, #tpu.memory_space<hbm>>
      tpu.enqueue_dma source(%dma_start3A_37 : memref<632x128xf32, #tpu.memory_space<hbm>>) target(%dma_start3A_35 : memref<632x128xf32, #tpu.memory_space<vmem_shared>>) target_semaphore(%run_scoped3A : memref<!tpu.dma_semaphore, #tpu.memory_space<semaphore_mem>>)
      %dma_wait3A_38 = arith.constant 0 : i32
      %dma_wait3A_39 = tpu.memref_slice %arg10[%mul3A_2, %dma_wait3A_38] : memref<10112x128xf32, #tpu.memory_space<vmem_shared>> -> memref<632x128xf32, #tpu.memory_space<vmem_shared>>
      %dma_wait3A_40 = arith.constant 0 : i32
      %dma_wait3A_41 = tpu.memref_slice %arg5[%mul3A_2, %dma_wait3A_40] : memref<10112x128xf32, #tpu.memory_space<hbm>> -> memref<632x128xf32, #tpu.memory_space<hbm>>
      tpu.wait_dma2 semaphore(%run_scoped3A : memref<!tpu.dma_semaphore, #tpu.memory_space<semaphore_mem>>) src(%dma_wait3A_41 : memref<632x128xf32, #tpu.memory_space<hbm>>) dst(%dma_wait3A_39 : memref<632x128xf32, #tpu.memory_space<vmem_shared>>)
      tpu.yield
    }) : () -> ()
    %barrier3A = arith.constant 0 : index
    tpu.barrier barrier_id(%barrier3A)
    %scan3A = arith.constant 0 : i32
    %scan3A_3 = arith.constant 0 : i32
    %scan3A_4 = arith.constant 5 : i32
    %scan3A_5 = arith.addi %scan3A_3, %scan3A_4 : i32
    %scan3A_6 = arith.constant 1 : i32
    %scan3A_7 = scf.for %scan3A_35 = %scan3A_3 to %scan3A_5 step %scan3A_6 iter_args(%scan3A_36 = %scan3A) -> (i32)  : i32 {
      %mul3A_37 = arith.constant 2 : i32
      %mul3A_38 = arith.muli %scan3A_35, %mul3A_37 : i32
      %add3A_39 = arith.constant 0 : i32
      %add3A_40 = arith.addi %mul3A_38, %add3A_39 : i32
      %mul3A_41 = arith.constant 32 : i32
      %mul3A_42 = arith.muli %mul3A_41, %add3A_40 : i32
      %add3A_43 = arith.addi %add3A, %mul3A_42 : i32
      %mul3A_44 = arith.constant 8 : i32
      %mul3A_45 = arith.muli %add3A_43, %mul3A_44 : i32
      %run_scoped3A = arith.constant 0 : i32
      "tpu.region"() ({
        %run_scoped3A_875 = tpu.sem_alloc : memref<!tpu.dma_semaphore, #tpu.memory_space<semaphore_mem>>
        %dma_start3A_876 = arith.constant 0 : i32
        %dma_start3A_877 = arith.constant 0 : i32
        %dma_start3A_878 = tpu.memref_slice %arg7[%run_scoped3A, %dma_start3A_876, %dma_start3A_877] : memref<2x8x125xi32, #tpu.memory_space<vmem>> -> memref<1x8x125xi32, #tpu.memory_space<vmem>>
        %dma_start3A_879 = tpu.memref_squeeze %dma_start3A_878 : memref<1x8x125xi32, #tpu.memory_space<vmem>> -> memref<8x125xi32, #tpu.memory_space<vmem>>
        %dma_start3A_880 = arith.constant 0 : i32
        %dma_start3A_881 = tpu.memref_slice %arg3[%mul3A_45, %dma_start3A_880] : memref<2560x125xi32, #tpu.memory_space<hbm>> -> memref<8x125xi32, #tpu.memory_space<hbm>>
        %dma_start3A_882 = arith.constant 0 : i32
        %dma_start3A_883 = arith.constant 0 : i32
        %dma_start3A_884 = tpu.memref_slice %arg7[%run_scoped3A, %dma_start3A_882, %dma_start3A_883] : memref<2x8x125xi32, #tpu.memory_space<vmem>> -> memref<1x8x125xi32, #tpu.memory_space<vmem>>
        %dma_start3A_885 = tpu.memref_squeeze %dma_start3A_884 : memref<1x8x125xi32, #tpu.memory_space<vmem>> -> memref<8x125xi32, #tpu.memory_space<vmem>>
        %dma_start3A_886 = arith.constant 0 : i32
        %dma_start3A_887 = tpu.memref_slice %arg3[%mul3A_45, %dma_start3A_886] : memref<2560x125xi32, #tpu.memory_space<hbm>> -> memref<8x125xi32, #tpu.memory_space<hbm>>
        tpu.enqueue_dma source(%dma_start3A_887 : memref<8x125xi32, #tpu.memory_space<hbm>>) target(%dma_start3A_885 : memref<8x125xi32, #tpu.memory_space<vmem>>) target_semaphore(%run_scoped3A_875 : memref<!tpu.dma_semaphore, #tpu.memory_space<semaphore_mem>>)
        %dma_wait3A_888 = arith.constant 0 : i32
        %dma_wait3A_889 = arith.constant 0 : i32
        %dma_wait3A_890 = tpu.memref_slice %arg7[%run_scoped3A, %dma_wait3A_888, %dma_wait3A_889] : memref<2x8x125xi32, #tpu.memory_space<vmem>> -> memref<1x8x125xi32, #tpu.memory_space<vmem>>
        %dma_wait3A_891 = tpu.memref_squeeze %dma_wait3A_890 : memref<1x8x125xi32, #tpu.memory_space<vmem>> -> memref<8x125xi32, #tpu.memory_space<vmem>>
        %dma_wait3A_892 = arith.constant 0 : i32
        %dma_wait3A_893 = tpu.memref_slice %arg3[%mul3A_45, %dma_wait3A_892] : memref<2560x125xi32, #tpu.memory_space<hbm>> -> memref<8x125xi32, #tpu.memory_space<hbm>>
        %dma_wait3A_894 = arith.constant 0 : i32
        %dma_wait3A_895 = arith.constant 0 : i32
        %dma_wait3A_896 = tpu.memref_slice %arg7[%run_scoped3A, %dma_wait3A_894, %dma_wait3A_895] : memref<2x8x125xi32, #tpu.memory_space<vmem>> -> memref<1x8x125xi32, #tpu.memory_space<vmem>>
        %dma_wait3A_897 = tpu.memref_squeeze %dma_wait3A_896 : memref<1x8x125xi32, #tpu.memory_space<vmem>> -> memref<8x125xi32, #tpu.memory_space<vmem>>
        %dma_wait3A_898 = arith.constant 0 : i32
        %dma_wait3A_899 = tpu.memref_slice %arg3[%mul3A_45, %dma_wait3A_898] : memref<2560x125xi32, #tpu.memory_space<hbm>> -> memref<8x125xi32, #tpu.memory_space<hbm>>
        tpu.wait_dma2 semaphore(%run_scoped3A_875 : memref<!tpu.dma_semaphore, #tpu.memory_space<semaphore_mem>>) src(%dma_wait3A_899 : memref<8x125xi32, #tpu.memory_space<hbm>>) dst(%dma_wait3A_897 : memref<8x125xi32, #tpu.memory_space<vmem>>)
        tpu.yield
      }) : () -> ()
      %mul3A_46 = arith.constant 8 : i32
      %mul3A_47 = arith.muli %add3A_43, %mul3A_46 : i32
      %run_scoped3A_48 = arith.constant 0 : i32
      "tpu.region"() ({
        %run_scoped3A_875 = tpu.sem_alloc : memref<!tpu.dma_semaphore, #tpu.memory_space<semaphore_mem>>
        %dma_start3A_876 = arith.constant 0 : i32
        %dma_start3A_877 = arith.constant 0 : i32
        %dma_start3A_878 = tpu.memref_slice %arg8[%run_scoped3A_48, %dma_start3A_876, %dma_start3A_877] : memref<2x8x125xi32, #tpu.memory_space<vmem>> -> memref<1x8x125xi32, #tpu.memory_space<vmem>>
        %dma_start3A_879 = tpu.memref_squeeze %dma_start3A_878 : memref<1x8x125xi32, #tpu.memory_space<vmem>> -> memref<8x125xi32, #tpu.memory_space<vmem>>
        %dma_start3A_880 = arith.constant 0 : i32
        %dma_start3A_881 = tpu.memref_slice %arg4[%mul3A_47, %dma_start3A_880] : memref<2560x125xi32, #tpu.memory_space<hbm>> -> memref<8x125xi32, #tpu.memory_space<hbm>>
        %dma_start3A_882 = arith.constant 0 : i32
        %dma_start3A_883 = arith.constant 0 : i32
        %dma_start3A_884 = tpu.memref_slice %arg8[%run_scoped3A_48, %dma_start3A_882, %dma_start3A_883] : memref<2x8x125xi32, #tpu.memory_space<vmem>> -> memref<1x8x125xi32, #tpu.memory_space<vmem>>
        %dma_start3A_885 = tpu.memref_squeeze %dma_start3A_884 : memref<1x8x125xi32, #tpu.memory_space<vmem>> -> memref<8x125xi32, #tpu.memory_space<vmem>>
        %dma_start3A_886 = arith.constant 0 : i32
        %dma_start3A_887 = tpu.memref_slice %arg4[%mul3A_47, %dma_start3A_886] : memref<2560x125xi32, #tpu.memory_space<hbm>> -> memref<8x125xi32, #tpu.memory_space<hbm>>
        tpu.enqueue_dma source(%dma_start3A_887 : memref<8x125xi32, #tpu.memory_space<hbm>>) target(%dma_start3A_885 : memref<8x125xi32, #tpu.memory_space<vmem>>) target_semaphore(%run_scoped3A_875 : memref<!tpu.dma_semaphore, #tpu.memory_space<semaphore_mem>>)
        %dma_wait3A_888 = arith.constant 0 : i32
        %dma_wait3A_889 = arith.constant 0 : i32
        %dma_wait3A_890 = tpu.memref_slice %arg8[%run_scoped3A_48, %dma_wait3A_888, %dma_wait3A_889] : memref<2x8x125xi32, #tpu.memory_space<vmem>> -> memref<1x8x125xi32, #tpu.memory_space<vmem>>
        %dma_wait3A_891 = tpu.memref_squeeze %dma_wait3A_890 : memref<1x8x125xi32, #tpu.memory_space<vmem>> -> memref<8x125xi32, #tpu.memory_space<vmem>>
        %dma_wait3A_892 = arith.constant 0 : i32
        %dma_wait3A_893 = tpu.memref_slice %arg4[%mul3A_47, %dma_wait3A_892] : memref<2560x125xi32, #tpu.memory_space<hbm>> -> memref<8x125xi32, #tpu.memory_space<hbm>>
        %dma_wait3A_894 = arith.constant 0 : i32
        %dma_wait3A_895 = arith.constant 0 : i32
        %dma_wait3A_896 = tpu.memref_slice %arg8[%run_scoped3A_48, %dma_wait3A_894, %dma_wait3A_895] : memref<2x8x125xi32, #tpu.memory_space<vmem>> -> memref<1x8x125xi32, #tpu.memory_space<vmem>>
        %dma_wait3A_897 = tpu.memref_squeeze %dma_wait3A_896 : memref<1x8x125xi32, #tpu.memory_space<vmem>> -> memref<8x125xi32, #tpu.memory_space<vmem>>
        %dma_wait3A_898 = arith.constant 0 : i32
        %dma_wait3A_899 = tpu.memref_slice %arg4[%mul3A_47, %dma_wait3A_898] : memref<2560x125xi32, #tpu.memory_space<hbm>> -> memref<8x125xi32, #tpu.memory_space<hbm>>
        tpu.wait_dma2 semaphore(%run_scoped3A_875 : memref<!tpu.dma_semaphore, #tpu.memory_space<semaphore_mem>>) src(%dma_wait3A_899 : memref<8x125xi32, #tpu.memory_space<hbm>>) dst(%dma_wait3A_897 : memref<8x125xi32, #tpu.memory_space<vmem>>)
        tpu.yield
      }) : () -> ()
      %gt3A = arith.constant 0 : i32
      %gt3A_49 = arith.cmpi sgt, %scan3A_35, %gt3A : i32
      %convert_element_type3A = arith.extui %gt3A_49 : i1 to i32
      %cond3A = arith.constant 0 : i32
      %cond3A_50 = arith.cmpi ne, %convert_element_type3A, %cond3A : i32
      scf.if %cond3A_50 {
        %dma_wait3A_875 = arith.constant 0 : i32
        %dma_wait3A_876 = arith.constant 1 : i32
        %dma_wait3A_877 = arith.constant 0 : i32
        %dma_wait3A_878 = arith.constant 0 : i32
        %dma_wait3A_879 = arith.constant 0 : i32
        %dma_wait3A_880 = tpu.memref_slice %arg9[%dma_wait3A_875, %dma_wait3A_878, %dma_wait3A_879] : memref<2x125x128xf32, #tpu.memory_space<vmem>> -> memref<1x125x128xf32, #tpu.memory_space<vmem>>
        %dma_wait3A_881 = tpu.memref_squeeze %dma_wait3A_880 : memref<1x125x128xf32, #tpu.memory_space<vmem>> -> memref<125x128xf32, #tpu.memory_space<vmem>>
        %dma_wait3A_882 = arith.constant 0 : i32
        %dma_wait3A_883 = tpu.memref_slice %arg8[%dma_wait3A_876, %dma_wait3A_877, %dma_wait3A_882] : memref<2x8x125xi32, #tpu.memory_space<vmem>> -> memref<1x1x125xi32, #tpu.memory_space<vmem>>
        %dma_wait3A_884 = tpu.memref_squeeze %dma_wait3A_883 : memref<1x1x125xi32, #tpu.memory_space<vmem>> -> memref<125xi32, #tpu.memory_space<vmem>>
        %dma_wait3A_885 = arith.constant 0 : i32
        %dma_wait3A_886 = arith.constant 0 : i32
        %dma_wait3A_887 = tpu.memref_slice %arg10[%dma_wait3A_885, %dma_wait3A_886] : memref<10112x128xf32, #tpu.memory_space<vmem_shared>> -> memref<10112x128xf32, #tpu.memory_space<vmem_shared>>
        tpu.wait_indirect_dma semaphore(%arg13 : memref<!tpu.dma_semaphore, #tpu.memory_space<semaphore_mem>>) src(%dma_wait3A_881 : memref<125x128xf32, #tpu.memory_space<vmem>>) dst(%dma_wait3A_887 : memref<10112x128xf32, #tpu.memory_space<vmem_shared>>)
      } else {
      }
      %dma_start3A = arith.constant 0 : i32
      %dma_start3A_51 = arith.constant 0 : i32
      %dma_start3A_52 = arith.constant 0 : i32
      %dma_start3A_53 = arith.constant 0 : i32
      %dma_start3A_54 = arith.constant 0 : i32
      %dma_start3A_55 = tpu.memref_slice %arg9[%dma_start3A_52, %dma_start3A_53, %dma_start3A_54] : memref<2x125x128xf32, #tpu.memory_space<vmem>> -> memref<1x125x128xf32, #tpu.memory_space<vmem>>
      %dma_start3A_56 = tpu.memref_squeeze %dma_start3A_55 : memref<1x125x128xf32, #tpu.memory_space<vmem>> -> memref<125x128xf32, #tpu.memory_space<vmem>>
      %dma_start3A_57 = arith.constant 0 : i32
      %dma_start3A_58 = tpu.memref_slice %arg7[%dma_start3A, %dma_start3A_51, %dma_start3A_57] : memref<2x8x125xi32, #tpu.memory_space<vmem>> -> memref<1x1x125xi32, #tpu.memory_space<vmem>>
      %dma_start3A_59 = tpu.memref_squeeze %dma_start3A_58 : memref<1x1x125xi32, #tpu.memory_space<vmem>> -> memref<125xi32, #tpu.memory_space<vmem>>
      %dma_start3A_60 = arith.constant 0 : i32
      %dma_start3A_61 = arith.constant 0 : i32
      %dma_start3A_62 = tpu.memref_slice %arg2[%dma_start3A_60, %dma_start3A_61] : memref<10000x128xf32, #tpu.memory_space<hbm>> -> memref<10000x128xf32, #tpu.memory_space<hbm>>
      tpu.enqueue_indirect_dma source(%dma_start3A_62 : memref<10000x128xf32, #tpu.memory_space<hbm>>) target(%dma_start3A_56 : memref<125x128xf32, #tpu.memory_space<vmem>>) offsets(%dma_start3A_59 : memref<125xi32, #tpu.memory_space<vmem>>) semaphore(%arg11 : memref<!tpu.dma_semaphore, #tpu.memory_space<semaphore_mem>>)
      %gt3A_63 = arith.constant 0 : i32
      %gt3A_64 = arith.cmpi sgt, %scan3A_35, %gt3A_63 : i32
      %convert_element_type3A_65 = arith.extui %gt3A_64 : i1 to i32
      %cond3A_66 = arith.constant 0 : i32
      %cond3A_67 = arith.cmpi ne, %convert_element_type3A_65, %cond3A_66 : i32
      scf.if %cond3A_67 {
        %dma_wait3A_875 = arith.constant 1 : i32
        %dma_wait3A_876 = arith.constant 1 : i32
        %dma_wait3A_877 = arith.constant 0 : i32
        %dma_wait3A_878 = arith.constant 0 : i32
        %dma_wait3A_879 = arith.constant 0 : i32
        %dma_wait3A_880 = tpu.memref_slice %arg9[%dma_wait3A_875, %dma_wait3A_878, %dma_wait3A_879] : memref<2x125x128xf32, #tpu.memory_space<vmem>> -> memref<1x125x128xf32, #tpu.memory_space<vmem>>
        %dma_wait3A_881 = tpu.memref_squeeze %dma_wait3A_880 : memref<1x125x128xf32, #tpu.memory_space<vmem>> -> memref<125x128xf32, #tpu.memory_space<vmem>>
        %dma_wait3A_882 = arith.constant 0 : i32
        %dma_wait3A_883 = tpu.memref_slice %arg8[%dma_wait3A_876, %dma_wait3A_877, %dma_wait3A_882] : memref<2x8x125xi32, #tpu.memory_space<vmem>> -> memref<1x1x125xi32, #tpu.memory_space<vmem>>
        %dma_wait3A_884 = tpu.memref_squeeze %dma_wait3A_883 : memref<1x1x125xi32, #tpu.memory_space<vmem>> -> memref<125xi32, #tpu.memory_space<vmem>>
        %dma_wait3A_885 = arith.constant 0 : i32
        %dma_wait3A_886 = arith.constant 0 : i32
        %dma_wait3A_887 = tpu.memref_slice %arg10[%dma_wait3A_885, %dma_wait3A_886] : memref<10112x128xf32, #tpu.memory_space<vmem_shared>> -> memref<10112x128xf32, #tpu.memory_space<vmem_shared>>
        tpu.wait_indirect_dma semaphore(%arg14 : memref<!tpu.dma_semaphore, #tpu.memory_space<semaphore_mem>>) src(%dma_wait3A_881 : memref<125x128xf32, #tpu.memory_space<vmem>>) dst(%dma_wait3A_887 : memref<10112x128xf32, #tpu.memory_space<vmem_shared>>)
      } else {
      }
      %dma_start3A_68 = arith.constant 0 : i32
      %dma_start3A_69 = arith.constant 1 : i32
      %dma_start3A_70 = arith.constant 1 : i32
      %dma_start3A_71 = arith.constant 0 : i32
      %dma_start3A_72 = arith.constant 0 : i32
      %dma_start3A_73 = tpu.memref_slice %arg9[%dma_start3A_70, %dma_start3A_71, %dma_start3A_72] : memref<2x125x128xf32, #tpu.memory_space<vmem>> -> memref<1x125x128xf32, #tpu.memory_space<vmem>>
      %dma_start3A_74 = tpu.memref_squeeze %dma_start3A_73 : memref<1x125x128xf32, #tpu.memory_space<vmem>> -> memref<125x128xf32, #tpu.memory_space<vmem>>
      %dma_start3A_75 = arith.constant 0 : i32
      %dma_start3A_76 = tpu.memref_slice %arg7[%dma_start3A_68, %dma_start3A_69, %dma_start3A_75] : memref<2x8x125xi32, #tpu.memory_space<vmem>> -> memref<1x1x125xi32, #tpu.memory_space<vmem>>
      %dma_start3A_77 = tpu.memref_squeeze %dma_start3A_76 : memref<1x1x125xi32, #tpu.memory_space<vmem>> -> memref<125xi32, #tpu.memory_space<vmem>>
      %dma_start3A_78 = arith.constant 0 : i32
      %dma_start3A_79 = arith.constant 0 : i32
      %dma_start3A_80 = tpu.memref_slice %arg2[%dma_start3A_78, %dma_start3A_79] : memref<10000x128xf32, #tpu.memory_space<hbm>> -> memref<10000x128xf32, #tpu.memory_space<hbm>>
      tpu.enqueue_indirect_dma source(%dma_start3A_80 : memref<10000x128xf32, #tpu.memory_space<hbm>>) target(%dma_start3A_74 : memref<125x128xf32, #tpu.memory_space<vmem>>) offsets(%dma_start3A_77 : memref<125xi32, #tpu.memory_space<vmem>>) semaphore(%arg12 : memref<!tpu.dma_semaphore, #tpu.memory_space<semaphore_mem>>)
      %dma_wait3A_81 = arith.constant 0 : i32
      %dma_wait3A_82 = arith.constant 0 : i32
      %dma_wait3A_83 = arith.constant 0 : i32
      %dma_wait3A_84 = arith.constant 0 : i32
      %dma_wait3A_85 = arith.constant 0 : i32
      %dma_wait3A_86 = tpu.memref_slice %arg9[%dma_wait3A_83, %dma_wait3A_84, %dma_wait3A_85] : memref<2x125x128xf32, #tpu.memory_space<vmem>> -> memref<1x125x128xf32, #tpu.memory_space<vmem>>
      %dma_wait3A_87 = tpu.memref_squeeze %dma_wait3A_86 : memref<1x125x128xf32, #tpu.memory_space<vmem>> -> memref<125x128xf32, #tpu.memory_space<vmem>>
      %dma_wait3A_88 = arith.constant 0 : i32
      %dma_wait3A_89 = tpu.memref_slice %arg7[%dma_wait3A_81, %dma_wait3A_82, %dma_wait3A_88] : memref<2x8x125xi32, #tpu.memory_space<vmem>> -> memref<1x1x125xi32, #tpu.memory_space<vmem>>
      %dma_wait3A_90 = tpu.memref_squeeze %dma_wait3A_89 : memref<1x1x125xi32, #tpu.memory_space<vmem>> -> memref<125xi32, #tpu.memory_space<vmem>>
      %dma_wait3A_91 = arith.constant 0 : i32
      %dma_wait3A_92 = arith.constant 0 : i32
      %dma_wait3A_93 = tpu.memref_slice %arg2[%dma_wait3A_91, %dma_wait3A_92] : memref<10000x128xf32, #tpu.memory_space<hbm>> -> memref<10000x128xf32, #tpu.memory_space<hbm>>
      tpu.wait_indirect_dma semaphore(%arg11 : memref<!tpu.dma_semaphore, #tpu.memory_space<semaphore_mem>>) src(%dma_wait3A_93 : memref<10000x128xf32, #tpu.memory_space<hbm>>) dst(%dma_wait3A_87 : memref<125x128xf32, #tpu.memory_space<vmem>>)
      %dma_start3A_94 = arith.constant 0 : i32
      %dma_start3A_95 = arith.constant 0 : i32
      %dma_start3A_96 = arith.constant 0 : i32
      %dma_start3A_97 = arith.constant 0 : i32
      %dma_start3A_98 = arith.constant 0 : i32
      %dma_start3A_99 = tpu.memref_slice %arg9[%dma_start3A_94, %dma_start3A_97, %dma_start3A_98] : memref<2x125x128xf32, #tpu.memory_space<vmem>> -> memref<1x125x128xf32, #tpu.memory_space<vmem>>
      %dma_start3A_100 = tpu.memref_squeeze %dma_start3A_99 : memref<1x125x128xf32, #tpu.memory_space<vmem>> -> memref<125x128xf32, #tpu.memory_space<vmem>>
      %dma_start3A_101 = arith.constant 0 : i32
      %dma_start3A_102 = tpu.memref_slice %arg8[%dma_start3A_95, %dma_start3A_96, %dma_start3A_101] : memref<2x8x125xi32, #tpu.memory_space<vmem>> -> memref<1x1x125xi32, #tpu.memory_space<vmem>>
      %dma_start3A_103 = tpu.memref_squeeze %dma_start3A_102 : memref<1x1x125xi32, #tpu.memory_space<vmem>> -> memref<125xi32, #tpu.memory_space<vmem>>
      %dma_start3A_104 = arith.constant 0 : i32
      %dma_start3A_105 = arith.constant 0 : i32
      %dma_start3A_106 = tpu.memref_slice %arg10[%dma_start3A_104, %dma_start3A_105] : memref<10112x128xf32, #tpu.memory_space<vmem_shared>> -> memref<10112x128xf32, #tpu.memory_space<vmem_shared>>
      tpu.enqueue_indirect_dma source(%dma_start3A_100 : memref<125x128xf32, #tpu.memory_space<vmem>>) target(%dma_start3A_106 : memref<10112x128xf32, #tpu.memory_space<vmem_shared>>) offsets(%dma_start3A_103 : memref<125xi32, #tpu.memory_space<vmem>>) semaphore(%arg13 : memref<!tpu.dma_semaphore, #tpu.memory_space<semaphore_mem>>) {add = true}
      %dma_wait3A_107 = arith.constant 0 : i32
      %dma_wait3A_108 = arith.constant 0 : i32
      %dma_wait3A_109 = arith.constant 0 : i32
      %dma_wait3A_110 = arith.constant 0 : i32
      %dma_wait3A_111 = arith.constant 0 : i32
      %dma_wait3A_112 = tpu.memref_slice %arg9[%dma_wait3A_107, %dma_wait3A_110, %dma_wait3A_111] : memref<2x125x128xf32, #tpu.memory_space<vmem>> -> memref<1x125x128xf32, #tpu.memory_space<vmem>>
      %dma_wait3A_113 = tpu.memref_squeeze %dma_wait3A_112 : memref<1x125x128xf32, #tpu.memory_space<vmem>> -> memref<125x128xf32, #tpu.memory_space<vmem>>
      %dma_wait3A_114 = arith.constant 0 : i32
      %dma_wait3A_115 = tpu.memref_slice %arg8[%dma_wait3A_108, %dma_wait3A_109, %dma_wait3A_114] : memref<2x8x125xi32, #tpu.memory_space<vmem>> -> memref<1x1x125xi32, #tpu.memory_space<vmem>>
      %dma_wait3A_116 = tpu.memref_squeeze %dma_wait3A_115 : memref<1x1x125xi32, #tpu.memory_space<vmem>> -> memref<125xi32, #tpu.memory_space<vmem>>
      %dma_wait3A_117 = arith.constant 0 : i32
      %dma_wait3A_118 = arith.constant 0 : i32
      %dma_wait3A_119 = tpu.memref_slice %arg10[%dma_wait3A_117, %dma_wait3A_118] : memref<10112x128xf32, #tpu.memory_space<vmem_shared>> -> memref<10112x128xf32, #tpu.memory_space<vmem_shared>>
      tpu.wait_indirect_dma semaphore(%arg13 : memref<!tpu.dma_semaphore, #tpu.memory_space<semaphore_mem>>) src(%dma_wait3A_113 : memref<125x128xf32, #tpu.memory_space<vmem>>) dst(%dma_wait3A_119 : memref<10112x128xf32, #tpu.memory_space<vmem_shared>>)
      %dma_start3A_120 = arith.constant 0 : i32
      %dma_start3A_121 = arith.constant 2 : i32
      %dma_start3A_122 = arith.constant 0 : i32
      %dma_start3A_123 = arith.constant 0 : i32
      %dma_start3A_124 = arith.constant 0 : i32
      %dma_start3A_125 = tpu.memref_slice %arg9[%dma_start3A_122, %dma_start3A_123, %dma_start3A_124] : memref<2x125x128xf32, #tpu.memory_space<vmem>> -> memref<1x125x128xf32, #tpu.memory_space<vmem>>
      %dma_start3A_126 = tpu.memref_squeeze %dma_start3A_125 : memref<1x125x128xf32, #tpu.memory_space<vmem>> -> memref<125x128xf32, #tpu.memory_space<vmem>>
      %dma_start3A_127 = arith.constant 0 : i32
      %dma_start3A_128 = tpu.memref_slice %arg7[%dma_start3A_120, %dma_start3A_121, %dma_start3A_127] : memref<2x8x125xi32, #tpu.memory_space<vmem>> -> memref<1x1x125xi32, #tpu.memory_space<vmem>>
      %dma_start3A_129 = tpu.memref_squeeze %dma_start3A_128 : memref<1x1x125xi32, #tpu.memory_space<vmem>> -> memref<125xi32, #tpu.memory_space<vmem>>
      %dma_start3A_130 = arith.constant 0 : i32
      %dma_start3A_131 = arith.constant 0 : i32
      %dma_start3A_132 = tpu.memref_slice %arg2[%dma_start3A_130, %dma_start3A_131] : memref<10000x128xf32, #tpu.memory_space<hbm>> -> memref<10000x128xf32, #tpu.memory_space<hbm>>
      tpu.enqueue_indirect_dma source(%dma_start3A_132 : memref<10000x128xf32, #tpu.memory_space<hbm>>) target(%dma_start3A_126 : memref<125x128xf32, #tpu.memory_space<vmem>>) offsets(%dma_start3A_129 : memref<125xi32, #tpu.memory_space<vmem>>) semaphore(%arg11 : memref<!tpu.dma_semaphore, #tpu.memory_space<semaphore_mem>>)
      %dma_wait3A_133 = arith.constant 0 : i32
      %dma_wait3A_134 = arith.constant 1 : i32
      %dma_wait3A_135 = arith.constant 1 : i32
      %dma_wait3A_136 = arith.constant 0 : i32
      %dma_wait3A_137 = arith.constant 0 : i32
      %dma_wait3A_138 = tpu.memref_slice %arg9[%dma_wait3A_135, %dma_wait3A_136, %dma_wait3A_137] : memref<2x125x128xf32, #tpu.memory_space<vmem>> -> memref<1x125x128xf32, #tpu.memory_space<vmem>>
      %dma_wait3A_139 = tpu.memref_squeeze %dma_wait3A_138 : memref<1x125x128xf32, #tpu.memory_space<vmem>> -> memref<125x128xf32, #tpu.memory_space<vmem>>
      %dma_wait3A_140 = arith.constant 0 : i32
      %dma_wait3A_141 = tpu.memref_slice %arg7[%dma_wait3A_133, %dma_wait3A_134, %dma_wait3A_140] : memref<2x8x125xi32, #tpu.memory_space<vmem>> -> memref<1x1x125xi32, #tpu.memory_space<vmem>>
      %dma_wait3A_142 = tpu.memref_squeeze %dma_wait3A_141 : memref<1x1x125xi32, #tpu.memory_space<vmem>> -> memref<125xi32, #tpu.memory_space<vmem>>
      %dma_wait3A_143 = arith.constant 0 : i32
      %dma_wait3A_144 = arith.constant 0 : i32
      %dma_wait3A_145 = tpu.memref_slice %arg2[%dma_wait3A_143, %dma_wait3A_144] : memref<10000x128xf32, #tpu.memory_space<hbm>> -> memref<10000x128xf32, #tpu.memory_space<hbm>>
      tpu.wait_indirect_dma semaphore(%arg12 : memref<!tpu.dma_semaphore, #tpu.memory_space<semaphore_mem>>) src(%dma_wait3A_145 : memref<10000x128xf32, #tpu.memory_space<hbm>>) dst(%dma_wait3A_139 : memref<125x128xf32, #tpu.memory_space<vmem>>)
      %dma_start3A_146 = arith.constant 1 : i32
      %dma_start3A_147 = arith.constant 0 : i32
      %dma_start3A_148 = arith.constant 1 : i32
      %dma_start3A_149 = arith.constant 0 : i32
      %dma_start3A_150 = arith.constant 0 : i32
      %dma_start3A_151 = tpu.memref_slice %arg9[%dma_start3A_146, %dma_start3A_149, %dma_start3A_150] : memref<2x125x128xf32, #tpu.memory_space<vmem>> -> memref<1x125x128xf32, #tpu.memory_space<vmem>>
      %dma_start3A_152 = tpu.memref_squeeze %dma_start3A_151 : memref<1x125x128xf32, #tpu.memory_space<vmem>> -> memref<125x128xf32, #tpu.memory_space<vmem>>
      %dma_start3A_153 = arith.constant 0 : i32
      %dma_start3A_154 = tpu.memref_slice %arg8[%dma_start3A_147, %dma_start3A_148, %dma_start3A_153] : memref<2x8x125xi32, #tpu.memory_space<vmem>> -> memref<1x1x125xi32, #tpu.memory_space<vmem>>
      %dma_start3A_155 = tpu.memref_squeeze %dma_start3A_154 : memref<1x1x125xi32, #tpu.memory_space<vmem>> -> memref<125xi32, #tpu.memory_space<vmem>>
      %dma_start3A_156 = arith.constant 0 : i32
      %dma_start3A_157 = arith.constant 0 : i32
      %dma_start3A_158 = tpu.memref_slice %arg10[%dma_start3A_156, %dma_start3A_157] : memref<10112x128xf32, #tpu.memory_space<vmem_shared>> -> memref<10112x128xf32, #tpu.memory_space<vmem_shared>>
      tpu.enqueue_indirect_dma source(%dma_start3A_152 : memref<125x128xf32, #tpu.memory_space<vmem>>) target(%dma_start3A_158 : memref<10112x128xf32, #tpu.memory_space<vmem_shared>>) offsets(%dma_start3A_155 : memref<125xi32, #tpu.memory_space<vmem>>) semaphore(%arg14 : memref<!tpu.dma_semaphore, #tpu.memory_space<semaphore_mem>>) {add = true}
      %dma_wait3A_159 = arith.constant 1 : i32
      %dma_wait3A_160 = arith.constant 0 : i32
      %dma_wait3A_161 = arith.constant 1 : i32
      %dma_wait3A_162 = arith.constant 0 : i32
      %dma_wait3A_163 = arith.constant 0 : i32
      %dma_wait3A_164 = tpu.memref_slice %arg9[%dma_wait3A_159, %dma_wait3A_162, %dma_wait3A_163] : memref<2x125x128xf32, #tpu.memory_space<vmem>> -> memref<1x125x128xf32, #tpu.memory_space<vmem>>
      %dma_wait3A_165 = tpu.memref_squeeze %dma_wait3A_164 : memref<1x125x128xf32, #tpu.memory_space<vmem>> -> memref<125x128xf32, #tpu.memory_space<vmem>>
      %dma_wait3A_166 = arith.constant 0 : i32
      %dma_wait3A_167 = tpu.memref_slice %arg8[%dma_wait3A_160, %dma_wait3A_161, %dma_wait3A_166] : memref<2x8x125xi32, #tpu.memory_space<vmem>> -> memref<1x1x125xi32, #tpu.memory_space<vmem>>
      %dma_wait3A_168 = tpu.memref_squeeze %dma_wait3A_167 : memref<1x1x125xi32, #tpu.memory_space<vmem>> -> memref<125xi32, #tpu.memory_space<vmem>>
      %dma_wait3A_169 = arith.constant 0 : i32
      %dma_wait3A_170 = arith.constant 0 : i32
      %dma_wait3A_171 = tpu.memref_slice %arg10[%dma_wait3A_169, %dma_wait3A_170] : memref<10112x128xf32, #tpu.memory_space<vmem_shared>> -> memref<10112x128xf32, #tpu.memory_space<vmem_shared>>
      tpu.wait_indirect_dma semaphore(%arg14 : memref<!tpu.dma_semaphore, #tpu.memory_space<semaphore_mem>>) src(%dma_wait3A_165 : memref<125x128xf32, #tpu.memory_space<vmem>>) dst(%dma_wait3A_171 : memref<10112x128xf32, #tpu.memory_space<vmem_shared>>)
      %dma_start3A_172 = arith.constant 0 : i32
      %dma_start3A_173 = arith.constant 3 : i32
      %dma_start3A_174 = arith.constant 1 : i32
      %dma_start3A_175 = arith.constant 0 : i32
      %dma_start3A_176 = arith.constant 0 : i32
      %dma_start3A_177 = tpu.memref_slice %arg9[%dma_start3A_174, %dma_start3A_175, %dma_start3A_176] : memref<2x125x128xf32, #tpu.memory_space<vmem>> -> memref<1x125x128xf32, #tpu.memory_space<vmem>>
      %dma_start3A_178 = tpu.memref_squeeze %dma_start3A_177 : memref<1x125x128xf32, #tpu.memory_space<vmem>> -> memref<125x128xf32, #tpu.memory_space<vmem>>
      %dma_start3A_179 = arith.constant 0 : i32
      %dma_start3A_180 = tpu.memref_slice %arg7[%dma_start3A_172, %dma_start3A_173, %dma_start3A_179] : memref<2x8x125xi32, #tpu.memory_space<vmem>> -> memref<1x1x125xi32, #tpu.memory_space<vmem>>
      %dma_start3A_181 = tpu.memref_squeeze %dma_start3A_180 : memref<1x1x125xi32, #tpu.memory_space<vmem>> -> memref<125xi32, #tpu.memory_space<vmem>>
      %dma_start3A_182 = arith.constant 0 : i32
      %dma_start3A_183 = arith.constant 0 : i32
      %dma_start3A_184 = tpu.memref_slice %arg2[%dma_start3A_182, %dma_start3A_183] : memref<10000x128xf32, #tpu.memory_space<hbm>> -> memref<10000x128xf32, #tpu.memory_space<hbm>>
      tpu.enqueue_indirect_dma source(%dma_start3A_184 : memref<10000x128xf32, #tpu.memory_space<hbm>>) target(%dma_start3A_178 : memref<125x128xf32, #tpu.memory_space<vmem>>) offsets(%dma_start3A_181 : memref<125xi32, #tpu.memory_space<vmem>>) semaphore(%arg12 : memref<!tpu.dma_semaphore, #tpu.memory_space<semaphore_mem>>)
      %dma_wait3A_185 = arith.constant 0 : i32
      %dma_wait3A_186 = arith.constant 2 : i32
      %dma_wait3A_187 = arith.constant 0 : i32
      %dma_wait3A_188 = arith.constant 0 : i32
      %dma_wait3A_189 = arith.constant 0 : i32
      %dma_wait3A_190 = tpu.memref_slice %arg9[%dma_wait3A_187, %dma_wait3A_188, %dma_wait3A_189] : memref<2x125x128xf32, #tpu.memory_space<vmem>> -> memref<1x125x128xf32, #tpu.memory_space<vmem>>
      %dma_wait3A_191 = tpu.memref_squeeze %dma_wait3A_190 : memref<1x125x128xf32, #tpu.memory_space<vmem>> -> memref<125x128xf32, #tpu.memory_space<vmem>>
      %dma_wait3A_192 = arith.constant 0 : i32
      %dma_wait3A_193 = tpu.memref_slice %arg7[%dma_wait3A_185, %dma_wait3A_186, %dma_wait3A_192] : memref<2x8x125xi32, #tpu.memory_space<vmem>> -> memref<1x1x125xi32, #tpu.memory_space<vmem>>
      %dma_wait3A_194 = tpu.memref_squeeze %dma_wait3A_193 : memref<1x1x125xi32, #tpu.memory_space<vmem>> -> memref<125xi32, #tpu.memory_space<vmem>>
      %dma_wait3A_195 = arith.constant 0 : i32
      %dma_wait3A_196 = arith.constant 0 : i32
      %dma_wait3A_197 = tpu.memref_slice %arg2[%dma_wait3A_195, %dma_wait3A_196] : memref<10000x128xf32, #tpu.memory_space<hbm>> -> memref<10000x128xf32, #tpu.memory_space<hbm>>
      tpu.wait_indirect_dma semaphore(%arg11 : memref<!tpu.dma_semaphore, #tpu.memory_space<semaphore_mem>>) src(%dma_wait3A_197 : memref<10000x128xf32, #tpu.memory_space<hbm>>) dst(%dma_wait3A_191 : memref<125x128xf32, #tpu.memory_space<vmem>>)
      %dma_start3A_198 = arith.constant 0 : i32
      %dma_start3A_199 = arith.constant 0 : i32
      %dma_start3A_200 = arith.constant 2 : i32
      %dma_start3A_201 = arith.constant 0 : i32
      %dma_start3A_202 = arith.constant 0 : i32
      %dma_start3A_203 = tpu.memref_slice %arg9[%dma_start3A_198, %dma_start3A_201, %dma_start3A_202] : memref<2x125x128xf32, #tpu.memory_space<vmem>> -> memref<1x125x128xf32, #tpu.memory_space<vmem>>
      %dma_start3A_204 = tpu.memref_squeeze %dma_start3A_203 : memref<1x125x128xf32, #tpu.memory_space<vmem>> -> memref<125x128xf32, #tpu.memory_space<vmem>>
      %dma_start3A_205 = arith.constant 0 : i32
      %dma_start3A_206 = tpu.memref_slice %arg8[%dma_start3A_199, %dma_start3A_200, %dma_start3A_205] : memref<2x8x125xi32, #tpu.memory_space<vmem>> -> memref<1x1x125xi32, #tpu.memory_space<vmem>>
      %dma_start3A_207 = tpu.memref_squeeze %dma_start3A_206 : memref<1x1x125xi32, #tpu.memory_space<vmem>> -> memref<125xi32, #tpu.memory_space<vmem>>
      %dma_start3A_208 = arith.constant 0 : i32
      %dma_start3A_209 = arith.constant 0 : i32
      %dma_start3A_210 = tpu.memref_slice %arg10[%dma_start3A_208, %dma_start3A_209] : memref<10112x128xf32, #tpu.memory_space<vmem_shared>> -> memref<10112x128xf32, #tpu.memory_space<vmem_shared>>
      tpu.enqueue_indirect_dma source(%dma_start3A_204 : memref<125x128xf32, #tpu.memory_space<vmem>>) target(%dma_start3A_210 : memref<10112x128xf32, #tpu.memory_space<vmem_shared>>) offsets(%dma_start3A_207 : memref<125xi32, #tpu.memory_space<vmem>>) semaphore(%arg13 : memref<!tpu.dma_semaphore, #tpu.memory_space<semaphore_mem>>) {add = true}
      %dma_wait3A_211 = arith.constant 0 : i32
      %dma_wait3A_212 = arith.constant 0 : i32
      %dma_wait3A_213 = arith.constant 2 : i32
      %dma_wait3A_214 = arith.constant 0 : i32
      %dma_wait3A_215 = arith.constant 0 : i32
      %dma_wait3A_216 = tpu.memref_slice %arg9[%dma_wait3A_211, %dma_wait3A_214, %dma_wait3A_215] : memref<2x125x128xf32, #tpu.memory_space<vmem>> -> memref<1x125x128xf32, #tpu.memory_space<vmem>>
      %dma_wait3A_217 = tpu.memref_squeeze %dma_wait3A_216 : memref<1x125x128xf32, #tpu.memory_space<vmem>> -> memref<125x128xf32, #tpu.memory_space<vmem>>
      %dma_wait3A_218 = arith.constant 0 : i32
      %dma_wait3A_219 = tpu.memref_slice %arg8[%dma_wait3A_212, %dma_wait3A_213, %dma_wait3A_218] : memref<2x8x125xi32, #tpu.memory_space<vmem>> -> memref<1x1x125xi32, #tpu.memory_space<vmem>>
      %dma_wait3A_220 = tpu.memref_squeeze %dma_wait3A_219 : memref<1x1x125xi32, #tpu.memory_space<vmem>> -> memref<125xi32, #tpu.memory_space<vmem>>
      %dma_wait3A_221 = arith.constant 0 : i32
      %dma_wait3A_222 = arith.constant 0 : i32
      %dma_wait3A_223 = tpu.memref_slice %arg10[%dma_wait3A_221, %dma_wait3A_222] : memref<10112x128xf32, #tpu.memory_space<vmem_shared>> -> memref<10112x128xf32, #tpu.memory_space<vmem_shared>>
      tpu.wait_indirect_dma semaphore(%arg13 : memref<!tpu.dma_semaphore, #tpu.memory_space<semaphore_mem>>) src(%dma_wait3A_217 : memref<125x128xf32, #tpu.memory_space<vmem>>) dst(%dma_wait3A_223 : memref<10112x128xf32, #tpu.memory_space<vmem_shared>>)
      %dma_start3A_224 = arith.constant 0 : i32
      %dma_start3A_225 = arith.constant 4 : i32
      %dma_start3A_226 = arith.constant 0 : i32
      %dma_start3A_227 = arith.constant 0 : i32
      %dma_start3A_228 = arith.constant 0 : i32
      %dma_start3A_229 = tpu.memref_slice %arg9[%dma_start3A_226, %dma_start3A_227, %dma_start3A_228] : memref<2x125x128xf32, #tpu.memory_space<vmem>> -> memref<1x125x128xf32, #tpu.memory_space<vmem>>
      %dma_start3A_230 = tpu.memref_squeeze %dma_start3A_229 : memref<1x125x128xf32, #tpu.memory_space<vmem>> -> memref<125x128xf32, #tpu.memory_space<vmem>>
      %dma_start3A_231 = arith.constant 0 : i32
      %dma_start3A_232 = tpu.memref_slice %arg7[%dma_start3A_224, %dma_start3A_225, %dma_start3A_231] : memref<2x8x125xi32, #tpu.memory_space<vmem>> -> memref<1x1x125xi32, #tpu.memory_space<vmem>>
      %dma_start3A_233 = tpu.memref_squeeze %dma_start3A_232 : memref<1x1x125xi32, #tpu.memory_space<vmem>> -> memref<125xi32, #tpu.memory_space<vmem>>
      %dma_start3A_234 = arith.constant 0 : i32
      %dma_start3A_235 = arith.constant 0 : i32
      %dma_start3A_236 = tpu.memref_slice %arg2[%dma_start3A_234, %dma_start3A_235] : memref<10000x128xf32, #tpu.memory_space<hbm>> -> memref<10000x128xf32, #tpu.memory_space<hbm>>
      tpu.enqueue_indirect_dma source(%dma_start3A_236 : memref<10000x128xf32, #tpu.memory_space<hbm>>) target(%dma_start3A_230 : memref<125x128xf32, #tpu.memory_space<vmem>>) offsets(%dma_start3A_233 : memref<125xi32, #tpu.memory_space<vmem>>) semaphore(%arg11 : memref<!tpu.dma_semaphore, #tpu.memory_space<semaphore_mem>>)
      %dma_wait3A_237 = arith.constant 0 : i32
      %dma_wait3A_238 = arith.constant 3 : i32
      %dma_wait3A_239 = arith.constant 1 : i32
      %dma_wait3A_240 = arith.constant 0 : i32
      %dma_wait3A_241 = arith.constant 0 : i32
      %dma_wait3A_242 = tpu.memref_slice %arg9[%dma_wait3A_239, %dma_wait3A_240, %dma_wait3A_241] : memref<2x125x128xf32, #tpu.memory_space<vmem>> -> memref<1x125x128xf32, #tpu.memory_space<vmem>>
      %dma_wait3A_243 = tpu.memref_squeeze %dma_wait3A_242 : memref<1x125x128xf32, #tpu.memory_space<vmem>> -> memref<125x128xf32, #tpu.memory_space<vmem>>
      %dma_wait3A_244 = arith.constant 0 : i32
      %dma_wait3A_245 = tpu.memref_slice %arg7[%dma_wait3A_237, %dma_wait3A_238, %dma_wait3A_244] : memref<2x8x125xi32, #tpu.memory_space<vmem>> -> memref<1x1x125xi32, #tpu.memory_space<vmem>>
      %dma_wait3A_246 = tpu.memref_squeeze %dma_wait3A_245 : memref<1x1x125xi32, #tpu.memory_space<vmem>> -> memref<125xi32, #tpu.memory_space<vmem>>
      %dma_wait3A_247 = arith.constant 0 : i32
      %dma_wait3A_248 = arith.constant 0 : i32
      %dma_wait3A_249 = tpu.memref_slice %arg2[%dma_wait3A_247, %dma_wait3A_248] : memref<10000x128xf32, #tpu.memory_space<hbm>> -> memref<10000x128xf32, #tpu.memory_space<hbm>>
      tpu.wait_indirect_dma semaphore(%arg12 : memref<!tpu.dma_semaphore, #tpu.memory_space<semaphore_mem>>) src(%dma_wait3A_249 : memref<10000x128xf32, #tpu.memory_space<hbm>>) dst(%dma_wait3A_243 : memref<125x128xf32, #tpu.memory_space<vmem>>)
      %dma_start3A_250 = arith.constant 1 : i32
      %dma_start3A_251 = arith.constant 0 : i32
      %dma_start3A_252 = arith.constant 3 : i32
      %dma_start3A_253 = arith.constant 0 : i32
      %dma_start3A_254 = arith.constant 0 : i32
      %dma_start3A_255 = tpu.memref_slice %arg9[%dma_start3A_250, %dma_start3A_253, %dma_start3A_254] : memref<2x125x128xf32, #tpu.memory_space<vmem>> -> memref<1x125x128xf32, #tpu.memory_space<vmem>>
      %dma_start3A_256 = tpu.memref_squeeze %dma_start3A_255 : memref<1x125x128xf32, #tpu.memory_space<vmem>> -> memref<125x128xf32, #tpu.memory_space<vmem>>
      %dma_start3A_257 = arith.constant 0 : i32
      %dma_start3A_258 = tpu.memref_slice %arg8[%dma_start3A_251, %dma_start3A_252, %dma_start3A_257] : memref<2x8x125xi32, #tpu.memory_space<vmem>> -> memref<1x1x125xi32, #tpu.memory_space<vmem>>
      %dma_start3A_259 = tpu.memref_squeeze %dma_start3A_258 : memref<1x1x125xi32, #tpu.memory_space<vmem>> -> memref<125xi32, #tpu.memory_space<vmem>>
      %dma_start3A_260 = arith.constant 0 : i32
      %dma_start3A_261 = arith.constant 0 : i32
      %dma_start3A_262 = tpu.memref_slice %arg10[%dma_start3A_260, %dma_start3A_261] : memref<10112x128xf32, #tpu.memory_space<vmem_shared>> -> memref<10112x128xf32, #tpu.memory_space<vmem_shared>>
      tpu.enqueue_indirect_dma source(%dma_start3A_256 : memref<125x128xf32, #tpu.memory_space<vmem>>) target(%dma_start3A_262 : memref<10112x128xf32, #tpu.memory_space<vmem_shared>>) offsets(%dma_start3A_259 : memref<125xi32, #tpu.memory_space<vmem>>) semaphore(%arg14 : memref<!tpu.dma_semaphore, #tpu.memory_space<semaphore_mem>>) {add = true}
      %dma_wait3A_263 = arith.constant 1 : i32
      %dma_wait3A_264 = arith.constant 0 : i32
      %dma_wait3A_265 = arith.constant 3 : i32
      %dma_wait3A_266 = arith.constant 0 : i32
      %dma_wait3A_267 = arith.constant 0 : i32
      %dma_wait3A_268 = tpu.memref_slice %arg9[%dma_wait3A_263, %dma_wait3A_266, %dma_wait3A_267] : memref<2x125x128xf32, #tpu.memory_space<vmem>> -> memref<1x125x128xf32, #tpu.memory_space<vmem>>
      %dma_wait3A_269 = tpu.memref_squeeze %dma_wait3A_268 : memref<1x125x128xf32, #tpu.memory_space<vmem>> -> memref<125x128xf32, #tpu.memory_space<vmem>>
      %dma_wait3A_270 = arith.constant 0 : i32
      %dma_wait3A_271 = tpu.memref_slice %arg8[%dma_wait3A_264, %dma_wait3A_265, %dma_wait3A_270] : memref<2x8x125xi32, #tpu.memory_space<vmem>> -> memref<1x1x125xi32, #tpu.memory_space<vmem>>
      %dma_wait3A_272 = tpu.memref_squeeze %dma_wait3A_271 : memref<1x1x125xi32, #tpu.memory_space<vmem>> -> memref<125xi32, #tpu.memory_space<vmem>>
      %dma_wait3A_273 = arith.constant 0 : i32
      %dma_wait3A_274 = arith.constant 0 : i32
      %dma_wait3A_275 = tpu.memref_slice %arg10[%dma_wait3A_273, %dma_wait3A_274] : memref<10112x128xf32, #tpu.memory_space<vmem_shared>> -> memref<10112x128xf32, #tpu.memory_space<vmem_shared>>
      tpu.wait_indirect_dma semaphore(%arg14 : memref<!tpu.dma_semaphore, #tpu.memory_space<semaphore_mem>>) src(%dma_wait3A_269 : memref<125x128xf32, #tpu.memory_space<vmem>>) dst(%dma_wait3A_275 : memref<10112x128xf32, #tpu.memory_space<vmem_shared>>)
      %dma_start3A_276 = arith.constant 0 : i32
      %dma_start3A_277 = arith.constant 5 : i32
      %dma_start3A_278 = arith.constant 1 : i32
      %dma_start3A_279 = arith.constant 0 : i32
      %dma_start3A_280 = arith.constant 0 : i32
      %dma_start3A_281 = tpu.memref_slice %arg9[%dma_start3A_278, %dma_start3A_279, %dma_start3A_280] : memref<2x125x128xf32, #tpu.memory_space<vmem>> -> memref<1x125x128xf32, #tpu.memory_space<vmem>>
      %dma_start3A_282 = tpu.memref_squeeze %dma_start3A_281 : memref<1x125x128xf32, #tpu.memory_space<vmem>> -> memref<125x128xf32, #tpu.memory_space<vmem>>
      %dma_start3A_283 = arith.constant 0 : i32
      %dma_start3A_284 = tpu.memref_slice %arg7[%dma_start3A_276, %dma_start3A_277, %dma_start3A_283] : memref<2x8x125xi32, #tpu.memory_space<vmem>> -> memref<1x1x125xi32, #tpu.memory_space<vmem>>
      %dma_start3A_285 = tpu.memref_squeeze %dma_start3A_284 : memref<1x1x125xi32, #tpu.memory_space<vmem>> -> memref<125xi32, #tpu.memory_space<vmem>>
      %dma_start3A_286 = arith.constant 0 : i32
      %dma_start3A_287 = arith.constant 0 : i32
      %dma_start3A_288 = tpu.memref_slice %arg2[%dma_start3A_286, %dma_start3A_287] : memref<10000x128xf32, #tpu.memory_space<hbm>> -> memref<10000x128xf32, #tpu.memory_space<hbm>>
      tpu.enqueue_indirect_dma source(%dma_start3A_288 : memref<10000x128xf32, #tpu.memory_space<hbm>>) target(%dma_start3A_282 : memref<125x128xf32, #tpu.memory_space<vmem>>) offsets(%dma_start3A_285 : memref<125xi32, #tpu.memory_space<vmem>>) semaphore(%arg12 : memref<!tpu.dma_semaphore, #tpu.memory_space<semaphore_mem>>)
      %dma_wait3A_289 = arith.constant 0 : i32
      %dma_wait3A_290 = arith.constant 4 : i32
      %dma_wait3A_291 = arith.constant 0 : i32
      %dma_wait3A_292 = arith.constant 0 : i32
      %dma_wait3A_293 = arith.constant 0 : i32
      %dma_wait3A_294 = tpu.memref_slice %arg9[%dma_wait3A_291, %dma_wait3A_292, %dma_wait3A_293] : memref<2x125x128xf32, #tpu.memory_space<vmem>> -> memref<1x125x128xf32, #tpu.memory_space<vmem>>
      %dma_wait3A_295 = tpu.memref_squeeze %dma_wait3A_294 : memref<1x125x128xf32, #tpu.memory_space<vmem>> -> memref<125x128xf32, #tpu.memory_space<vmem>>
      %dma_wait3A_296 = arith.constant 0 : i32
      %dma_wait3A_297 = tpu.memref_slice %arg7[%dma_wait3A_289, %dma_wait3A_290, %dma_wait3A_296] : memref<2x8x125xi32, #tpu.memory_space<vmem>> -> memref<1x1x125xi32, #tpu.memory_space<vmem>>
      %dma_wait3A_298 = tpu.memref_squeeze %dma_wait3A_297 : memref<1x1x125xi32, #tpu.memory_space<vmem>> -> memref<125xi32, #tpu.memory_space<vmem>>
      %dma_wait3A_299 = arith.constant 0 : i32
      %dma_wait3A_300 = arith.constant 0 : i32
      %dma_wait3A_301 = tpu.memref_slice %arg2[%dma_wait3A_299, %dma_wait3A_300] : memref<10000x128xf32, #tpu.memory_space<hbm>> -> memref<10000x128xf32, #tpu.memory_space<hbm>>
      tpu.wait_indirect_dma semaphore(%arg11 : memref<!tpu.dma_semaphore, #tpu.memory_space<semaphore_mem>>) src(%dma_wait3A_301 : memref<10000x128xf32, #tpu.memory_space<hbm>>) dst(%dma_wait3A_295 : memref<125x128xf32, #tpu.memory_space<vmem>>)
      %dma_start3A_302 = arith.constant 0 : i32
      %dma_start3A_303 = arith.constant 0 : i32
      %dma_start3A_304 = arith.constant 4 : i32
      %dma_start3A_305 = arith.constant 0 : i32
      %dma_start3A_306 = arith.constant 0 : i32
      %dma_start3A_307 = tpu.memref_slice %arg9[%dma_start3A_302, %dma_start3A_305, %dma_start3A_306] : memref<2x125x128xf32, #tpu.memory_space<vmem>> -> memref<1x125x128xf32, #tpu.memory_space<vmem>>
      %dma_start3A_308 = tpu.memref_squeeze %dma_start3A_307 : memref<1x125x128xf32, #tpu.memory_space<vmem>> -> memref<125x128xf32, #tpu.memory_space<vmem>>
      %dma_start3A_309 = arith.constant 0 : i32
      %dma_start3A_310 = tpu.memref_slice %arg8[%dma_start3A_303, %dma_start3A_304, %dma_start3A_309] : memref<2x8x125xi32, #tpu.memory_space<vmem>> -> memref<1x1x125xi32, #tpu.memory_space<vmem>>
      %dma_start3A_311 = tpu.memref_squeeze %dma_start3A_310 : memref<1x1x125xi32, #tpu.memory_space<vmem>> -> memref<125xi32, #tpu.memory_space<vmem>>
      %dma_start3A_312 = arith.constant 0 : i32
      %dma_start3A_313 = arith.constant 0 : i32
      %dma_start3A_314 = tpu.memref_slice %arg10[%dma_start3A_312, %dma_start3A_313] : memref<10112x128xf32, #tpu.memory_space<vmem_shared>> -> memref<10112x128xf32, #tpu.memory_space<vmem_shared>>
      tpu.enqueue_indirect_dma source(%dma_start3A_308 : memref<125x128xf32, #tpu.memory_space<vmem>>) target(%dma_start3A_314 : memref<10112x128xf32, #tpu.memory_space<vmem_shared>>) offsets(%dma_start3A_311 : memref<125xi32, #tpu.memory_space<vmem>>) semaphore(%arg13 : memref<!tpu.dma_semaphore, #tpu.memory_space<semaphore_mem>>) {add = true}
      %dma_wait3A_315 = arith.constant 0 : i32
      %dma_wait3A_316 = arith.constant 0 : i32
      %dma_wait3A_317 = arith.constant 4 : i32
      %dma_wait3A_318 = arith.constant 0 : i32
      %dma_wait3A_319 = arith.constant 0 : i32
      %dma_wait3A_320 = tpu.memref_slice %arg9[%dma_wait3A_315, %dma_wait3A_318, %dma_wait3A_319] : memref<2x125x128xf32, #tpu.memory_space<vmem>> -> memref<1x125x128xf32, #tpu.memory_space<vmem>>
      %dma_wait3A_321 = tpu.memref_squeeze %dma_wait3A_320 : memref<1x125x128xf32, #tpu.memory_space<vmem>> -> memref<125x128xf32, #tpu.memory_space<vmem>>
      %dma_wait3A_322 = arith.constant 0 : i32
      %dma_wait3A_323 = tpu.memref_slice %arg8[%dma_wait3A_316, %dma_wait3A_317, %dma_wait3A_322] : memref<2x8x125xi32, #tpu.memory_space<vmem>> -> memref<1x1x125xi32, #tpu.memory_space<vmem>>
      %dma_wait3A_324 = tpu.memref_squeeze %dma_wait3A_323 : memref<1x1x125xi32, #tpu.memory_space<vmem>> -> memref<125xi32, #tpu.memory_space<vmem>>
      %dma_wait3A_325 = arith.constant 0 : i32
      %dma_wait3A_326 = arith.constant 0 : i32
      %dma_wait3A_327 = tpu.memref_slice %arg10[%dma_wait3A_325, %dma_wait3A_326] : memref<10112x128xf32, #tpu.memory_space<vmem_shared>> -> memref<10112x128xf32, #tpu.memory_space<vmem_shared>>
      tpu.wait_indirect_dma semaphore(%arg13 : memref<!tpu.dma_semaphore, #tpu.memory_space<semaphore_mem>>) src(%dma_wait3A_321 : memref<125x128xf32, #tpu.memory_space<vmem>>) dst(%dma_wait3A_327 : memref<10112x128xf32, #tpu.memory_space<vmem_shared>>)
      %dma_start3A_328 = arith.constant 0 : i32
      %dma_start3A_329 = arith.constant 6 : i32
      %dma_start3A_330 = arith.constant 0 : i32
      %dma_start3A_331 = arith.constant 0 : i32
      %dma_start3A_332 = arith.constant 0 : i32
      %dma_start3A_333 = tpu.memref_slice %arg9[%dma_start3A_330, %dma_start3A_331, %dma_start3A_332] : memref<2x125x128xf32, #tpu.memory_space<vmem>> -> memref<1x125x128xf32, #tpu.memory_space<vmem>>
      %dma_start3A_334 = tpu.memref_squeeze %dma_start3A_333 : memref<1x125x128xf32, #tpu.memory_space<vmem>> -> memref<125x128xf32, #tpu.memory_space<vmem>>
      %dma_start3A_335 = arith.constant 0 : i32
      %dma_start3A_336 = tpu.memref_slice %arg7[%dma_start3A_328, %dma_start3A_329, %dma_start3A_335] : memref<2x8x125xi32, #tpu.memory_space<vmem>> -> memref<1x1x125xi32, #tpu.memory_space<vmem>>
      %dma_start3A_337 = tpu.memref_squeeze %dma_start3A_336 : memref<1x1x125xi32, #tpu.memory_space<vmem>> -> memref<125xi32, #tpu.memory_space<vmem>>
      %dma_start3A_338 = arith.constant 0 : i32
      %dma_start3A_339 = arith.constant 0 : i32
      %dma_start3A_340 = tpu.memref_slice %arg2[%dma_start3A_338, %dma_start3A_339] : memref<10000x128xf32, #tpu.memory_space<hbm>> -> memref<10000x128xf32, #tpu.memory_space<hbm>>
      tpu.enqueue_indirect_dma source(%dma_start3A_340 : memref<10000x128xf32, #tpu.memory_space<hbm>>) target(%dma_start3A_334 : memref<125x128xf32, #tpu.memory_space<vmem>>) offsets(%dma_start3A_337 : memref<125xi32, #tpu.memory_space<vmem>>) semaphore(%arg11 : memref<!tpu.dma_semaphore, #tpu.memory_space<semaphore_mem>>)
      %dma_wait3A_341 = arith.constant 0 : i32
      %dma_wait3A_342 = arith.constant 5 : i32
      %dma_wait3A_343 = arith.constant 1 : i32
      %dma_wait3A_344 = arith.constant 0 : i32
      %dma_wait3A_345 = arith.constant 0 : i32
      %dma_wait3A_346 = tpu.memref_slice %arg9[%dma_wait3A_343, %dma_wait3A_344, %dma_wait3A_345] : memref<2x125x128xf32, #tpu.memory_space<vmem>> -> memref<1x125x128xf32, #tpu.memory_space<vmem>>
      %dma_wait3A_347 = tpu.memref_squeeze %dma_wait3A_346 : memref<1x125x128xf32, #tpu.memory_space<vmem>> -> memref<125x128xf32, #tpu.memory_space<vmem>>
      %dma_wait3A_348 = arith.constant 0 : i32
      %dma_wait3A_349 = tpu.memref_slice %arg7[%dma_wait3A_341, %dma_wait3A_342, %dma_wait3A_348] : memref<2x8x125xi32, #tpu.memory_space<vmem>> -> memref<1x1x125xi32, #tpu.memory_space<vmem>>
      %dma_wait3A_350 = tpu.memref_squeeze %dma_wait3A_349 : memref<1x1x125xi32, #tpu.memory_space<vmem>> -> memref<125xi32, #tpu.memory_space<vmem>>
      %dma_wait3A_351 = arith.constant 0 : i32
      %dma_wait3A_352 = arith.constant 0 : i32
      %dma_wait3A_353 = tpu.memref_slice %arg2[%dma_wait3A_351, %dma_wait3A_352] : memref<10000x128xf32, #tpu.memory_space<hbm>> -> memref<10000x128xf32, #tpu.memory_space<hbm>>
      tpu.wait_indirect_dma semaphore(%arg12 : memref<!tpu.dma_semaphore, #tpu.memory_space<semaphore_mem>>) src(%dma_wait3A_353 : memref<10000x128xf32, #tpu.memory_space<hbm>>) dst(%dma_wait3A_347 : memref<125x128xf32, #tpu.memory_space<vmem>>)
      %dma_start3A_354 = arith.constant 1 : i32
      %dma_start3A_355 = arith.constant 0 : i32
      %dma_start3A_356 = arith.constant 5 : i32
      %dma_start3A_357 = arith.constant 0 : i32
      %dma_start3A_358 = arith.constant 0 : i32
      %dma_start3A_359 = tpu.memref_slice %arg9[%dma_start3A_354, %dma_start3A_357, %dma_start3A_358] : memref<2x125x128xf32, #tpu.memory_space<vmem>> -> memref<1x125x128xf32, #tpu.memory_space<vmem>>
      %dma_start3A_360 = tpu.memref_squeeze %dma_start3A_359 : memref<1x125x128xf32, #tpu.memory_space<vmem>> -> memref<125x128xf32, #tpu.memory_space<vmem>>
      %dma_start3A_361 = arith.constant 0 : i32
      %dma_start3A_362 = tpu.memref_slice %arg8[%dma_start3A_355, %dma_start3A_356, %dma_start3A_361] : memref<2x8x125xi32, #tpu.memory_space<vmem>> -> memref<1x1x125xi32, #tpu.memory_space<vmem>>
      %dma_start3A_363 = tpu.memref_squeeze %dma_start3A_362 : memref<1x1x125xi32, #tpu.memory_space<vmem>> -> memref<125xi32, #tpu.memory_space<vmem>>
      %dma_start3A_364 = arith.constant 0 : i32
      %dma_start3A_365 = arith.constant 0 : i32
      %dma_start3A_366 = tpu.memref_slice %arg10[%dma_start3A_364, %dma_start3A_365] : memref<10112x128xf32, #tpu.memory_space<vmem_shared>> -> memref<10112x128xf32, #tpu.memory_space<vmem_shared>>
      tpu.enqueue_indirect_dma source(%dma_start3A_360 : memref<125x128xf32, #tpu.memory_space<vmem>>) target(%dma_start3A_366 : memref<10112x128xf32, #tpu.memory_space<vmem_shared>>) offsets(%dma_start3A_363 : memref<125xi32, #tpu.memory_space<vmem>>) semaphore(%arg14 : memref<!tpu.dma_semaphore, #tpu.memory_space<semaphore_mem>>) {add = true}
      %dma_wait3A_367 = arith.constant 1 : i32
      %dma_wait3A_368 = arith.constant 0 : i32
      %dma_wait3A_369 = arith.constant 5 : i32
      %dma_wait3A_370 = arith.constant 0 : i32
      %dma_wait3A_371 = arith.constant 0 : i32
      %dma_wait3A_372 = tpu.memref_slice %arg9[%dma_wait3A_367, %dma_wait3A_370, %dma_wait3A_371] : memref<2x125x128xf32, #tpu.memory_space<vmem>> -> memref<1x125x128xf32, #tpu.memory_space<vmem>>
      %dma_wait3A_373 = tpu.memref_squeeze %dma_wait3A_372 : memref<1x125x128xf32, #tpu.memory_space<vmem>> -> memref<125x128xf32, #tpu.memory_space<vmem>>
      %dma_wait3A_374 = arith.constant 0 : i32
      %dma_wait3A_375 = tpu.memref_slice %arg8[%dma_wait3A_368, %dma_wait3A_369, %dma_wait3A_374] : memref<2x8x125xi32, #tpu.memory_space<vmem>> -> memref<1x1x125xi32, #tpu.memory_space<vmem>>
      %dma_wait3A_376 = tpu.memref_squeeze %dma_wait3A_375 : memref<1x1x125xi32, #tpu.memory_space<vmem>> -> memref<125xi32, #tpu.memory_space<vmem>>
      %dma_wait3A_377 = arith.constant 0 : i32
      %dma_wait3A_378 = arith.constant 0 : i32
      %dma_wait3A_379 = tpu.memref_slice %arg10[%dma_wait3A_377, %dma_wait3A_378] : memref<10112x128xf32, #tpu.memory_space<vmem_shared>> -> memref<10112x128xf32, #tpu.memory_space<vmem_shared>>
      tpu.wait_indirect_dma semaphore(%arg14 : memref<!tpu.dma_semaphore, #tpu.memory_space<semaphore_mem>>) src(%dma_wait3A_373 : memref<125x128xf32, #tpu.memory_space<vmem>>) dst(%dma_wait3A_379 : memref<10112x128xf32, #tpu.memory_space<vmem_shared>>)
      %dma_start3A_380 = arith.constant 0 : i32
      %dma_start3A_381 = arith.constant 7 : i32
      %dma_start3A_382 = arith.constant 1 : i32
      %dma_start3A_383 = arith.constant 0 : i32
      %dma_start3A_384 = arith.constant 0 : i32
      %dma_start3A_385 = tpu.memref_slice %arg9[%dma_start3A_382, %dma_start3A_383, %dma_start3A_384] : memref<2x125x128xf32, #tpu.memory_space<vmem>> -> memref<1x125x128xf32, #tpu.memory_space<vmem>>
      %dma_start3A_386 = tpu.memref_squeeze %dma_start3A_385 : memref<1x125x128xf32, #tpu.memory_space<vmem>> -> memref<125x128xf32, #tpu.memory_space<vmem>>
      %dma_start3A_387 = arith.constant 0 : i32
      %dma_start3A_388 = tpu.memref_slice %arg7[%dma_start3A_380, %dma_start3A_381, %dma_start3A_387] : memref<2x8x125xi32, #tpu.memory_space<vmem>> -> memref<1x1x125xi32, #tpu.memory_space<vmem>>
      %dma_start3A_389 = tpu.memref_squeeze %dma_start3A_388 : memref<1x1x125xi32, #tpu.memory_space<vmem>> -> memref<125xi32, #tpu.memory_space<vmem>>
      %dma_start3A_390 = arith.constant 0 : i32
      %dma_start3A_391 = arith.constant 0 : i32
      %dma_start3A_392 = tpu.memref_slice %arg2[%dma_start3A_390, %dma_start3A_391] : memref<10000x128xf32, #tpu.memory_space<hbm>> -> memref<10000x128xf32, #tpu.memory_space<hbm>>
      tpu.enqueue_indirect_dma source(%dma_start3A_392 : memref<10000x128xf32, #tpu.memory_space<hbm>>) target(%dma_start3A_386 : memref<125x128xf32, #tpu.memory_space<vmem>>) offsets(%dma_start3A_389 : memref<125xi32, #tpu.memory_space<vmem>>) semaphore(%arg12 : memref<!tpu.dma_semaphore, #tpu.memory_space<semaphore_mem>>)
      %dma_wait3A_393 = arith.constant 0 : i32
      %dma_wait3A_394 = arith.constant 6 : i32
      %dma_wait3A_395 = arith.constant 0 : i32
      %dma_wait3A_396 = arith.constant 0 : i32
      %dma_wait3A_397 = arith.constant 0 : i32
      %dma_wait3A_398 = tpu.memref_slice %arg9[%dma_wait3A_395, %dma_wait3A_396, %dma_wait3A_397] : memref<2x125x128xf32, #tpu.memory_space<vmem>> -> memref<1x125x128xf32, #tpu.memory_space<vmem>>
      %dma_wait3A_399 = tpu.memref_squeeze %dma_wait3A_398 : memref<1x125x128xf32, #tpu.memory_space<vmem>> -> memref<125x128xf32, #tpu.memory_space<vmem>>
      %dma_wait3A_400 = arith.constant 0 : i32
      %dma_wait3A_401 = tpu.memref_slice %arg7[%dma_wait3A_393, %dma_wait3A_394, %dma_wait3A_400] : memref<2x8x125xi32, #tpu.memory_space<vmem>> -> memref<1x1x125xi32, #tpu.memory_space<vmem>>
      %dma_wait3A_402 = tpu.memref_squeeze %dma_wait3A_401 : memref<1x1x125xi32, #tpu.memory_space<vmem>> -> memref<125xi32, #tpu.memory_space<vmem>>
      %dma_wait3A_403 = arith.constant 0 : i32
      %dma_wait3A_404 = arith.constant 0 : i32
      %dma_wait3A_405 = tpu.memref_slice %arg2[%dma_wait3A_403, %dma_wait3A_404] : memref<10000x128xf32, #tpu.memory_space<hbm>> -> memref<10000x128xf32, #tpu.memory_space<hbm>>
      tpu.wait_indirect_dma semaphore(%arg11 : memref<!tpu.dma_semaphore, #tpu.memory_space<semaphore_mem>>) src(%dma_wait3A_405 : memref<10000x128xf32, #tpu.memory_space<hbm>>) dst(%dma_wait3A_399 : memref<125x128xf32, #tpu.memory_space<vmem>>)
      %dma_start3A_406 = arith.constant 0 : i32
      %dma_start3A_407 = arith.constant 0 : i32
      %dma_start3A_408 = arith.constant 6 : i32
      %dma_start3A_409 = arith.constant 0 : i32
      %dma_start3A_410 = arith.constant 0 : i32
      %dma_start3A_411 = tpu.memref_slice %arg9[%dma_start3A_406, %dma_start3A_409, %dma_start3A_410] : memref<2x125x128xf32, #tpu.memory_space<vmem>> -> memref<1x125x128xf32, #tpu.memory_space<vmem>>
      %dma_start3A_412 = tpu.memref_squeeze %dma_start3A_411 : memref<1x125x128xf32, #tpu.memory_space<vmem>> -> memref<125x128xf32, #tpu.memory_space<vmem>>
      %dma_start3A_413 = arith.constant 0 : i32
      %dma_start3A_414 = tpu.memref_slice %arg8[%dma_start3A_407, %dma_start3A_408, %dma_start3A_413] : memref<2x8x125xi32, #tpu.memory_space<vmem>> -> memref<1x1x125xi32, #tpu.memory_space<vmem>>
      %dma_start3A_415 = tpu.memref_squeeze %dma_start3A_414 : memref<1x1x125xi32, #tpu.memory_space<vmem>> -> memref<125xi32, #tpu.memory_space<vmem>>
      %dma_start3A_416 = arith.constant 0 : i32
      %dma_start3A_417 = arith.constant 0 : i32
      %dma_start3A_418 = tpu.memref_slice %arg10[%dma_start3A_416, %dma_start3A_417] : memref<10112x128xf32, #tpu.memory_space<vmem_shared>> -> memref<10112x128xf32, #tpu.memory_space<vmem_shared>>
      tpu.enqueue_indirect_dma source(%dma_start3A_412 : memref<125x128xf32, #tpu.memory_space<vmem>>) target(%dma_start3A_418 : memref<10112x128xf32, #tpu.memory_space<vmem_shared>>) offsets(%dma_start3A_415 : memref<125xi32, #tpu.memory_space<vmem>>) semaphore(%arg13 : memref<!tpu.dma_semaphore, #tpu.memory_space<semaphore_mem>>) {add = true}
      %dma_wait3A_419 = arith.constant 0 : i32
      %dma_wait3A_420 = arith.constant 7 : i32
      %dma_wait3A_421 = arith.constant 1 : i32
      %dma_wait3A_422 = arith.constant 0 : i32
      %dma_wait3A_423 = arith.constant 0 : i32
      %dma_wait3A_424 = tpu.memref_slice %arg9[%dma_wait3A_421, %dma_wait3A_422, %dma_wait3A_423] : memref<2x125x128xf32, #tpu.memory_space<vmem>> -> memref<1x125x128xf32, #tpu.memory_space<vmem>>
      %dma_wait3A_425 = tpu.memref_squeeze %dma_wait3A_424 : memref<1x125x128xf32, #tpu.memory_space<vmem>> -> memref<125x128xf32, #tpu.memory_space<vmem>>
      %dma_wait3A_426 = arith.constant 0 : i32
      %dma_wait3A_427 = tpu.memref_slice %arg7[%dma_wait3A_419, %dma_wait3A_420, %dma_wait3A_426] : memref<2x8x125xi32, #tpu.memory_space<vmem>> -> memref<1x1x125xi32, #tpu.memory_space<vmem>>
      %dma_wait3A_428 = tpu.memref_squeeze %dma_wait3A_427 : memref<1x1x125xi32, #tpu.memory_space<vmem>> -> memref<125xi32, #tpu.memory_space<vmem>>
      %dma_wait3A_429 = arith.constant 0 : i32
      %dma_wait3A_430 = arith.constant 0 : i32
      %dma_wait3A_431 = tpu.memref_slice %arg2[%dma_wait3A_429, %dma_wait3A_430] : memref<10000x128xf32, #tpu.memory_space<hbm>> -> memref<10000x128xf32, #tpu.memory_space<hbm>>
      tpu.wait_indirect_dma semaphore(%arg12 : memref<!tpu.dma_semaphore, #tpu.memory_space<semaphore_mem>>) src(%dma_wait3A_431 : memref<10000x128xf32, #tpu.memory_space<hbm>>) dst(%dma_wait3A_425 : memref<125x128xf32, #tpu.memory_space<vmem>>)
      %dma_start3A_432 = arith.constant 1 : i32
      %dma_start3A_433 = arith.constant 0 : i32
      %dma_start3A_434 = arith.constant 7 : i32
      %dma_start3A_435 = arith.constant 0 : i32
      %dma_start3A_436 = arith.constant 0 : i32
      %dma_start3A_437 = tpu.memref_slice %arg9[%dma_start3A_432, %dma_start3A_435, %dma_start3A_436] : memref<2x125x128xf32, #tpu.memory_space<vmem>> -> memref<1x125x128xf32, #tpu.memory_space<vmem>>
      %dma_start3A_438 = tpu.memref_squeeze %dma_start3A_437 : memref<1x125x128xf32, #tpu.memory_space<vmem>> -> memref<125x128xf32, #tpu.memory_space<vmem>>
      %dma_start3A_439 = arith.constant 0 : i32
      %dma_start3A_440 = tpu.memref_slice %arg8[%dma_start3A_433, %dma_start3A_434, %dma_start3A_439] : memref<2x8x125xi32, #tpu.memory_space<vmem>> -> memref<1x1x125xi32, #tpu.memory_space<vmem>>
      %dma_start3A_441 = tpu.memref_squeeze %dma_start3A_440 : memref<1x1x125xi32, #tpu.memory_space<vmem>> -> memref<125xi32, #tpu.memory_space<vmem>>
      %dma_start3A_442 = arith.constant 0 : i32
      %dma_start3A_443 = arith.constant 0 : i32
      %dma_start3A_444 = tpu.memref_slice %arg10[%dma_start3A_442, %dma_start3A_443] : memref<10112x128xf32, #tpu.memory_space<vmem_shared>> -> memref<10112x128xf32, #tpu.memory_space<vmem_shared>>
      tpu.enqueue_indirect_dma source(%dma_start3A_438 : memref<125x128xf32, #tpu.memory_space<vmem>>) target(%dma_start3A_444 : memref<10112x128xf32, #tpu.memory_space<vmem_shared>>) offsets(%dma_start3A_441 : memref<125xi32, #tpu.memory_space<vmem>>) semaphore(%arg14 : memref<!tpu.dma_semaphore, #tpu.memory_space<semaphore_mem>>) {add = true}
      %mul3A_445 = arith.constant 2 : i32
      %mul3A_446 = arith.muli %scan3A_35, %mul3A_445 : i32
      %add3A_447 = arith.constant 1 : i32
      %add3A_448 = arith.addi %mul3A_446, %add3A_447 : i32
      %mul3A_449 = arith.constant 32 : i32
      %mul3A_450 = arith.muli %mul3A_449, %add3A_448 : i32
      %add3A_451 = arith.addi %add3A, %mul3A_450 : i32
      %mul3A_452 = arith.constant 8 : i32
      %mul3A_453 = arith.muli %add3A_451, %mul3A_452 : i32
      %run_scoped3A_454 = arith.constant 1 : i32
      "tpu.region"() ({
        %run_scoped3A_875 = tpu.sem_alloc : memref<!tpu.dma_semaphore, #tpu.memory_space<semaphore_mem>>
        %dma_start3A_876 = arith.constant 0 : i32
        %dma_start3A_877 = arith.constant 0 : i32
        %dma_start3A_878 = tpu.memref_slice %arg7[%run_scoped3A_454, %dma_start3A_876, %dma_start3A_877] : memref<2x8x125xi32, #tpu.memory_space<vmem>> -> memref<1x8x125xi32, #tpu.memory_space<vmem>>
        %dma_start3A_879 = tpu.memref_squeeze %dma_start3A_878 : memref<1x8x125xi32, #tpu.memory_space<vmem>> -> memref<8x125xi32, #tpu.memory_space<vmem>>
        %dma_start3A_880 = arith.constant 0 : i32
        %dma_start3A_881 = tpu.memref_slice %arg3[%mul3A_453, %dma_start3A_880] : memref<2560x125xi32, #tpu.memory_space<hbm>> -> memref<8x125xi32, #tpu.memory_space<hbm>>
        %dma_start3A_882 = arith.constant 0 : i32
        %dma_start3A_883 = arith.constant 0 : i32
        %dma_start3A_884 = tpu.memref_slice %arg7[%run_scoped3A_454, %dma_start3A_882, %dma_start3A_883] : memref<2x8x125xi32, #tpu.memory_space<vmem>> -> memref<1x8x125xi32, #tpu.memory_space<vmem>>
        %dma_start3A_885 = tpu.memref_squeeze %dma_start3A_884 : memref<1x8x125xi32, #tpu.memory_space<vmem>> -> memref<8x125xi32, #tpu.memory_space<vmem>>
        %dma_start3A_886 = arith.constant 0 : i32
        %dma_start3A_887 = tpu.memref_slice %arg3[%mul3A_453, %dma_start3A_886] : memref<2560x125xi32, #tpu.memory_space<hbm>> -> memref<8x125xi32, #tpu.memory_space<hbm>>
        tpu.enqueue_dma source(%dma_start3A_887 : memref<8x125xi32, #tpu.memory_space<hbm>>) target(%dma_start3A_885 : memref<8x125xi32, #tpu.memory_space<vmem>>) target_semaphore(%run_scoped3A_875 : memref<!tpu.dma_semaphore, #tpu.memory_space<semaphore_mem>>)
        %dma_wait3A_888 = arith.constant 0 : i32
        %dma_wait3A_889 = arith.constant 0 : i32
        %dma_wait3A_890 = tpu.memref_slice %arg7[%run_scoped3A_454, %dma_wait3A_888, %dma_wait3A_889] : memref<2x8x125xi32, #tpu.memory_space<vmem>> -> memref<1x8x125xi32, #tpu.memory_space<vmem>>
        %dma_wait3A_891 = tpu.memref_squeeze %dma_wait3A_890 : memref<1x8x125xi32, #tpu.memory_space<vmem>> -> memref<8x125xi32, #tpu.memory_space<vmem>>
        %dma_wait3A_892 = arith.constant 0 : i32
        %dma_wait3A_893 = tpu.memref_slice %arg3[%mul3A_453, %dma_wait3A_892] : memref<2560x125xi32, #tpu.memory_space<hbm>> -> memref<8x125xi32, #tpu.memory_space<hbm>>
        %dma_wait3A_894 = arith.constant 0 : i32
        %dma_wait3A_895 = arith.constant 0 : i32
        %dma_wait3A_896 = tpu.memref_slice %arg7[%run_scoped3A_454, %dma_wait3A_894, %dma_wait3A_895] : memref<2x8x125xi32, #tpu.memory_space<vmem>> -> memref<1x8x125xi32, #tpu.memory_space<vmem>>
        %dma_wait3A_897 = tpu.memref_squeeze %dma_wait3A_896 : memref<1x8x125xi32, #tpu.memory_space<vmem>> -> memref<8x125xi32, #tpu.memory_space<vmem>>
        %dma_wait3A_898 = arith.constant 0 : i32
        %dma_wait3A_899 = tpu.memref_slice %arg3[%mul3A_453, %dma_wait3A_898] : memref<2560x125xi32, #tpu.memory_space<hbm>> -> memref<8x125xi32, #tpu.memory_space<hbm>>
        tpu.wait_dma2 semaphore(%run_scoped3A_875 : memref<!tpu.dma_semaphore, #tpu.memory_space<semaphore_mem>>) src(%dma_wait3A_899 : memref<8x125xi32, #tpu.memory_space<hbm>>) dst(%dma_wait3A_897 : memref<8x125xi32, #tpu.memory_space<vmem>>)
        tpu.yield
      }) : () -> ()
      %mul3A_455 = arith.constant 8 : i32
      %mul3A_456 = arith.muli %add3A_451, %mul3A_455 : i32
      %run_scoped3A_457 = arith.constant 1 : i32
      "tpu.region"() ({
        %run_scoped3A_875 = tpu.sem_alloc : memref<!tpu.dma_semaphore, #tpu.memory_space<semaphore_mem>>
        %dma_start3A_876 = arith.constant 0 : i32
        %dma_start3A_877 = arith.constant 0 : i32
        %dma_start3A_878 = tpu.memref_slice %arg8[%run_scoped3A_457, %dma_start3A_876, %dma_start3A_877] : memref<2x8x125xi32, #tpu.memory_space<vmem>> -> memref<1x8x125xi32, #tpu.memory_space<vmem>>
        %dma_start3A_879 = tpu.memref_squeeze %dma_start3A_878 : memref<1x8x125xi32, #tpu.memory_space<vmem>> -> memref<8x125xi32, #tpu.memory_space<vmem>>
        %dma_start3A_880 = arith.constant 0 : i32
        %dma_start3A_881 = tpu.memref_slice %arg4[%mul3A_456, %dma_start3A_880] : memref<2560x125xi32, #tpu.memory_space<hbm>> -> memref<8x125xi32, #tpu.memory_space<hbm>>
        %dma_start3A_882 = arith.constant 0 : i32
        %dma_start3A_883 = arith.constant 0 : i32
        %dma_start3A_884 = tpu.memref_slice %arg8[%run_scoped3A_457, %dma_start3A_882, %dma_start3A_883] : memref<2x8x125xi32, #tpu.memory_space<vmem>> -> memref<1x8x125xi32, #tpu.memory_space<vmem>>
        %dma_start3A_885 = tpu.memref_squeeze %dma_start3A_884 : memref<1x8x125xi32, #tpu.memory_space<vmem>> -> memref<8x125xi32, #tpu.memory_space<vmem>>
        %dma_start3A_886 = arith.constant 0 : i32
        %dma_start3A_887 = tpu.memref_slice %arg4[%mul3A_456, %dma_start3A_886] : memref<2560x125xi32, #tpu.memory_space<hbm>> -> memref<8x125xi32, #tpu.memory_space<hbm>>
        tpu.enqueue_dma source(%dma_start3A_887 : memref<8x125xi32, #tpu.memory_space<hbm>>) target(%dma_start3A_885 : memref<8x125xi32, #tpu.memory_space<vmem>>) target_semaphore(%run_scoped3A_875 : memref<!tpu.dma_semaphore, #tpu.memory_space<semaphore_mem>>)
        %dma_wait3A_888 = arith.constant 0 : i32
        %dma_wait3A_889 = arith.constant 0 : i32
        %dma_wait3A_890 = tpu.memref_slice %arg8[%run_scoped3A_457, %dma_wait3A_888, %dma_wait3A_889] : memref<2x8x125xi32, #tpu.memory_space<vmem>> -> memref<1x8x125xi32, #tpu.memory_space<vmem>>
        %dma_wait3A_891 = tpu.memref_squeeze %dma_wait3A_890 : memref<1x8x125xi32, #tpu.memory_space<vmem>> -> memref<8x125xi32, #tpu.memory_space<vmem>>
        %dma_wait3A_892 = arith.constant 0 : i32
        %dma_wait3A_893 = tpu.memref_slice %arg4[%mul3A_456, %dma_wait3A_892] : memref<2560x125xi32, #tpu.memory_space<hbm>> -> memref<8x125xi32, #tpu.memory_space<hbm>>
        %dma_wait3A_894 = arith.constant 0 : i32
        %dma_wait3A_895 = arith.constant 0 : i32
        %dma_wait3A_896 = tpu.memref_slice %arg8[%run_scoped3A_457, %dma_wait3A_894, %dma_wait3A_895] : memref<2x8x125xi32, #tpu.memory_space<vmem>> -> memref<1x8x125xi32, #tpu.memory_space<vmem>>
        %dma_wait3A_897 = tpu.memref_squeeze %dma_wait3A_896 : memref<1x8x125xi32, #tpu.memory_space<vmem>> -> memref<8x125xi32, #tpu.memory_space<vmem>>
        %dma_wait3A_898 = arith.constant 0 : i32
        %dma_wait3A_899 = tpu.memref_slice %arg4[%mul3A_456, %dma_wait3A_898] : memref<2560x125xi32, #tpu.memory_space<hbm>> -> memref<8x125xi32, #tpu.memory_space<hbm>>
        tpu.wait_dma2 semaphore(%run_scoped3A_875 : memref<!tpu.dma_semaphore, #tpu.memory_space<semaphore_mem>>) src(%dma_wait3A_899 : memref<8x125xi32, #tpu.memory_space<hbm>>) dst(%dma_wait3A_897 : memref<8x125xi32, #tpu.memory_space<vmem>>)
        tpu.yield
      }) : () -> ()
      %dma_wait3A_458 = arith.constant 0 : i32
      %dma_wait3A_459 = arith.constant 0 : i32
      %dma_wait3A_460 = arith.constant 0 : i32
      %dma_wait3A_461 = arith.constant 0 : i32
      %dma_wait3A_462 = arith.constant 0 : i32
      %dma_wait3A_463 = tpu.memref_slice %arg9[%dma_wait3A_458, %dma_wait3A_461, %dma_wait3A_462] : memref<2x125x128xf32, #tpu.memory_space<vmem>> -> memref<1x125x128xf32, #tpu.memory_space<vmem>>
      %dma_wait3A_464 = tpu.memref_squeeze %dma_wait3A_463 : memref<1x125x128xf32, #tpu.memory_space<vmem>> -> memref<125x128xf32, #tpu.memory_space<vmem>>
      %dma_wait3A_465 = arith.constant 0 : i32
      %dma_wait3A_466 = tpu.memref_slice %arg8[%dma_wait3A_459, %dma_wait3A_460, %dma_wait3A_465] : memref<2x8x125xi32, #tpu.memory_space<vmem>> -> memref<1x1x125xi32, #tpu.memory_space<vmem>>
      %dma_wait3A_467 = tpu.memref_squeeze %dma_wait3A_466 : memref<1x1x125xi32, #tpu.memory_space<vmem>> -> memref<125xi32, #tpu.memory_space<vmem>>
      %dma_wait3A_468 = arith.constant 0 : i32
      %dma_wait3A_469 = arith.constant 0 : i32
      %dma_wait3A_470 = tpu.memref_slice %arg10[%dma_wait3A_468, %dma_wait3A_469] : memref<10112x128xf32, #tpu.memory_space<vmem_shared>> -> memref<10112x128xf32, #tpu.memory_space<vmem_shared>>
      tpu.wait_indirect_dma semaphore(%arg13 : memref<!tpu.dma_semaphore, #tpu.memory_space<semaphore_mem>>) src(%dma_wait3A_464 : memref<125x128xf32, #tpu.memory_space<vmem>>) dst(%dma_wait3A_470 : memref<10112x128xf32, #tpu.memory_space<vmem_shared>>)
      %dma_start3A_471 = arith.constant 1 : i32
      %dma_start3A_472 = arith.constant 0 : i32
      %dma_start3A_473 = arith.constant 0 : i32
      %dma_start3A_474 = arith.constant 0 : i32
      %dma_start3A_475 = arith.constant 0 : i32
      %dma_start3A_476 = tpu.memref_slice %arg9[%dma_start3A_473, %dma_start3A_474, %dma_start3A_475] : memref<2x125x128xf32, #tpu.memory_space<vmem>> -> memref<1x125x128xf32, #tpu.memory_space<vmem>>
      %dma_start3A_477 = tpu.memref_squeeze %dma_start3A_476 : memref<1x125x128xf32, #tpu.memory_space<vmem>> -> memref<125x128xf32, #tpu.memory_space<vmem>>
      %dma_start3A_478 = arith.constant 0 : i32
      %dma_start3A_479 = tpu.memref_slice %arg7[%dma_start3A_471, %dma_start3A_472, %dma_start3A_478] : memref<2x8x125xi32, #tpu.memory_space<vmem>> -> memref<1x1x125xi32, #tpu.memory_space<vmem>>
      %dma_start3A_480 = tpu.memref_squeeze %dma_start3A_479 : memref<1x1x125xi32, #tpu.memory_space<vmem>> -> memref<125xi32, #tpu.memory_space<vmem>>
      %dma_start3A_481 = arith.constant 0 : i32
      %dma_start3A_482 = arith.constant 0 : i32
      %dma_start3A_483 = tpu.memref_slice %arg2[%dma_start3A_481, %dma_start3A_482] : memref<10000x128xf32, #tpu.memory_space<hbm>> -> memref<10000x128xf32, #tpu.memory_space<hbm>>
      tpu.enqueue_indirect_dma source(%dma_start3A_483 : memref<10000x128xf32, #tpu.memory_space<hbm>>) target(%dma_start3A_477 : memref<125x128xf32, #tpu.memory_space<vmem>>) offsets(%dma_start3A_480 : memref<125xi32, #tpu.memory_space<vmem>>) semaphore(%arg11 : memref<!tpu.dma_semaphore, #tpu.memory_space<semaphore_mem>>)
      %dma_wait3A_484 = arith.constant 1 : i32
      %dma_wait3A_485 = arith.constant 0 : i32
      %dma_wait3A_486 = arith.constant 0 : i32
      %dma_wait3A_487 = arith.constant 0 : i32
      %dma_wait3A_488 = arith.constant 0 : i32
      %dma_wait3A_489 = tpu.memref_slice %arg9[%dma_wait3A_484, %dma_wait3A_487, %dma_wait3A_488] : memref<2x125x128xf32, #tpu.memory_space<vmem>> -> memref<1x125x128xf32, #tpu.memory_space<vmem>>
      %dma_wait3A_490 = tpu.memref_squeeze %dma_wait3A_489 : memref<1x125x128xf32, #tpu.memory_space<vmem>> -> memref<125x128xf32, #tpu.memory_space<vmem>>
      %dma_wait3A_491 = arith.constant 0 : i32
      %dma_wait3A_492 = tpu.memref_slice %arg8[%dma_wait3A_485, %dma_wait3A_486, %dma_wait3A_491] : memref<2x8x125xi32, #tpu.memory_space<vmem>> -> memref<1x1x125xi32, #tpu.memory_space<vmem>>
      %dma_wait3A_493 = tpu.memref_squeeze %dma_wait3A_492 : memref<1x1x125xi32, #tpu.memory_space<vmem>> -> memref<125xi32, #tpu.memory_space<vmem>>
      %dma_wait3A_494 = arith.constant 0 : i32
      %dma_wait3A_495 = arith.constant 0 : i32
      %dma_wait3A_496 = tpu.memref_slice %arg10[%dma_wait3A_494, %dma_wait3A_495] : memref<10112x128xf32, #tpu.memory_space<vmem_shared>> -> memref<10112x128xf32, #tpu.memory_space<vmem_shared>>
      tpu.wait_indirect_dma semaphore(%arg14 : memref<!tpu.dma_semaphore, #tpu.memory_space<semaphore_mem>>) src(%dma_wait3A_490 : memref<125x128xf32, #tpu.memory_space<vmem>>) dst(%dma_wait3A_496 : memref<10112x128xf32, #tpu.memory_space<vmem_shared>>)
      %dma_start3A_497 = arith.constant 1 : i32
      %dma_start3A_498 = arith.constant 1 : i32
      %dma_start3A_499 = arith.constant 1 : i32
      %dma_start3A_500 = arith.constant 0 : i32
      %dma_start3A_501 = arith.constant 0 : i32
      %dma_start3A_502 = tpu.memref_slice %arg9[%dma_start3A_499, %dma_start3A_500, %dma_start3A_501] : memref<2x125x128xf32, #tpu.memory_space<vmem>> -> memref<1x125x128xf32, #tpu.memory_space<vmem>>
      %dma_start3A_503 = tpu.memref_squeeze %dma_start3A_502 : memref<1x125x128xf32, #tpu.memory_space<vmem>> -> memref<125x128xf32, #tpu.memory_space<vmem>>
      %dma_start3A_504 = arith.constant 0 : i32
      %dma_start3A_505 = tpu.memref_slice %arg7[%dma_start3A_497, %dma_start3A_498, %dma_start3A_504] : memref<2x8x125xi32, #tpu.memory_space<vmem>> -> memref<1x1x125xi32, #tpu.memory_space<vmem>>
      %dma_start3A_506 = tpu.memref_squeeze %dma_start3A_505 : memref<1x1x125xi32, #tpu.memory_space<vmem>> -> memref<125xi32, #tpu.memory_space<vmem>>
      %dma_start3A_507 = arith.constant 0 : i32
      %dma_start3A_508 = arith.constant 0 : i32
      %dma_start3A_509 = tpu.memref_slice %arg2[%dma_start3A_507, %dma_start3A_508] : memref<10000x128xf32, #tpu.memory_space<hbm>> -> memref<10000x128xf32, #tpu.memory_space<hbm>>
      tpu.enqueue_indirect_dma source(%dma_start3A_509 : memref<10000x128xf32, #tpu.memory_space<hbm>>) target(%dma_start3A_503 : memref<125x128xf32, #tpu.memory_space<vmem>>) offsets(%dma_start3A_506 : memref<125xi32, #tpu.memory_space<vmem>>) semaphore(%arg12 : memref<!tpu.dma_semaphore, #tpu.memory_space<semaphore_mem>>)
      %dma_wait3A_510 = arith.constant 1 : i32
      %dma_wait3A_511 = arith.constant 0 : i32
      %dma_wait3A_512 = arith.constant 0 : i32
      %dma_wait3A_513 = arith.constant 0 : i32
      %dma_wait3A_514 = arith.constant 0 : i32
      %dma_wait3A_515 = tpu.memref_slice %arg9[%dma_wait3A_512, %dma_wait3A_513, %dma_wait3A_514] : memref<2x125x128xf32, #tpu.memory_space<vmem>> -> memref<1x125x128xf32, #tpu.memory_space<vmem>>
      %dma_wait3A_516 = tpu.memref_squeeze %dma_wait3A_515 : memref<1x125x128xf32, #tpu.memory_space<vmem>> -> memref<125x128xf32, #tpu.memory_space<vmem>>
      %dma_wait3A_517 = arith.constant 0 : i32
      %dma_wait3A_518 = tpu.memref_slice %arg7[%dma_wait3A_510, %dma_wait3A_511, %dma_wait3A_517] : memref<2x8x125xi32, #tpu.memory_space<vmem>> -> memref<1x1x125xi32, #tpu.memory_space<vmem>>
      %dma_wait3A_519 = tpu.memref_squeeze %dma_wait3A_518 : memref<1x1x125xi32, #tpu.memory_space<vmem>> -> memref<125xi32, #tpu.memory_space<vmem>>
      %dma_wait3A_520 = arith.constant 0 : i32
      %dma_wait3A_521 = arith.constant 0 : i32
      %dma_wait3A_522 = tpu.memref_slice %arg2[%dma_wait3A_520, %dma_wait3A_521] : memref<10000x128xf32, #tpu.memory_space<hbm>> -> memref<10000x128xf32, #tpu.memory_space<hbm>>
      tpu.wait_indirect_dma semaphore(%arg11 : memref<!tpu.dma_semaphore, #tpu.memory_space<semaphore_mem>>) src(%dma_wait3A_522 : memref<10000x128xf32, #tpu.memory_space<hbm>>) dst(%dma_wait3A_516 : memref<125x128xf32, #tpu.memory_space<vmem>>)
      %dma_start3A_523 = arith.constant 0 : i32
      %dma_start3A_524 = arith.constant 1 : i32
      %dma_start3A_525 = arith.constant 0 : i32
      %dma_start3A_526 = arith.constant 0 : i32
      %dma_start3A_527 = arith.constant 0 : i32
      %dma_start3A_528 = tpu.memref_slice %arg9[%dma_start3A_523, %dma_start3A_526, %dma_start3A_527] : memref<2x125x128xf32, #tpu.memory_space<vmem>> -> memref<1x125x128xf32, #tpu.memory_space<vmem>>
      %dma_start3A_529 = tpu.memref_squeeze %dma_start3A_528 : memref<1x125x128xf32, #tpu.memory_space<vmem>> -> memref<125x128xf32, #tpu.memory_space<vmem>>
      %dma_start3A_530 = arith.constant 0 : i32
      %dma_start3A_531 = tpu.memref_slice %arg8[%dma_start3A_524, %dma_start3A_525, %dma_start3A_530] : memref<2x8x125xi32, #tpu.memory_space<vmem>> -> memref<1x1x125xi32, #tpu.memory_space<vmem>>
      %dma_start3A_532 = tpu.memref_squeeze %dma_start3A_531 : memref<1x1x125xi32, #tpu.memory_space<vmem>> -> memref<125xi32, #tpu.memory_space<vmem>>
      %dma_start3A_533 = arith.constant 0 : i32
      %dma_start3A_534 = arith.constant 0 : i32
      %dma_start3A_535 = tpu.memref_slice %arg10[%dma_start3A_533, %dma_start3A_534] : memref<10112x128xf32, #tpu.memory_space<vmem_shared>> -> memref<10112x128xf32, #tpu.memory_space<vmem_shared>>
      tpu.enqueue_indirect_dma source(%dma_start3A_529 : memref<125x128xf32, #tpu.memory_space<vmem>>) target(%dma_start3A_535 : memref<10112x128xf32, #tpu.memory_space<vmem_shared>>) offsets(%dma_start3A_532 : memref<125xi32, #tpu.memory_space<vmem>>) semaphore(%arg13 : memref<!tpu.dma_semaphore, #tpu.memory_space<semaphore_mem>>) {add = true}
      %dma_wait3A_536 = arith.constant 0 : i32
      %dma_wait3A_537 = arith.constant 1 : i32
      %dma_wait3A_538 = arith.constant 0 : i32
      %dma_wait3A_539 = arith.constant 0 : i32
      %dma_wait3A_540 = arith.constant 0 : i32
      %dma_wait3A_541 = tpu.memref_slice %arg9[%dma_wait3A_536, %dma_wait3A_539, %dma_wait3A_540] : memref<2x125x128xf32, #tpu.memory_space<vmem>> -> memref<1x125x128xf32, #tpu.memory_space<vmem>>
      %dma_wait3A_542 = tpu.memref_squeeze %dma_wait3A_541 : memref<1x125x128xf32, #tpu.memory_space<vmem>> -> memref<125x128xf32, #tpu.memory_space<vmem>>
      %dma_wait3A_543 = arith.constant 0 : i32
      %dma_wait3A_544 = tpu.memref_slice %arg8[%dma_wait3A_537, %dma_wait3A_538, %dma_wait3A_543] : memref<2x8x125xi32, #tpu.memory_space<vmem>> -> memref<1x1x125xi32, #tpu.memory_space<vmem>>
      %dma_wait3A_545 = tpu.memref_squeeze %dma_wait3A_544 : memref<1x1x125xi32, #tpu.memory_space<vmem>> -> memref<125xi32, #tpu.memory_space<vmem>>
      %dma_wait3A_546 = arith.constant 0 : i32
      %dma_wait3A_547 = arith.constant 0 : i32
      %dma_wait3A_548 = tpu.memref_slice %arg10[%dma_wait3A_546, %dma_wait3A_547] : memref<10112x128xf32, #tpu.memory_space<vmem_shared>> -> memref<10112x128xf32, #tpu.memory_space<vmem_shared>>
      tpu.wait_indirect_dma semaphore(%arg13 : memref<!tpu.dma_semaphore, #tpu.memory_space<semaphore_mem>>) src(%dma_wait3A_542 : memref<125x128xf32, #tpu.memory_space<vmem>>) dst(%dma_wait3A_548 : memref<10112x128xf32, #tpu.memory_space<vmem_shared>>)
      %dma_start3A_549 = arith.constant 1 : i32
      %dma_start3A_550 = arith.constant 2 : i32
      %dma_start3A_551 = arith.constant 0 : i32
      %dma_start3A_552 = arith.constant 0 : i32
      %dma_start3A_553 = arith.constant 0 : i32
      %dma_start3A_554 = tpu.memref_slice %arg9[%dma_start3A_551, %dma_start3A_552, %dma_start3A_553] : memref<2x125x128xf32, #tpu.memory_space<vmem>> -> memref<1x125x128xf32, #tpu.memory_space<vmem>>
      %dma_start3A_555 = tpu.memref_squeeze %dma_start3A_554 : memref<1x125x128xf32, #tpu.memory_space<vmem>> -> memref<125x128xf32, #tpu.memory_space<vmem>>
      %dma_start3A_556 = arith.constant 0 : i32
      %dma_start3A_557 = tpu.memref_slice %arg7[%dma_start3A_549, %dma_start3A_550, %dma_start3A_556] : memref<2x8x125xi32, #tpu.memory_space<vmem>> -> memref<1x1x125xi32, #tpu.memory_space<vmem>>
      %dma_start3A_558 = tpu.memref_squeeze %dma_start3A_557 : memref<1x1x125xi32, #tpu.memory_space<vmem>> -> memref<125xi32, #tpu.memory_space<vmem>>
      %dma_start3A_559 = arith.constant 0 : i32
      %dma_start3A_560 = arith.constant 0 : i32
      %dma_start3A_561 = tpu.memref_slice %arg2[%dma_start3A_559, %dma_start3A_560] : memref<10000x128xf32, #tpu.memory_space<hbm>> -> memref<10000x128xf32, #tpu.memory_space<hbm>>
      tpu.enqueue_indirect_dma source(%dma_start3A_561 : memref<10000x128xf32, #tpu.memory_space<hbm>>) target(%dma_start3A_555 : memref<125x128xf32, #tpu.memory_space<vmem>>) offsets(%dma_start3A_558 : memref<125xi32, #tpu.memory_space<vmem>>) semaphore(%arg11 : memref<!tpu.dma_semaphore, #tpu.memory_space<semaphore_mem>>)
      %dma_wait3A_562 = arith.constant 1 : i32
      %dma_wait3A_563 = arith.constant 1 : i32
      %dma_wait3A_564 = arith.constant 1 : i32
      %dma_wait3A_565 = arith.constant 0 : i32
      %dma_wait3A_566 = arith.constant 0 : i32
      %dma_wait3A_567 = tpu.memref_slice %arg9[%dma_wait3A_564, %dma_wait3A_565, %dma_wait3A_566] : memref<2x125x128xf32, #tpu.memory_space<vmem>> -> memref<1x125x128xf32, #tpu.memory_space<vmem>>
      %dma_wait3A_568 = tpu.memref_squeeze %dma_wait3A_567 : memref<1x125x128xf32, #tpu.memory_space<vmem>> -> memref<125x128xf32, #tpu.memory_space<vmem>>
      %dma_wait3A_569 = arith.constant 0 : i32
      %dma_wait3A_570 = tpu.memref_slice %arg7[%dma_wait3A_562, %dma_wait3A_563, %dma_wait3A_569] : memref<2x8x125xi32, #tpu.memory_space<vmem>> -> memref<1x1x125xi32, #tpu.memory_space<vmem>>
      %dma_wait3A_571 = tpu.memref_squeeze %dma_wait3A_570 : memref<1x1x125xi32, #tpu.memory_space<vmem>> -> memref<125xi32, #tpu.memory_space<vmem>>
      %dma_wait3A_572 = arith.constant 0 : i32
      %dma_wait3A_573 = arith.constant 0 : i32
      %dma_wait3A_574 = tpu.memref_slice %arg2[%dma_wait3A_572, %dma_wait3A_573] : memref<10000x128xf32, #tpu.memory_space<hbm>> -> memref<10000x128xf32, #tpu.memory_space<hbm>>
      tpu.wait_indirect_dma semaphore(%arg12 : memref<!tpu.dma_semaphore, #tpu.memory_space<semaphore_mem>>) src(%dma_wait3A_574 : memref<10000x128xf32, #tpu.memory_space<hbm>>) dst(%dma_wait3A_568 : memref<125x128xf32, #tpu.memory_space<vmem>>)
      %dma_start3A_575 = arith.constant 1 : i32
      %dma_start3A_576 = arith.constant 1 : i32
      %dma_start3A_577 = arith.constant 1 : i32
      %dma_start3A_578 = arith.constant 0 : i32
      %dma_start3A_579 = arith.constant 0 : i32
      %dma_start3A_580 = tpu.memref_slice %arg9[%dma_start3A_575, %dma_start3A_578, %dma_start3A_579] : memref<2x125x128xf32, #tpu.memory_space<vmem>> -> memref<1x125x128xf32, #tpu.memory_space<vmem>>
      %dma_start3A_581 = tpu.memref_squeeze %dma_start3A_580 : memref<1x125x128xf32, #tpu.memory_space<vmem>> -> memref<125x128xf32, #tpu.memory_space<vmem>>
      %dma_start3A_582 = arith.constant 0 : i32
      %dma_start3A_583 = tpu.memref_slice %arg8[%dma_start3A_576, %dma_start3A_577, %dma_start3A_582] : memref<2x8x125xi32, #tpu.memory_space<vmem>> -> memref<1x1x125xi32, #tpu.memory_space<vmem>>
      %dma_start3A_584 = tpu.memref_squeeze %dma_start3A_583 : memref<1x1x125xi32, #tpu.memory_space<vmem>> -> memref<125xi32, #tpu.memory_space<vmem>>
      %dma_start3A_585 = arith.constant 0 : i32
      %dma_start3A_586 = arith.constant 0 : i32
      %dma_start3A_587 = tpu.memref_slice %arg10[%dma_start3A_585, %dma_start3A_586] : memref<10112x128xf32, #tpu.memory_space<vmem_shared>> -> memref<10112x128xf32, #tpu.memory_space<vmem_shared>>
      tpu.enqueue_indirect_dma source(%dma_start3A_581 : memref<125x128xf32, #tpu.memory_space<vmem>>) target(%dma_start3A_587 : memref<10112x128xf32, #tpu.memory_space<vmem_shared>>) offsets(%dma_start3A_584 : memref<125xi32, #tpu.memory_space<vmem>>) semaphore(%arg14 : memref<!tpu.dma_semaphore, #tpu.memory_space<semaphore_mem>>) {add = true}
      %dma_wait3A_588 = arith.constant 1 : i32
      %dma_wait3A_589 = arith.constant 1 : i32
      %dma_wait3A_590 = arith.constant 1 : i32
      %dma_wait3A_591 = arith.constant 0 : i32
      %dma_wait3A_592 = arith.constant 0 : i32
      %dma_wait3A_593 = tpu.memref_slice %arg9[%dma_wait3A_588, %dma_wait3A_591, %dma_wait3A_592] : memref<2x125x128xf32, #tpu.memory_space<vmem>> -> memref<1x125x128xf32, #tpu.memory_space<vmem>>
      %dma_wait3A_594 = tpu.memref_squeeze %dma_wait3A_593 : memref<1x125x128xf32, #tpu.memory_space<vmem>> -> memref<125x128xf32, #tpu.memory_space<vmem>>
      %dma_wait3A_595 = arith.constant 0 : i32
      %dma_wait3A_596 = tpu.memref_slice %arg8[%dma_wait3A_589, %dma_wait3A_590, %dma_wait3A_595] : memref<2x8x125xi32, #tpu.memory_space<vmem>> -> memref<1x1x125xi32, #tpu.memory_space<vmem>>
      %dma_wait3A_597 = tpu.memref_squeeze %dma_wait3A_596 : memref<1x1x125xi32, #tpu.memory_space<vmem>> -> memref<125xi32, #tpu.memory_space<vmem>>
      %dma_wait3A_598 = arith.constant 0 : i32
      %dma_wait3A_599 = arith.constant 0 : i32
      %dma_wait3A_600 = tpu.memref_slice %arg10[%dma_wait3A_598, %dma_wait3A_599] : memref<10112x128xf32, #tpu.memory_space<vmem_shared>> -> memref<10112x128xf32, #tpu.memory_space<vmem_shared>>
      tpu.wait_indirect_dma semaphore(%arg14 : memref<!tpu.dma_semaphore, #tpu.memory_space<semaphore_mem>>) src(%dma_wait3A_594 : memref<125x128xf32, #tpu.memory_space<vmem>>) dst(%dma_wait3A_600 : memref<10112x128xf32, #tpu.memory_space<vmem_shared>>)
      %dma_start3A_601 = arith.constant 1 : i32
      %dma_start3A_602 = arith.constant 3 : i32
      %dma_start3A_603 = arith.constant 1 : i32
      %dma_start3A_604 = arith.constant 0 : i32
      %dma_start3A_605 = arith.constant 0 : i32
      %dma_start3A_606 = tpu.memref_slice %arg9[%dma_start3A_603, %dma_start3A_604, %dma_start3A_605] : memref<2x125x128xf32, #tpu.memory_space<vmem>> -> memref<1x125x128xf32, #tpu.memory_space<vmem>>
      %dma_start3A_607 = tpu.memref_squeeze %dma_start3A_606 : memref<1x125x128xf32, #tpu.memory_space<vmem>> -> memref<125x128xf32, #tpu.memory_space<vmem>>
      %dma_start3A_608 = arith.constant 0 : i32
      %dma_start3A_609 = tpu.memref_slice %arg7[%dma_start3A_601, %dma_start3A_602, %dma_start3A_608] : memref<2x8x125xi32, #tpu.memory_space<vmem>> -> memref<1x1x125xi32, #tpu.memory_space<vmem>>
      %dma_start3A_610 = tpu.memref_squeeze %dma_start3A_609 : memref<1x1x125xi32, #tpu.memory_space<vmem>> -> memref<125xi32, #tpu.memory_space<vmem>>
      %dma_start3A_611 = arith.constant 0 : i32
      %dma_start3A_612 = arith.constant 0 : i32
      %dma_start3A_613 = tpu.memref_slice %arg2[%dma_start3A_611, %dma_start3A_612] : memref<10000x128xf32, #tpu.memory_space<hbm>> -> memref<10000x128xf32, #tpu.memory_space<hbm>>
      tpu.enqueue_indirect_dma source(%dma_start3A_613 : memref<10000x128xf32, #tpu.memory_space<hbm>>) target(%dma_start3A_607 : memref<125x128xf32, #tpu.memory_space<vmem>>) offsets(%dma_start3A_610 : memref<125xi32, #tpu.memory_space<vmem>>) semaphore(%arg12 : memref<!tpu.dma_semaphore, #tpu.memory_space<semaphore_mem>>)
      %dma_wait3A_614 = arith.constant 1 : i32
      %dma_wait3A_615 = arith.constant 2 : i32
      %dma_wait3A_616 = arith.constant 0 : i32
      %dma_wait3A_617 = arith.constant 0 : i32
      %dma_wait3A_618 = arith.constant 0 : i32
      %dma_wait3A_619 = tpu.memref_slice %arg9[%dma_wait3A_616, %dma_wait3A_617, %dma_wait3A_618] : memref<2x125x128xf32, #tpu.memory_space<vmem>> -> memref<1x125x128xf32, #tpu.memory_space<vmem>>
      %dma_wait3A_620 = tpu.memref_squeeze %dma_wait3A_619 : memref<1x125x128xf32, #tpu.memory_space<vmem>> -> memref<125x128xf32, #tpu.memory_space<vmem>>
      %dma_wait3A_621 = arith.constant 0 : i32
      %dma_wait3A_622 = tpu.memref_slice %arg7[%dma_wait3A_614, %dma_wait3A_615, %dma_wait3A_621] : memref<2x8x125xi32, #tpu.memory_space<vmem>> -> memref<1x1x125xi32, #tpu.memory_space<vmem>>
      %dma_wait3A_623 = tpu.memref_squeeze %dma_wait3A_622 : memref<1x1x125xi32, #tpu.memory_space<vmem>> -> memref<125xi32, #tpu.memory_space<vmem>>
      %dma_wait3A_624 = arith.constant 0 : i32
      %dma_wait3A_625 = arith.constant 0 : i32
      %dma_wait3A_626 = tpu.memref_slice %arg2[%dma_wait3A_624, %dma_wait3A_625] : memref<10000x128xf32, #tpu.memory_space<hbm>> -> memref<10000x128xf32, #tpu.memory_space<hbm>>
      tpu.wait_indirect_dma semaphore(%arg11 : memref<!tpu.dma_semaphore, #tpu.memory_space<semaphore_mem>>) src(%dma_wait3A_626 : memref<10000x128xf32, #tpu.memory_space<hbm>>) dst(%dma_wait3A_620 : memref<125x128xf32, #tpu.memory_space<vmem>>)
      %dma_start3A_627 = arith.constant 0 : i32
      %dma_start3A_628 = arith.constant 1 : i32
      %dma_start3A_629 = arith.constant 2 : i32
      %dma_start3A_630 = arith.constant 0 : i32
      %dma_start3A_631 = arith.constant 0 : i32
      %dma_start3A_632 = tpu.memref_slice %arg9[%dma_start3A_627, %dma_start3A_630, %dma_start3A_631] : memref<2x125x128xf32, #tpu.memory_space<vmem>> -> memref<1x125x128xf32, #tpu.memory_space<vmem>>
      %dma_start3A_633 = tpu.memref_squeeze %dma_start3A_632 : memref<1x125x128xf32, #tpu.memory_space<vmem>> -> memref<125x128xf32, #tpu.memory_space<vmem>>
      %dma_start3A_634 = arith.constant 0 : i32
      %dma_start3A_635 = tpu.memref_slice %arg8[%dma_start3A_628, %dma_start3A_629, %dma_start3A_634] : memref<2x8x125xi32, #tpu.memory_space<vmem>> -> memref<1x1x125xi32, #tpu.memory_space<vmem>>
      %dma_start3A_636 = tpu.memref_squeeze %dma_start3A_635 : memref<1x1x125xi32, #tpu.memory_space<vmem>> -> memref<125xi32, #tpu.memory_space<vmem>>
      %dma_start3A_637 = arith.constant 0 : i32
      %dma_start3A_638 = arith.constant 0 : i32
      %dma_start3A_639 = tpu.memref_slice %arg10[%dma_start3A_637, %dma_start3A_638] : memref<10112x128xf32, #tpu.memory_space<vmem_shared>> -> memref<10112x128xf32, #tpu.memory_space<vmem_shared>>
      tpu.enqueue_indirect_dma source(%dma_start3A_633 : memref<125x128xf32, #tpu.memory_space<vmem>>) target(%dma_start3A_639 : memref<10112x128xf32, #tpu.memory_space<vmem_shared>>) offsets(%dma_start3A_636 : memref<125xi32, #tpu.memory_space<vmem>>) semaphore(%arg13 : memref<!tpu.dma_semaphore, #tpu.memory_space<semaphore_mem>>) {add = true}
      %dma_wait3A_640 = arith.constant 0 : i32
      %dma_wait3A_641 = arith.constant 1 : i32
      %dma_wait3A_642 = arith.constant 2 : i32
      %dma_wait3A_643 = arith.constant 0 : i32
      %dma_wait3A_644 = arith.constant 0 : i32
      %dma_wait3A_645 = tpu.memref_slice %arg9[%dma_wait3A_640, %dma_wait3A_643, %dma_wait3A_644] : memref<2x125x128xf32, #tpu.memory_space<vmem>> -> memref<1x125x128xf32, #tpu.memory_space<vmem>>
      %dma_wait3A_646 = tpu.memref_squeeze %dma_wait3A_645 : memref<1x125x128xf32, #tpu.memory_space<vmem>> -> memref<125x128xf32, #tpu.memory_space<vmem>>
      %dma_wait3A_647 = arith.constant 0 : i32
      %dma_wait3A_648 = tpu.memref_slice %arg8[%dma_wait3A_641, %dma_wait3A_642, %dma_wait3A_647] : memref<2x8x125xi32, #tpu.memory_space<vmem>> -> memref<1x1x125xi32, #tpu.memory_space<vmem>>
      %dma_wait3A_649 = tpu.memref_squeeze %dma_wait3A_648 : memref<1x1x125xi32, #tpu.memory_space<vmem>> -> memref<125xi32, #tpu.memory_space<vmem>>
      %dma_wait3A_650 = arith.constant 0 : i32
      %dma_wait3A_651 = arith.constant 0 : i32
      %dma_wait3A_652 = tpu.memref_slice %arg10[%dma_wait3A_650, %dma_wait3A_651] : memref<10112x128xf32, #tpu.memory_space<vmem_shared>> -> memref<10112x128xf32, #tpu.memory_space<vmem_shared>>
      tpu.wait_indirect_dma semaphore(%arg13 : memref<!tpu.dma_semaphore, #tpu.memory_space<semaphore_mem>>) src(%dma_wait3A_646 : memref<125x128xf32, #tpu.memory_space<vmem>>) dst(%dma_wait3A_652 : memref<10112x128xf32, #tpu.memory_space<vmem_shared>>)
      %dma_start3A_653 = arith.constant 1 : i32
      %dma_start3A_654 = arith.constant 4 : i32
      %dma_start3A_655 = arith.constant 0 : i32
      %dma_start3A_656 = arith.constant 0 : i32
      %dma_start3A_657 = arith.constant 0 : i32
      %dma_start3A_658 = tpu.memref_slice %arg9[%dma_start3A_655, %dma_start3A_656, %dma_start3A_657] : memref<2x125x128xf32, #tpu.memory_space<vmem>> -> memref<1x125x128xf32, #tpu.memory_space<vmem>>
      %dma_start3A_659 = tpu.memref_squeeze %dma_start3A_658 : memref<1x125x128xf32, #tpu.memory_space<vmem>> -> memref<125x128xf32, #tpu.memory_space<vmem>>
      %dma_start3A_660 = arith.constant 0 : i32
      %dma_start3A_661 = tpu.memref_slice %arg7[%dma_start3A_653, %dma_start3A_654, %dma_start3A_660] : memref<2x8x125xi32, #tpu.memory_space<vmem>> -> memref<1x1x125xi32, #tpu.memory_space<vmem>>
      %dma_start3A_662 = tpu.memref_squeeze %dma_start3A_661 : memref<1x1x125xi32, #tpu.memory_space<vmem>> -> memref<125xi32, #tpu.memory_space<vmem>>
      %dma_start3A_663 = arith.constant 0 : i32
      %dma_start3A_664 = arith.constant 0 : i32
      %dma_start3A_665 = tpu.memref_slice %arg2[%dma_start3A_663, %dma_start3A_664] : memref<10000x128xf32, #tpu.memory_space<hbm>> -> memref<10000x128xf32, #tpu.memory_space<hbm>>
      tpu.enqueue_indirect_dma source(%dma_start3A_665 : memref<10000x128xf32, #tpu.memory_space<hbm>>) target(%dma_start3A_659 : memref<125x128xf32, #tpu.memory_space<vmem>>) offsets(%dma_start3A_662 : memref<125xi32, #tpu.memory_space<vmem>>) semaphore(%arg11 : memref<!tpu.dma_semaphore, #tpu.memory_space<semaphore_mem>>)
      %dma_wait3A_666 = arith.constant 1 : i32
      %dma_wait3A_667 = arith.constant 3 : i32
      %dma_wait3A_668 = arith.constant 1 : i32
      %dma_wait3A_669 = arith.constant 0 : i32
      %dma_wait3A_670 = arith.constant 0 : i32
      %dma_wait3A_671 = tpu.memref_slice %arg9[%dma_wait3A_668, %dma_wait3A_669, %dma_wait3A_670] : memref<2x125x128xf32, #tpu.memory_space<vmem>> -> memref<1x125x128xf32, #tpu.memory_space<vmem>>
      %dma_wait3A_672 = tpu.memref_squeeze %dma_wait3A_671 : memref<1x125x128xf32, #tpu.memory_space<vmem>> -> memref<125x128xf32, #tpu.memory_space<vmem>>
      %dma_wait3A_673 = arith.constant 0 : i32
      %dma_wait3A_674 = tpu.memref_slice %arg7[%dma_wait3A_666, %dma_wait3A_667, %dma_wait3A_673] : memref<2x8x125xi32, #tpu.memory_space<vmem>> -> memref<1x1x125xi32, #tpu.memory_space<vmem>>
      %dma_wait3A_675 = tpu.memref_squeeze %dma_wait3A_674 : memref<1x1x125xi32, #tpu.memory_space<vmem>> -> memref<125xi32, #tpu.memory_space<vmem>>
      %dma_wait3A_676 = arith.constant 0 : i32
      %dma_wait3A_677 = arith.constant 0 : i32
      %dma_wait3A_678 = tpu.memref_slice %arg2[%dma_wait3A_676, %dma_wait3A_677] : memref<10000x128xf32, #tpu.memory_space<hbm>> -> memref<10000x128xf32, #tpu.memory_space<hbm>>
      tpu.wait_indirect_dma semaphore(%arg12 : memref<!tpu.dma_semaphore, #tpu.memory_space<semaphore_mem>>) src(%dma_wait3A_678 : memref<10000x128xf32, #tpu.memory_space<hbm>>) dst(%dma_wait3A_672 : memref<125x128xf32, #tpu.memory_space<vmem>>)
      %dma_start3A_679 = arith.constant 1 : i32
      %dma_start3A_680 = arith.constant 1 : i32
      %dma_start3A_681 = arith.constant 3 : i32
      %dma_start3A_682 = arith.constant 0 : i32
      %dma_start3A_683 = arith.constant 0 : i32
      %dma_start3A_684 = tpu.memref_slice %arg9[%dma_start3A_679, %dma_start3A_682, %dma_start3A_683] : memref<2x125x128xf32, #tpu.memory_space<vmem>> -> memref<1x125x128xf32, #tpu.memory_space<vmem>>
      %dma_start3A_685 = tpu.memref_squeeze %dma_start3A_684 : memref<1x125x128xf32, #tpu.memory_space<vmem>> -> memref<125x128xf32, #tpu.memory_space<vmem>>
      %dma_start3A_686 = arith.constant 0 : i32
      %dma_start3A_687 = tpu.memref_slice %arg8[%dma_start3A_680, %dma_start3A_681, %dma_start3A_686] : memref<2x8x125xi32, #tpu.memory_space<vmem>> -> memref<1x1x125xi32, #tpu.memory_space<vmem>>
      %dma_start3A_688 = tpu.memref_squeeze %dma_start3A_687 : memref<1x1x125xi32, #tpu.memory_space<vmem>> -> memref<125xi32, #tpu.memory_space<vmem>>
      %dma_start3A_689 = arith.constant 0 : i32
      %dma_start3A_690 = arith.constant 0 : i32
      %dma_start3A_691 = tpu.memref_slice %arg10[%dma_start3A_689, %dma_start3A_690] : memref<10112x128xf32, #tpu.memory_space<vmem_shared>> -> memref<10112x128xf32, #tpu.memory_space<vmem_shared>>
      tpu.enqueue_indirect_dma source(%dma_start3A_685 : memref<125x128xf32, #tpu.memory_space<vmem>>) target(%dma_start3A_691 : memref<10112x128xf32, #tpu.memory_space<vmem_shared>>) offsets(%dma_start3A_688 : memref<125xi32, #tpu.memory_space<vmem>>) semaphore(%arg14 : memref<!tpu.dma_semaphore, #tpu.memory_space<semaphore_mem>>) {add = true}
      %dma_wait3A_692 = arith.constant 1 : i32
      %dma_wait3A_693 = arith.constant 1 : i32
      %dma_wait3A_694 = arith.constant 3 : i32
      %dma_wait3A_695 = arith.constant 0 : i32
      %dma_wait3A_696 = arith.constant 0 : i32
      %dma_wait3A_697 = tpu.memref_slice %arg9[%dma_wait3A_692, %dma_wait3A_695, %dma_wait3A_696] : memref<2x125x128xf32, #tpu.memory_space<vmem>> -> memref<1x125x128xf32, #tpu.memory_space<vmem>>
      %dma_wait3A_698 = tpu.memref_squeeze %dma_wait3A_697 : memref<1x125x128xf32, #tpu.memory_space<vmem>> -> memref<125x128xf32, #tpu.memory_space<vmem>>
      %dma_wait3A_699 = arith.constant 0 : i32
      %dma_wait3A_700 = tpu.memref_slice %arg8[%dma_wait3A_693, %dma_wait3A_694, %dma_wait3A_699] : memref<2x8x125xi32, #tpu.memory_space<vmem>> -> memref<1x1x125xi32, #tpu.memory_space<vmem>>
      %dma_wait3A_701 = tpu.memref_squeeze %dma_wait3A_700 : memref<1x1x125xi32, #tpu.memory_space<vmem>> -> memref<125xi32, #tpu.memory_space<vmem>>
      %dma_wait3A_702 = arith.constant 0 : i32
      %dma_wait3A_703 = arith.constant 0 : i32
      %dma_wait3A_704 = tpu.memref_slice %arg10[%dma_wait3A_702, %dma_wait3A_703] : memref<10112x128xf32, #tpu.memory_space<vmem_shared>> -> memref<10112x128xf32, #tpu.memory_space<vmem_shared>>
      tpu.wait_indirect_dma semaphore(%arg14 : memref<!tpu.dma_semaphore, #tpu.memory_space<semaphore_mem>>) src(%dma_wait3A_698 : memref<125x128xf32, #tpu.memory_space<vmem>>) dst(%dma_wait3A_704 : memref<10112x128xf32, #tpu.memory_space<vmem_shared>>)
      %dma_start3A_705 = arith.constant 1 : i32
      %dma_start3A_706 = arith.constant 5 : i32
      %dma_start3A_707 = arith.constant 1 : i32
      %dma_start3A_708 = arith.constant 0 : i32
      %dma_start3A_709 = arith.constant 0 : i32
      %dma_start3A_710 = tpu.memref_slice %arg9[%dma_start3A_707, %dma_start3A_708, %dma_start3A_709] : memref<2x125x128xf32, #tpu.memory_space<vmem>> -> memref<1x125x128xf32, #tpu.memory_space<vmem>>
      %dma_start3A_711 = tpu.memref_squeeze %dma_start3A_710 : memref<1x125x128xf32, #tpu.memory_space<vmem>> -> memref<125x128xf32, #tpu.memory_space<vmem>>
      %dma_start3A_712 = arith.constant 0 : i32
      %dma_start3A_713 = tpu.memref_slice %arg7[%dma_start3A_705, %dma_start3A_706, %dma_start3A_712] : memref<2x8x125xi32, #tpu.memory_space<vmem>> -> memref<1x1x125xi32, #tpu.memory_space<vmem>>
      %dma_start3A_714 = tpu.memref_squeeze %dma_start3A_713 : memref<1x1x125xi32, #tpu.memory_space<vmem>> -> memref<125xi32, #tpu.memory_space<vmem>>
      %dma_start3A_715 = arith.constant 0 : i32
      %dma_start3A_716 = arith.constant 0 : i32
      %dma_start3A_717 = tpu.memref_slice %arg2[%dma_start3A_715, %dma_start3A_716] : memref<10000x128xf32, #tpu.memory_space<hbm>> -> memref<10000x128xf32, #tpu.memory_space<hbm>>
      tpu.enqueue_indirect_dma source(%dma_start3A_717 : memref<10000x128xf32, #tpu.memory_space<hbm>>) target(%dma_start3A_711 : memref<125x128xf32, #tpu.memory_space<vmem>>) offsets(%dma_start3A_714 : memref<125xi32, #tpu.memory_space<vmem>>) semaphore(%arg12 : memref<!tpu.dma_semaphore, #tpu.memory_space<semaphore_mem>>)
      %dma_wait3A_718 = arith.constant 1 : i32
      %dma_wait3A_719 = arith.constant 4 : i32
      %dma_wait3A_720 = arith.constant 0 : i32
      %dma_wait3A_721 = arith.constant 0 : i32
      %dma_wait3A_722 = arith.constant 0 : i32
      %dma_wait3A_723 = tpu.memref_slice %arg9[%dma_wait3A_720, %dma_wait3A_721, %dma_wait3A_722] : memref<2x125x128xf32, #tpu.memory_space<vmem>> -> memref<1x125x128xf32, #tpu.memory_space<vmem>>
      %dma_wait3A_724 = tpu.memref_squeeze %dma_wait3A_723 : memref<1x125x128xf32, #tpu.memory_space<vmem>> -> memref<125x128xf32, #tpu.memory_space<vmem>>
      %dma_wait3A_725 = arith.constant 0 : i32
      %dma_wait3A_726 = tpu.memref_slice %arg7[%dma_wait3A_718, %dma_wait3A_719, %dma_wait3A_725] : memref<2x8x125xi32, #tpu.memory_space<vmem>> -> memref<1x1x125xi32, #tpu.memory_space<vmem>>
      %dma_wait3A_727 = tpu.memref_squeeze %dma_wait3A_726 : memref<1x1x125xi32, #tpu.memory_space<vmem>> -> memref<125xi32, #tpu.memory_space<vmem>>
      %dma_wait3A_728 = arith.constant 0 : i32
      %dma_wait3A_729 = arith.constant 0 : i32
      %dma_wait3A_730 = tpu.memref_slice %arg2[%dma_wait3A_728, %dma_wait3A_729] : memref<10000x128xf32, #tpu.memory_space<hbm>> -> memref<10000x128xf32, #tpu.memory_space<hbm>>
      tpu.wait_indirect_dma semaphore(%arg11 : memref<!tpu.dma_semaphore, #tpu.memory_space<semaphore_mem>>) src(%dma_wait3A_730 : memref<10000x128xf32, #tpu.memory_space<hbm>>) dst(%dma_wait3A_724 : memref<125x128xf32, #tpu.memory_space<vmem>>)
      %dma_start3A_731 = arith.constant 0 : i32
      %dma_start3A_732 = arith.constant 1 : i32
      %dma_start3A_733 = arith.constant 4 : i32
      %dma_start3A_734 = arith.constant 0 : i32
      %dma_start3A_735 = arith.constant 0 : i32
      %dma_start3A_736 = tpu.memref_slice %arg9[%dma_start3A_731, %dma_start3A_734, %dma_start3A_735] : memref<2x125x128xf32, #tpu.memory_space<vmem>> -> memref<1x125x128xf32, #tpu.memory_space<vmem>>
      %dma_start3A_737 = tpu.memref_squeeze %dma_start3A_736 : memref<1x125x128xf32, #tpu.memory_space<vmem>> -> memref<125x128xf32, #tpu.memory_space<vmem>>
      %dma_start3A_738 = arith.constant 0 : i32
      %dma_start3A_739 = tpu.memref_slice %arg8[%dma_start3A_732, %dma_start3A_733, %dma_start3A_738] : memref<2x8x125xi32, #tpu.memory_space<vmem>> -> memref<1x1x125xi32, #tpu.memory_space<vmem>>
      %dma_start3A_740 = tpu.memref_squeeze %dma_start3A_739 : memref<1x1x125xi32, #tpu.memory_space<vmem>> -> memref<125xi32, #tpu.memory_space<vmem>>
      %dma_start3A_741 = arith.constant 0 : i32
      %dma_start3A_742 = arith.constant 0 : i32
      %dma_start3A_743 = tpu.memref_slice %arg10[%dma_start3A_741, %dma_start3A_742] : memref<10112x128xf32, #tpu.memory_space<vmem_shared>> -> memref<10112x128xf32, #tpu.memory_space<vmem_shared>>
      tpu.enqueue_indirect_dma source(%dma_start3A_737 : memref<125x128xf32, #tpu.memory_space<vmem>>) target(%dma_start3A_743 : memref<10112x128xf32, #tpu.memory_space<vmem_shared>>) offsets(%dma_start3A_740 : memref<125xi32, #tpu.memory_space<vmem>>) semaphore(%arg13 : memref<!tpu.dma_semaphore, #tpu.memory_space<semaphore_mem>>) {add = true}
      %dma_wait3A_744 = arith.constant 0 : i32
      %dma_wait3A_745 = arith.constant 1 : i32
      %dma_wait3A_746 = arith.constant 4 : i32
      %dma_wait3A_747 = arith.constant 0 : i32
      %dma_wait3A_748 = arith.constant 0 : i32
      %dma_wait3A_749 = tpu.memref_slice %arg9[%dma_wait3A_744, %dma_wait3A_747, %dma_wait3A_748] : memref<2x125x128xf32, #tpu.memory_space<vmem>> -> memref<1x125x128xf32, #tpu.memory_space<vmem>>
      %dma_wait3A_750 = tpu.memref_squeeze %dma_wait3A_749 : memref<1x125x128xf32, #tpu.memory_space<vmem>> -> memref<125x128xf32, #tpu.memory_space<vmem>>
      %dma_wait3A_751 = arith.constant 0 : i32
      %dma_wait3A_752 = tpu.memref_slice %arg8[%dma_wait3A_745, %dma_wait3A_746, %dma_wait3A_751] : memref<2x8x125xi32, #tpu.memory_space<vmem>> -> memref<1x1x125xi32, #tpu.memory_space<vmem>>
      %dma_wait3A_753 = tpu.memref_squeeze %dma_wait3A_752 : memref<1x1x125xi32, #tpu.memory_space<vmem>> -> memref<125xi32, #tpu.memory_space<vmem>>
      %dma_wait3A_754 = arith.constant 0 : i32
      %dma_wait3A_755 = arith.constant 0 : i32
      %dma_wait3A_756 = tpu.memref_slice %arg10[%dma_wait3A_754, %dma_wait3A_755] : memref<10112x128xf32, #tpu.memory_space<vmem_shared>> -> memref<10112x128xf32, #tpu.memory_space<vmem_shared>>
      tpu.wait_indirect_dma semaphore(%arg13 : memref<!tpu.dma_semaphore, #tpu.memory_space<semaphore_mem>>) src(%dma_wait3A_750 : memref<125x128xf32, #tpu.memory_space<vmem>>) dst(%dma_wait3A_756 : memref<10112x128xf32, #tpu.memory_space<vmem_shared>>)
      %dma_start3A_757 = arith.constant 1 : i32
      %dma_start3A_758 = arith.constant 6 : i32
      %dma_start3A_759 = arith.constant 0 : i32
      %dma_start3A_760 = arith.constant 0 : i32
      %dma_start3A_761 = arith.constant 0 : i32
      %dma_start3A_762 = tpu.memref_slice %arg9[%dma_start3A_759, %dma_start3A_760, %dma_start3A_761] : memref<2x125x128xf32, #tpu.memory_space<vmem>> -> memref<1x125x128xf32, #tpu.memory_space<vmem>>
      %dma_start3A_763 = tpu.memref_squeeze %dma_start3A_762 : memref<1x125x128xf32, #tpu.memory_space<vmem>> -> memref<125x128xf32, #tpu.memory_space<vmem>>
      %dma_start3A_764 = arith.constant 0 : i32
      %dma_start3A_765 = tpu.memref_slice %arg7[%dma_start3A_757, %dma_start3A_758, %dma_start3A_764] : memref<2x8x125xi32, #tpu.memory_space<vmem>> -> memref<1x1x125xi32, #tpu.memory_space<vmem>>
      %dma_start3A_766 = tpu.memref_squeeze %dma_start3A_765 : memref<1x1x125xi32, #tpu.memory_space<vmem>> -> memref<125xi32, #tpu.memory_space<vmem>>
      %dma_start3A_767 = arith.constant 0 : i32
      %dma_start3A_768 = arith.constant 0 : i32
      %dma_start3A_769 = tpu.memref_slice %arg2[%dma_start3A_767, %dma_start3A_768] : memref<10000x128xf32, #tpu.memory_space<hbm>> -> memref<10000x128xf32, #tpu.memory_space<hbm>>
      tpu.enqueue_indirect_dma source(%dma_start3A_769 : memref<10000x128xf32, #tpu.memory_space<hbm>>) target(%dma_start3A_763 : memref<125x128xf32, #tpu.memory_space<vmem>>) offsets(%dma_start3A_766 : memref<125xi32, #tpu.memory_space<vmem>>) semaphore(%arg11 : memref<!tpu.dma_semaphore, #tpu.memory_space<semaphore_mem>>)
      %dma_wait3A_770 = arith.constant 1 : i32
      %dma_wait3A_771 = arith.constant 5 : i32
      %dma_wait3A_772 = arith.constant 1 : i32
      %dma_wait3A_773 = arith.constant 0 : i32
      %dma_wait3A_774 = arith.constant 0 : i32
      %dma_wait3A_775 = tpu.memref_slice %arg9[%dma_wait3A_772, %dma_wait3A_773, %dma_wait3A_774] : memref<2x125x128xf32, #tpu.memory_space<vmem>> -> memref<1x125x128xf32, #tpu.memory_space<vmem>>
      %dma_wait3A_776 = tpu.memref_squeeze %dma_wait3A_775 : memref<1x125x128xf32, #tpu.memory_space<vmem>> -> memref<125x128xf32, #tpu.memory_space<vmem>>
      %dma_wait3A_777 = arith.constant 0 : i32
      %dma_wait3A_778 = tpu.memref_slice %arg7[%dma_wait3A_770, %dma_wait3A_771, %dma_wait3A_777] : memref<2x8x125xi32, #tpu.memory_space<vmem>> -> memref<1x1x125xi32, #tpu.memory_space<vmem>>
      %dma_wait3A_779 = tpu.memref_squeeze %dma_wait3A_778 : memref<1x1x125xi32, #tpu.memory_space<vmem>> -> memref<125xi32, #tpu.memory_space<vmem>>
      %dma_wait3A_780 = arith.constant 0 : i32
      %dma_wait3A_781 = arith.constant 0 : i32
      %dma_wait3A_782 = tpu.memref_slice %arg2[%dma_wait3A_780, %dma_wait3A_781] : memref<10000x128xf32, #tpu.memory_space<hbm>> -> memref<10000x128xf32, #tpu.memory_space<hbm>>
      tpu.wait_indirect_dma semaphore(%arg12 : memref<!tpu.dma_semaphore, #tpu.memory_space<semaphore_mem>>) src(%dma_wait3A_782 : memref<10000x128xf32, #tpu.memory_space<hbm>>) dst(%dma_wait3A_776 : memref<125x128xf32, #tpu.memory_space<vmem>>)
      %dma_start3A_783 = arith.constant 1 : i32
      %dma_start3A_784 = arith.constant 1 : i32
      %dma_start3A_785 = arith.constant 5 : i32
      %dma_start3A_786 = arith.constant 0 : i32
      %dma_start3A_787 = arith.constant 0 : i32
      %dma_start3A_788 = tpu.memref_slice %arg9[%dma_start3A_783, %dma_start3A_786, %dma_start3A_787] : memref<2x125x128xf32, #tpu.memory_space<vmem>> -> memref<1x125x128xf32, #tpu.memory_space<vmem>>
      %dma_start3A_789 = tpu.memref_squeeze %dma_start3A_788 : memref<1x125x128xf32, #tpu.memory_space<vmem>> -> memref<125x128xf32, #tpu.memory_space<vmem>>
      %dma_start3A_790 = arith.constant 0 : i32
      %dma_start3A_791 = tpu.memref_slice %arg8[%dma_start3A_784, %dma_start3A_785, %dma_start3A_790] : memref<2x8x125xi32, #tpu.memory_space<vmem>> -> memref<1x1x125xi32, #tpu.memory_space<vmem>>
      %dma_start3A_792 = tpu.memref_squeeze %dma_start3A_791 : memref<1x1x125xi32, #tpu.memory_space<vmem>> -> memref<125xi32, #tpu.memory_space<vmem>>
      %dma_start3A_793 = arith.constant 0 : i32
      %dma_start3A_794 = arith.constant 0 : i32
      %dma_start3A_795 = tpu.memref_slice %arg10[%dma_start3A_793, %dma_start3A_794] : memref<10112x128xf32, #tpu.memory_space<vmem_shared>> -> memref<10112x128xf32, #tpu.memory_space<vmem_shared>>
      tpu.enqueue_indirect_dma source(%dma_start3A_789 : memref<125x128xf32, #tpu.memory_space<vmem>>) target(%dma_start3A_795 : memref<10112x128xf32, #tpu.memory_space<vmem_shared>>) offsets(%dma_start3A_792 : memref<125xi32, #tpu.memory_space<vmem>>) semaphore(%arg14 : memref<!tpu.dma_semaphore, #tpu.memory_space<semaphore_mem>>) {add = true}
      %dma_wait3A_796 = arith.constant 1 : i32
      %dma_wait3A_797 = arith.constant 1 : i32
      %dma_wait3A_798 = arith.constant 5 : i32
      %dma_wait3A_799 = arith.constant 0 : i32
      %dma_wait3A_800 = arith.constant 0 : i32
      %dma_wait3A_801 = tpu.memref_slice %arg9[%dma_wait3A_796, %dma_wait3A_799, %dma_wait3A_800] : memref<2x125x128xf32, #tpu.memory_space<vmem>> -> memref<1x125x128xf32, #tpu.memory_space<vmem>>
      %dma_wait3A_802 = tpu.memref_squeeze %dma_wait3A_801 : memref<1x125x128xf32, #tpu.memory_space<vmem>> -> memref<125x128xf32, #tpu.memory_space<vmem>>
      %dma_wait3A_803 = arith.constant 0 : i32
      %dma_wait3A_804 = tpu.memref_slice %arg8[%dma_wait3A_797, %dma_wait3A_798, %dma_wait3A_803] : memref<2x8x125xi32, #tpu.memory_space<vmem>> -> memref<1x1x125xi32, #tpu.memory_space<vmem>>
      %dma_wait3A_805 = tpu.memref_squeeze %dma_wait3A_804 : memref<1x1x125xi32, #tpu.memory_space<vmem>> -> memref<125xi32, #tpu.memory_space<vmem>>
      %dma_wait3A_806 = arith.constant 0 : i32
      %dma_wait3A_807 = arith.constant 0 : i32
      %dma_wait3A_808 = tpu.memref_slice %arg10[%dma_wait3A_806, %dma_wait3A_807] : memref<10112x128xf32, #tpu.memory_space<vmem_shared>> -> memref<10112x128xf32, #tpu.memory_space<vmem_shared>>
      tpu.wait_indirect_dma semaphore(%arg14 : memref<!tpu.dma_semaphore, #tpu.memory_space<semaphore_mem>>) src(%dma_wait3A_802 : memref<125x128xf32, #tpu.memory_space<vmem>>) dst(%dma_wait3A_808 : memref<10112x128xf32, #tpu.memory_space<vmem_shared>>)
      %dma_start3A_809 = arith.constant 1 : i32
      %dma_start3A_810 = arith.constant 7 : i32
      %dma_start3A_811 = arith.constant 1 : i32
      %dma_start3A_812 = arith.constant 0 : i32
      %dma_start3A_813 = arith.constant 0 : i32
      %dma_start3A_814 = tpu.memref_slice %arg9[%dma_start3A_811, %dma_start3A_812, %dma_start3A_813] : memref<2x125x128xf32, #tpu.memory_space<vmem>> -> memref<1x125x128xf32, #tpu.memory_space<vmem>>
      %dma_start3A_815 = tpu.memref_squeeze %dma_start3A_814 : memref<1x125x128xf32, #tpu.memory_space<vmem>> -> memref<125x128xf32, #tpu.memory_space<vmem>>
      %dma_start3A_816 = arith.constant 0 : i32
      %dma_start3A_817 = tpu.memref_slice %arg7[%dma_start3A_809, %dma_start3A_810, %dma_start3A_816] : memref<2x8x125xi32, #tpu.memory_space<vmem>> -> memref<1x1x125xi32, #tpu.memory_space<vmem>>
      %dma_start3A_818 = tpu.memref_squeeze %dma_start3A_817 : memref<1x1x125xi32, #tpu.memory_space<vmem>> -> memref<125xi32, #tpu.memory_space<vmem>>
      %dma_start3A_819 = arith.constant 0 : i32
      %dma_start3A_820 = arith.constant 0 : i32
      %dma_start3A_821 = tpu.memref_slice %arg2[%dma_start3A_819, %dma_start3A_820] : memref<10000x128xf32, #tpu.memory_space<hbm>> -> memref<10000x128xf32, #tpu.memory_space<hbm>>
      tpu.enqueue_indirect_dma source(%dma_start3A_821 : memref<10000x128xf32, #tpu.memory_space<hbm>>) target(%dma_start3A_815 : memref<125x128xf32, #tpu.memory_space<vmem>>) offsets(%dma_start3A_818 : memref<125xi32, #tpu.memory_space<vmem>>) semaphore(%arg12 : memref<!tpu.dma_semaphore, #tpu.memory_space<semaphore_mem>>)
      %dma_wait3A_822 = arith.constant 1 : i32
      %dma_wait3A_823 = arith.constant 6 : i32
      %dma_wait3A_824 = arith.constant 0 : i32
      %dma_wait3A_825 = arith.constant 0 : i32
      %dma_wait3A_826 = arith.constant 0 : i32
      %dma_wait3A_827 = tpu.memref_slice %arg9[%dma_wait3A_824, %dma_wait3A_825, %dma_wait3A_826] : memref<2x125x128xf32, #tpu.memory_space<vmem>> -> memref<1x125x128xf32, #tpu.memory_space<vmem>>
      %dma_wait3A_828 = tpu.memref_squeeze %dma_wait3A_827 : memref<1x125x128xf32, #tpu.memory_space<vmem>> -> memref<125x128xf32, #tpu.memory_space<vmem>>
      %dma_wait3A_829 = arith.constant 0 : i32
      %dma_wait3A_830 = tpu.memref_slice %arg7[%dma_wait3A_822, %dma_wait3A_823, %dma_wait3A_829] : memref<2x8x125xi32, #tpu.memory_space<vmem>> -> memref<1x1x125xi32, #tpu.memory_space<vmem>>
      %dma_wait3A_831 = tpu.memref_squeeze %dma_wait3A_830 : memref<1x1x125xi32, #tpu.memory_space<vmem>> -> memref<125xi32, #tpu.memory_space<vmem>>
      %dma_wait3A_832 = arith.constant 0 : i32
      %dma_wait3A_833 = arith.constant 0 : i32
      %dma_wait3A_834 = tpu.memref_slice %arg2[%dma_wait3A_832, %dma_wait3A_833] : memref<10000x128xf32, #tpu.memory_space<hbm>> -> memref<10000x128xf32, #tpu.memory_space<hbm>>
      tpu.wait_indirect_dma semaphore(%arg11 : memref<!tpu.dma_semaphore, #tpu.memory_space<semaphore_mem>>) src(%dma_wait3A_834 : memref<10000x128xf32, #tpu.memory_space<hbm>>) dst(%dma_wait3A_828 : memref<125x128xf32, #tpu.memory_space<vmem>>)
      %dma_start3A_835 = arith.constant 0 : i32
      %dma_start3A_836 = arith.constant 1 : i32
      %dma_start3A_837 = arith.constant 6 : i32
      %dma_start3A_838 = arith.constant 0 : i32
      %dma_start3A_839 = arith.constant 0 : i32
      %dma_start3A_840 = tpu.memref_slice %arg9[%dma_start3A_835, %dma_start3A_838, %dma_start3A_839] : memref<2x125x128xf32, #tpu.memory_space<vmem>> -> memref<1x125x128xf32, #tpu.memory_space<vmem>>
      %dma_start3A_841 = tpu.memref_squeeze %dma_start3A_840 : memref<1x125x128xf32, #tpu.memory_space<vmem>> -> memref<125x128xf32, #tpu.memory_space<vmem>>
      %dma_start3A_842 = arith.constant 0 : i32
      %dma_start3A_843 = tpu.memref_slice %arg8[%dma_start3A_836, %dma_start3A_837, %dma_start3A_842] : memref<2x8x125xi32, #tpu.memory_space<vmem>> -> memref<1x1x125xi32, #tpu.memory_space<vmem>>
      %dma_start3A_844 = tpu.memref_squeeze %dma_start3A_843 : memref<1x1x125xi32, #tpu.memory_space<vmem>> -> memref<125xi32, #tpu.memory_space<vmem>>
      %dma_start3A_845 = arith.constant 0 : i32
      %dma_start3A_846 = arith.constant 0 : i32
      %dma_start3A_847 = tpu.memref_slice %arg10[%dma_start3A_845, %dma_start3A_846] : memref<10112x128xf32, #tpu.memory_space<vmem_shared>> -> memref<10112x128xf32, #tpu.memory_space<vmem_shared>>
      tpu.enqueue_indirect_dma source(%dma_start3A_841 : memref<125x128xf32, #tpu.memory_space<vmem>>) target(%dma_start3A_847 : memref<10112x128xf32, #tpu.memory_space<vmem_shared>>) offsets(%dma_start3A_844 : memref<125xi32, #tpu.memory_space<vmem>>) semaphore(%arg13 : memref<!tpu.dma_semaphore, #tpu.memory_space<semaphore_mem>>) {add = true}
      %dma_wait3A_848 = arith.constant 1 : i32
      %dma_wait3A_849 = arith.constant 7 : i32
      %dma_wait3A_850 = arith.constant 1 : i32
      %dma_wait3A_851 = arith.constant 0 : i32
      %dma_wait3A_852 = arith.constant 0 : i32
      %dma_wait3A_853 = tpu.memref_slice %arg9[%dma_wait3A_850, %dma_wait3A_851, %dma_wait3A_852] : memref<2x125x128xf32, #tpu.memory_space<vmem>> -> memref<1x125x128xf32, #tpu.memory_space<vmem>>
      %dma_wait3A_854 = tpu.memref_squeeze %dma_wait3A_853 : memref<1x125x128xf32, #tpu.memory_space<vmem>> -> memref<125x128xf32, #tpu.memory_space<vmem>>
      %dma_wait3A_855 = arith.constant 0 : i32
      %dma_wait3A_856 = tpu.memref_slice %arg7[%dma_wait3A_848, %dma_wait3A_849, %dma_wait3A_855] : memref<2x8x125xi32, #tpu.memory_space<vmem>> -> memref<1x1x125xi32, #tpu.memory_space<vmem>>
      %dma_wait3A_857 = tpu.memref_squeeze %dma_wait3A_856 : memref<1x1x125xi32, #tpu.memory_space<vmem>> -> memref<125xi32, #tpu.memory_space<vmem>>
      %dma_wait3A_858 = arith.constant 0 : i32
      %dma_wait3A_859 = arith.constant 0 : i32
      %dma_wait3A_860 = tpu.memref_slice %arg2[%dma_wait3A_858, %dma_wait3A_859] : memref<10000x128xf32, #tpu.memory_space<hbm>> -> memref<10000x128xf32, #tpu.memory_space<hbm>>
      tpu.wait_indirect_dma semaphore(%arg12 : memref<!tpu.dma_semaphore, #tpu.memory_space<semaphore_mem>>) src(%dma_wait3A_860 : memref<10000x128xf32, #tpu.memory_space<hbm>>) dst(%dma_wait3A_854 : memref<125x128xf32, #tpu.memory_space<vmem>>)
      %dma_start3A_861 = arith.constant 1 : i32
      %dma_start3A_862 = arith.constant 1 : i32
      %dma_start3A_863 = arith.constant 7 : i32
      %dma_start3A_864 = arith.constant 0 : i32
      %dma_start3A_865 = arith.constant 0 : i32
      %dma_start3A_866 = tpu.memref_slice %arg9[%dma_start3A_861, %dma_start3A_864, %dma_start3A_865] : memref<2x125x128xf32, #tpu.memory_space<vmem>> -> memref<1x125x128xf32, #tpu.memory_space<vmem>>
      %dma_start3A_867 = tpu.memref_squeeze %dma_start3A_866 : memref<1x125x128xf32, #tpu.memory_space<vmem>> -> memref<125x128xf32, #tpu.memory_space<vmem>>
      %dma_start3A_868 = arith.constant 0 : i32
      %dma_start3A_869 = tpu.memref_slice %arg8[%dma_start3A_862, %dma_start3A_863, %dma_start3A_868] : memref<2x8x125xi32, #tpu.memory_space<vmem>> -> memref<1x1x125xi32, #tpu.memory_space<vmem>>
      %dma_start3A_870 = tpu.memref_squeeze %dma_start3A_869 : memref<1x1x125xi32, #tpu.memory_space<vmem>> -> memref<125xi32, #tpu.memory_space<vmem>>
      %dma_start3A_871 = arith.constant 0 : i32
      %dma_start3A_872 = arith.constant 0 : i32
      %dma_start3A_873 = tpu.memref_slice %arg10[%dma_start3A_871, %dma_start3A_872] : memref<10112x128xf32, #tpu.memory_space<vmem_shared>> -> memref<10112x128xf32, #tpu.memory_space<vmem_shared>>
      tpu.enqueue_indirect_dma source(%dma_start3A_867 : memref<125x128xf32, #tpu.memory_space<vmem>>) target(%dma_start3A_873 : memref<10112x128xf32, #tpu.memory_space<vmem_shared>>) offsets(%dma_start3A_870 : memref<125xi32, #tpu.memory_space<vmem>>) semaphore(%arg14 : memref<!tpu.dma_semaphore, #tpu.memory_space<semaphore_mem>>) {add = true}
      %scan3A_874 = arith.constant 0 : i32
      scf.yield %scan3A_874 : i32
    }
    %scan3A_8 = arith.constant 5 : i32
    %dma_wait3A = arith.constant 0 : i32
    %dma_wait3A_9 = arith.constant 1 : i32
    %dma_wait3A_10 = arith.constant 0 : i32
    %dma_wait3A_11 = arith.constant 0 : i32
    %dma_wait3A_12 = arith.constant 0 : i32
    %dma_wait3A_13 = tpu.memref_slice %arg9[%dma_wait3A, %dma_wait3A_11, %dma_wait3A_12] : memref<2x125x128xf32, #tpu.memory_space<vmem>> -> memref<1x125x128xf32, #tpu.memory_space<vmem>>
    %dma_wait3A_14 = tpu.memref_squeeze %dma_wait3A_13 : memref<1x125x128xf32, #tpu.memory_space<vmem>> -> memref<125x128xf32, #tpu.memory_space<vmem>>
    %dma_wait3A_15 = arith.constant 0 : i32
    %dma_wait3A_16 = tpu.memref_slice %arg8[%dma_wait3A_9, %dma_wait3A_10, %dma_wait3A_15] : memref<2x8x125xi32, #tpu.memory_space<vmem>> -> memref<1x1x125xi32, #tpu.memory_space<vmem>>
    %dma_wait3A_17 = tpu.memref_squeeze %dma_wait3A_16 : memref<1x1x125xi32, #tpu.memory_space<vmem>> -> memref<125xi32, #tpu.memory_space<vmem>>
    %dma_wait3A_18 = arith.constant 0 : i32
    %dma_wait3A_19 = arith.constant 0 : i32
    %dma_wait3A_20 = tpu.memref_slice %arg10[%dma_wait3A_18, %dma_wait3A_19] : memref<10112x128xf32, #tpu.memory_space<vmem_shared>> -> memref<10112x128xf32, #tpu.memory_space<vmem_shared>>
    tpu.wait_indirect_dma semaphore(%arg13 : memref<!tpu.dma_semaphore, #tpu.memory_space<semaphore_mem>>) src(%dma_wait3A_14 : memref<125x128xf32, #tpu.memory_space<vmem>>) dst(%dma_wait3A_20 : memref<10112x128xf32, #tpu.memory_space<vmem_shared>>)
    %dma_wait3A_21 = arith.constant 1 : i32
    %dma_wait3A_22 = arith.constant 1 : i32
    %dma_wait3A_23 = arith.constant 0 : i32
    %dma_wait3A_24 = arith.constant 0 : i32
    %dma_wait3A_25 = arith.constant 0 : i32
    %dma_wait3A_26 = tpu.memref_slice %arg9[%dma_wait3A_21, %dma_wait3A_24, %dma_wait3A_25] : memref<2x125x128xf32, #tpu.memory_space<vmem>> -> memref<1x125x128xf32, #tpu.memory_space<vmem>>
    %dma_wait3A_27 = tpu.memref_squeeze %dma_wait3A_26 : memref<1x125x128xf32, #tpu.memory_space<vmem>> -> memref<125x128xf32, #tpu.memory_space<vmem>>
    %dma_wait3A_28 = arith.constant 0 : i32
    %dma_wait3A_29 = tpu.memref_slice %arg8[%dma_wait3A_22, %dma_wait3A_23, %dma_wait3A_28] : memref<2x8x125xi32, #tpu.memory_space<vmem>> -> memref<1x1x125xi32, #tpu.memory_space<vmem>>
    %dma_wait3A_30 = tpu.memref_squeeze %dma_wait3A_29 : memref<1x1x125xi32, #tpu.memory_space<vmem>> -> memref<125xi32, #tpu.memory_space<vmem>>
    %dma_wait3A_31 = arith.constant 0 : i32
    %dma_wait3A_32 = arith.constant 0 : i32
    %dma_wait3A_33 = tpu.memref_slice %arg10[%dma_wait3A_31, %dma_wait3A_32] : memref<10112x128xf32, #tpu.memory_space<vmem_shared>> -> memref<10112x128xf32, #tpu.memory_space<vmem_shared>>
    tpu.wait_indirect_dma semaphore(%arg14 : memref<!tpu.dma_semaphore, #tpu.memory_space<semaphore_mem>>) src(%dma_wait3A_27 : memref<125x128xf32, #tpu.memory_space<vmem>>) dst(%dma_wait3A_33 : memref<10112x128xf32, #tpu.memory_space<vmem_shared>>)
    %barrier3A_34 = arith.constant 0 : index
    tpu.barrier barrier_id(%barrier3A_34)
    "tpu.region"() ({
      %run_scoped3A = tpu.sem_alloc : memref<!tpu.dma_semaphore, #tpu.memory_space<semaphore_mem>>
      %dma_start3A = arith.constant 0 : i32
      %dma_start3A_35 = tpu.memref_slice %arg6[%arg0, %mul3A_2, %dma_start3A] : memref<2x10112x128xf32, #tpu.memory_space<hbm>> -> memref<1x632x128xf32, #tpu.memory_space<hbm>>
      %dma_start3A_36 = tpu.memref_squeeze %dma_start3A_35 : memref<1x632x128xf32, #tpu.memory_space<hbm>> -> memref<632x128xf32, #tpu.memory_space<hbm>>
      %dma_start3A_37 = arith.constant 0 : i32
      %dma_start3A_38 = tpu.memref_slice %arg10[%mul3A_2, %dma_start3A_37] : memref<10112x128xf32, #tpu.memory_space<vmem_shared>> -> memref<632x128xf32, #tpu.memory_space<vmem_shared>>
      tpu.enqueue_dma source(%dma_start3A_38 : memref<632x128xf32, #tpu.memory_space<vmem_shared>>) target(%dma_start3A_36 : memref<632x128xf32, #tpu.memory_space<hbm>>) target_semaphore(%run_scoped3A : memref<!tpu.dma_semaphore, #tpu.memory_space<semaphore_mem>>)
      %dma_wait3A_39 = arith.constant 0 : i32
      %dma_wait3A_40 = tpu.memref_slice %arg6[%arg0, %mul3A_2, %dma_wait3A_39] : memref<2x10112x128xf32, #tpu.memory_space<hbm>> -> memref<1x632x128xf32, #tpu.memory_space<hbm>>
      %dma_wait3A_41 = tpu.memref_squeeze %dma_wait3A_40 : memref<1x632x128xf32, #tpu.memory_space<hbm>> -> memref<632x128xf32, #tpu.memory_space<hbm>>
      %dma_wait3A_42 = arith.constant 0 : i32
      %dma_wait3A_43 = tpu.memref_slice %arg10[%mul3A_2, %dma_wait3A_42] : memref<10112x128xf32, #tpu.memory_space<vmem_shared>> -> memref<632x128xf32, #tpu.memory_space<vmem_shared>>
      tpu.wait_dma2 semaphore(%run_scoped3A : memref<!tpu.dma_semaphore, #tpu.memory_space<semaphore_mem>>) src(%dma_wait3A_43 : memref<632x128xf32, #tpu.memory_space<vmem_shared>>) dst(%dma_wait3A_41 : memref<632x128xf32, #tpu.memory_space<hbm>>)
      tpu.yield
    }) : () -> ()
    return
  }
}

#map = affine_map<(d0, d1) -> (0, 0)>
#map1 = affine_map<(d0, d1) -> (0, 0, 0)>
module attributes {stable_mosaic.version = 14 : i64} {
  func.func @scatter_kernel(%arg0: i32, %arg1: i32, %arg2: memref<10000x128xf32, #tpu.memory_space<hbm>>, %arg3: memref<2560x125xi32, #tpu.memory_space<hbm>>, %arg4: memref<2560x125xi32, #tpu.memory_space<hbm>>, %arg5: memref<10112x128xf32, #tpu.memory_space<hbm>>, %arg6: memref<2x10112x128xf32, #tpu.memory_space<hbm>>, %arg7: memref<2x8x125xi32, #tpu.memory_space<vmem>>, %arg8: memref<2x8x125xi32, #tpu.memory_space<vmem>>, %arg9: memref<2x125x128xf32, #tpu.memory_space<vmem>>, %arg10: memref<10112x128xf32, #tpu.memory_space<vmem_shared>>, %arg11: memref<!tpu.dma_semaphore, #tpu.memory_space<semaphore_mem>>, %arg12: memref<!tpu.dma_semaphore, #tpu.memory_space<semaphore_mem>>, %arg13: memref<!tpu.dma_semaphore, #tpu.memory_space<semaphore_mem>>, %arg14: memref<!tpu.dma_semaphore, #tpu.memory_space<semaphore_mem>>) attributes {dimension_semantics = [#tpu.dimension_semantics<core_parallel>, #tpu.dimension_semantics<subcore_parallel>], iteration_bounds = array<i64: 2, 16>, scalar_prefetch = 0 : i64, scratch_operands = 8 : i64, tpu.core_type = #tpu.core_type<sc_vector_subcore>, window_params = [{transform_indices = #map}, {transform_indices = #map}, {transform_indices = #map}, {transform_indices = #map}, {transform_indices = #map1}]} {
    %mul3A = arith.constant 2 : i32
    %mul3A_0 = arith.muli %arg1, %mul3A : i32
    %add3A = arith.addi %mul3A_0, %arg0 : i32
    %mul3A_1 = arith.constant 632 : i32
    %mul3A_2 = arith.muli %arg1, %mul3A_1 : i32
    "tpu.region"() ({
      %run_scoped3A = tpu.sem_alloc : memref<!tpu.dma_semaphore, #tpu.memory_space<semaphore_mem>>
      %dma_start3A = arith.constant 0 : i32
      %dma_start3A_35 = tpu.memref_slice %arg10[%mul3A_2, %dma_start3A] : memref<10112x128xf32, #tpu.memory_space<vmem_shared>> -> memref<632x128xf32, #tpu.memory_space<vmem_shared>>
      %dma_start3A_36 = arith.constant 0 : i32
      %dma_start3A_37 = tpu.memref_slice %arg5[%mul3A_2, %dma_start3A_36] : memref<10112x128xf32, #tpu.memory_space<hbm>> -> memref<632x128xf32, #tpu.memory_space<hbm>>
      tpu.enqueue_dma source(%dma_start3A_37 : memref<632x128xf32, #tpu.memory_space<hbm>>) target(%dma_start3A_35 : memref<632x128xf32, #tpu.memory_space<vmem_shared>>) target_semaphore(%run_scoped3A : memref<!tpu.dma_semaphore, #tpu.memory_space<semaphore_mem>>)
      %dma_wait3A_38 = arith.constant 0 : i32
      %dma_wait3A_39 = tpu.memref_slice %arg10[%mul3A_2, %dma_wait3A_38] : memref<10112x128xf32, #tpu.memory_space<vmem_shared>> -> memref<632x128xf32, #tpu.memory_space<vmem_shared>>
      %dma_wait3A_40 = arith.constant 0 : i32
      %dma_wait3A_41 = tpu.memref_slice %arg5[%mul3A_2, %dma_wait3A_40] : memref<10112x128xf32, #tpu.memory_space<hbm>> -> memref<632x128xf32, #tpu.memory_space<hbm>>
      tpu.wait_dma2 semaphore(%run_scoped3A : memref<!tpu.dma_semaphore, #tpu.memory_space<semaphore_mem>>) src(%dma_wait3A_41 : memref<632x128xf32, #tpu.memory_space<hbm>>) dst(%dma_wait3A_39 : memref<632x128xf32, #tpu.memory_space<vmem_shared>>)
      tpu.yield
    }) : () -> ()
    %barrier3A = arith.constant 0 : index
    tpu.barrier barrier_id(%barrier3A)
    %scan3A = arith.constant 0 : i32
    %scan3A_3 = arith.constant 0 : i32
    %scan3A_4 = arith.constant 5 : i32
    %scan3A_5 = arith.addi %scan3A_3, %scan3A_4 : i32
    %scan3A_6 = arith.constant 1 : i32
    %scan3A_7 = scf.for %scan3A_35 = %scan3A_3 to %scan3A_5 step %scan3A_6 iter_args(%scan3A_36 = %scan3A) -> (i32)  : i32 {
      %mul3A_37 = arith.constant 2 : i32
      %mul3A_38 = arith.muli %scan3A_35, %mul3A_37 : i32
      %add3A_39 = arith.constant 0 : i32
      %add3A_40 = arith.addi %mul3A_38, %add3A_39 : i32
      %mul3A_41 = arith.constant 32 : i32
      %mul3A_42 = arith.muli %mul3A_41, %add3A_40 : i32
      %add3A_43 = arith.addi %add3A, %mul3A_42 : i32
      %mul3A_44 = arith.constant 8 : i32
      %mul3A_45 = arith.muli %add3A_43, %mul3A_44 : i32
      %run_scoped3A = arith.constant 0 : i32
      "tpu.region"() ({
        %run_scoped3A_875 = tpu.sem_alloc : memref<!tpu.dma_semaphore, #tpu.memory_space<semaphore_mem>>
        %dma_start3A_876 = arith.constant 0 : i32
        %dma_start3A_877 = arith.constant 0 : i32
        %dma_start3A_878 = tpu.memref_slice %arg7[%run_scoped3A, %dma_start3A_876, %dma_start3A_877] : memref<2x8x125xi32, #tpu.memory_space<vmem>> -> memref<1x8x125xi32, #tpu.memory_space<vmem>>
        %dma_start3A_879 = tpu.memref_squeeze %dma_start3A_878 : memref<1x8x125xi32, #tpu.memory_space<vmem>> -> memref<8x125xi32, #tpu.memory_space<vmem>>
        %dma_start3A_880 = arith.constant 0 : i32
        %dma_start3A_881 = tpu.memref_slice %arg3[%mul3A_45, %dma_start3A_880] : memref<2560x125xi32, #tpu.memory_space<hbm>> -> memref<8x125xi32, #tpu.memory_space<hbm>>
        %dma_start3A_882 = arith.constant 0 : i32
        %dma_start3A_883 = arith.constant 0 : i32
        %dma_start3A_884 = tpu.memref_slice %arg7[%run_scoped3A, %dma_start3A_882, %dma_start3A_883] : memref<2x8x125xi32, #tpu.memory_space<vmem>> -> memref<1x8x125xi32, #tpu.memory_space<vmem>>
        %dma_start3A_885 = tpu.memref_squeeze %dma_start3A_884 : memref<1x8x125xi32, #tpu.memory_space<vmem>> -> memref<8x125xi32, #tpu.memory_space<vmem>>
        %dma_start3A_886 = arith.constant 0 : i32
        %dma_start3A_887 = tpu.memref_slice %arg3[%mul3A_45, %dma_start3A_886] : memref<2560x125xi32, #tpu.memory_space<hbm>> -> memref<8x125xi32, #tpu.memory_space<hbm>>
        tpu.enqueue_dma source(%dma_start3A_887 : memref<8x125xi32, #tpu.memory_space<hbm>>) target(%dma_start3A_885 : memref<8x125xi32, #tpu.memory_space<vmem>>) target_semaphore(%run_scoped3A_875 : memref<!tpu.dma_semaphore, #tpu.memory_space<semaphore_mem>>)
        %dma_wait3A_888 = arith.constant 0 : i32
        %dma_wait3A_889 = arith.constant 0 : i32
        %dma_wait3A_890 = tpu.memref_slice %arg7[%run_scoped3A, %dma_wait3A_888, %dma_wait3A_889] : memref<2x8x125xi32, #tpu.memory_space<vmem>> -> memref<1x8x125xi32, #tpu.memory_space<vmem>>
        %dma_wait3A_891 = tpu.memref_squeeze %dma_wait3A_890 : memref<1x8x125xi32, #tpu.memory_space<vmem>> -> memref<8x125xi32, #tpu.memory_space<vmem>>
        %dma_wait3A_892 = arith.constant 0 : i32
        %dma_wait3A_893 = tpu.memref_slice %arg3[%mul3A_45, %dma_wait3A_892] : memref<2560x125xi32, #tpu.memory_space<hbm>> -> memref<8x125xi32, #tpu.memory_space<hbm>>
        %dma_wait3A_894 = arith.constant 0 : i32
        %dma_wait3A_895 = arith.constant 0 : i32
        %dma_wait3A_896 = tpu.memref_slice %arg7[%run_scoped3A, %dma_wait3A_894, %dma_wait3A_895] : memref<2x8x125xi32, #tpu.memory_space<vmem>> -> memref<1x8x125xi32, #tpu.memory_space<vmem>>
        %dma_wait3A_897 = tpu.memref_squeeze %dma_wait3A_896 : memref<1x8x125xi32, #tpu.memory_space<vmem>> -> memref<8x125xi32, #tpu.memory_space<vmem>>
        %dma_wait3A_898 = arith.constant 0 : i32
        %dma_wait3A_899 = tpu.memref_slice %arg3[%mul3A_45, %dma_wait3A_898] : memref<2560x125xi32, #tpu.memory_space<hbm>> -> memref<8x125xi32, #tpu.memory_space<hbm>>
        tpu.wait_dma2 semaphore(%run_scoped3A_875 : memref<!tpu.dma_semaphore, #tpu.memory_space<semaphore_mem>>) src(%dma_wait3A_899 : memref<8x125xi32, #tpu.memory_space<hbm>>) dst(%dma_wait3A_897 : memref<8x125xi32, #tpu.memory_space<vmem>>)
        tpu.yield
      }) : () -> ()
      %mul3A_46 = arith.constant 8 : i32
      %mul3A_47 = arith.muli %add3A_43, %mul3A_46 : i32
      %run_scoped3A_48 = arith.constant 0 : i32
      "tpu.region"() ({
        %run_scoped3A_875 = tpu.sem_alloc : memref<!tpu.dma_semaphore, #tpu.memory_space<semaphore_mem>>
        %dma_start3A_876 = arith.constant 0 : i32
        %dma_start3A_877 = arith.constant 0 : i32
        %dma_start3A_878 = tpu.memref_slice %arg8[%run_scoped3A_48, %dma_start3A_876, %dma_start3A_877] : memref<2x8x125xi32, #tpu.memory_space<vmem>> -> memref<1x8x125xi32, #tpu.memory_space<vmem>>
        %dma_start3A_879 = tpu.memref_squeeze %dma_start3A_878 : memref<1x8x125xi32, #tpu.memory_space<vmem>> -> memref<8x125xi32, #tpu.memory_space<vmem>>
        %dma_start3A_880 = arith.constant 0 : i32
        %dma_start3A_881 = tpu.memref_slice %arg4[%mul3A_47, %dma_start3A_880] : memref<2560x125xi32, #tpu.memory_space<hbm>> -> memref<8x125xi32, #tpu.memory_space<hbm>>
        %dma_start3A_882 = arith.constant 0 : i32
        %dma_start3A_883 = arith.constant 0 : i32
        %dma_start3A_884 = tpu.memref_slice %arg8[%run_scoped3A_48, %dma_start3A_882, %dma_start3A_883] : memref<2x8x125xi32, #tpu.memory_space<vmem>> -> memref<1x8x125xi32, #tpu.memory_space<vmem>>
        %dma_start3A_885 = tpu.memref_squeeze %dma_start3A_884 : memref<1x8x125xi32, #tpu.memory_space<vmem>> -> memref<8x125xi32, #tpu.memory_space<vmem>>
        %dma_start3A_886 = arith.constant 0 : i32
        %dma_start3A_887 = tpu.memref_slice %arg4[%mul3A_47, %dma_start3A_886] : memref<2560x125xi32, #tpu.memory_space<hbm>> -> memref<8x125xi32, #tpu.memory_space<hbm>>
        tpu.enqueue_dma source(%dma_start3A_887 : memref<8x125xi32, #tpu.memory_space<hbm>>) target(%dma_start3A_885 : memref<8x125xi32, #tpu.memory_space<vmem>>) target_semaphore(%run_scoped3A_875 : memref<!tpu.dma_semaphore, #tpu.memory_space<semaphore_mem>>)
        %dma_wait3A_888 = arith.constant 0 : i32
        %dma_wait3A_889 = arith.constant 0 : i32
        %dma_wait3A_890 = tpu.memref_slice %arg8[%run_scoped3A_48, %dma_wait3A_888, %dma_wait3A_889] : memref<2x8x125xi32, #tpu.memory_space<vmem>> -> memref<1x8x125xi32, #tpu.memory_space<vmem>>
        %dma_wait3A_891 = tpu.memref_squeeze %dma_wait3A_890 : memref<1x8x125xi32, #tpu.memory_space<vmem>> -> memref<8x125xi32, #tpu.memory_space<vmem>>
        %dma_wait3A_892 = arith.constant 0 : i32
        %dma_wait3A_893 = tpu.memref_slice %arg4[%mul3A_47, %dma_wait3A_892] : memref<2560x125xi32, #tpu.memory_space<hbm>> -> memref<8x125xi32, #tpu.memory_space<hbm>>
        %dma_wait3A_894 = arith.constant 0 : i32
        %dma_wait3A_895 = arith.constant 0 : i32
        %dma_wait3A_896 = tpu.memref_slice %arg8[%run_scoped3A_48, %dma_wait3A_894, %dma_wait3A_895] : memref<2x8x125xi32, #tpu.memory_space<vmem>> -> memref<1x8x125xi32, #tpu.memory_space<vmem>>
        %dma_wait3A_897 = tpu.memref_squeeze %dma_wait3A_896 : memref<1x8x125xi32, #tpu.memory_space<vmem>> -> memref<8x125xi32, #tpu.memory_space<vmem>>
        %dma_wait3A_898 = arith.constant 0 : i32
        %dma_wait3A_899 = tpu.memref_slice %arg4[%mul3A_47, %dma_wait3A_898] : memref<2560x125xi32, #tpu.memory_space<hbm>> -> memref<8x125xi32, #tpu.memory_space<hbm>>
        tpu.wait_dma2 semaphore(%run_scoped3A_875 : memref<!tpu.dma_semaphore, #tpu.memory_space<semaphore_mem>>) src(%dma_wait3A_899 : memref<8x125xi32, #tpu.memory_space<hbm>>) dst(%dma_wait3A_897 : memref<8x125xi32, #tpu.memory_space<vmem>>)
        tpu.yield
      }) : () -> ()
      %gt3A = arith.constant 0 : i32
      %gt3A_49 = arith.cmpi sgt, %scan3A_35, %gt3A : i32
      %convert_element_type3A = arith.extui %gt3A_49 : i1 to i32
      %cond3A = arith.constant 0 : i32
      %cond3A_50 = arith.cmpi ne, %convert_element_type3A, %cond3A : i32
      scf.if %cond3A_50 {
        %dma_wait3A_875 = arith.constant 0 : i32
        %dma_wait3A_876 = arith.constant 1 : i32
        %dma_wait3A_877 = arith.constant 0 : i32
        %dma_wait3A_878 = arith.constant 0 : i32
        %dma_wait3A_879 = arith.constant 0 : i32
        %dma_wait3A_880 = tpu.memref_slice %arg9[%dma_wait3A_875, %dma_wait3A_878, %dma_wait3A_879] : memref<2x125x128xf32, #tpu.memory_space<vmem>> -> memref<1x125x128xf32, #tpu.memory_space<vmem>>
        %dma_wait3A_881 = tpu.memref_squeeze %dma_wait3A_880 : memref<1x125x128xf32, #tpu.memory_space<vmem>> -> memref<125x128xf32, #tpu.memory_space<vmem>>
        %dma_wait3A_882 = arith.constant 0 : i32
        %dma_wait3A_883 = tpu.memref_slice %arg8[%dma_wait3A_876, %dma_wait3A_877, %dma_wait3A_882] : memref<2x8x125xi32, #tpu.memory_space<vmem>> -> memref<1x1x125xi32, #tpu.memory_space<vmem>>
        %dma_wait3A_884 = tpu.memref_squeeze %dma_wait3A_883 : memref<1x1x125xi32, #tpu.memory_space<vmem>> -> memref<125xi32, #tpu.memory_space<vmem>>
        %dma_wait3A_885 = arith.constant 0 : i32
        %dma_wait3A_886 = arith.constant 0 : i32
        %dma_wait3A_887 = tpu.memref_slice %arg10[%dma_wait3A_885, %dma_wait3A_886] : memref<10112x128xf32, #tpu.memory_space<vmem_shared>> -> memref<10112x128xf32, #tpu.memory_space<vmem_shared>>
        tpu.wait_indirect_dma semaphore(%arg13 : memref<!tpu.dma_semaphore, #tpu.memory_space<semaphore_mem>>) src(%dma_wait3A_881 : memref<125x128xf32, #tpu.memory_space<vmem>>) dst(%dma_wait3A_887 : memref<10112x128xf32, #tpu.memory_space<vmem_shared>>)
      } else {
      }
      %dma_start3A = arith.constant 0 : i32
      %dma_start3A_51 = arith.constant 0 : i32
      %dma_start3A_52 = arith.constant 0 : i32
      %dma_start3A_53 = arith.constant 0 : i32
      %dma_start3A_54 = arith.constant 0 : i32
      %dma_start3A_55 = tpu.memref_slice %arg9[%dma_start3A_52, %dma_start3A_53, %dma_start3A_54] : memref<2x125x128xf32, #tpu.memory_space<vmem>> -> memref<1x125x128xf32, #tpu.memory_space<vmem>>
      %dma_start3A_56 = tpu.memref_squeeze %dma_start3A_55 : memref<1x125x128xf32, #tpu.memory_space<vmem>> -> memref<125x128xf32, #tpu.memory_space<vmem>>
      %dma_start3A_57 = arith.constant 0 : i32
      %dma_start3A_58 = tpu.memref_slice %arg7[%dma_start3A, %dma_start3A_51, %dma_start3A_57] : memref<2x8x125xi32, #tpu.memory_space<vmem>> -> memref<1x1x125xi32, #tpu.memory_space<vmem>>
      %dma_start3A_59 = tpu.memref_squeeze %dma_start3A_58 : memref<1x1x125xi32, #tpu.memory_space<vmem>> -> memref<125xi32, #tpu.memory_space<vmem>>
      %dma_start3A_60 = arith.constant 0 : i32
      %dma_start3A_61 = arith.constant 0 : i32
      %dma_start3A_62 = tpu.memref_slice %arg2[%dma_start3A_60, %dma_start3A_61] : memref<10000x128xf32, #tpu.memory_space<hbm>> -> memref<10000x128xf32, #tpu.memory_space<hbm>>
      tpu.enqueue_indirect_dma source(%dma_start3A_62 : memref<10000x128xf32, #tpu.memory_space<hbm>>) target(%dma_start3A_56 : memref<125x128xf32, #tpu.memory_space<vmem>>) offsets(%dma_start3A_59 : memref<125xi32, #tpu.memory_space<vmem>>) semaphore(%arg11 : memref<!tpu.dma_semaphore, #tpu.memory_space<semaphore_mem>>)
      %gt3A_63 = arith.constant 0 : i32
      %gt3A_64 = arith.cmpi sgt, %scan3A_35, %gt3A_63 : i32
      %convert_element_type3A_65 = arith.extui %gt3A_64 : i1 to i32
      %cond3A_66 = arith.constant 0 : i32
      %cond3A_67 = arith.cmpi ne, %convert_element_type3A_65, %cond3A_66 : i32
      scf.if %cond3A_67 {
        %dma_wait3A_875 = arith.constant 1 : i32
        %dma_wait3A_876 = arith.constant 1 : i32
        %dma_wait3A_877 = arith.constant 0 : i32
        %dma_wait3A_878 = arith.constant 0 : i32
        %dma_wait3A_879 = arith.constant 0 : i32
        %dma_wait3A_880 = tpu.memref_slice %arg9[%dma_wait3A_875, %dma_wait3A_878, %dma_wait3A_879] : memref<2x125x128xf32, #tpu.memory_space<vmem>> -> memref<1x125x128xf32, #tpu.memory_space<vmem>>
        %dma_wait3A_881 = tpu.memref_squeeze %dma_wait3A_880 : memref<1x125x128xf32, #tpu.memory_space<vmem>> -> memref<125x128xf32, #tpu.memory_space<vmem>>
        %dma_wait3A_882 = arith.constant 0 : i32
        %dma_wait3A_883 = tpu.memref_slice %arg8[%dma_wait3A_876, %dma_wait3A_877, %dma_wait3A_882] : memref<2x8x125xi32, #tpu.memory_space<vmem>> -> memref<1x1x125xi32, #tpu.memory_space<vmem>>
        %dma_wait3A_884 = tpu.memref_squeeze %dma_wait3A_883 : memref<1x1x125xi32, #tpu.memory_space<vmem>> -> memref<125xi32, #tpu.memory_space<vmem>>
        %dma_wait3A_885 = arith.constant 0 : i32
        %dma_wait3A_886 = arith.constant 0 : i32
        %dma_wait3A_887 = tpu.memref_slice %arg10[%dma_wait3A_885, %dma_wait3A_886] : memref<10112x128xf32, #tpu.memory_space<vmem_shared>> -> memref<10112x128xf32, #tpu.memory_space<vmem_shared>>
        tpu.wait_indirect_dma semaphore(%arg14 : memref<!tpu.dma_semaphore, #tpu.memory_space<semaphore_mem>>) src(%dma_wait3A_881 : memref<125x128xf32, #tpu.memory_space<vmem>>) dst(%dma_wait3A_887 : memref<10112x128xf32, #tpu.memory_space<vmem_shared>>)
      } else {
      }
      %dma_start3A_68 = arith.constant 0 : i32
      %dma_start3A_69 = arith.constant 1 : i32
      %dma_start3A_70 = arith.constant 1 : i32
      %dma_start3A_71 = arith.constant 0 : i32
      %dma_start3A_72 = arith.constant 0 : i32
      %dma_start3A_73 = tpu.memref_slice %arg9[%dma_start3A_70, %dma_start3A_71, %dma_start3A_72] : memref<2x125x128xf32, #tpu.memory_space<vmem>> -> memref<1x125x128xf32, #tpu.memory_space<vmem>>
      %dma_start3A_74 = tpu.memref_squeeze %dma_start3A_73 : memref<1x125x128xf32, #tpu.memory_space<vmem>> -> memref<125x128xf32, #tpu.memory_space<vmem>>
      %dma_start3A_75 = arith.constant 0 : i32
      %dma_start3A_76 = tpu.memref_slice %arg7[%dma_start3A_68, %dma_start3A_69, %dma_start3A_75] : memref<2x8x125xi32, #tpu.memory_space<vmem>> -> memref<1x1x125xi32, #tpu.memory_space<vmem>>
      %dma_start3A_77 = tpu.memref_squeeze %dma_start3A_76 : memref<1x1x125xi32, #tpu.memory_space<vmem>> -> memref<125xi32, #tpu.memory_space<vmem>>
      %dma_start3A_78 = arith.constant 0 : i32
      %dma_start3A_79 = arith.constant 0 : i32
      %dma_start3A_80 = tpu.memref_slice %arg2[%dma_start3A_78, %dma_start3A_79] : memref<10000x128xf32, #tpu.memory_space<hbm>> -> memref<10000x128xf32, #tpu.memory_space<hbm>>
      tpu.enqueue_indirect_dma source(%dma_start3A_80 : memref<10000x128xf32, #tpu.memory_space<hbm>>) target(%dma_start3A_74 : memref<125x128xf32, #tpu.memory_space<vmem>>) offsets(%dma_start3A_77 : memref<125xi32, #tpu.memory_space<vmem>>) semaphore(%arg12 : memref<!tpu.dma_semaphore, #tpu.memory_space<semaphore_mem>>)
      %dma_wait3A_81 = arith.constant 0 : i32
      %dma_wait3A_82 = arith.constant 0 : i32
      %dma_wait3A_83 = arith.constant 0 : i32
      %dma_wait3A_84 = arith.constant 0 : i32
      %dma_wait3A_85 = arith.constant 0 : i32
      %dma_wait3A_86 = tpu.memref_slice %arg9[%dma_wait3A_83, %dma_wait3A_84, %dma_wait3A_85] : memref<2x125x128xf32, #tpu.memory_space<vmem>> -> memref<1x125x128xf32, #tpu.memory_space<vmem>>
      %dma_wait3A_87 = tpu.memref_squeeze %dma_wait3A_86 : memref<1x125x128xf32, #tpu.memory_space<vmem>> -> memref<125x128xf32, #tpu.memory_space<vmem>>
      %dma_wait3A_88 = arith.constant 0 : i32
      %dma_wait3A_89 = tpu.memref_slice %arg7[%dma_wait3A_81, %dma_wait3A_82, %dma_wait3A_88] : memref<2x8x125xi32, #tpu.memory_space<vmem>> -> memref<1x1x125xi32, #tpu.memory_space<vmem>>
      %dma_wait3A_90 = tpu.memref_squeeze %dma_wait3A_89 : memref<1x1x125xi32, #tpu.memory_space<vmem>> -> memref<125xi32, #tpu.memory_space<vmem>>
      %dma_wait3A_91 = arith.constant 0 : i32
      %dma_wait3A_92 = arith.constant 0 : i32
      %dma_wait3A_93 = tpu.memref_slice %arg2[%dma_wait3A_91, %dma_wait3A_92] : memref<10000x128xf32, #tpu.memory_space<hbm>> -> memref<10000x128xf32, #tpu.memory_space<hbm>>
      tpu.wait_indirect_dma semaphore(%arg11 : memref<!tpu.dma_semaphore, #tpu.memory_space<semaphore_mem>>) src(%dma_wait3A_93 : memref<10000x128xf32, #tpu.memory_space<hbm>>) dst(%dma_wait3A_87 : memref<125x128xf32, #tpu.memory_space<vmem>>)
      %dma_start3A_94 = arith.constant 0 : i32
      %dma_start3A_95 = arith.constant 0 : i32
      %dma_start3A_96 = arith.constant 0 : i32
      %dma_start3A_97 = arith.constant 0 : i32
      %dma_start3A_98 = arith.constant 0 : i32
      %dma_start3A_99 = tpu.memref_slice %arg9[%dma_start3A_94, %dma_start3A_97, %dma_start3A_98] : memref<2x125x128xf32, #tpu.memory_space<vmem>> -> memref<1x125x128xf32, #tpu.memory_space<vmem>>
      %dma_start3A_100 = tpu.memref_squeeze %dma_start3A_99 : memref<1x125x128xf32, #tpu.memory_space<vmem>> -> memref<125x128xf32, #tpu.memory_space<vmem>>
      %dma_start3A_101 = arith.constant 0 : i32
      %dma_start3A_102 = tpu.memref_slice %arg8[%dma_start3A_95, %dma_start3A_96, %dma_start3A_101] : memref<2x8x125xi32, #tpu.memory_space<vmem>> -> memref<1x1x125xi32, #tpu.memory_space<vmem>>
      %dma_start3A_103 = tpu.memref_squeeze %dma_start3A_102 : memref<1x1x125xi32, #tpu.memory_space<vmem>> -> memref<125xi32, #tpu.memory_space<vmem>>
      %dma_start3A_104 = arith.constant 0 : i32
      %dma_start3A_105 = arith.constant 0 : i32
      %dma_start3A_106 = tpu.memref_slice %arg10[%dma_start3A_104, %dma_start3A_105] : memref<10112x128xf32, #tpu.memory_space<vmem_shared>> -> memref<10112x128xf32, #tpu.memory_space<vmem_shared>>
      tpu.enqueue_indirect_dma source(%dma_start3A_100 : memref<125x128xf32, #tpu.memory_space<vmem>>) target(%dma_start3A_106 : memref<10112x128xf32, #tpu.memory_space<vmem_shared>>) offsets(%dma_start3A_103 : memref<125xi32, #tpu.memory_space<vmem>>) semaphore(%arg13 : memref<!tpu.dma_semaphore, #tpu.memory_space<semaphore_mem>>) {add = true}
      %dma_wait3A_107 = arith.constant 0 : i32
      %dma_wait3A_108 = arith.constant 0 : i32
      %dma_wait3A_109 = arith.constant 0 : i32
      %dma_wait3A_110 = arith.constant 0 : i32
      %dma_wait3A_111 = arith.constant 0 : i32
      %dma_wait3A_112 = tpu.memref_slice %arg9[%dma_wait3A_107, %dma_wait3A_110, %dma_wait3A_111] : memref<2x125x128xf32, #tpu.memory_space<vmem>> -> memref<1x125x128xf32, #tpu.memory_space<vmem>>
      %dma_wait3A_113 = tpu.memref_squeeze %dma_wait3A_112 : memref<1x125x128xf32, #tpu.memory_space<vmem>> -> memref<125x128xf32, #tpu.memory_space<vmem>>
      %dma_wait3A_114 = arith.constant 0 : i32
      %dma_wait3A_115 = tpu.memref_slice %arg8[%dma_wait3A_108, %dma_wait3A_109, %dma_wait3A_114] : memref<2x8x125xi32, #tpu.memory_space<vmem>> -> memref<1x1x125xi32, #tpu.memory_space<vmem>>
      %dma_wait3A_116 = tpu.memref_squeeze %dma_wait3A_115 : memref<1x1x125xi32, #tpu.memory_space<vmem>> -> memref<125xi32, #tpu.memory_space<vmem>>
      %dma_wait3A_117 = arith.constant 0 : i32
      %dma_wait3A_118 = arith.constant 0 : i32
      %dma_wait3A_119 = tpu.memref_slice %arg10[%dma_wait3A_117, %dma_wait3A_118] : memref<10112x128xf32, #tpu.memory_space<vmem_shared>> -> memref<10112x128xf32, #tpu.memory_space<vmem_shared>>
      tpu.wait_indirect_dma semaphore(%arg13 : memref<!tpu.dma_semaphore, #tpu.memory_space<semaphore_mem>>) src(%dma_wait3A_113 : memref<125x128xf32, #tpu.memory_space<vmem>>) dst(%dma_wait3A_119 : memref<10112x128xf32, #tpu.memory_space<vmem_shared>>)
      %dma_start3A_120 = arith.constant 0 : i32
      %dma_start3A_121 = arith.constant 2 : i32
      %dma_start3A_122 = arith.constant 0 : i32
      %dma_start3A_123 = arith.constant 0 : i32
      %dma_start3A_124 = arith.constant 0 : i32
      %dma_start3A_125 = tpu.memref_slice %arg9[%dma_start3A_122, %dma_start3A_123, %dma_start3A_124] : memref<2x125x128xf32, #tpu.memory_space<vmem>> -> memref<1x125x128xf32, #tpu.memory_space<vmem>>
      %dma_start3A_126 = tpu.memref_squeeze %dma_start3A_125 : memref<1x125x128xf32, #tpu.memory_space<vmem>> -> memref<125x128xf32, #tpu.memory_space<vmem>>
      %dma_start3A_127 = arith.constant 0 : i32
      %dma_start3A_128 = tpu.memref_slice %arg7[%dma_start3A_120, %dma_start3A_121, %dma_start3A_127] : memref<2x8x125xi32, #tpu.memory_space<vmem>> -> memref<1x1x125xi32, #tpu.memory_space<vmem>>
      %dma_start3A_129 = tpu.memref_squeeze %dma_start3A_128 : memref<1x1x125xi32, #tpu.memory_space<vmem>> -> memref<125xi32, #tpu.memory_space<vmem>>
      %dma_start3A_130 = arith.constant 0 : i32
      %dma_start3A_131 = arith.constant 0 : i32
      %dma_start3A_132 = tpu.memref_slice %arg2[%dma_start3A_130, %dma_start3A_131] : memref<10000x128xf32, #tpu.memory_space<hbm>> -> memref<10000x128xf32, #tpu.memory_space<hbm>>
      tpu.enqueue_indirect_dma source(%dma_start3A_132 : memref<10000x128xf32, #tpu.memory_space<hbm>>) target(%dma_start3A_126 : memref<125x128xf32, #tpu.memory_space<vmem>>) offsets(%dma_start3A_129 : memref<125xi32, #tpu.memory_space<vmem>>) semaphore(%arg11 : memref<!tpu.dma_semaphore, #tpu.memory_space<semaphore_mem>>)
      %dma_wait3A_133 = arith.constant 0 : i32
      %dma_wait3A_134 = arith.constant 1 : i32
      %dma_wait3A_135 = arith.constant 1 : i32
      %dma_wait3A_136 = arith.constant 0 : i32
      %dma_wait3A_137 = arith.constant 0 : i32
      %dma_wait3A_138 = tpu.memref_slice %arg9[%dma_wait3A_135, %dma_wait3A_136, %dma_wait3A_137] : memref<2x125x128xf32, #tpu.memory_space<vmem>> -> memref<1x125x128xf32, #tpu.memory_space<vmem>>
      %dma_wait3A_139 = tpu.memref_squeeze %dma_wait3A_138 : memref<1x125x128xf32, #tpu.memory_space<vmem>> -> memref<125x128xf32, #tpu.memory_space<vmem>>
      %dma_wait3A_140 = arith.constant 0 : i32
      %dma_wait3A_141 = tpu.memref_slice %arg7[%dma_wait3A_133, %dma_wait3A_134, %dma_wait3A_140] : memref<2x8x125xi32, #tpu.memory_space<vmem>> -> memref<1x1x125xi32, #tpu.memory_space<vmem>>
      %dma_wait3A_142 = tpu.memref_squeeze %dma_wait3A_141 : memref<1x1x125xi32, #tpu.memory_space<vmem>> -> memref<125xi32, #tpu.memory_space<vmem>>
      %dma_wait3A_143 = arith.constant 0 : i32
      %dma_wait3A_144 = arith.constant 0 : i32
      %dma_wait3A_145 = tpu.memref_slice %arg2[%dma_wait3A_143, %dma_wait3A_144] : memref<10000x128xf32, #tpu.memory_space<hbm>> -> memref<10000x128xf32, #tpu.memory_space<hbm>>
      tpu.wait_indirect_dma semaphore(%arg12 : memref<!tpu.dma_semaphore, #tpu.memory_space<semaphore_mem>>) src(%dma_wait3A_145 : memref<10000x128xf32, #tpu.memory_space<hbm>>) dst(%dma_wait3A_139 : memref<125x128xf32, #tpu.memory_space<vmem>>)
      %dma_start3A_146 = arith.constant 1 : i32
      %dma_start3A_147 = arith.constant 0 : i32
      %dma_start3A_148 = arith.constant 1 : i32
      %dma_start3A_149 = arith.constant 0 : i32
      %dma_start3A_150 = arith.constant 0 : i32
      %dma_start3A_151 = tpu.memref_slice %arg9[%dma_start3A_146, %dma_start3A_149, %dma_start3A_150] : memref<2x125x128xf32, #tpu.memory_space<vmem>> -> memref<1x125x128xf32, #tpu.memory_space<vmem>>
      %dma_start3A_152 = tpu.memref_squeeze %dma_start3A_151 : memref<1x125x128xf32, #tpu.memory_space<vmem>> -> memref<125x128xf32, #tpu.memory_space<vmem>>
      %dma_start3A_153 = arith.constant 0 : i32
      %dma_start3A_154 = tpu.memref_slice %arg8[%dma_start3A_147, %dma_start3A_148, %dma_start3A_153] : memref<2x8x125xi32, #tpu.memory_space<vmem>> -> memref<1x1x125xi32, #tpu.memory_space<vmem>>
      %dma_start3A_155 = tpu.memref_squeeze %dma_start3A_154 : memref<1x1x125xi32, #tpu.memory_space<vmem>> -> memref<125xi32, #tpu.memory_space<vmem>>
      %dma_start3A_156 = arith.constant 0 : i32
      %dma_start3A_157 = arith.constant 0 : i32
      %dma_start3A_158 = tpu.memref_slice %arg10[%dma_start3A_156, %dma_start3A_157] : memref<10112x128xf32, #tpu.memory_space<vmem_shared>> -> memref<10112x128xf32, #tpu.memory_space<vmem_shared>>
      tpu.enqueue_indirect_dma source(%dma_start3A_152 : memref<125x128xf32, #tpu.memory_space<vmem>>) target(%dma_start3A_158 : memref<10112x128xf32, #tpu.memory_space<vmem_shared>>) offsets(%dma_start3A_155 : memref<125xi32, #tpu.memory_space<vmem>>) semaphore(%arg14 : memref<!tpu.dma_semaphore, #tpu.memory_space<semaphore_mem>>) {add = true}
      %dma_wait3A_159 = arith.constant 1 : i32
      %dma_wait3A_160 = arith.constant 0 : i32
      %dma_wait3A_161 = arith.constant 1 : i32
      %dma_wait3A_162 = arith.constant 0 : i32
      %dma_wait3A_163 = arith.constant 0 : i32
      %dma_wait3A_164 = tpu.memref_slice %arg9[%dma_wait3A_159, %dma_wait3A_162, %dma_wait3A_163] : memref<2x125x128xf32, #tpu.memory_space<vmem>> -> memref<1x125x128xf32, #tpu.memory_space<vmem>>
      %dma_wait3A_165 = tpu.memref_squeeze %dma_wait3A_164 : memref<1x125x128xf32, #tpu.memory_space<vmem>> -> memref<125x128xf32, #tpu.memory_space<vmem>>
      %dma_wait3A_166 = arith.constant 0 : i32
      %dma_wait3A_167 = tpu.memref_slice %arg8[%dma_wait3A_160, %dma_wait3A_161, %dma_wait3A_166] : memref<2x8x125xi32, #tpu.memory_space<vmem>> -> memref<1x1x125xi32, #tpu.memory_space<vmem>>
      %dma_wait3A_168 = tpu.memref_squeeze %dma_wait3A_167 : memref<1x1x125xi32, #tpu.memory_space<vmem>> -> memref<125xi32, #tpu.memory_space<vmem>>
      %dma_wait3A_169 = arith.constant 0 : i32
      %dma_wait3A_170 = arith.constant 0 : i32
      %dma_wait3A_171 = tpu.memref_slice %arg10[%dma_wait3A_169, %dma_wait3A_170] : memref<10112x128xf32, #tpu.memory_space<vmem_shared>> -> memref<10112x128xf32, #tpu.memory_space<vmem_shared>>
      tpu.wait_indirect_dma semaphore(%arg14 : memref<!tpu.dma_semaphore, #tpu.memory_space<semaphore_mem>>) src(%dma_wait3A_165 : memref<125x128xf32, #tpu.memory_space<vmem>>) dst(%dma_wait3A_171 : memref<10112x128xf32, #tpu.memory_space<vmem_shared>>)
      %dma_start3A_172 = arith.constant 0 : i32
      %dma_start3A_173 = arith.constant 3 : i32
      %dma_start3A_174 = arith.constant 1 : i32
      %dma_start3A_175 = arith.constant 0 : i32
      %dma_start3A_176 = arith.constant 0 : i32
      %dma_start3A_177 = tpu.memref_slice %arg9[%dma_start3A_174, %dma_start3A_175, %dma_start3A_176] : memref<2x125x128xf32, #tpu.memory_space<vmem>> -> memref<1x125x128xf32, #tpu.memory_space<vmem>>
      %dma_start3A_178 = tpu.memref_squeeze %dma_start3A_177 : memref<1x125x128xf32, #tpu.memory_space<vmem>> -> memref<125x128xf32, #tpu.memory_space<vmem>>
      %dma_start3A_179 = arith.constant 0 : i32
      %dma_start3A_180 = tpu.memref_slice %arg7[%dma_start3A_172, %dma_start3A_173, %dma_start3A_179] : memref<2x8x125xi32, #tpu.memory_space<vmem>> -> memref<1x1x125xi32, #tpu.memory_space<vmem>>
      %dma_start3A_181 = tpu.memref_squeeze %dma_start3A_180 : memref<1x1x125xi32, #tpu.memory_space<vmem>> -> memref<125xi32, #tpu.memory_space<vmem>>
      %dma_start3A_182 = arith.constant 0 : i32
      %dma_start3A_183 = arith.constant 0 : i32
      %dma_start3A_184 = tpu.memref_slice %arg2[%dma_start3A_182, %dma_start3A_183] : memref<10000x128xf32, #tpu.memory_space<hbm>> -> memref<10000x128xf32, #tpu.memory_space<hbm>>
      tpu.enqueue_indirect_dma source(%dma_start3A_184 : memref<10000x128xf32, #tpu.memory_space<hbm>>) target(%dma_start3A_178 : memref<125x128xf32, #tpu.memory_space<vmem>>) offsets(%dma_start3A_181 : memref<125xi32, #tpu.memory_space<vmem>>) semaphore(%arg12 : memref<!tpu.dma_semaphore, #tpu.memory_space<semaphore_mem>>)
      %dma_wait3A_185 = arith.constant 0 : i32
      %dma_wait3A_186 = arith.constant 2 : i32
      %dma_wait3A_187 = arith.constant 0 : i32
      %dma_wait3A_188 = arith.constant 0 : i32
      %dma_wait3A_189 = arith.constant 0 : i32
      %dma_wait3A_190 = tpu.memref_slice %arg9[%dma_wait3A_187, %dma_wait3A_188, %dma_wait3A_189] : memref<2x125x128xf32, #tpu.memory_space<vmem>> -> memref<1x125x128xf32, #tpu.memory_space<vmem>>
      %dma_wait3A_191 = tpu.memref_squeeze %dma_wait3A_190 : memref<1x125x128xf32, #tpu.memory_space<vmem>> -> memref<125x128xf32, #tpu.memory_space<vmem>>
      %dma_wait3A_192 = arith.constant 0 : i32
      %dma_wait3A_193 = tpu.memref_slice %arg7[%dma_wait3A_185, %dma_wait3A_186, %dma_wait3A_192] : memref<2x8x125xi32, #tpu.memory_space<vmem>> -> memref<1x1x125xi32, #tpu.memory_space<vmem>>
      %dma_wait3A_194 = tpu.memref_squeeze %dma_wait3A_193 : memref<1x1x125xi32, #tpu.memory_space<vmem>> -> memref<125xi32, #tpu.memory_space<vmem>>
      %dma_wait3A_195 = arith.constant 0 : i32
      %dma_wait3A_196 = arith.constant 0 : i32
      %dma_wait3A_197 = tpu.memref_slice %arg2[%dma_wait3A_195, %dma_wait3A_196] : memref<10000x128xf32, #tpu.memory_space<hbm>> -> memref<10000x128xf32, #tpu.memory_space<hbm>>
      tpu.wait_indirect_dma semaphore(%arg11 : memref<!tpu.dma_semaphore, #tpu.memory_space<semaphore_mem>>) src(%dma_wait3A_197 : memref<10000x128xf32, #tpu.memory_space<hbm>>) dst(%dma_wait3A_191 : memref<125x128xf32, #tpu.memory_space<vmem>>)
      %dma_start3A_198 = arith.constant 0 : i32
      %dma_start3A_199 = arith.constant 0 : i32
      %dma_start3A_200 = arith.constant 2 : i32
      %dma_start3A_201 = arith.constant 0 : i32
      %dma_start3A_202 = arith.constant 0 : i32
      %dma_start3A_203 = tpu.memref_slice %arg9[%dma_start3A_198, %dma_start3A_201, %dma_start3A_202] : memref<2x125x128xf32, #tpu.memory_space<vmem>> -> memref<1x125x128xf32, #tpu.memory_space<vmem>>
      %dma_start3A_204 = tpu.memref_squeeze %dma_start3A_203 : memref<1x125x128xf32, #tpu.memory_space<vmem>> -> memref<125x128xf32, #tpu.memory_space<vmem>>
      %dma_start3A_205 = arith.constant 0 : i32
      %dma_start3A_206 = tpu.memref_slice %arg8[%dma_start3A_199, %dma_start3A_200, %dma_start3A_205] : memref<2x8x125xi32, #tpu.memory_space<vmem>> -> memref<1x1x125xi32, #tpu.memory_space<vmem>>
      %dma_start3A_207 = tpu.memref_squeeze %dma_start3A_206 : memref<1x1x125xi32, #tpu.memory_space<vmem>> -> memref<125xi32, #tpu.memory_space<vmem>>
      %dma_start3A_208 = arith.constant 0 : i32
      %dma_start3A_209 = arith.constant 0 : i32
      %dma_start3A_210 = tpu.memref_slice %arg10[%dma_start3A_208, %dma_start3A_209] : memref<10112x128xf32, #tpu.memory_space<vmem_shared>> -> memref<10112x128xf32, #tpu.memory_space<vmem_shared>>
      tpu.enqueue_indirect_dma source(%dma_start3A_204 : memref<125x128xf32, #tpu.memory_space<vmem>>) target(%dma_start3A_210 : memref<10112x128xf32, #tpu.memory_space<vmem_shared>>) offsets(%dma_start3A_207 : memref<125xi32, #tpu.memory_space<vmem>>) semaphore(%arg13 : memref<!tpu.dma_semaphore, #tpu.memory_space<semaphore_mem>>) {add = true}
      %dma_wait3A_211 = arith.constant 0 : i32
      %dma_wait3A_212 = arith.constant 0 : i32
      %dma_wait3A_213 = arith.constant 2 : i32
      %dma_wait3A_214 = arith.constant 0 : i32
      %dma_wait3A_215 = arith.constant 0 : i32
      %dma_wait3A_216 = tpu.memref_slice %arg9[%dma_wait3A_211, %dma_wait3A_214, %dma_wait3A_215] : memref<2x125x128xf32, #tpu.memory_space<vmem>> -> memref<1x125x128xf32, #tpu.memory_space<vmem>>
      %dma_wait3A_217 = tpu.memref_squeeze %dma_wait3A_216 : memref<1x125x128xf32, #tpu.memory_space<vmem>> -> memref<125x128xf32, #tpu.memory_space<vmem>>
      %dma_wait3A_218 = arith.constant 0 : i32
      %dma_wait3A_219 = tpu.memref_slice %arg8[%dma_wait3A_212, %dma_wait3A_213, %dma_wait3A_218] : memref<2x8x125xi32, #tpu.memory_space<vmem>> -> memref<1x1x125xi32, #tpu.memory_space<vmem>>
      %dma_wait3A_220 = tpu.memref_squeeze %dma_wait3A_219 : memref<1x1x125xi32, #tpu.memory_space<vmem>> -> memref<125xi32, #tpu.memory_space<vmem>>
      %dma_wait3A_221 = arith.constant 0 : i32
      %dma_wait3A_222 = arith.constant 0 : i32
      %dma_wait3A_223 = tpu.memref_slice %arg10[%dma_wait3A_221, %dma_wait3A_222] : memref<10112x128xf32, #tpu.memory_space<vmem_shared>> -> memref<10112x128xf32, #tpu.memory_space<vmem_shared>>
      tpu.wait_indirect_dma semaphore(%arg13 : memref<!tpu.dma_semaphore, #tpu.memory_space<semaphore_mem>>) src(%dma_wait3A_217 : memref<125x128xf32, #tpu.memory_space<vmem>>) dst(%dma_wait3A_223 : memref<10112x128xf32, #tpu.memory_space<vmem_shared>>)
      %dma_start3A_224 = arith.constant 0 : i32
      %dma_start3A_225 = arith.constant 4 : i32
      %dma_start3A_226 = arith.constant 0 : i32
      %dma_start3A_227 = arith.constant 0 : i32
      %dma_start3A_228 = arith.constant 0 : i32
      %dma_start3A_229 = tpu.memref_slice %arg9[%dma_start3A_226, %dma_start3A_227, %dma_start3A_228] : memref<2x125x128xf32, #tpu.memory_space<vmem>> -> memref<1x125x128xf32, #tpu.memory_space<vmem>>
      %dma_start3A_230 = tpu.memref_squeeze %dma_start3A_229 : memref<1x125x128xf32, #tpu.memory_space<vmem>> -> memref<125x128xf32, #tpu.memory_space<vmem>>
      %dma_start3A_231 = arith.constant 0 : i32
      %dma_start3A_232 = tpu.memref_slice %arg7[%dma_start3A_224, %dma_start3A_225, %dma_start3A_231] : memref<2x8x125xi32, #tpu.memory_space<vmem>> -> memref<1x1x125xi32, #tpu.memory_space<vmem>>
      %dma_start3A_233 = tpu.memref_squeeze %dma_start3A_232 : memref<1x1x125xi32, #tpu.memory_space<vmem>> -> memref<125xi32, #tpu.memory_space<vmem>>
      %dma_start3A_234 = arith.constant 0 : i32
      %dma_start3A_235 = arith.constant 0 : i32
      %dma_start3A_236 = tpu.memref_slice %arg2[%dma_start3A_234, %dma_start3A_235] : memref<10000x128xf32, #tpu.memory_space<hbm>> -> memref<10000x128xf32, #tpu.memory_space<hbm>>
      tpu.enqueue_indirect_dma source(%dma_start3A_236 : memref<10000x128xf32, #tpu.memory_space<hbm>>) target(%dma_start3A_230 : memref<125x128xf32, #tpu.memory_space<vmem>>) offsets(%dma_start3A_233 : memref<125xi32, #tpu.memory_space<vmem>>) semaphore(%arg11 : memref<!tpu.dma_semaphore, #tpu.memory_space<semaphore_mem>>)
      %dma_wait3A_237 = arith.constant 0 : i32
      %dma_wait3A_238 = arith.constant 3 : i32
      %dma_wait3A_239 = arith.constant 1 : i32
      %dma_wait3A_240 = arith.constant 0 : i32
      %dma_wait3A_241 = arith.constant 0 : i32
      %dma_wait3A_242 = tpu.memref_slice %arg9[%dma_wait3A_239, %dma_wait3A_240, %dma_wait3A_241] : memref<2x125x128xf32, #tpu.memory_space<vmem>> -> memref<1x125x128xf32, #tpu.memory_space<vmem>>
      %dma_wait3A_243 = tpu.memref_squeeze %dma_wait3A_242 : memref<1x125x128xf32, #tpu.memory_space<vmem>> -> memref<125x128xf32, #tpu.memory_space<vmem>>
      %dma_wait3A_244 = arith.constant 0 : i32
      %dma_wait3A_245 = tpu.memref_slice %arg7[%dma_wait3A_237, %dma_wait3A_238, %dma_wait3A_244] : memref<2x8x125xi32, #tpu.memory_space<vmem>> -> memref<1x1x125xi32, #tpu.memory_space<vmem>>
      %dma_wait3A_246 = tpu.memref_squeeze %dma_wait3A_245 : memref<1x1x125xi32, #tpu.memory_space<vmem>> -> memref<125xi32, #tpu.memory_space<vmem>>
      %dma_wait3A_247 = arith.constant 0 : i32
      %dma_wait3A_248 = arith.constant 0 : i32
      %dma_wait3A_249 = tpu.memref_slice %arg2[%dma_wait3A_247, %dma_wait3A_248] : memref<10000x128xf32, #tpu.memory_space<hbm>> -> memref<10000x128xf32, #tpu.memory_space<hbm>>
      tpu.wait_indirect_dma semaphore(%arg12 : memref<!tpu.dma_semaphore, #tpu.memory_space<semaphore_mem>>) src(%dma_wait3A_249 : memref<10000x128xf32, #tpu.memory_space<hbm>>) dst(%dma_wait3A_243 : memref<125x128xf32, #tpu.memory_space<vmem>>)
      %dma_start3A_250 = arith.constant 1 : i32
      %dma_start3A_251 = arith.constant 0 : i32
      %dma_start3A_252 = arith.constant 3 : i32
      %dma_start3A_253 = arith.constant 0 : i32
      %dma_start3A_254 = arith.constant 0 : i32
      %dma_start3A_255 = tpu.memref_slice %arg9[%dma_start3A_250, %dma_start3A_253, %dma_start3A_254] : memref<2x125x128xf32, #tpu.memory_space<vmem>> -> memref<1x125x128xf32, #tpu.memory_space<vmem>>
      %dma_start3A_256 = tpu.memref_squeeze %dma_start3A_255 : memref<1x125x128xf32, #tpu.memory_space<vmem>> -> memref<125x128xf32, #tpu.memory_space<vmem>>
      %dma_start3A_257 = arith.constant 0 : i32
      %dma_start3A_258 = tpu.memref_slice %arg8[%dma_start3A_251, %dma_start3A_252, %dma_start3A_257] : memref<2x8x125xi32, #tpu.memory_space<vmem>> -> memref<1x1x125xi32, #tpu.memory_space<vmem>>
      %dma_start3A_259 = tpu.memref_squeeze %dma_start3A_258 : memref<1x1x125xi32, #tpu.memory_space<vmem>> -> memref<125xi32, #tpu.memory_space<vmem>>
      %dma_start3A_260 = arith.constant 0 : i32
      %dma_start3A_261 = arith.constant 0 : i32
      %dma_start3A_262 = tpu.memref_slice %arg10[%dma_start3A_260, %dma_start3A_261] : memref<10112x128xf32, #tpu.memory_space<vmem_shared>> -> memref<10112x128xf32, #tpu.memory_space<vmem_shared>>
      tpu.enqueue_indirect_dma source(%dma_start3A_256 : memref<125x128xf32, #tpu.memory_space<vmem>>) target(%dma_start3A_262 : memref<10112x128xf32, #tpu.memory_space<vmem_shared>>) offsets(%dma_start3A_259 : memref<125xi32, #tpu.memory_space<vmem>>) semaphore(%arg14 : memref<!tpu.dma_semaphore, #tpu.memory_space<semaphore_mem>>) {add = true}
      %dma_wait3A_263 = arith.constant 1 : i32
      %dma_wait3A_264 = arith.constant 0 : i32
      %dma_wait3A_265 = arith.constant 3 : i32
      %dma_wait3A_266 = arith.constant 0 : i32
      %dma_wait3A_267 = arith.constant 0 : i32
      %dma_wait3A_268 = tpu.memref_slice %arg9[%dma_wait3A_263, %dma_wait3A_266, %dma_wait3A_267] : memref<2x125x128xf32, #tpu.memory_space<vmem>> -> memref<1x125x128xf32, #tpu.memory_space<vmem>>
      %dma_wait3A_269 = tpu.memref_squeeze %dma_wait3A_268 : memref<1x125x128xf32, #tpu.memory_space<vmem>> -> memref<125x128xf32, #tpu.memory_space<vmem>>
      %dma_wait3A_270 = arith.constant 0 : i32
      %dma_wait3A_271 = tpu.memref_slice %arg8[%dma_wait3A_264, %dma_wait3A_265, %dma_wait3A_270] : memref<2x8x125xi32, #tpu.memory_space<vmem>> -> memref<1x1x125xi32, #tpu.memory_space<vmem>>
      %dma_wait3A_272 = tpu.memref_squeeze %dma_wait3A_271 : memref<1x1x125xi32, #tpu.memory_space<vmem>> -> memref<125xi32, #tpu.memory_space<vmem>>
      %dma_wait3A_273 = arith.constant 0 : i32
      %dma_wait3A_274 = arith.constant 0 : i32
      %dma_wait3A_275 = tpu.memref_slice %arg10[%dma_wait3A_273, %dma_wait3A_274] : memref<10112x128xf32, #tpu.memory_space<vmem_shared>> -> memref<10112x128xf32, #tpu.memory_space<vmem_shared>>
      tpu.wait_indirect_dma semaphore(%arg14 : memref<!tpu.dma_semaphore, #tpu.memory_space<semaphore_mem>>) src(%dma_wait3A_269 : memref<125x128xf32, #tpu.memory_space<vmem>>) dst(%dma_wait3A_275 : memref<10112x128xf32, #tpu.memory_space<vmem_shared>>)
      %dma_start3A_276 = arith.constant 0 : i32
      %dma_start3A_277 = arith.constant 5 : i32
      %dma_start3A_278 = arith.constant 1 : i32
      %dma_start3A_279 = arith.constant 0 : i32
      %dma_start3A_280 = arith.constant 0 : i32
      %dma_start3A_281 = tpu.memref_slice %arg9[%dma_start3A_278, %dma_start3A_279, %dma_start3A_280] : memref<2x125x128xf32, #tpu.memory_space<vmem>> -> memref<1x125x128xf32, #tpu.memory_space<vmem>>
      %dma_start3A_282 = tpu.memref_squeeze %dma_start3A_281 : memref<1x125x128xf32, #tpu.memory_space<vmem>> -> memref<125x128xf32, #tpu.memory_space<vmem>>
      %dma_start3A_283 = arith.constant 0 : i32
      %dma_start3A_284 = tpu.memref_slice %arg7[%dma_start3A_276, %dma_start3A_277, %dma_start3A_283] : memref<2x8x125xi32, #tpu.memory_space<vmem>> -> memref<1x1x125xi32, #tpu.memory_space<vmem>>
      %dma_start3A_285 = tpu.memref_squeeze %dma_start3A_284 : memref<1x1x125xi32, #tpu.memory_space<vmem>> -> memref<125xi32, #tpu.memory_space<vmem>>
      %dma_start3A_286 = arith.constant 0 : i32
      %dma_start3A_287 = arith.constant 0 : i32
      %dma_start3A_288 = tpu.memref_slice %arg2[%dma_start3A_286, %dma_start3A_287] : memref<10000x128xf32, #tpu.memory_space<hbm>> -> memref<10000x128xf32, #tpu.memory_space<hbm>>
      tpu.enqueue_indirect_dma source(%dma_start3A_288 : memref<10000x128xf32, #tpu.memory_space<hbm>>) target(%dma_start3A_282 : memref<125x128xf32, #tpu.memory_space<vmem>>) offsets(%dma_start3A_285 : memref<125xi32, #tpu.memory_space<vmem>>) semaphore(%arg12 : memref<!tpu.dma_semaphore, #tpu.memory_space<semaphore_mem>>)
      %dma_wait3A_289 = arith.constant 0 : i32
      %dma_wait3A_290 = arith.constant 4 : i32
      %dma_wait3A_291 = arith.constant 0 : i32
      %dma_wait3A_292 = arith.constant 0 : i32
      %dma_wait3A_293 = arith.constant 0 : i32
      %dma_wait3A_294 = tpu.memref_slice %arg9[%dma_wait3A_291, %dma_wait3A_292, %dma_wait3A_293] : memref<2x125x128xf32, #tpu.memory_space<vmem>> -> memref<1x125x128xf32, #tpu.memory_space<vmem>>
      %dma_wait3A_295 = tpu.memref_squeeze %dma_wait3A_294 : memref<1x125x128xf32, #tpu.memory_space<vmem>> -> memref<125x128xf32, #tpu.memory_space<vmem>>
      %dma_wait3A_296 = arith.constant 0 : i32
      %dma_wait3A_297 = tpu.memref_slice %arg7[%dma_wait3A_289, %dma_wait3A_290, %dma_wait3A_296] : memref<2x8x125xi32, #tpu.memory_space<vmem>> -> memref<1x1x125xi32, #tpu.memory_space<vmem>>
      %dma_wait3A_298 = tpu.memref_squeeze %dma_wait3A_297 : memref<1x1x125xi32, #tpu.memory_space<vmem>> -> memref<125xi32, #tpu.memory_space<vmem>>
      %dma_wait3A_299 = arith.constant 0 : i32
      %dma_wait3A_300 = arith.constant 0 : i32
      %dma_wait3A_301 = tpu.memref_slice %arg2[%dma_wait3A_299, %dma_wait3A_300] : memref<10000x128xf32, #tpu.memory_space<hbm>> -> memref<10000x128xf32, #tpu.memory_space<hbm>>
      tpu.wait_indirect_dma semaphore(%arg11 : memref<!tpu.dma_semaphore, #tpu.memory_space<semaphore_mem>>) src(%dma_wait3A_301 : memref<10000x128xf32, #tpu.memory_space<hbm>>) dst(%dma_wait3A_295 : memref<125x128xf32, #tpu.memory_space<vmem>>)
      %dma_start3A_302 = arith.constant 0 : i32
      %dma_start3A_303 = arith.constant 0 : i32
      %dma_start3A_304 = arith.constant 4 : i32
      %dma_start3A_305 = arith.constant 0 : i32
      %dma_start3A_306 = arith.constant 0 : i32
      %dma_start3A_307 = tpu.memref_slice %arg9[%dma_start3A_302, %dma_start3A_305, %dma_start3A_306] : memref<2x125x128xf32, #tpu.memory_space<vmem>> -> memref<1x125x128xf32, #tpu.memory_space<vmem>>
      %dma_start3A_308 = tpu.memref_squeeze %dma_start3A_307 : memref<1x125x128xf32, #tpu.memory_space<vmem>> -> memref<125x128xf32, #tpu.memory_space<vmem>>
      %dma_start3A_309 = arith.constant 0 : i32
      %dma_start3A_310 = tpu.memref_slice %arg8[%dma_start3A_303, %dma_start3A_304, %dma_start3A_309] : memref<2x8x125xi32, #tpu.memory_space<vmem>> -> memref<1x1x125xi32, #tpu.memory_space<vmem>>
      %dma_start3A_311 = tpu.memref_squeeze %dma_start3A_310 : memref<1x1x125xi32, #tpu.memory_space<vmem>> -> memref<125xi32, #tpu.memory_space<vmem>>
      %dma_start3A_312 = arith.constant 0 : i32
      %dma_start3A_313 = arith.constant 0 : i32
      %dma_start3A_314 = tpu.memref_slice %arg10[%dma_start3A_312, %dma_start3A_313] : memref<10112x128xf32, #tpu.memory_space<vmem_shared>> -> memref<10112x128xf32, #tpu.memory_space<vmem_shared>>
      tpu.enqueue_indirect_dma source(%dma_start3A_308 : memref<125x128xf32, #tpu.memory_space<vmem>>) target(%dma_start3A_314 : memref<10112x128xf32, #tpu.memory_space<vmem_shared>>) offsets(%dma_start3A_311 : memref<125xi32, #tpu.memory_space<vmem>>) semaphore(%arg13 : memref<!tpu.dma_semaphore, #tpu.memory_space<semaphore_mem>>) {add = true}
      %dma_wait3A_315 = arith.constant 0 : i32
      %dma_wait3A_316 = arith.constant 0 : i32
      %dma_wait3A_317 = arith.constant 4 : i32
      %dma_wait3A_318 = arith.constant 0 : i32
      %dma_wait3A_319 = arith.constant 0 : i32
      %dma_wait3A_320 = tpu.memref_slice %arg9[%dma_wait3A_315, %dma_wait3A_318, %dma_wait3A_319] : memref<2x125x128xf32, #tpu.memory_space<vmem>> -> memref<1x125x128xf32, #tpu.memory_space<vmem>>
      %dma_wait3A_321 = tpu.memref_squeeze %dma_wait3A_320 : memref<1x125x128xf32, #tpu.memory_space<vmem>> -> memref<125x128xf32, #tpu.memory_space<vmem>>
      %dma_wait3A_322 = arith.constant 0 : i32
      %dma_wait3A_323 = tpu.memref_slice %arg8[%dma_wait3A_316, %dma_wait3A_317, %dma_wait3A_322] : memref<2x8x125xi32, #tpu.memory_space<vmem>> -> memref<1x1x125xi32, #tpu.memory_space<vmem>>
      %dma_wait3A_324 = tpu.memref_squeeze %dma_wait3A_323 : memref<1x1x125xi32, #tpu.memory_space<vmem>> -> memref<125xi32, #tpu.memory_space<vmem>>
      %dma_wait3A_325 = arith.constant 0 : i32
      %dma_wait3A_326 = arith.constant 0 : i32
      %dma_wait3A_327 = tpu.memref_slice %arg10[%dma_wait3A_325, %dma_wait3A_326] : memref<10112x128xf32, #tpu.memory_space<vmem_shared>> -> memref<10112x128xf32, #tpu.memory_space<vmem_shared>>
      tpu.wait_indirect_dma semaphore(%arg13 : memref<!tpu.dma_semaphore, #tpu.memory_space<semaphore_mem>>) src(%dma_wait3A_321 : memref<125x128xf32, #tpu.memory_space<vmem>>) dst(%dma_wait3A_327 : memref<10112x128xf32, #tpu.memory_space<vmem_shared>>)
      %dma_start3A_328 = arith.constant 0 : i32
      %dma_start3A_329 = arith.constant 6 : i32
      %dma_start3A_330 = arith.constant 0 : i32
      %dma_start3A_331 = arith.constant 0 : i32
      %dma_start3A_332 = arith.constant 0 : i32
      %dma_start3A_333 = tpu.memref_slice %arg9[%dma_start3A_330, %dma_start3A_331, %dma_start3A_332] : memref<2x125x128xf32, #tpu.memory_space<vmem>> -> memref<1x125x128xf32, #tpu.memory_space<vmem>>
      %dma_start3A_334 = tpu.memref_squeeze %dma_start3A_333 : memref<1x125x128xf32, #tpu.memory_space<vmem>> -> memref<125x128xf32, #tpu.memory_space<vmem>>
      %dma_start3A_335 = arith.constant 0 : i32
      %dma_start3A_336 = tpu.memref_slice %arg7[%dma_start3A_328, %dma_start3A_329, %dma_start3A_335] : memref<2x8x125xi32, #tpu.memory_space<vmem>> -> memref<1x1x125xi32, #tpu.memory_space<vmem>>
      %dma_start3A_337 = tpu.memref_squeeze %dma_start3A_336 : memref<1x1x125xi32, #tpu.memory_space<vmem>> -> memref<125xi32, #tpu.memory_space<vmem>>
      %dma_start3A_338 = arith.constant 0 : i32
      %dma_start3A_339 = arith.constant 0 : i32
      %dma_start3A_340 = tpu.memref_slice %arg2[%dma_start3A_338, %dma_start3A_339] : memref<10000x128xf32, #tpu.memory_space<hbm>> -> memref<10000x128xf32, #tpu.memory_space<hbm>>
      tpu.enqueue_indirect_dma source(%dma_start3A_340 : memref<10000x128xf32, #tpu.memory_space<hbm>>) target(%dma_start3A_334 : memref<125x128xf32, #tpu.memory_space<vmem>>) offsets(%dma_start3A_337 : memref<125xi32, #tpu.memory_space<vmem>>) semaphore(%arg11 : memref<!tpu.dma_semaphore, #tpu.memory_space<semaphore_mem>>)
      %dma_wait3A_341 = arith.constant 0 : i32
      %dma_wait3A_342 = arith.constant 5 : i32
      %dma_wait3A_343 = arith.constant 1 : i32
      %dma_wait3A_344 = arith.constant 0 : i32
      %dma_wait3A_345 = arith.constant 0 : i32
      %dma_wait3A_346 = tpu.memref_slice %arg9[%dma_wait3A_343, %dma_wait3A_344, %dma_wait3A_345] : memref<2x125x128xf32, #tpu.memory_space<vmem>> -> memref<1x125x128xf32, #tpu.memory_space<vmem>>
      %dma_wait3A_347 = tpu.memref_squeeze %dma_wait3A_346 : memref<1x125x128xf32, #tpu.memory_space<vmem>> -> memref<125x128xf32, #tpu.memory_space<vmem>>
      %dma_wait3A_348 = arith.constant 0 : i32
      %dma_wait3A_349 = tpu.memref_slice %arg7[%dma_wait3A_341, %dma_wait3A_342, %dma_wait3A_348] : memref<2x8x125xi32, #tpu.memory_space<vmem>> -> memref<1x1x125xi32, #tpu.memory_space<vmem>>
      %dma_wait3A_350 = tpu.memref_squeeze %dma_wait3A_349 : memref<1x1x125xi32, #tpu.memory_space<vmem>> -> memref<125xi32, #tpu.memory_space<vmem>>
      %dma_wait3A_351 = arith.constant 0 : i32
      %dma_wait3A_352 = arith.constant 0 : i32
      %dma_wait3A_353 = tpu.memref_slice %arg2[%dma_wait3A_351, %dma_wait3A_352] : memref<10000x128xf32, #tpu.memory_space<hbm>> -> memref<10000x128xf32, #tpu.memory_space<hbm>>
      tpu.wait_indirect_dma semaphore(%arg12 : memref<!tpu.dma_semaphore, #tpu.memory_space<semaphore_mem>>) src(%dma_wait3A_353 : memref<10000x128xf32, #tpu.memory_space<hbm>>) dst(%dma_wait3A_347 : memref<125x128xf32, #tpu.memory_space<vmem>>)
      %dma_start3A_354 = arith.constant 1 : i32
      %dma_start3A_355 = arith.constant 0 : i32
      %dma_start3A_356 = arith.constant 5 : i32
      %dma_start3A_357 = arith.constant 0 : i32
      %dma_start3A_358 = arith.constant 0 : i32
      %dma_start3A_359 = tpu.memref_slice %arg9[%dma_start3A_354, %dma_start3A_357, %dma_start3A_358] : memref<2x125x128xf32, #tpu.memory_space<vmem>> -> memref<1x125x128xf32, #tpu.memory_space<vmem>>
      %dma_start3A_360 = tpu.memref_squeeze %dma_start3A_359 : memref<1x125x128xf32, #tpu.memory_space<vmem>> -> memref<125x128xf32, #tpu.memory_space<vmem>>
      %dma_start3A_361 = arith.constant 0 : i32
      %dma_start3A_362 = tpu.memref_slice %arg8[%dma_start3A_355, %dma_start3A_356, %dma_start3A_361] : memref<2x8x125xi32, #tpu.memory_space<vmem>> -> memref<1x1x125xi32, #tpu.memory_space<vmem>>
      %dma_start3A_363 = tpu.memref_squeeze %dma_start3A_362 : memref<1x1x125xi32, #tpu.memory_space<vmem>> -> memref<125xi32, #tpu.memory_space<vmem>>
      %dma_start3A_364 = arith.constant 0 : i32
      %dma_start3A_365 = arith.constant 0 : i32
      %dma_start3A_366 = tpu.memref_slice %arg10[%dma_start3A_364, %dma_start3A_365] : memref<10112x128xf32, #tpu.memory_space<vmem_shared>> -> memref<10112x128xf32, #tpu.memory_space<vmem_shared>>
      tpu.enqueue_indirect_dma source(%dma_start3A_360 : memref<125x128xf32, #tpu.memory_space<vmem>>) target(%dma_start3A_366 : memref<10112x128xf32, #tpu.memory_space<vmem_shared>>) offsets(%dma_start3A_363 : memref<125xi32, #tpu.memory_space<vmem>>) semaphore(%arg14 : memref<!tpu.dma_semaphore, #tpu.memory_space<semaphore_mem>>) {add = true}
      %dma_wait3A_367 = arith.constant 1 : i32
      %dma_wait3A_368 = arith.constant 0 : i32
      %dma_wait3A_369 = arith.constant 5 : i32
      %dma_wait3A_370 = arith.constant 0 : i32
      %dma_wait3A_371 = arith.constant 0 : i32
      %dma_wait3A_372 = tpu.memref_slice %arg9[%dma_wait3A_367, %dma_wait3A_370, %dma_wait3A_371] : memref<2x125x128xf32, #tpu.memory_space<vmem>> -> memref<1x125x128xf32, #tpu.memory_space<vmem>>
      %dma_wait3A_373 = tpu.memref_squeeze %dma_wait3A_372 : memref<1x125x128xf32, #tpu.memory_space<vmem>> -> memref<125x128xf32, #tpu.memory_space<vmem>>
      %dma_wait3A_374 = arith.constant 0 : i32
      %dma_wait3A_375 = tpu.memref_slice %arg8[%dma_wait3A_368, %dma_wait3A_369, %dma_wait3A_374] : memref<2x8x125xi32, #tpu.memory_space<vmem>> -> memref<1x1x125xi32, #tpu.memory_space<vmem>>
      %dma_wait3A_376 = tpu.memref_squeeze %dma_wait3A_375 : memref<1x1x125xi32, #tpu.memory_space<vmem>> -> memref<125xi32, #tpu.memory_space<vmem>>
      %dma_wait3A_377 = arith.constant 0 : i32
      %dma_wait3A_378 = arith.constant 0 : i32
      %dma_wait3A_379 = tpu.memref_slice %arg10[%dma_wait3A_377, %dma_wait3A_378] : memref<10112x128xf32, #tpu.memory_space<vmem_shared>> -> memref<10112x128xf32, #tpu.memory_space<vmem_shared>>
      tpu.wait_indirect_dma semaphore(%arg14 : memref<!tpu.dma_semaphore, #tpu.memory_space<semaphore_mem>>) src(%dma_wait3A_373 : memref<125x128xf32, #tpu.memory_space<vmem>>) dst(%dma_wait3A_379 : memref<10112x128xf32, #tpu.memory_space<vmem_shared>>)
      %dma_start3A_380 = arith.constant 0 : i32
      %dma_start3A_381 = arith.constant 7 : i32
      %dma_start3A_382 = arith.constant 1 : i32
      %dma_start3A_383 = arith.constant 0 : i32
      %dma_start3A_384 = arith.constant 0 : i32
      %dma_start3A_385 = tpu.memref_slice %arg9[%dma_start3A_382, %dma_start3A_383, %dma_start3A_384] : memref<2x125x128xf32, #tpu.memory_space<vmem>> -> memref<1x125x128xf32, #tpu.memory_space<vmem>>
      %dma_start3A_386 = tpu.memref_squeeze %dma_start3A_385 : memref<1x125x128xf32, #tpu.memory_space<vmem>> -> memref<125x128xf32, #tpu.memory_space<vmem>>
      %dma_start3A_387 = arith.constant 0 : i32
      %dma_start3A_388 = tpu.memref_slice %arg7[%dma_start3A_380, %dma_start3A_381, %dma_start3A_387] : memref<2x8x125xi32, #tpu.memory_space<vmem>> -> memref<1x1x125xi32, #tpu.memory_space<vmem>>
      %dma_start3A_389 = tpu.memref_squeeze %dma_start3A_388 : memref<1x1x125xi32, #tpu.memory_space<vmem>> -> memref<125xi32, #tpu.memory_space<vmem>>
      %dma_start3A_390 = arith.constant 0 : i32
      %dma_start3A_391 = arith.constant 0 : i32
      %dma_start3A_392 = tpu.memref_slice %arg2[%dma_start3A_390, %dma_start3A_391] : memref<10000x128xf32, #tpu.memory_space<hbm>> -> memref<10000x128xf32, #tpu.memory_space<hbm>>
      tpu.enqueue_indirect_dma source(%dma_start3A_392 : memref<10000x128xf32, #tpu.memory_space<hbm>>) target(%dma_start3A_386 : memref<125x128xf32, #tpu.memory_space<vmem>>) offsets(%dma_start3A_389 : memref<125xi32, #tpu.memory_space<vmem>>) semaphore(%arg12 : memref<!tpu.dma_semaphore, #tpu.memory_space<semaphore_mem>>)
      %dma_wait3A_393 = arith.constant 0 : i32
      %dma_wait3A_394 = arith.constant 6 : i32
      %dma_wait3A_395 = arith.constant 0 : i32
      %dma_wait3A_396 = arith.constant 0 : i32
      %dma_wait3A_397 = arith.constant 0 : i32
      %dma_wait3A_398 = tpu.memref_slice %arg9[%dma_wait3A_395, %dma_wait3A_396, %dma_wait3A_397] : memref<2x125x128xf32, #tpu.memory_space<vmem>> -> memref<1x125x128xf32, #tpu.memory_space<vmem>>
      %dma_wait3A_399 = tpu.memref_squeeze %dma_wait3A_398 : memref<1x125x128xf32, #tpu.memory_space<vmem>> -> memref<125x128xf32, #tpu.memory_space<vmem>>
      %dma_wait3A_400 = arith.constant 0 : i32
      %dma_wait3A_401 = tpu.memref_slice %arg7[%dma_wait3A_393, %dma_wait3A_394, %dma_wait3A_400] : memref<2x8x125xi32, #tpu.memory_space<vmem>> -> memref<1x1x125xi32, #tpu.memory_space<vmem>>
      %dma_wait3A_402 = tpu.memref_squeeze %dma_wait3A_401 : memref<1x1x125xi32, #tpu.memory_space<vmem>> -> memref<125xi32, #tpu.memory_space<vmem>>
      %dma_wait3A_403 = arith.constant 0 : i32
      %dma_wait3A_404 = arith.constant 0 : i32
      %dma_wait3A_405 = tpu.memref_slice %arg2[%dma_wait3A_403, %dma_wait3A_404] : memref<10000x128xf32, #tpu.memory_space<hbm>> -> memref<10000x128xf32, #tpu.memory_space<hbm>>
      tpu.wait_indirect_dma semaphore(%arg11 : memref<!tpu.dma_semaphore, #tpu.memory_space<semaphore_mem>>) src(%dma_wait3A_405 : memref<10000x128xf32, #tpu.memory_space<hbm>>) dst(%dma_wait3A_399 : memref<125x128xf32, #tpu.memory_space<vmem>>)
      %dma_start3A_406 = arith.constant 0 : i32
      %dma_start3A_407 = arith.constant 0 : i32
      %dma_start3A_408 = arith.constant 6 : i32
      %dma_start3A_409 = arith.constant 0 : i32
      %dma_start3A_410 = arith.constant 0 : i32
      %dma_start3A_411 = tpu.memref_slice %arg9[%dma_start3A_406, %dma_start3A_409, %dma_start3A_410] : memref<2x125x128xf32, #tpu.memory_space<vmem>> -> memref<1x125x128xf32, #tpu.memory_space<vmem>>
      %dma_start3A_412 = tpu.memref_squeeze %dma_start3A_411 : memref<1x125x128xf32, #tpu.memory_space<vmem>> -> memref<125x128xf32, #tpu.memory_space<vmem>>
      %dma_start3A_413 = arith.constant 0 : i32
      %dma_start3A_414 = tpu.memref_slice %arg8[%dma_start3A_407, %dma_start3A_408, %dma_start3A_413] : memref<2x8x125xi32, #tpu.memory_space<vmem>> -> memref<1x1x125xi32, #tpu.memory_space<vmem>>
      %dma_start3A_415 = tpu.memref_squeeze %dma_start3A_414 : memref<1x1x125xi32, #tpu.memory_space<vmem>> -> memref<125xi32, #tpu.memory_space<vmem>>
      %dma_start3A_416 = arith.constant 0 : i32
      %dma_start3A_417 = arith.constant 0 : i32
      %dma_start3A_418 = tpu.memref_slice %arg10[%dma_start3A_416, %dma_start3A_417] : memref<10112x128xf32, #tpu.memory_space<vmem_shared>> -> memref<10112x128xf32, #tpu.memory_space<vmem_shared>>
      tpu.enqueue_indirect_dma source(%dma_start3A_412 : memref<125x128xf32, #tpu.memory_space<vmem>>) target(%dma_start3A_418 : memref<10112x128xf32, #tpu.memory_space<vmem_shared>>) offsets(%dma_start3A_415 : memref<125xi32, #tpu.memory_space<vmem>>) semaphore(%arg13 : memref<!tpu.dma_semaphore, #tpu.memory_space<semaphore_mem>>) {add = true}
      %dma_wait3A_419 = arith.constant 0 : i32
      %dma_wait3A_420 = arith.constant 7 : i32
      %dma_wait3A_421 = arith.constant 1 : i32
      %dma_wait3A_422 = arith.constant 0 : i32
      %dma_wait3A_423 = arith.constant 0 : i32
      %dma_wait3A_424 = tpu.memref_slice %arg9[%dma_wait3A_421, %dma_wait3A_422, %dma_wait3A_423] : memref<2x125x128xf32, #tpu.memory_space<vmem>> -> memref<1x125x128xf32, #tpu.memory_space<vmem>>
      %dma_wait3A_425 = tpu.memref_squeeze %dma_wait3A_424 : memref<1x125x128xf32, #tpu.memory_space<vmem>> -> memref<125x128xf32, #tpu.memory_space<vmem>>
      %dma_wait3A_426 = arith.constant 0 : i32
      %dma_wait3A_427 = tpu.memref_slice %arg7[%dma_wait3A_419, %dma_wait3A_420, %dma_wait3A_426] : memref<2x8x125xi32, #tpu.memory_space<vmem>> -> memref<1x1x125xi32, #tpu.memory_space<vmem>>
      %dma_wait3A_428 = tpu.memref_squeeze %dma_wait3A_427 : memref<1x1x125xi32, #tpu.memory_space<vmem>> -> memref<125xi32, #tpu.memory_space<vmem>>
      %dma_wait3A_429 = arith.constant 0 : i32
      %dma_wait3A_430 = arith.constant 0 : i32
      %dma_wait3A_431 = tpu.memref_slice %arg2[%dma_wait3A_429, %dma_wait3A_430] : memref<10000x128xf32, #tpu.memory_space<hbm>> -> memref<10000x128xf32, #tpu.memory_space<hbm>>
      tpu.wait_indirect_dma semaphore(%arg12 : memref<!tpu.dma_semaphore, #tpu.memory_space<semaphore_mem>>) src(%dma_wait3A_431 : memref<10000x128xf32, #tpu.memory_space<hbm>>) dst(%dma_wait3A_425 : memref<125x128xf32, #tpu.memory_space<vmem>>)
      %dma_start3A_432 = arith.constant 1 : i32
      %dma_start3A_433 = arith.constant 0 : i32
      %dma_start3A_434 = arith.constant 7 : i32
      %dma_start3A_435 = arith.constant 0 : i32
      %dma_start3A_436 = arith.constant 0 : i32
      %dma_start3A_437 = tpu.memref_slice %arg9[%dma_start3A_432, %dma_start3A_435, %dma_start3A_436] : memref<2x125x128xf32, #tpu.memory_space<vmem>> -> memref<1x125x128xf32, #tpu.memory_space<vmem>>
      %dma_start3A_438 = tpu.memref_squeeze %dma_start3A_437 : memref<1x125x128xf32, #tpu.memory_space<vmem>> -> memref<125x128xf32, #tpu.memory_space<vmem>>
      %dma_start3A_439 = arith.constant 0 : i32
      %dma_start3A_440 = tpu.memref_slice %arg8[%dma_start3A_433, %dma_start3A_434, %dma_start3A_439] : memref<2x8x125xi32, #tpu.memory_space<vmem>> -> memref<1x1x125xi32, #tpu.memory_space<vmem>>
      %dma_start3A_441 = tpu.memref_squeeze %dma_start3A_440 : memref<1x1x125xi32, #tpu.memory_space<vmem>> -> memref<125xi32, #tpu.memory_space<vmem>>
      %dma_start3A_442 = arith.constant 0 : i32
      %dma_start3A_443 = arith.constant 0 : i32
      %dma_start3A_444 = tpu.memref_slice %arg10[%dma_start3A_442, %dma_start3A_443] : memref<10112x128xf32, #tpu.memory_space<vmem_shared>> -> memref<10112x128xf32, #tpu.memory_space<vmem_shared>>
      tpu.enqueue_indirect_dma source(%dma_start3A_438 : memref<125x128xf32, #tpu.memory_space<vmem>>) target(%dma_start3A_444 : memref<10112x128xf32, #tpu.memory_space<vmem_shared>>) offsets(%dma_start3A_441 : memref<125xi32, #tpu.memory_space<vmem>>) semaphore(%arg14 : memref<!tpu.dma_semaphore, #tpu.memory_space<semaphore_mem>>) {add = true}
      %mul3A_445 = arith.constant 2 : i32
      %mul3A_446 = arith.muli %scan3A_35, %mul3A_445 : i32
      %add3A_447 = arith.constant 1 : i32
      %add3A_448 = arith.addi %mul3A_446, %add3A_447 : i32
      %mul3A_449 = arith.constant 32 : i32
      %mul3A_450 = arith.muli %mul3A_449, %add3A_448 : i32
      %add3A_451 = arith.addi %add3A, %mul3A_450 : i32
      %mul3A_452 = arith.constant 8 : i32
      %mul3A_453 = arith.muli %add3A_451, %mul3A_452 : i32
      %run_scoped3A_454 = arith.constant 1 : i32
      "tpu.region"() ({
        %run_scoped3A_875 = tpu.sem_alloc : memref<!tpu.dma_semaphore, #tpu.memory_space<semaphore_mem>>
        %dma_start3A_876 = arith.constant 0 : i32
        %dma_start3A_877 = arith.constant 0 : i32
        %dma_start3A_878 = tpu.memref_slice %arg7[%run_scoped3A_454, %dma_start3A_876, %dma_start3A_877] : memref<2x8x125xi32, #tpu.memory_space<vmem>> -> memref<1x8x125xi32, #tpu.memory_space<vmem>>
        %dma_start3A_879 = tpu.memref_squeeze %dma_start3A_878 : memref<1x8x125xi32, #tpu.memory_space<vmem>> -> memref<8x125xi32, #tpu.memory_space<vmem>>
        %dma_start3A_880 = arith.constant 0 : i32
        %dma_start3A_881 = tpu.memref_slice %arg3[%mul3A_453, %dma_start3A_880] : memref<2560x125xi32, #tpu.memory_space<hbm>> -> memref<8x125xi32, #tpu.memory_space<hbm>>
        %dma_start3A_882 = arith.constant 0 : i32
        %dma_start3A_883 = arith.constant 0 : i32
        %dma_start3A_884 = tpu.memref_slice %arg7[%run_scoped3A_454, %dma_start3A_882, %dma_start3A_883] : memref<2x8x125xi32, #tpu.memory_space<vmem>> -> memref<1x8x125xi32, #tpu.memory_space<vmem>>
        %dma_start3A_885 = tpu.memref_squeeze %dma_start3A_884 : memref<1x8x125xi32, #tpu.memory_space<vmem>> -> memref<8x125xi32, #tpu.memory_space<vmem>>
        %dma_start3A_886 = arith.constant 0 : i32
        %dma_start3A_887 = tpu.memref_slice %arg3[%mul3A_453, %dma_start3A_886] : memref<2560x125xi32, #tpu.memory_space<hbm>> -> memref<8x125xi32, #tpu.memory_space<hbm>>
        tpu.enqueue_dma source(%dma_start3A_887 : memref<8x125xi32, #tpu.memory_space<hbm>>) target(%dma_start3A_885 : memref<8x125xi32, #tpu.memory_space<vmem>>) target_semaphore(%run_scoped3A_875 : memref<!tpu.dma_semaphore, #tpu.memory_space<semaphore_mem>>)
        %dma_wait3A_888 = arith.constant 0 : i32
        %dma_wait3A_889 = arith.constant 0 : i32
        %dma_wait3A_890 = tpu.memref_slice %arg7[%run_scoped3A_454, %dma_wait3A_888, %dma_wait3A_889] : memref<2x8x125xi32, #tpu.memory_space<vmem>> -> memref<1x8x125xi32, #tpu.memory_space<vmem>>
        %dma_wait3A_891 = tpu.memref_squeeze %dma_wait3A_890 : memref<1x8x125xi32, #tpu.memory_space<vmem>> -> memref<8x125xi32, #tpu.memory_space<vmem>>
        %dma_wait3A_892 = arith.constant 0 : i32
        %dma_wait3A_893 = tpu.memref_slice %arg3[%mul3A_453, %dma_wait3A_892] : memref<2560x125xi32, #tpu.memory_space<hbm>> -> memref<8x125xi32, #tpu.memory_space<hbm>>
        %dma_wait3A_894 = arith.constant 0 : i32
        %dma_wait3A_895 = arith.constant 0 : i32
        %dma_wait3A_896 = tpu.memref_slice %arg7[%run_scoped3A_454, %dma_wait3A_894, %dma_wait3A_895] : memref<2x8x125xi32, #tpu.memory_space<vmem>> -> memref<1x8x125xi32, #tpu.memory_space<vmem>>
        %dma_wait3A_897 = tpu.memref_squeeze %dma_wait3A_896 : memref<1x8x125xi32, #tpu.memory_space<vmem>> -> memref<8x125xi32, #tpu.memory_space<vmem>>
        %dma_wait3A_898 = arith.constant 0 : i32
        %dma_wait3A_899 = tpu.memref_slice %arg3[%mul3A_453, %dma_wait3A_898] : memref<2560x125xi32, #tpu.memory_space<hbm>> -> memref<8x125xi32, #tpu.memory_space<hbm>>
        tpu.wait_dma2 semaphore(%run_scoped3A_875 : memref<!tpu.dma_semaphore, #tpu.memory_space<semaphore_mem>>) src(%dma_wait3A_899 : memref<8x125xi32, #tpu.memory_space<hbm>>) dst(%dma_wait3A_897 : memref<8x125xi32, #tpu.memory_space<vmem>>)
        tpu.yield
      }) : () -> ()
      %mul3A_455 = arith.constant 8 : i32
      %mul3A_456 = arith.muli %add3A_451, %mul3A_455 : i32
      %run_scoped3A_457 = arith.constant 1 : i32
      "tpu.region"() ({
        %run_scoped3A_875 = tpu.sem_alloc : memref<!tpu.dma_semaphore, #tpu.memory_space<semaphore_mem>>
        %dma_start3A_876 = arith.constant 0 : i32
        %dma_start3A_877 = arith.constant 0 : i32
        %dma_start3A_878 = tpu.memref_slice %arg8[%run_scoped3A_457, %dma_start3A_876, %dma_start3A_877] : memref<2x8x125xi32, #tpu.memory_space<vmem>> -> memref<1x8x125xi32, #tpu.memory_space<vmem>>
        %dma_start3A_879 = tpu.memref_squeeze %dma_start3A_878 : memref<1x8x125xi32, #tpu.memory_space<vmem>> -> memref<8x125xi32, #tpu.memory_space<vmem>>
        %dma_start3A_880 = arith.constant 0 : i32
        %dma_start3A_881 = tpu.memref_slice %arg4[%mul3A_456, %dma_start3A_880] : memref<2560x125xi32, #tpu.memory_space<hbm>> -> memref<8x125xi32, #tpu.memory_space<hbm>>
        %dma_start3A_882 = arith.constant 0 : i32
        %dma_start3A_883 = arith.constant 0 : i32
        %dma_start3A_884 = tpu.memref_slice %arg8[%run_scoped3A_457, %dma_start3A_882, %dma_start3A_883] : memref<2x8x125xi32, #tpu.memory_space<vmem>> -> memref<1x8x125xi32, #tpu.memory_space<vmem>>
        %dma_start3A_885 = tpu.memref_squeeze %dma_start3A_884 : memref<1x8x125xi32, #tpu.memory_space<vmem>> -> memref<8x125xi32, #tpu.memory_space<vmem>>
        %dma_start3A_886 = arith.constant 0 : i32
        %dma_start3A_887 = tpu.memref_slice %arg4[%mul3A_456, %dma_start3A_886] : memref<2560x125xi32, #tpu.memory_space<hbm>> -> memref<8x125xi32, #tpu.memory_space<hbm>>
        tpu.enqueue_dma source(%dma_start3A_887 : memref<8x125xi32, #tpu.memory_space<hbm>>) target(%dma_start3A_885 : memref<8x125xi32, #tpu.memory_space<vmem>>) target_semaphore(%run_scoped3A_875 : memref<!tpu.dma_semaphore, #tpu.memory_space<semaphore_mem>>)
        %dma_wait3A_888 = arith.constant 0 : i32
        %dma_wait3A_889 = arith.constant 0 : i32
        %dma_wait3A_890 = tpu.memref_slice %arg8[%run_scoped3A_457, %dma_wait3A_888, %dma_wait3A_889] : memref<2x8x125xi32, #tpu.memory_space<vmem>> -> memref<1x8x125xi32, #tpu.memory_space<vmem>>
        %dma_wait3A_891 = tpu.memref_squeeze %dma_wait3A_890 : memref<1x8x125xi32, #tpu.memory_space<vmem>> -> memref<8x125xi32, #tpu.memory_space<vmem>>
        %dma_wait3A_892 = arith.constant 0 : i32
        %dma_wait3A_893 = tpu.memref_slice %arg4[%mul3A_456, %dma_wait3A_892] : memref<2560x125xi32, #tpu.memory_space<hbm>> -> memref<8x125xi32, #tpu.memory_space<hbm>>
        %dma_wait3A_894 = arith.constant 0 : i32
        %dma_wait3A_895 = arith.constant 0 : i32
        %dma_wait3A_896 = tpu.memref_slice %arg8[%run_scoped3A_457, %dma_wait3A_894, %dma_wait3A_895] : memref<2x8x125xi32, #tpu.memory_space<vmem>> -> memref<1x8x125xi32, #tpu.memory_space<vmem>>
        %dma_wait3A_897 = tpu.memref_squeeze %dma_wait3A_896 : memref<1x8x125xi32, #tpu.memory_space<vmem>> -> memref<8x125xi32, #tpu.memory_space<vmem>>
        %dma_wait3A_898 = arith.constant 0 : i32
        %dma_wait3A_899 = tpu.memref_slice %arg4[%mul3A_456, %dma_wait3A_898] : memref<2560x125xi32, #tpu.memory_space<hbm>> -> memref<8x125xi32, #tpu.memory_space<hbm>>
        tpu.wait_dma2 semaphore(%run_scoped3A_875 : memref<!tpu.dma_semaphore, #tpu.memory_space<semaphore_mem>>) src(%dma_wait3A_899 : memref<8x125xi32, #tpu.memory_space<hbm>>) dst(%dma_wait3A_897 : memref<8x125xi32, #tpu.memory_space<vmem>>)
        tpu.yield
      }) : () -> ()
      %dma_wait3A_458 = arith.constant 0 : i32
      %dma_wait3A_459 = arith.constant 0 : i32
      %dma_wait3A_460 = arith.constant 0 : i32
      %dma_wait3A_461 = arith.constant 0 : i32
      %dma_wait3A_462 = arith.constant 0 : i32
      %dma_wait3A_463 = tpu.memref_slice %arg9[%dma_wait3A_458, %dma_wait3A_461, %dma_wait3A_462] : memref<2x125x128xf32, #tpu.memory_space<vmem>> -> memref<1x125x128xf32, #tpu.memory_space<vmem>>
      %dma_wait3A_464 = tpu.memref_squeeze %dma_wait3A_463 : memref<1x125x128xf32, #tpu.memory_space<vmem>> -> memref<125x128xf32, #tpu.memory_space<vmem>>
      %dma_wait3A_465 = arith.constant 0 : i32
      %dma_wait3A_466 = tpu.memref_slice %arg8[%dma_wait3A_459, %dma_wait3A_460, %dma_wait3A_465] : memref<2x8x125xi32, #tpu.memory_space<vmem>> -> memref<1x1x125xi32, #tpu.memory_space<vmem>>
      %dma_wait3A_467 = tpu.memref_squeeze %dma_wait3A_466 : memref<1x1x125xi32, #tpu.memory_space<vmem>> -> memref<125xi32, #tpu.memory_space<vmem>>
      %dma_wait3A_468 = arith.constant 0 : i32
      %dma_wait3A_469 = arith.constant 0 : i32
      %dma_wait3A_470 = tpu.memref_slice %arg10[%dma_wait3A_468, %dma_wait3A_469] : memref<10112x128xf32, #tpu.memory_space<vmem_shared>> -> memref<10112x128xf32, #tpu.memory_space<vmem_shared>>
      tpu.wait_indirect_dma semaphore(%arg13 : memref<!tpu.dma_semaphore, #tpu.memory_space<semaphore_mem>>) src(%dma_wait3A_464 : memref<125x128xf32, #tpu.memory_space<vmem>>) dst(%dma_wait3A_470 : memref<10112x128xf32, #tpu.memory_space<vmem_shared>>)
      %dma_start3A_471 = arith.constant 1 : i32
      %dma_start3A_472 = arith.constant 0 : i32
      %dma_start3A_473 = arith.constant 0 : i32
      %dma_start3A_474 = arith.constant 0 : i32
      %dma_start3A_475 = arith.constant 0 : i32
      %dma_start3A_476 = tpu.memref_slice %arg9[%dma_start3A_473, %dma_start3A_474, %dma_start3A_475] : memref<2x125x128xf32, #tpu.memory_space<vmem>> -> memref<1x125x128xf32, #tpu.memory_space<vmem>>
      %dma_start3A_477 = tpu.memref_squeeze %dma_start3A_476 : memref<1x125x128xf32, #tpu.memory_space<vmem>> -> memref<125x128xf32, #tpu.memory_space<vmem>>
      %dma_start3A_478 = arith.constant 0 : i32
      %dma_start3A_479 = tpu.memref_slice %arg7[%dma_start3A_471, %dma_start3A_472, %dma_start3A_478] : memref<2x8x125xi32, #tpu.memory_space<vmem>> -> memref<1x1x125xi32, #tpu.memory_space<vmem>>
      %dma_start3A_480 = tpu.memref_squeeze %dma_start3A_479 : memref<1x1x125xi32, #tpu.memory_space<vmem>> -> memref<125xi32, #tpu.memory_space<vmem>>
      %dma_start3A_481 = arith.constant 0 : i32
      %dma_start3A_482 = arith.constant 0 : i32
      %dma_start3A_483 = tpu.memref_slice %arg2[%dma_start3A_481, %dma_start3A_482] : memref<10000x128xf32, #tpu.memory_space<hbm>> -> memref<10000x128xf32, #tpu.memory_space<hbm>>
      tpu.enqueue_indirect_dma source(%dma_start3A_483 : memref<10000x128xf32, #tpu.memory_space<hbm>>) target(%dma_start3A_477 : memref<125x128xf32, #tpu.memory_space<vmem>>) offsets(%dma_start3A_480 : memref<125xi32, #tpu.memory_space<vmem>>) semaphore(%arg11 : memref<!tpu.dma_semaphore, #tpu.memory_space<semaphore_mem>>)
      %dma_wait3A_484 = arith.constant 1 : i32
      %dma_wait3A_485 = arith.constant 0 : i32
      %dma_wait3A_486 = arith.constant 0 : i32
      %dma_wait3A_487 = arith.constant 0 : i32
      %dma_wait3A_488 = arith.constant 0 : i32
      %dma_wait3A_489 = tpu.memref_slice %arg9[%dma_wait3A_484, %dma_wait3A_487, %dma_wait3A_488] : memref<2x125x128xf32, #tpu.memory_space<vmem>> -> memref<1x125x128xf32, #tpu.memory_space<vmem>>
      %dma_wait3A_490 = tpu.memref_squeeze %dma_wait3A_489 : memref<1x125x128xf32, #tpu.memory_space<vmem>> -> memref<125x128xf32, #tpu.memory_space<vmem>>
      %dma_wait3A_491 = arith.constant 0 : i32
      %dma_wait3A_492 = tpu.memref_slice %arg8[%dma_wait3A_485, %dma_wait3A_486, %dma_wait3A_491] : memref<2x8x125xi32, #tpu.memory_space<vmem>> -> memref<1x1x125xi32, #tpu.memory_space<vmem>>
      %dma_wait3A_493 = tpu.memref_squeeze %dma_wait3A_492 : memref<1x1x125xi32, #tpu.memory_space<vmem>> -> memref<125xi32, #tpu.memory_space<vmem>>
      %dma_wait3A_494 = arith.constant 0 : i32
      %dma_wait3A_495 = arith.constant 0 : i32
      %dma_wait3A_496 = tpu.memref_slice %arg10[%dma_wait3A_494, %dma_wait3A_495] : memref<10112x128xf32, #tpu.memory_space<vmem_shared>> -> memref<10112x128xf32, #tpu.memory_space<vmem_shared>>
      tpu.wait_indirect_dma semaphore(%arg14 : memref<!tpu.dma_semaphore, #tpu.memory_space<semaphore_mem>>) src(%dma_wait3A_490 : memref<125x128xf32, #tpu.memory_space<vmem>>) dst(%dma_wait3A_496 : memref<10112x128xf32, #tpu.memory_space<vmem_shared>>)
      %dma_start3A_497 = arith.constant 1 : i32
      %dma_start3A_498 = arith.constant 1 : i32
      %dma_start3A_499 = arith.constant 1 : i32
      %dma_start3A_500 = arith.constant 0 : i32
      %dma_start3A_501 = arith.constant 0 : i32
      %dma_start3A_502 = tpu.memref_slice %arg9[%dma_start3A_499, %dma_start3A_500, %dma_start3A_501] : memref<2x125x128xf32, #tpu.memory_space<vmem>> -> memref<1x125x128xf32, #tpu.memory_space<vmem>>
      %dma_start3A_503 = tpu.memref_squeeze %dma_start3A_502 : memref<1x125x128xf32, #tpu.memory_space<vmem>> -> memref<125x128xf32, #tpu.memory_space<vmem>>
      %dma_start3A_504 = arith.constant 0 : i32
      %dma_start3A_505 = tpu.memref_slice %arg7[%dma_start3A_497, %dma_start3A_498, %dma_start3A_504] : memref<2x8x125xi32, #tpu.memory_space<vmem>> -> memref<1x1x125xi32, #tpu.memory_space<vmem>>
      %dma_start3A_506 = tpu.memref_squeeze %dma_start3A_505 : memref<1x1x125xi32, #tpu.memory_space<vmem>> -> memref<125xi32, #tpu.memory_space<vmem>>
      %dma_start3A_507 = arith.constant 0 : i32
      %dma_start3A_508 = arith.constant 0 : i32
      %dma_start3A_509 = tpu.memref_slice %arg2[%dma_start3A_507, %dma_start3A_508] : memref<10000x128xf32, #tpu.memory_space<hbm>> -> memref<10000x128xf32, #tpu.memory_space<hbm>>
      tpu.enqueue_indirect_dma source(%dma_start3A_509 : memref<10000x128xf32, #tpu.memory_space<hbm>>) target(%dma_start3A_503 : memref<125x128xf32, #tpu.memory_space<vmem>>) offsets(%dma_start3A_506 : memref<125xi32, #tpu.memory_space<vmem>>) semaphore(%arg12 : memref<!tpu.dma_semaphore, #tpu.memory_space<semaphore_mem>>)
      %dma_wait3A_510 = arith.constant 1 : i32
      %dma_wait3A_511 = arith.constant 0 : i32
      %dma_wait3A_512 = arith.constant 0 : i32
      %dma_wait3A_513 = arith.constant 0 : i32
      %dma_wait3A_514 = arith.constant 0 : i32
      %dma_wait3A_515 = tpu.memref_slice %arg9[%dma_wait3A_512, %dma_wait3A_513, %dma_wait3A_514] : memref<2x125x128xf32, #tpu.memory_space<vmem>> -> memref<1x125x128xf32, #tpu.memory_space<vmem>>
      %dma_wait3A_516 = tpu.memref_squeeze %dma_wait3A_515 : memref<1x125x128xf32, #tpu.memory_space<vmem>> -> memref<125x128xf32, #tpu.memory_space<vmem>>
      %dma_wait3A_517 = arith.constant 0 : i32
      %dma_wait3A_518 = tpu.memref_slice %arg7[%dma_wait3A_510, %dma_wait3A_511, %dma_wait3A_517] : memref<2x8x125xi32, #tpu.memory_space<vmem>> -> memref<1x1x125xi32, #tpu.memory_space<vmem>>
      %dma_wait3A_519 = tpu.memref_squeeze %dma_wait3A_518 : memref<1x1x125xi32, #tpu.memory_space<vmem>> -> memref<125xi32, #tpu.memory_space<vmem>>
      %dma_wait3A_520 = arith.constant 0 : i32
      %dma_wait3A_521 = arith.constant 0 : i32
      %dma_wait3A_522 = tpu.memref_slice %arg2[%dma_wait3A_520, %dma_wait3A_521] : memref<10000x128xf32, #tpu.memory_space<hbm>> -> memref<10000x128xf32, #tpu.memory_space<hbm>>
      tpu.wait_indirect_dma semaphore(%arg11 : memref<!tpu.dma_semaphore, #tpu.memory_space<semaphore_mem>>) src(%dma_wait3A_522 : memref<10000x128xf32, #tpu.memory_space<hbm>>) dst(%dma_wait3A_516 : memref<125x128xf32, #tpu.memory_space<vmem>>)
      %dma_start3A_523 = arith.constant 0 : i32
      %dma_start3A_524 = arith.constant 1 : i32
      %dma_start3A_525 = arith.constant 0 : i32
      %dma_start3A_526 = arith.constant 0 : i32
      %dma_start3A_527 = arith.constant 0 : i32
      %dma_start3A_528 = tpu.memref_slice %arg9[%dma_start3A_523, %dma_start3A_526, %dma_start3A_527] : memref<2x125x128xf32, #tpu.memory_space<vmem>> -> memref<1x125x128xf32, #tpu.memory_space<vmem>>
      %dma_start3A_529 = tpu.memref_squeeze %dma_start3A_528 : memref<1x125x128xf32, #tpu.memory_space<vmem>> -> memref<125x128xf32, #tpu.memory_space<vmem>>
      %dma_start3A_530 = arith.constant 0 : i32
      %dma_start3A_531 = tpu.memref_slice %arg8[%dma_start3A_524, %dma_start3A_525, %dma_start3A_530] : memref<2x8x125xi32, #tpu.memory_space<vmem>> -> memref<1x1x125xi32, #tpu.memory_space<vmem>>
      %dma_start3A_532 = tpu.memref_squeeze %dma_start3A_531 : memref<1x1x125xi32, #tpu.memory_space<vmem>> -> memref<125xi32, #tpu.memory_space<vmem>>
      %dma_start3A_533 = arith.constant 0 : i32
      %dma_start3A_534 = arith.constant 0 : i32
      %dma_start3A_535 = tpu.memref_slice %arg10[%dma_start3A_533, %dma_start3A_534] : memref<10112x128xf32, #tpu.memory_space<vmem_shared>> -> memref<10112x128xf32, #tpu.memory_space<vmem_shared>>
      tpu.enqueue_indirect_dma source(%dma_start3A_529 : memref<125x128xf32, #tpu.memory_space<vmem>>) target(%dma_start3A_535 : memref<10112x128xf32, #tpu.memory_space<vmem_shared>>) offsets(%dma_start3A_532 : memref<125xi32, #tpu.memory_space<vmem>>) semaphore(%arg13 : memref<!tpu.dma_semaphore, #tpu.memory_space<semaphore_mem>>) {add = true}
      %dma_wait3A_536 = arith.constant 0 : i32
      %dma_wait3A_537 = arith.constant 1 : i32
      %dma_wait3A_538 = arith.constant 0 : i32
      %dma_wait3A_539 = arith.constant 0 : i32
      %dma_wait3A_540 = arith.constant 0 : i32
      %dma_wait3A_541 = tpu.memref_slice %arg9[%dma_wait3A_536, %dma_wait3A_539, %dma_wait3A_540] : memref<2x125x128xf32, #tpu.memory_space<vmem>> -> memref<1x125x128xf32, #tpu.memory_space<vmem>>
      %dma_wait3A_542 = tpu.memref_squeeze %dma_wait3A_541 : memref<1x125x128xf32, #tpu.memory_space<vmem>> -> memref<125x128xf32, #tpu.memory_space<vmem>>
      %dma_wait3A_543 = arith.constant 0 : i32
      %dma_wait3A_544 = tpu.memref_slice %arg8[%dma_wait3A_537, %dma_wait3A_538, %dma_wait3A_543] : memref<2x8x125xi32, #tpu.memory_space<vmem>> -> memref<1x1x125xi32, #tpu.memory_space<vmem>>
      %dma_wait3A_545 = tpu.memref_squeeze %dma_wait3A_544 : memref<1x1x125xi32, #tpu.memory_space<vmem>> -> memref<125xi32, #tpu.memory_space<vmem>>
      %dma_wait3A_546 = arith.constant 0 : i32
      %dma_wait3A_547 = arith.constant 0 : i32
      %dma_wait3A_548 = tpu.memref_slice %arg10[%dma_wait3A_546, %dma_wait3A_547] : memref<10112x128xf32, #tpu.memory_space<vmem_shared>> -> memref<10112x128xf32, #tpu.memory_space<vmem_shared>>
      tpu.wait_indirect_dma semaphore(%arg13 : memref<!tpu.dma_semaphore, #tpu.memory_space<semaphore_mem>>) src(%dma_wait3A_542 : memref<125x128xf32, #tpu.memory_space<vmem>>) dst(%dma_wait3A_548 : memref<10112x128xf32, #tpu.memory_space<vmem_shared>>)
      %dma_start3A_549 = arith.constant 1 : i32
      %dma_start3A_550 = arith.constant 2 : i32
      %dma_start3A_551 = arith.constant 0 : i32
      %dma_start3A_552 = arith.constant 0 : i32
      %dma_start3A_553 = arith.constant 0 : i32
      %dma_start3A_554 = tpu.memref_slice %arg9[%dma_start3A_551, %dma_start3A_552, %dma_start3A_553] : memref<2x125x128xf32, #tpu.memory_space<vmem>> -> memref<1x125x128xf32, #tpu.memory_space<vmem>>
      %dma_start3A_555 = tpu.memref_squeeze %dma_start3A_554 : memref<1x125x128xf32, #tpu.memory_space<vmem>> -> memref<125x128xf32, #tpu.memory_space<vmem>>
      %dma_start3A_556 = arith.constant 0 : i32
      %dma_start3A_557 = tpu.memref_slice %arg7[%dma_start3A_549, %dma_start3A_550, %dma_start3A_556] : memref<2x8x125xi32, #tpu.memory_space<vmem>> -> memref<1x1x125xi32, #tpu.memory_space<vmem>>
      %dma_start3A_558 = tpu.memref_squeeze %dma_start3A_557 : memref<1x1x125xi32, #tpu.memory_space<vmem>> -> memref<125xi32, #tpu.memory_space<vmem>>
      %dma_start3A_559 = arith.constant 0 : i32
      %dma_start3A_560 = arith.constant 0 : i32
      %dma_start3A_561 = tpu.memref_slice %arg2[%dma_start3A_559, %dma_start3A_560] : memref<10000x128xf32, #tpu.memory_space<hbm>> -> memref<10000x128xf32, #tpu.memory_space<hbm>>
      tpu.enqueue_indirect_dma source(%dma_start3A_561 : memref<10000x128xf32, #tpu.memory_space<hbm>>) target(%dma_start3A_555 : memref<125x128xf32, #tpu.memory_space<vmem>>) offsets(%dma_start3A_558 : memref<125xi32, #tpu.memory_space<vmem>>) semaphore(%arg11 : memref<!tpu.dma_semaphore, #tpu.memory_space<semaphore_mem>>)
      %dma_wait3A_562 = arith.constant 1 : i32
      %dma_wait3A_563 = arith.constant 1 : i32
      %dma_wait3A_564 = arith.constant 1 : i32
      %dma_wait3A_565 = arith.constant 0 : i32
      %dma_wait3A_566 = arith.constant 0 : i32
      %dma_wait3A_567 = tpu.memref_slice %arg9[%dma_wait3A_564, %dma_wait3A_565, %dma_wait3A_566] : memref<2x125x128xf32, #tpu.memory_space<vmem>> -> memref<1x125x128xf32, #tpu.memory_space<vmem>>
      %dma_wait3A_568 = tpu.memref_squeeze %dma_wait3A_567 : memref<1x125x128xf32, #tpu.memory_space<vmem>> -> memref<125x128xf32, #tpu.memory_space<vmem>>
      %dma_wait3A_569 = arith.constant 0 : i32
      %dma_wait3A_570 = tpu.memref_slice %arg7[%dma_wait3A_562, %dma_wait3A_563, %dma_wait3A_569] : memref<2x8x125xi32, #tpu.memory_space<vmem>> -> memref<1x1x125xi32, #tpu.memory_space<vmem>>
      %dma_wait3A_571 = tpu.memref_squeeze %dma_wait3A_570 : memref<1x1x125xi32, #tpu.memory_space<vmem>> -> memref<125xi32, #tpu.memory_space<vmem>>
      %dma_wait3A_572 = arith.constant 0 : i32
      %dma_wait3A_573 = arith.constant 0 : i32
      %dma_wait3A_574 = tpu.memref_slice %arg2[%dma_wait3A_572, %dma_wait3A_573] : memref<10000x128xf32, #tpu.memory_space<hbm>> -> memref<10000x128xf32, #tpu.memory_space<hbm>>
      tpu.wait_indirect_dma semaphore(%arg12 : memref<!tpu.dma_semaphore, #tpu.memory_space<semaphore_mem>>) src(%dma_wait3A_574 : memref<10000x128xf32, #tpu.memory_space<hbm>>) dst(%dma_wait3A_568 : memref<125x128xf32, #tpu.memory_space<vmem>>)
      %dma_start3A_575 = arith.constant 1 : i32
      %dma_start3A_576 = arith.constant 1 : i32
      %dma_start3A_577 = arith.constant 1 : i32
      %dma_start3A_578 = arith.constant 0 : i32
      %dma_start3A_579 = arith.constant 0 : i32
      %dma_start3A_580 = tpu.memref_slice %arg9[%dma_start3A_575, %dma_start3A_578, %dma_start3A_579] : memref<2x125x128xf32, #tpu.memory_space<vmem>> -> memref<1x125x128xf32, #tpu.memory_space<vmem>>
      %dma_start3A_581 = tpu.memref_squeeze %dma_start3A_580 : memref<1x125x128xf32, #tpu.memory_space<vmem>> -> memref<125x128xf32, #tpu.memory_space<vmem>>
      %dma_start3A_582 = arith.constant 0 : i32
      %dma_start3A_583 = tpu.memref_slice %arg8[%dma_start3A_576, %dma_start3A_577, %dma_start3A_582] : memref<2x8x125xi32, #tpu.memory_space<vmem>> -> memref<1x1x125xi32, #tpu.memory_space<vmem>>
      %dma_start3A_584 = tpu.memref_squeeze %dma_start3A_583 : memref<1x1x125xi32, #tpu.memory_space<vmem>> -> memref<125xi32, #tpu.memory_space<vmem>>
      %dma_start3A_585 = arith.constant 0 : i32
      %dma_start3A_586 = arith.constant 0 : i32
      %dma_start3A_587 = tpu.memref_slice %arg10[%dma_start3A_585, %dma_start3A_586] : memref<10112x128xf32, #tpu.memory_space<vmem_shared>> -> memref<10112x128xf32, #tpu.memory_space<vmem_shared>>
      tpu.enqueue_indirect_dma source(%dma_start3A_581 : memref<125x128xf32, #tpu.memory_space<vmem>>) target(%dma_start3A_587 : memref<10112x128xf32, #tpu.memory_space<vmem_shared>>) offsets(%dma_start3A_584 : memref<125xi32, #tpu.memory_space<vmem>>) semaphore(%arg14 : memref<!tpu.dma_semaphore, #tpu.memory_space<semaphore_mem>>) {add = true}
      %dma_wait3A_588 = arith.constant 1 : i32
      %dma_wait3A_589 = arith.constant 1 : i32
      %dma_wait3A_590 = arith.constant 1 : i32
      %dma_wait3A_591 = arith.constant 0 : i32
      %dma_wait3A_592 = arith.constant 0 : i32
      %dma_wait3A_593 = tpu.memref_slice %arg9[%dma_wait3A_588, %dma_wait3A_591, %dma_wait3A_592] : memref<2x125x128xf32, #tpu.memory_space<vmem>> -> memref<1x125x128xf32, #tpu.memory_space<vmem>>
      %dma_wait3A_594 = tpu.memref_squeeze %dma_wait3A_593 : memref<1x125x128xf32, #tpu.memory_space<vmem>> -> memref<125x128xf32, #tpu.memory_space<vmem>>
      %dma_wait3A_595 = arith.constant 0 : i32
      %dma_wait3A_596 = tpu.memref_slice %arg8[%dma_wait3A_589, %dma_wait3A_590, %dma_wait3A_595] : memref<2x8x125xi32, #tpu.memory_space<vmem>> -> memref<1x1x125xi32, #tpu.memory_space<vmem>>
      %dma_wait3A_597 = tpu.memref_squeeze %dma_wait3A_596 : memref<1x1x125xi32, #tpu.memory_space<vmem>> -> memref<125xi32, #tpu.memory_space<vmem>>
      %dma_wait3A_598 = arith.constant 0 : i32
      %dma_wait3A_599 = arith.constant 0 : i32
      %dma_wait3A_600 = tpu.memref_slice %arg10[%dma_wait3A_598, %dma_wait3A_599] : memref<10112x128xf32, #tpu.memory_space<vmem_shared>> -> memref<10112x128xf32, #tpu.memory_space<vmem_shared>>
      tpu.wait_indirect_dma semaphore(%arg14 : memref<!tpu.dma_semaphore, #tpu.memory_space<semaphore_mem>>) src(%dma_wait3A_594 : memref<125x128xf32, #tpu.memory_space<vmem>>) dst(%dma_wait3A_600 : memref<10112x128xf32, #tpu.memory_space<vmem_shared>>)
      %dma_start3A_601 = arith.constant 1 : i32
      %dma_start3A_602 = arith.constant 3 : i32
      %dma_start3A_603 = arith.constant 1 : i32
      %dma_start3A_604 = arith.constant 0 : i32
      %dma_start3A_605 = arith.constant 0 : i32
      %dma_start3A_606 = tpu.memref_slice %arg9[%dma_start3A_603, %dma_start3A_604, %dma_start3A_605] : memref<2x125x128xf32, #tpu.memory_space<vmem>> -> memref<1x125x128xf32, #tpu.memory_space<vmem>>
      %dma_start3A_607 = tpu.memref_squeeze %dma_start3A_606 : memref<1x125x128xf32, #tpu.memory_space<vmem>> -> memref<125x128xf32, #tpu.memory_space<vmem>>
      %dma_start3A_608 = arith.constant 0 : i32
      %dma_start3A_609 = tpu.memref_slice %arg7[%dma_start3A_601, %dma_start3A_602, %dma_start3A_608] : memref<2x8x125xi32, #tpu.memory_space<vmem>> -> memref<1x1x125xi32, #tpu.memory_space<vmem>>
      %dma_start3A_610 = tpu.memref_squeeze %dma_start3A_609 : memref<1x1x125xi32, #tpu.memory_space<vmem>> -> memref<125xi32, #tpu.memory_space<vmem>>
      %dma_start3A_611 = arith.constant 0 : i32
      %dma_start3A_612 = arith.constant 0 : i32
      %dma_start3A_613 = tpu.memref_slice %arg2[%dma_start3A_611, %dma_start3A_612] : memref<10000x128xf32, #tpu.memory_space<hbm>> -> memref<10000x128xf32, #tpu.memory_space<hbm>>
      tpu.enqueue_indirect_dma source(%dma_start3A_613 : memref<10000x128xf32, #tpu.memory_space<hbm>>) target(%dma_start3A_607 : memref<125x128xf32, #tpu.memory_space<vmem>>) offsets(%dma_start3A_610 : memref<125xi32, #tpu.memory_space<vmem>>) semaphore(%arg12 : memref<!tpu.dma_semaphore, #tpu.memory_space<semaphore_mem>>)
      %dma_wait3A_614 = arith.constant 1 : i32
      %dma_wait3A_615 = arith.constant 2 : i32
      %dma_wait3A_616 = arith.constant 0 : i32
      %dma_wait3A_617 = arith.constant 0 : i32
      %dma_wait3A_618 = arith.constant 0 : i32
      %dma_wait3A_619 = tpu.memref_slice %arg9[%dma_wait3A_616, %dma_wait3A_617, %dma_wait3A_618] : memref<2x125x128xf32, #tpu.memory_space<vmem>> -> memref<1x125x128xf32, #tpu.memory_space<vmem>>
      %dma_wait3A_620 = tpu.memref_squeeze %dma_wait3A_619 : memref<1x125x128xf32, #tpu.memory_space<vmem>> -> memref<125x128xf32, #tpu.memory_space<vmem>>
      %dma_wait3A_621 = arith.constant 0 : i32
      %dma_wait3A_622 = tpu.memref_slice %arg7[%dma_wait3A_614, %dma_wait3A_615, %dma_wait3A_621] : memref<2x8x125xi32, #tpu.memory_space<vmem>> -> memref<1x1x125xi32, #tpu.memory_space<vmem>>
      %dma_wait3A_623 = tpu.memref_squeeze %dma_wait3A_622 : memref<1x1x125xi32, #tpu.memory_space<vmem>> -> memref<125xi32, #tpu.memory_space<vmem>>
      %dma_wait3A_624 = arith.constant 0 : i32
      %dma_wait3A_625 = arith.constant 0 : i32
      %dma_wait3A_626 = tpu.memref_slice %arg2[%dma_wait3A_624, %dma_wait3A_625] : memref<10000x128xf32, #tpu.memory_space<hbm>> -> memref<10000x128xf32, #tpu.memory_space<hbm>>
      tpu.wait_indirect_dma semaphore(%arg11 : memref<!tpu.dma_semaphore, #tpu.memory_space<semaphore_mem>>) src(%dma_wait3A_626 : memref<10000x128xf32, #tpu.memory_space<hbm>>) dst(%dma_wait3A_620 : memref<125x128xf32, #tpu.memory_space<vmem>>)
      %dma_start3A_627 = arith.constant 0 : i32
      %dma_start3A_628 = arith.constant 1 : i32
      %dma_start3A_629 = arith.constant 2 : i32
      %dma_start3A_630 = arith.constant 0 : i32
      %dma_start3A_631 = arith.constant 0 : i32
      %dma_start3A_632 = tpu.memref_slice %arg9[%dma_start3A_627, %dma_start3A_630, %dma_start3A_631] : memref<2x125x128xf32, #tpu.memory_space<vmem>> -> memref<1x125x128xf32, #tpu.memory_space<vmem>>
      %dma_start3A_633 = tpu.memref_squeeze %dma_start3A_632 : memref<1x125x128xf32, #tpu.memory_space<vmem>> -> memref<125x128xf32, #tpu.memory_space<vmem>>
      %dma_start3A_634 = arith.constant 0 : i32
      %dma_start3A_635 = tpu.memref_slice %arg8[%dma_start3A_628, %dma_start3A_629, %dma_start3A_634] : memref<2x8x125xi32, #tpu.memory_space<vmem>> -> memref<1x1x125xi32, #tpu.memory_space<vmem>>
      %dma_start3A_636 = tpu.memref_squeeze %dma_start3A_635 : memref<1x1x125xi32, #tpu.memory_space<vmem>> -> memref<125xi32, #tpu.memory_space<vmem>>
      %dma_start3A_637 = arith.constant 0 : i32
      %dma_start3A_638 = arith.constant 0 : i32
      %dma_start3A_639 = tpu.memref_slice %arg10[%dma_start3A_637, %dma_start3A_638] : memref<10112x128xf32, #tpu.memory_space<vmem_shared>> -> memref<10112x128xf32, #tpu.memory_space<vmem_shared>>
      tpu.enqueue_indirect_dma source(%dma_start3A_633 : memref<125x128xf32, #tpu.memory_space<vmem>>) target(%dma_start3A_639 : memref<10112x128xf32, #tpu.memory_space<vmem_shared>>) offsets(%dma_start3A_636 : memref<125xi32, #tpu.memory_space<vmem>>) semaphore(%arg13 : memref<!tpu.dma_semaphore, #tpu.memory_space<semaphore_mem>>) {add = true}
      %dma_wait3A_640 = arith.constant 0 : i32
      %dma_wait3A_641 = arith.constant 1 : i32
      %dma_wait3A_642 = arith.constant 2 : i32
      %dma_wait3A_643 = arith.constant 0 : i32
      %dma_wait3A_644 = arith.constant 0 : i32
      %dma_wait3A_645 = tpu.memref_slice %arg9[%dma_wait3A_640, %dma_wait3A_643, %dma_wait3A_644] : memref<2x125x128xf32, #tpu.memory_space<vmem>> -> memref<1x125x128xf32, #tpu.memory_space<vmem>>
      %dma_wait3A_646 = tpu.memref_squeeze %dma_wait3A_645 : memref<1x125x128xf32, #tpu.memory_space<vmem>> -> memref<125x128xf32, #tpu.memory_space<vmem>>
      %dma_wait3A_647 = arith.constant 0 : i32
      %dma_wait3A_648 = tpu.memref_slice %arg8[%dma_wait3A_641, %dma_wait3A_642, %dma_wait3A_647] : memref<2x8x125xi32, #tpu.memory_space<vmem>> -> memref<1x1x125xi32, #tpu.memory_space<vmem>>
      %dma_wait3A_649 = tpu.memref_squeeze %dma_wait3A_648 : memref<1x1x125xi32, #tpu.memory_space<vmem>> -> memref<125xi32, #tpu.memory_space<vmem>>
      %dma_wait3A_650 = arith.constant 0 : i32
      %dma_wait3A_651 = arith.constant 0 : i32
      %dma_wait3A_652 = tpu.memref_slice %arg10[%dma_wait3A_650, %dma_wait3A_651] : memref<10112x128xf32, #tpu.memory_space<vmem_shared>> -> memref<10112x128xf32, #tpu.memory_space<vmem_shared>>
      tpu.wait_indirect_dma semaphore(%arg13 : memref<!tpu.dma_semaphore, #tpu.memory_space<semaphore_mem>>) src(%dma_wait3A_646 : memref<125x128xf32, #tpu.memory_space<vmem>>) dst(%dma_wait3A_652 : memref<10112x128xf32, #tpu.memory_space<vmem_shared>>)
      %dma_start3A_653 = arith.constant 1 : i32
      %dma_start3A_654 = arith.constant 4 : i32
      %dma_start3A_655 = arith.constant 0 : i32
      %dma_start3A_656 = arith.constant 0 : i32
      %dma_start3A_657 = arith.constant 0 : i32
      %dma_start3A_658 = tpu.memref_slice %arg9[%dma_start3A_655, %dma_start3A_656, %dma_start3A_657] : memref<2x125x128xf32, #tpu.memory_space<vmem>> -> memref<1x125x128xf32, #tpu.memory_space<vmem>>
      %dma_start3A_659 = tpu.memref_squeeze %dma_start3A_658 : memref<1x125x128xf32, #tpu.memory_space<vmem>> -> memref<125x128xf32, #tpu.memory_space<vmem>>
      %dma_start3A_660 = arith.constant 0 : i32
      %dma_start3A_661 = tpu.memref_slice %arg7[%dma_start3A_653, %dma_start3A_654, %dma_start3A_660] : memref<2x8x125xi32, #tpu.memory_space<vmem>> -> memref<1x1x125xi32, #tpu.memory_space<vmem>>
      %dma_start3A_662 = tpu.memref_squeeze %dma_start3A_661 : memref<1x1x125xi32, #tpu.memory_space<vmem>> -> memref<125xi32, #tpu.memory_space<vmem>>
      %dma_start3A_663 = arith.constant 0 : i32
      %dma_start3A_664 = arith.constant 0 : i32
      %dma_start3A_665 = tpu.memref_slice %arg2[%dma_start3A_663, %dma_start3A_664] : memref<10000x128xf32, #tpu.memory_space<hbm>> -> memref<10000x128xf32, #tpu.memory_space<hbm>>
      tpu.enqueue_indirect_dma source(%dma_start3A_665 : memref<10000x128xf32, #tpu.memory_space<hbm>>) target(%dma_start3A_659 : memref<125x128xf32, #tpu.memory_space<vmem>>) offsets(%dma_start3A_662 : memref<125xi32, #tpu.memory_space<vmem>>) semaphore(%arg11 : memref<!tpu.dma_semaphore, #tpu.memory_space<semaphore_mem>>)
      %dma_wait3A_666 = arith.constant 1 : i32
      %dma_wait3A_667 = arith.constant 3 : i32
      %dma_wait3A_668 = arith.constant 1 : i32
      %dma_wait3A_669 = arith.constant 0 : i32
      %dma_wait3A_670 = arith.constant 0 : i32
      %dma_wait3A_671 = tpu.memref_slice %arg9[%dma_wait3A_668, %dma_wait3A_669, %dma_wait3A_670] : memref<2x125x128xf32, #tpu.memory_space<vmem>> -> memref<1x125x128xf32, #tpu.memory_space<vmem>>
      %dma_wait3A_672 = tpu.memref_squeeze %dma_wait3A_671 : memref<1x125x128xf32, #tpu.memory_space<vmem>> -> memref<125x128xf32, #tpu.memory_space<vmem>>
      %dma_wait3A_673 = arith.constant 0 : i32
      %dma_wait3A_674 = tpu.memref_slice %arg7[%dma_wait3A_666, %dma_wait3A_667, %dma_wait3A_673] : memref<2x8x125xi32, #tpu.memory_space<vmem>> -> memref<1x1x125xi32, #tpu.memory_space<vmem>>
      %dma_wait3A_675 = tpu.memref_squeeze %dma_wait3A_674 : memref<1x1x125xi32, #tpu.memory_space<vmem>> -> memref<125xi32, #tpu.memory_space<vmem>>
      %dma_wait3A_676 = arith.constant 0 : i32
      %dma_wait3A_677 = arith.constant 0 : i32
      %dma_wait3A_678 = tpu.memref_slice %arg2[%dma_wait3A_676, %dma_wait3A_677] : memref<10000x128xf32, #tpu.memory_space<hbm>> -> memref<10000x128xf32, #tpu.memory_space<hbm>>
      tpu.wait_indirect_dma semaphore(%arg12 : memref<!tpu.dma_semaphore, #tpu.memory_space<semaphore_mem>>) src(%dma_wait3A_678 : memref<10000x128xf32, #tpu.memory_space<hbm>>) dst(%dma_wait3A_672 : memref<125x128xf32, #tpu.memory_space<vmem>>)
      %dma_start3A_679 = arith.constant 1 : i32
      %dma_start3A_680 = arith.constant 1 : i32
      %dma_start3A_681 = arith.constant 3 : i32
      %dma_start3A_682 = arith.constant 0 : i32
      %dma_start3A_683 = arith.constant 0 : i32
      %dma_start3A_684 = tpu.memref_slice %arg9[%dma_start3A_679, %dma_start3A_682, %dma_start3A_683] : memref<2x125x128xf32, #tpu.memory_space<vmem>> -> memref<1x125x128xf32, #tpu.memory_space<vmem>>
      %dma_start3A_685 = tpu.memref_squeeze %dma_start3A_684 : memref<1x125x128xf32, #tpu.memory_space<vmem>> -> memref<125x128xf32, #tpu.memory_space<vmem>>
      %dma_start3A_686 = arith.constant 0 : i32
      %dma_start3A_687 = tpu.memref_slice %arg8[%dma_start3A_680, %dma_start3A_681, %dma_start3A_686] : memref<2x8x125xi32, #tpu.memory_space<vmem>> -> memref<1x1x125xi32, #tpu.memory_space<vmem>>
      %dma_start3A_688 = tpu.memref_squeeze %dma_start3A_687 : memref<1x1x125xi32, #tpu.memory_space<vmem>> -> memref<125xi32, #tpu.memory_space<vmem>>
      %dma_start3A_689 = arith.constant 0 : i32
      %dma_start3A_690 = arith.constant 0 : i32
      %dma_start3A_691 = tpu.memref_slice %arg10[%dma_start3A_689, %dma_start3A_690] : memref<10112x128xf32, #tpu.memory_space<vmem_shared>> -> memref<10112x128xf32, #tpu.memory_space<vmem_shared>>
      tpu.enqueue_indirect_dma source(%dma_start3A_685 : memref<125x128xf32, #tpu.memory_space<vmem>>) target(%dma_start3A_691 : memref<10112x128xf32, #tpu.memory_space<vmem_shared>>) offsets(%dma_start3A_688 : memref<125xi32, #tpu.memory_space<vmem>>) semaphore(%arg14 : memref<!tpu.dma_semaphore, #tpu.memory_space<semaphore_mem>>) {add = true}
      %dma_wait3A_692 = arith.constant 1 : i32
      %dma_wait3A_693 = arith.constant 1 : i32
      %dma_wait3A_694 = arith.constant 3 : i32
      %dma_wait3A_695 = arith.constant 0 : i32
      %dma_wait3A_696 = arith.constant 0 : i32
      %dma_wait3A_697 = tpu.memref_slice %arg9[%dma_wait3A_692, %dma_wait3A_695, %dma_wait3A_696] : memref<2x125x128xf32, #tpu.memory_space<vmem>> -> memref<1x125x128xf32, #tpu.memory_space<vmem>>
      %dma_wait3A_698 = tpu.memref_squeeze %dma_wait3A_697 : memref<1x125x128xf32, #tpu.memory_space<vmem>> -> memref<125x128xf32, #tpu.memory_space<vmem>>
      %dma_wait3A_699 = arith.constant 0 : i32
      %dma_wait3A_700 = tpu.memref_slice %arg8[%dma_wait3A_693, %dma_wait3A_694, %dma_wait3A_699] : memref<2x8x125xi32, #tpu.memory_space<vmem>> -> memref<1x1x125xi32, #tpu.memory_space<vmem>>
      %dma_wait3A_701 = tpu.memref_squeeze %dma_wait3A_700 : memref<1x1x125xi32, #tpu.memory_space<vmem>> -> memref<125xi32, #tpu.memory_space<vmem>>
      %dma_wait3A_702 = arith.constant 0 : i32
      %dma_wait3A_703 = arith.constant 0 : i32
      %dma_wait3A_704 = tpu.memref_slice %arg10[%dma_wait3A_702, %dma_wait3A_703] : memref<10112x128xf32, #tpu.memory_space<vmem_shared>> -> memref<10112x128xf32, #tpu.memory_space<vmem_shared>>
      tpu.wait_indirect_dma semaphore(%arg14 : memref<!tpu.dma_semaphore, #tpu.memory_space<semaphore_mem>>) src(%dma_wait3A_698 : memref<125x128xf32, #tpu.memory_space<vmem>>) dst(%dma_wait3A_704 : memref<10112x128xf32, #tpu.memory_space<vmem_shared>>)
      %dma_start3A_705 = arith.constant 1 : i32
      %dma_start3A_706 = arith.constant 5 : i32
      %dma_start3A_707 = arith.constant 1 : i32
      %dma_start3A_708 = arith.constant 0 : i32
      %dma_start3A_709 = arith.constant 0 : i32
      %dma_start3A_710 = tpu.memref_slice %arg9[%dma_start3A_707, %dma_start3A_708, %dma_start3A_709] : memref<2x125x128xf32, #tpu.memory_space<vmem>> -> memref<1x125x128xf32, #tpu.memory_space<vmem>>
      %dma_start3A_711 = tpu.memref_squeeze %dma_start3A_710 : memref<1x125x128xf32, #tpu.memory_space<vmem>> -> memref<125x128xf32, #tpu.memory_space<vmem>>
      %dma_start3A_712 = arith.constant 0 : i32
      %dma_start3A_713 = tpu.memref_slice %arg7[%dma_start3A_705, %dma_start3A_706, %dma_start3A_712] : memref<2x8x125xi32, #tpu.memory_space<vmem>> -> memref<1x1x125xi32, #tpu.memory_space<vmem>>
      %dma_start3A_714 = tpu.memref_squeeze %dma_start3A_713 : memref<1x1x125xi32, #tpu.memory_space<vmem>> -> memref<125xi32, #tpu.memory_space<vmem>>
      %dma_start3A_715 = arith.constant 0 : i32
      %dma_start3A_716 = arith.constant 0 : i32
      %dma_start3A_717 = tpu.memref_slice %arg2[%dma_start3A_715, %dma_start3A_716] : memref<10000x128xf32, #tpu.memory_space<hbm>> -> memref<10000x128xf32, #tpu.memory_space<hbm>>
      tpu.enqueue_indirect_dma source(%dma_start3A_717 : memref<10000x128xf32, #tpu.memory_space<hbm>>) target(%dma_start3A_711 : memref<125x128xf32, #tpu.memory_space<vmem>>) offsets(%dma_start3A_714 : memref<125xi32, #tpu.memory_space<vmem>>) semaphore(%arg12 : memref<!tpu.dma_semaphore, #tpu.memory_space<semaphore_mem>>)
      %dma_wait3A_718 = arith.constant 1 : i32
      %dma_wait3A_719 = arith.constant 4 : i32
      %dma_wait3A_720 = arith.constant 0 : i32
      %dma_wait3A_721 = arith.constant 0 : i32
      %dma_wait3A_722 = arith.constant 0 : i32
      %dma_wait3A_723 = tpu.memref_slice %arg9[%dma_wait3A_720, %dma_wait3A_721, %dma_wait3A_722] : memref<2x125x128xf32, #tpu.memory_space<vmem>> -> memref<1x125x128xf32, #tpu.memory_space<vmem>>
      %dma_wait3A_724 = tpu.memref_squeeze %dma_wait3A_723 : memref<1x125x128xf32, #tpu.memory_space<vmem>> -> memref<125x128xf32, #tpu.memory_space<vmem>>
      %dma_wait3A_725 = arith.constant 0 : i32
      %dma_wait3A_726 = tpu.memref_slice %arg7[%dma_wait3A_718, %dma_wait3A_719, %dma_wait3A_725] : memref<2x8x125xi32, #tpu.memory_space<vmem>> -> memref<1x1x125xi32, #tpu.memory_space<vmem>>
      %dma_wait3A_727 = tpu.memref_squeeze %dma_wait3A_726 : memref<1x1x125xi32, #tpu.memory_space<vmem>> -> memref<125xi32, #tpu.memory_space<vmem>>
      %dma_wait3A_728 = arith.constant 0 : i32
      %dma_wait3A_729 = arith.constant 0 : i32
      %dma_wait3A_730 = tpu.memref_slice %arg2[%dma_wait3A_728, %dma_wait3A_729] : memref<10000x128xf32, #tpu.memory_space<hbm>> -> memref<10000x128xf32, #tpu.memory_space<hbm>>
      tpu.wait_indirect_dma semaphore(%arg11 : memref<!tpu.dma_semaphore, #tpu.memory_space<semaphore_mem>>) src(%dma_wait3A_730 : memref<10000x128xf32, #tpu.memory_space<hbm>>) dst(%dma_wait3A_724 : memref<125x128xf32, #tpu.memory_space<vmem>>)
      %dma_start3A_731 = arith.constant 0 : i32
      %dma_start3A_732 = arith.constant 1 : i32
      %dma_start3A_733 = arith.constant 4 : i32
      %dma_start3A_734 = arith.constant 0 : i32
      %dma_start3A_735 = arith.constant 0 : i32
      %dma_start3A_736 = tpu.memref_slice %arg9[%dma_start3A_731, %dma_start3A_734, %dma_start3A_735] : memref<2x125x128xf32, #tpu.memory_space<vmem>> -> memref<1x125x128xf32, #tpu.memory_space<vmem>>
      %dma_start3A_737 = tpu.memref_squeeze %dma_start3A_736 : memref<1x125x128xf32, #tpu.memory_space<vmem>> -> memref<125x128xf32, #tpu.memory_space<vmem>>
      %dma_start3A_738 = arith.constant 0 : i32
      %dma_start3A_739 = tpu.memref_slice %arg8[%dma_start3A_732, %dma_start3A_733, %dma_start3A_738] : memref<2x8x125xi32, #tpu.memory_space<vmem>> -> memref<1x1x125xi32, #tpu.memory_space<vmem>>
      %dma_start3A_740 = tpu.memref_squeeze %dma_start3A_739 : memref<1x1x125xi32, #tpu.memory_space<vmem>> -> memref<125xi32, #tpu.memory_space<vmem>>
      %dma_start3A_741 = arith.constant 0 : i32
      %dma_start3A_742 = arith.constant 0 : i32
      %dma_start3A_743 = tpu.memref_slice %arg10[%dma_start3A_741, %dma_start3A_742] : memref<10112x128xf32, #tpu.memory_space<vmem_shared>> -> memref<10112x128xf32, #tpu.memory_space<vmem_shared>>
      tpu.enqueue_indirect_dma source(%dma_start3A_737 : memref<125x128xf32, #tpu.memory_space<vmem>>) target(%dma_start3A_743 : memref<10112x128xf32, #tpu.memory_space<vmem_shared>>) offsets(%dma_start3A_740 : memref<125xi32, #tpu.memory_space<vmem>>) semaphore(%arg13 : memref<!tpu.dma_semaphore, #tpu.memory_space<semaphore_mem>>) {add = true}
      %dma_wait3A_744 = arith.constant 0 : i32
      %dma_wait3A_745 = arith.constant 1 : i32
      %dma_wait3A_746 = arith.constant 4 : i32
      %dma_wait3A_747 = arith.constant 0 : i32
      %dma_wait3A_748 = arith.constant 0 : i32
      %dma_wait3A_749 = tpu.memref_slice %arg9[%dma_wait3A_744, %dma_wait3A_747, %dma_wait3A_748] : memref<2x125x128xf32, #tpu.memory_space<vmem>> -> memref<1x125x128xf32, #tpu.memory_space<vmem>>
      %dma_wait3A_750 = tpu.memref_squeeze %dma_wait3A_749 : memref<1x125x128xf32, #tpu.memory_space<vmem>> -> memref<125x128xf32, #tpu.memory_space<vmem>>
      %dma_wait3A_751 = arith.constant 0 : i32
      %dma_wait3A_752 = tpu.memref_slice %arg8[%dma_wait3A_745, %dma_wait3A_746, %dma_wait3A_751] : memref<2x8x125xi32, #tpu.memory_space<vmem>> -> memref<1x1x125xi32, #tpu.memory_space<vmem>>
      %dma_wait3A_753 = tpu.memref_squeeze %dma_wait3A_752 : memref<1x1x125xi32, #tpu.memory_space<vmem>> -> memref<125xi32, #tpu.memory_space<vmem>>
      %dma_wait3A_754 = arith.constant 0 : i32
      %dma_wait3A_755 = arith.constant 0 : i32
      %dma_wait3A_756 = tpu.memref_slice %arg10[%dma_wait3A_754, %dma_wait3A_755] : memref<10112x128xf32, #tpu.memory_space<vmem_shared>> -> memref<10112x128xf32, #tpu.memory_space<vmem_shared>>
      tpu.wait_indirect_dma semaphore(%arg13 : memref<!tpu.dma_semaphore, #tpu.memory_space<semaphore_mem>>) src(%dma_wait3A_750 : memref<125x128xf32, #tpu.memory_space<vmem>>) dst(%dma_wait3A_756 : memref<10112x128xf32, #tpu.memory_space<vmem_shared>>)
      %dma_start3A_757 = arith.constant 1 : i32
      %dma_start3A_758 = arith.constant 6 : i32
      %dma_start3A_759 = arith.constant 0 : i32
      %dma_start3A_760 = arith.constant 0 : i32
      %dma_start3A_761 = arith.constant 0 : i32
      %dma_start3A_762 = tpu.memref_slice %arg9[%dma_start3A_759, %dma_start3A_760, %dma_start3A_761] : memref<2x125x128xf32, #tpu.memory_space<vmem>> -> memref<1x125x128xf32, #tpu.memory_space<vmem>>
      %dma_start3A_763 = tpu.memref_squeeze %dma_start3A_762 : memref<1x125x128xf32, #tpu.memory_space<vmem>> -> memref<125x128xf32, #tpu.memory_space<vmem>>
      %dma_start3A_764 = arith.constant 0 : i32
      %dma_start3A_765 = tpu.memref_slice %arg7[%dma_start3A_757, %dma_start3A_758, %dma_start3A_764] : memref<2x8x125xi32, #tpu.memory_space<vmem>> -> memref<1x1x125xi32, #tpu.memory_space<vmem>>
      %dma_start3A_766 = tpu.memref_squeeze %dma_start3A_765 : memref<1x1x125xi32, #tpu.memory_space<vmem>> -> memref<125xi32, #tpu.memory_space<vmem>>
      %dma_start3A_767 = arith.constant 0 : i32
      %dma_start3A_768 = arith.constant 0 : i32
      %dma_start3A_769 = tpu.memref_slice %arg2[%dma_start3A_767, %dma_start3A_768] : memref<10000x128xf32, #tpu.memory_space<hbm>> -> memref<10000x128xf32, #tpu.memory_space<hbm>>
      tpu.enqueue_indirect_dma source(%dma_start3A_769 : memref<10000x128xf32, #tpu.memory_space<hbm>>) target(%dma_start3A_763 : memref<125x128xf32, #tpu.memory_space<vmem>>) offsets(%dma_start3A_766 : memref<125xi32, #tpu.memory_space<vmem>>) semaphore(%arg11 : memref<!tpu.dma_semaphore, #tpu.memory_space<semaphore_mem>>)
      %dma_wait3A_770 = arith.constant 1 : i32
      %dma_wait3A_771 = arith.constant 5 : i32
      %dma_wait3A_772 = arith.constant 1 : i32
      %dma_wait3A_773 = arith.constant 0 : i32
      %dma_wait3A_774 = arith.constant 0 : i32
      %dma_wait3A_775 = tpu.memref_slice %arg9[%dma_wait3A_772, %dma_wait3A_773, %dma_wait3A_774] : memref<2x125x128xf32, #tpu.memory_space<vmem>> -> memref<1x125x128xf32, #tpu.memory_space<vmem>>
      %dma_wait3A_776 = tpu.memref_squeeze %dma_wait3A_775 : memref<1x125x128xf32, #tpu.memory_space<vmem>> -> memref<125x128xf32, #tpu.memory_space<vmem>>
      %dma_wait3A_777 = arith.constant 0 : i32
      %dma_wait3A_778 = tpu.memref_slice %arg7[%dma_wait3A_770, %dma_wait3A_771, %dma_wait3A_777] : memref<2x8x125xi32, #tpu.memory_space<vmem>> -> memref<1x1x125xi32, #tpu.memory_space<vmem>>
      %dma_wait3A_779 = tpu.memref_squeeze %dma_wait3A_778 : memref<1x1x125xi32, #tpu.memory_space<vmem>> -> memref<125xi32, #tpu.memory_space<vmem>>
      %dma_wait3A_780 = arith.constant 0 : i32
      %dma_wait3A_781 = arith.constant 0 : i32
      %dma_wait3A_782 = tpu.memref_slice %arg2[%dma_wait3A_780, %dma_wait3A_781] : memref<10000x128xf32, #tpu.memory_space<hbm>> -> memref<10000x128xf32, #tpu.memory_space<hbm>>
      tpu.wait_indirect_dma semaphore(%arg12 : memref<!tpu.dma_semaphore, #tpu.memory_space<semaphore_mem>>) src(%dma_wait3A_782 : memref<10000x128xf32, #tpu.memory_space<hbm>>) dst(%dma_wait3A_776 : memref<125x128xf32, #tpu.memory_space<vmem>>)
      %dma_start3A_783 = arith.constant 1 : i32
      %dma_start3A_784 = arith.constant 1 : i32
      %dma_start3A_785 = arith.constant 5 : i32
      %dma_start3A_786 = arith.constant 0 : i32
      %dma_start3A_787 = arith.constant 0 : i32
      %dma_start3A_788 = tpu.memref_slice %arg9[%dma_start3A_783, %dma_start3A_786, %dma_start3A_787] : memref<2x125x128xf32, #tpu.memory_space<vmem>> -> memref<1x125x128xf32, #tpu.memory_space<vmem>>
      %dma_start3A_789 = tpu.memref_squeeze %dma_start3A_788 : memref<1x125x128xf32, #tpu.memory_space<vmem>> -> memref<125x128xf32, #tpu.memory_space<vmem>>
      %dma_start3A_790 = arith.constant 0 : i32
      %dma_start3A_791 = tpu.memref_slice %arg8[%dma_start3A_784, %dma_start3A_785, %dma_start3A_790] : memref<2x8x125xi32, #tpu.memory_space<vmem>> -> memref<1x1x125xi32, #tpu.memory_space<vmem>>
      %dma_start3A_792 = tpu.memref_squeeze %dma_start3A_791 : memref<1x1x125xi32, #tpu.memory_space<vmem>> -> memref<125xi32, #tpu.memory_space<vmem>>
      %dma_start3A_793 = arith.constant 0 : i32
      %dma_start3A_794 = arith.constant 0 : i32
      %dma_start3A_795 = tpu.memref_slice %arg10[%dma_start3A_793, %dma_start3A_794] : memref<10112x128xf32, #tpu.memory_space<vmem_shared>> -> memref<10112x128xf32, #tpu.memory_space<vmem_shared>>
      tpu.enqueue_indirect_dma source(%dma_start3A_789 : memref<125x128xf32, #tpu.memory_space<vmem>>) target(%dma_start3A_795 : memref<10112x128xf32, #tpu.memory_space<vmem_shared>>) offsets(%dma_start3A_792 : memref<125xi32, #tpu.memory_space<vmem>>) semaphore(%arg14 : memref<!tpu.dma_semaphore, #tpu.memory_space<semaphore_mem>>) {add = true}
      %dma_wait3A_796 = arith.constant 1 : i32
      %dma_wait3A_797 = arith.constant 1 : i32
      %dma_wait3A_798 = arith.constant 5 : i32
      %dma_wait3A_799 = arith.constant 0 : i32
      %dma_wait3A_800 = arith.constant 0 : i32
      %dma_wait3A_801 = tpu.memref_slice %arg9[%dma_wait3A_796, %dma_wait3A_799, %dma_wait3A_800] : memref<2x125x128xf32, #tpu.memory_space<vmem>> -> memref<1x125x128xf32, #tpu.memory_space<vmem>>
      %dma_wait3A_802 = tpu.memref_squeeze %dma_wait3A_801 : memref<1x125x128xf32, #tpu.memory_space<vmem>> -> memref<125x128xf32, #tpu.memory_space<vmem>>
      %dma_wait3A_803 = arith.constant 0 : i32
      %dma_wait3A_804 = tpu.memref_slice %arg8[%dma_wait3A_797, %dma_wait3A_798, %dma_wait3A_803] : memref<2x8x125xi32, #tpu.memory_space<vmem>> -> memref<1x1x125xi32, #tpu.memory_space<vmem>>
      %dma_wait3A_805 = tpu.memref_squeeze %dma_wait3A_804 : memref<1x1x125xi32, #tpu.memory_space<vmem>> -> memref<125xi32, #tpu.memory_space<vmem>>
      %dma_wait3A_806 = arith.constant 0 : i32
      %dma_wait3A_807 = arith.constant 0 : i32
      %dma_wait3A_808 = tpu.memref_slice %arg10[%dma_wait3A_806, %dma_wait3A_807] : memref<10112x128xf32, #tpu.memory_space<vmem_shared>> -> memref<10112x128xf32, #tpu.memory_space<vmem_shared>>
      tpu.wait_indirect_dma semaphore(%arg14 : memref<!tpu.dma_semaphore, #tpu.memory_space<semaphore_mem>>) src(%dma_wait3A_802 : memref<125x128xf32, #tpu.memory_space<vmem>>) dst(%dma_wait3A_808 : memref<10112x128xf32, #tpu.memory_space<vmem_shared>>)
      %dma_start3A_809 = arith.constant 1 : i32
      %dma_start3A_810 = arith.constant 7 : i32
      %dma_start3A_811 = arith.constant 1 : i32
      %dma_start3A_812 = arith.constant 0 : i32
      %dma_start3A_813 = arith.constant 0 : i32
      %dma_start3A_814 = tpu.memref_slice %arg9[%dma_start3A_811, %dma_start3A_812, %dma_start3A_813] : memref<2x125x128xf32, #tpu.memory_space<vmem>> -> memref<1x125x128xf32, #tpu.memory_space<vmem>>
      %dma_start3A_815 = tpu.memref_squeeze %dma_start3A_814 : memref<1x125x128xf32, #tpu.memory_space<vmem>> -> memref<125x128xf32, #tpu.memory_space<vmem>>
      %dma_start3A_816 = arith.constant 0 : i32
      %dma_start3A_817 = tpu.memref_slice %arg7[%dma_start3A_809, %dma_start3A_810, %dma_start3A_816] : memref<2x8x125xi32, #tpu.memory_space<vmem>> -> memref<1x1x125xi32, #tpu.memory_space<vmem>>
      %dma_start3A_818 = tpu.memref_squeeze %dma_start3A_817 : memref<1x1x125xi32, #tpu.memory_space<vmem>> -> memref<125xi32, #tpu.memory_space<vmem>>
      %dma_start3A_819 = arith.constant 0 : i32
      %dma_start3A_820 = arith.constant 0 : i32
      %dma_start3A_821 = tpu.memref_slice %arg2[%dma_start3A_819, %dma_start3A_820] : memref<10000x128xf32, #tpu.memory_space<hbm>> -> memref<10000x128xf32, #tpu.memory_space<hbm>>
      tpu.enqueue_indirect_dma source(%dma_start3A_821 : memref<10000x128xf32, #tpu.memory_space<hbm>>) target(%dma_start3A_815 : memref<125x128xf32, #tpu.memory_space<vmem>>) offsets(%dma_start3A_818 : memref<125xi32, #tpu.memory_space<vmem>>) semaphore(%arg12 : memref<!tpu.dma_semaphore, #tpu.memory_space<semaphore_mem>>)
      %dma_wait3A_822 = arith.constant 1 : i32
      %dma_wait3A_823 = arith.constant 6 : i32
      %dma_wait3A_824 = arith.constant 0 : i32
      %dma_wait3A_825 = arith.constant 0 : i32
      %dma_wait3A_826 = arith.constant 0 : i32
      %dma_wait3A_827 = tpu.memref_slice %arg9[%dma_wait3A_824, %dma_wait3A_825, %dma_wait3A_826] : memref<2x125x128xf32, #tpu.memory_space<vmem>> -> memref<1x125x128xf32, #tpu.memory_space<vmem>>
      %dma_wait3A_828 = tpu.memref_squeeze %dma_wait3A_827 : memref<1x125x128xf32, #tpu.memory_space<vmem>> -> memref<125x128xf32, #tpu.memory_space<vmem>>
      %dma_wait3A_829 = arith.constant 0 : i32
      %dma_wait3A_830 = tpu.memref_slice %arg7[%dma_wait3A_822, %dma_wait3A_823, %dma_wait3A_829] : memref<2x8x125xi32, #tpu.memory_space<vmem>> -> memref<1x1x125xi32, #tpu.memory_space<vmem>>
      %dma_wait3A_831 = tpu.memref_squeeze %dma_wait3A_830 : memref<1x1x125xi32, #tpu.memory_space<vmem>> -> memref<125xi32, #tpu.memory_space<vmem>>
      %dma_wait3A_832 = arith.constant 0 : i32
      %dma_wait3A_833 = arith.constant 0 : i32
      %dma_wait3A_834 = tpu.memref_slice %arg2[%dma_wait3A_832, %dma_wait3A_833] : memref<10000x128xf32, #tpu.memory_space<hbm>> -> memref<10000x128xf32, #tpu.memory_space<hbm>>
      tpu.wait_indirect_dma semaphore(%arg11 : memref<!tpu.dma_semaphore, #tpu.memory_space<semaphore_mem>>) src(%dma_wait3A_834 : memref<10000x128xf32, #tpu.memory_space<hbm>>) dst(%dma_wait3A_828 : memref<125x128xf32, #tpu.memory_space<vmem>>)
      %dma_start3A_835 = arith.constant 0 : i32
      %dma_start3A_836 = arith.constant 1 : i32
      %dma_start3A_837 = arith.constant 6 : i32
      %dma_start3A_838 = arith.constant 0 : i32
      %dma_start3A_839 = arith.constant 0 : i32
      %dma_start3A_840 = tpu.memref_slice %arg9[%dma_start3A_835, %dma_start3A_838, %dma_start3A_839] : memref<2x125x128xf32, #tpu.memory_space<vmem>> -> memref<1x125x128xf32, #tpu.memory_space<vmem>>
      %dma_start3A_841 = tpu.memref_squeeze %dma_start3A_840 : memref<1x125x128xf32, #tpu.memory_space<vmem>> -> memref<125x128xf32, #tpu.memory_space<vmem>>
      %dma_start3A_842 = arith.constant 0 : i32
      %dma_start3A_843 = tpu.memref_slice %arg8[%dma_start3A_836, %dma_start3A_837, %dma_start3A_842] : memref<2x8x125xi32, #tpu.memory_space<vmem>> -> memref<1x1x125xi32, #tpu.memory_space<vmem>>
      %dma_start3A_844 = tpu.memref_squeeze %dma_start3A_843 : memref<1x1x125xi32, #tpu.memory_space<vmem>> -> memref<125xi32, #tpu.memory_space<vmem>>
      %dma_start3A_845 = arith.constant 0 : i32
      %dma_start3A_846 = arith.constant 0 : i32
      %dma_start3A_847 = tpu.memref_slice %arg10[%dma_start3A_845, %dma_start3A_846] : memref<10112x128xf32, #tpu.memory_space<vmem_shared>> -> memref<10112x128xf32, #tpu.memory_space<vmem_shared>>
      tpu.enqueue_indirect_dma source(%dma_start3A_841 : memref<125x128xf32, #tpu.memory_space<vmem>>) target(%dma_start3A_847 : memref<10112x128xf32, #tpu.memory_space<vmem_shared>>) offsets(%dma_start3A_844 : memref<125xi32, #tpu.memory_space<vmem>>) semaphore(%arg13 : memref<!tpu.dma_semaphore, #tpu.memory_space<semaphore_mem>>) {add = true}
      %dma_wait3A_848 = arith.constant 1 : i32
      %dma_wait3A_849 = arith.constant 7 : i32
      %dma_wait3A_850 = arith.constant 1 : i32
      %dma_wait3A_851 = arith.constant 0 : i32
      %dma_wait3A_852 = arith.constant 0 : i32
      %dma_wait3A_853 = tpu.memref_slice %arg9[%dma_wait3A_850, %dma_wait3A_851, %dma_wait3A_852] : memref<2x125x128xf32, #tpu.memory_space<vmem>> -> memref<1x125x128xf32, #tpu.memory_space<vmem>>
      %dma_wait3A_854 = tpu.memref_squeeze %dma_wait3A_853 : memref<1x125x128xf32, #tpu.memory_space<vmem>> -> memref<125x128xf32, #tpu.memory_space<vmem>>
      %dma_wait3A_855 = arith.constant 0 : i32
      %dma_wait3A_856 = tpu.memref_slice %arg7[%dma_wait3A_848, %dma_wait3A_849, %dma_wait3A_855] : memref<2x8x125xi32, #tpu.memory_space<vmem>> -> memref<1x1x125xi32, #tpu.memory_space<vmem>>
      %dma_wait3A_857 = tpu.memref_squeeze %dma_wait3A_856 : memref<1x1x125xi32, #tpu.memory_space<vmem>> -> memref<125xi32, #tpu.memory_space<vmem>>
      %dma_wait3A_858 = arith.constant 0 : i32
      %dma_wait3A_859 = arith.constant 0 : i32
      %dma_wait3A_860 = tpu.memref_slice %arg2[%dma_wait3A_858, %dma_wait3A_859] : memref<10000x128xf32, #tpu.memory_space<hbm>> -> memref<10000x128xf32, #tpu.memory_space<hbm>>
      tpu.wait_indirect_dma semaphore(%arg12 : memref<!tpu.dma_semaphore, #tpu.memory_space<semaphore_mem>>) src(%dma_wait3A_860 : memref<10000x128xf32, #tpu.memory_space<hbm>>) dst(%dma_wait3A_854 : memref<125x128xf32, #tpu.memory_space<vmem>>)
      %dma_start3A_861 = arith.constant 1 : i32
      %dma_start3A_862 = arith.constant 1 : i32
      %dma_start3A_863 = arith.constant 7 : i32
      %dma_start3A_864 = arith.constant 0 : i32
      %dma_start3A_865 = arith.constant 0 : i32
      %dma_start3A_866 = tpu.memref_slice %arg9[%dma_start3A_861, %dma_start3A_864, %dma_start3A_865] : memref<2x125x128xf32, #tpu.memory_space<vmem>> -> memref<1x125x128xf32, #tpu.memory_space<vmem>>
      %dma_start3A_867 = tpu.memref_squeeze %dma_start3A_866 : memref<1x125x128xf32, #tpu.memory_space<vmem>> -> memref<125x128xf32, #tpu.memory_space<vmem>>
      %dma_start3A_868 = arith.constant 0 : i32
      %dma_start3A_869 = tpu.memref_slice %arg8[%dma_start3A_862, %dma_start3A_863, %dma_start3A_868] : memref<2x8x125xi32, #tpu.memory_space<vmem>> -> memref<1x1x125xi32, #tpu.memory_space<vmem>>
      %dma_start3A_870 = tpu.memref_squeeze %dma_start3A_869 : memref<1x1x125xi32, #tpu.memory_space<vmem>> -> memref<125xi32, #tpu.memory_space<vmem>>
      %dma_start3A_871 = arith.constant 0 : i32
      %dma_start3A_872 = arith.constant 0 : i32
      %dma_start3A_873 = tpu.memref_slice %arg10[%dma_start3A_871, %dma_start3A_872] : memref<10112x128xf32, #tpu.memory_space<vmem_shared>> -> memref<10112x128xf32, #tpu.memory_space<vmem_shared>>
      tpu.enqueue_indirect_dma source(%dma_start3A_867 : memref<125x128xf32, #tpu.memory_space<vmem>>) target(%dma_start3A_873 : memref<10112x128xf32, #tpu.memory_space<vmem_shared>>) offsets(%dma_start3A_870 : memref<125xi32, #tpu.memory_space<vmem>>) semaphore(%arg14 : memref<!tpu.dma_semaphore, #tpu.memory_space<semaphore_mem>>) {add = true}
      %scan3A_874 = arith.constant 0 : i32
      scf.yield %scan3A_874 : i32
    }
    %scan3A_8 = arith.constant 5 : i32
    %dma_wait3A = arith.constant 0 : i32
    %dma_wait3A_9 = arith.constant 1 : i32
    %dma_wait3A_10 = arith.constant 0 : i32
    %dma_wait3A_11 = arith.constant 0 : i32
    %dma_wait3A_12 = arith.constant 0 : i32
    %dma_wait3A_13 = tpu.memref_slice %arg9[%dma_wait3A, %dma_wait3A_11, %dma_wait3A_12] : memref<2x125x128xf32, #tpu.memory_space<vmem>> -> memref<1x125x128xf32, #tpu.memory_space<vmem>>
    %dma_wait3A_14 = tpu.memref_squeeze %dma_wait3A_13 : memref<1x125x128xf32, #tpu.memory_space<vmem>> -> memref<125x128xf32, #tpu.memory_space<vmem>>
    %dma_wait3A_15 = arith.constant 0 : i32
    %dma_wait3A_16 = tpu.memref_slice %arg8[%dma_wait3A_9, %dma_wait3A_10, %dma_wait3A_15] : memref<2x8x125xi32, #tpu.memory_space<vmem>> -> memref<1x1x125xi32, #tpu.memory_space<vmem>>
    %dma_wait3A_17 = tpu.memref_squeeze %dma_wait3A_16 : memref<1x1x125xi32, #tpu.memory_space<vmem>> -> memref<125xi32, #tpu.memory_space<vmem>>
    %dma_wait3A_18 = arith.constant 0 : i32
    %dma_wait3A_19 = arith.constant 0 : i32
    %dma_wait3A_20 = tpu.memref_slice %arg10[%dma_wait3A_18, %dma_wait3A_19] : memref<10112x128xf32, #tpu.memory_space<vmem_shared>> -> memref<10112x128xf32, #tpu.memory_space<vmem_shared>>
    tpu.wait_indirect_dma semaphore(%arg13 : memref<!tpu.dma_semaphore, #tpu.memory_space<semaphore_mem>>) src(%dma_wait3A_14 : memref<125x128xf32, #tpu.memory_space<vmem>>) dst(%dma_wait3A_20 : memref<10112x128xf32, #tpu.memory_space<vmem_shared>>)
    %dma_wait3A_21 = arith.constant 1 : i32
    %dma_wait3A_22 = arith.constant 1 : i32
    %dma_wait3A_23 = arith.constant 0 : i32
    %dma_wait3A_24 = arith.constant 0 : i32
    %dma_wait3A_25 = arith.constant 0 : i32
    %dma_wait3A_26 = tpu.memref_slice %arg9[%dma_wait3A_21, %dma_wait3A_24, %dma_wait3A_25] : memref<2x125x128xf32, #tpu.memory_space<vmem>> -> memref<1x125x128xf32, #tpu.memory_space<vmem>>
    %dma_wait3A_27 = tpu.memref_squeeze %dma_wait3A_26 : memref<1x125x128xf32, #tpu.memory_space<vmem>> -> memref<125x128xf32, #tpu.memory_space<vmem>>
    %dma_wait3A_28 = arith.constant 0 : i32
    %dma_wait3A_29 = tpu.memref_slice %arg8[%dma_wait3A_22, %dma_wait3A_23, %dma_wait3A_28] : memref<2x8x125xi32, #tpu.memory_space<vmem>> -> memref<1x1x125xi32, #tpu.memory_space<vmem>>
    %dma_wait3A_30 = tpu.memref_squeeze %dma_wait3A_29 : memref<1x1x125xi32, #tpu.memory_space<vmem>> -> memref<125xi32, #tpu.memory_space<vmem>>
    %dma_wait3A_31 = arith.constant 0 : i32
    %dma_wait3A_32 = arith.constant 0 : i32
    %dma_wait3A_33 = tpu.memref_slice %arg10[%dma_wait3A_31, %dma_wait3A_32] : memref<10112x128xf32, #tpu.memory_space<vmem_shared>> -> memref<10112x128xf32, #tpu.memory_space<vmem_shared>>
    tpu.wait_indirect_dma semaphore(%arg14 : memref<!tpu.dma_semaphore, #tpu.memory_space<semaphore_mem>>) src(%dma_wait3A_27 : memref<125x128xf32, #tpu.memory_space<vmem>>) dst(%dma_wait3A_33 : memref<10112x128xf32, #tpu.memory_space<vmem_shared>>)
    %barrier3A_34 = arith.constant 0 : index
    tpu.barrier barrier_id(%barrier3A_34)
    "tpu.region"() ({
      %run_scoped3A = tpu.sem_alloc : memref<!tpu.dma_semaphore, #tpu.memory_space<semaphore_mem>>
      %dma_start3A = arith.constant 0 : i32
      %dma_start3A_35 = tpu.memref_slice %arg6[%arg0, %mul3A_2, %dma_start3A] : memref<2x10112x128xf32, #tpu.memory_space<hbm>> -> memref<1x632x128xf32, #tpu.memory_space<hbm>>
      %dma_start3A_36 = tpu.memref_squeeze %dma_start3A_35 : memref<1x632x128xf32, #tpu.memory_space<hbm>> -> memref<632x128xf32, #tpu.memory_space<hbm>>
      %dma_start3A_37 = arith.constant 0 : i32
      %dma_start3A_38 = tpu.memref_slice %arg10[%mul3A_2, %dma_start3A_37] : memref<10112x128xf32, #tpu.memory_space<vmem_shared>> -> memref<632x128xf32, #tpu.memory_space<vmem_shared>>
      tpu.enqueue_dma source(%dma_start3A_38 : memref<632x128xf32, #tpu.memory_space<vmem_shared>>) target(%dma_start3A_36 : memref<632x128xf32, #tpu.memory_space<hbm>>) target_semaphore(%run_scoped3A : memref<!tpu.dma_semaphore, #tpu.memory_space<semaphore_mem>>)
      %dma_wait3A_39 = arith.constant 0 : i32
      %dma_wait3A_40 = tpu.memref_slice %arg6[%arg0, %mul3A_2, %dma_wait3A_39] : memref<2x10112x128xf32, #tpu.memory_space<hbm>> -> memref<1x632x128xf32, #tpu.memory_space<hbm>>
      %dma_wait3A_41 = tpu.memref_squeeze %dma_wait3A_40 : memref<1x632x128xf32, #tpu.memory_space<hbm>> -> memref<632x128xf32, #tpu.memory_space<hbm>>
      %dma_wait3A_42 = arith.constant 0 : i32
      %dma_wait3A_43 = tpu.memref_slice %arg10[%mul3A_2, %dma_wait3A_42] : memref<10112x128xf32, #tpu.memory_space<vmem_shared>> -> memref<632x128xf32, #tpu.memory_space<vmem_shared>>
      tpu.wait_dma2 semaphore(%run_scoped3A : memref<!tpu.dma_semaphore, #tpu.memory_space<semaphore_mem>>) src(%dma_wait3A_43 : memref<632x128xf32, #tpu.memory_space<vmem_shared>>) dst(%dma_wait3A_41 : memref<632x128xf32, #tpu.memory_space<hbm>>)
      tpu.yield
    }) : () -> ()
    return
  }
}

module attributes {stable_mosaic.version = 14 : i64} {
  func.func @_t1a_body(%arg0: memref<10000x128xf32, #tpu.memory_space<vmem>>, %arg1: memref<128x128xf32, #tpu.memory_space<vmem>>, %arg2: memref<10000x128xf32, #tpu.memory_space<vmem>>) attributes {dimension_semantics = [], scalar_prefetch = 0 : i64, scratch_operands = 0 : i64, tpu.core_type = #tpu.core_type<tc>} {
    %get3A = arith.constant 0 : index
    %get3A_0 = arith.constant 0 : index
    %get3A_1 = vector.load %arg0[%get3A, %get3A_0] : memref<10000x128xf32, #tpu.memory_space<vmem>>, vector<10000x128xf32>
    %get3A_2 = arith.constant 0 : index
    %get3A_3 = arith.constant 0 : index
    %get3A_4 = vector.load %arg1[%get3A_2, %get3A_3] : memref<128x128xf32, #tpu.memory_space<vmem>>, vector<128x128xf32>
    %dot_general3A = arith.constant dense<0.000000e+00> : vector<10000x128xf32>
    %dot_general3A_5 = tpu.matmul %get3A_1, %get3A_4, %dot_general3A {dimension_numbers = #tpu.dot_dimension_numbers<[1], [0], [0], [1], [0, 0, 1, 1], [], []>, transpose_lhs_hint = false} : vector<10000x128xf32>, vector<128x128xf32>, vector<10000x128xf32> -> vector<10000x128xf32>
    %swap3A = arith.constant 0 : index
    %swap3A_6 = arith.constant 0 : index
    %swap3A_7 = vector.load %arg2[%swap3A, %swap3A_6] : memref<10000x128xf32, #tpu.memory_space<vmem>>, vector<10000x128xf32>
    tpu.vector_store %arg2[%swap3A, %swap3A_6], %dot_general3A_5 {strides = array<i32>} : memref<10000x128xf32, #tpu.memory_space<vmem>>, vector<10000x128xf32>,
    return
  }
}

module attributes {stable_mosaic.version = 14 : i64} {
  func.func @_t1b_body(%arg0: memref<10000x128xf32, #tpu.memory_space<vmem>>, %arg1: memref<2x10112x16xf32, #tpu.memory_space<vmem>>, %arg2: memref<10000x128xf32, #tpu.memory_space<vmem>>, %arg3: memref<10000x1xf32, #tpu.memory_space<vmem>>) attributes {dimension_semantics = [], scalar_prefetch = 0 : i64, scratch_operands = 0 : i64, tpu.core_type = #tpu.core_type<tc>} {
    %get3A = arith.constant 0 : index
    %get3A_0 = arith.constant 0 : index
    %get3A_1 = arith.constant 0 : index
    %get3A_2 = vector.load %arg1[%get3A, %get3A_0, %get3A_1] : memref<2x10112x16xf32, #tpu.memory_space<vmem>>, vector<1x10000x1xf32>
    %get3A_3 = vector.shape_cast %get3A_2 : vector<1x10000x1xf32> to vector<10000x1xf32>
    %get3A_4 = arith.constant 1 : index
    %get3A_5 = arith.constant 0 : index
    %get3A_6 = arith.constant 0 : index
    %get3A_7 = vector.load %arg1[%get3A_4, %get3A_5, %get3A_6] : memref<2x10112x16xf32, #tpu.memory_space<vmem>>, vector<1x10000x1xf32>
    %get3A_8 = vector.shape_cast %get3A_7 : vector<1x10000x1xf32> to vector<10000x1xf32>
    %add3A = arith.addf %get3A_3, %get3A_8 : vector<10000x1xf32>
    %add3A_9 = arith.constant 1.000000e+00 : f32
    %add3A_10 = vector.broadcast %add3A_9 : f32 to vector<10000x1xf32>
    %add3A_11 = arith.addf %add3A, %add3A_10 : vector<10000x1xf32>
    %rsqrt3A = math.rsqrt %add3A_11 : vector<10000x1xf32>
    %get3A_12 = arith.constant 0 : index
    %get3A_13 = arith.constant 0 : index
    %get3A_14 = vector.load %arg0[%get3A_12, %get3A_13] : memref<10000x128xf32, #tpu.memory_space<vmem>>, vector<10000x128xf32>
    %mul3A = vector.broadcast %rsqrt3A : vector<10000x1xf32> to vector<10000x128xf32>
    %mul3A_15 = arith.mulf %get3A_14, %mul3A : vector<10000x128xf32>
    %swap3A = arith.constant 0 : index
    %swap3A_16 = arith.constant 0 : index
    %swap3A_17 = vector.load %arg2[%swap3A, %swap3A_16] : memref<10000x128xf32, #tpu.memory_space<vmem>>, vector<10000x128xf32>
    tpu.vector_store %arg2[%swap3A, %swap3A_16], %mul3A_15 {strides = array<i32>} : memref<10000x128xf32, #tpu.memory_space<vmem>>, vector<10000x128xf32>,
    %swap3A_18 = arith.constant 0 : index
    %swap3A_19 = arith.constant 0 : index
    %swap3A_20 = vector.load %arg3[%swap3A_18, %swap3A_19] : memref<10000x1xf32, #tpu.memory_space<vmem>>, vector<10000x1xf32>
    tpu.vector_store %arg3[%swap3A_18, %swap3A_19], %rsqrt3A {strides = array<i32>} : memref<10000x1xf32, #tpu.memory_space<vmem>>, vector<10000x1xf32>,
    return
  }
}

module attributes {stable_mosaic.version = 14 : i64} {
  func.func @_t2_body(%arg0: memref<2x10112x128xf32, #tpu.memory_space<vmem>>, %arg1: memref<10000x128xf32, #tpu.memory_space<vmem>>, %arg2: memref<10000x1xf32, #tpu.memory_space<vmem>>, %arg3: memref<128xf32, #tpu.memory_space<vmem>>, %arg4: memref<128x128xf32, #tpu.memory_space<vmem>>, %arg5: memref<10000x128xf32, #tpu.memory_space<vmem>>) attributes {dimension_semantics = [], scalar_prefetch = 0 : i64, scratch_operands = 0 : i64, tpu.core_type = #tpu.core_type<tc>} {
    %get3A = arith.constant 0 : index
    %get3A_0 = arith.constant 0 : index
    %get3A_1 = vector.load %arg2[%get3A, %get3A_0] : memref<10000x1xf32, #tpu.memory_space<vmem>>, vector<10000x1xf32>
    %get3A_2 = arith.constant 0 : index
    %get3A_3 = arith.constant 0 : index
    %get3A_4 = arith.constant 0 : index
    %get3A_5 = vector.load %arg0[%get3A_2, %get3A_3, %get3A_4] : memref<2x10112x128xf32, #tpu.memory_space<vmem>>, vector<1x10000x128xf32>
    %get3A_6 = vector.shape_cast %get3A_5 : vector<1x10000x128xf32> to vector<10000x128xf32>
    %get3A_7 = arith.constant 1 : index
    %get3A_8 = arith.constant 0 : index
    %get3A_9 = arith.constant 0 : index
    %get3A_10 = vector.load %arg0[%get3A_7, %get3A_8, %get3A_9] : memref<2x10112x128xf32, #tpu.memory_space<vmem>>, vector<1x10000x128xf32>
    %get3A_11 = vector.shape_cast %get3A_10 : vector<1x10000x128xf32> to vector<10000x128xf32>
    %add3A = arith.addf %get3A_6, %get3A_11 : vector<10000x128xf32>
    %get3A_12 = arith.constant 0 : index
    %get3A_13 = arith.constant 0 : index
    %get3A_14 = vector.load %arg1[%get3A_12, %get3A_13] : memref<10000x128xf32, #tpu.memory_space<vmem>>, vector<10000x128xf32>
    %add3A_15 = arith.addf %add3A, %get3A_14 : vector<10000x128xf32>
    %mul3A = vector.broadcast %get3A_1 : vector<10000x1xf32> to vector<10000x128xf32>
    %mul3A_16 = arith.mulf %mul3A, %add3A_15 : vector<10000x128xf32>
    %get3A_17 = arith.constant 0 : index
    %get3A_18 = vector.load %arg3[%get3A_17] : memref<128xf32, #tpu.memory_space<vmem>>, vector<128xf32>
    %broadcast_in_dim3A = vector.shape_cast %get3A_18 : vector<128xf32> to vector<1x128xf32>
    %add3A_19 = vector.broadcast %broadcast_in_dim3A : vector<1x128xf32> to vector<10000x128xf32>
    %add3A_20 = arith.addf %mul3A_16, %add3A_19 : vector<10000x128xf32>
    %max3A = arith.constant 0.000000e+00 : f32
    %max3A_21 = vector.broadcast %max3A : f32 to vector<10000x128xf32>
    %max3A_22 = arith.maximumf %add3A_20, %max3A_21 : vector<10000x128xf32>
    %get3A_23 = arith.constant 0 : index
    %get3A_24 = arith.constant 0 : index
    %get3A_25 = vector.load %arg4[%get3A_23, %get3A_24] : memref<128x128xf32, #tpu.memory_space<vmem>>, vector<128x128xf32>
    %dot_general3A = arith.constant dense<0.000000e+00> : vector<10000x128xf32>
    %dot_general3A_26 = tpu.matmul %max3A_22, %get3A_25, %dot_general3A {dimension_numbers = #tpu.dot_dimension_numbers<[1], [0], [0], [1], [0, 0, 1, 1], [], []>, transpose_lhs_hint = false} : vector<10000x128xf32>, vector<128x128xf32>, vector<10000x128xf32> -> vector<10000x128xf32>
    %mul3A_27 = vector.broadcast %get3A_1 : vector<10000x1xf32> to vector<10000x128xf32>
    %mul3A_28 = arith.mulf %dot_general3A_26, %mul3A_27 : vector<10000x128xf32>
    %swap3A = arith.constant 0 : index
    %swap3A_29 = arith.constant 0 : index
    %swap3A_30 = vector.load %arg5[%swap3A, %swap3A_29] : memref<10000x128xf32, #tpu.memory_space<vmem>>, vector<10000x128xf32>
    tpu.vector_store %arg5[%swap3A, %swap3A_29], %mul3A_28 {strides = array<i32>} : memref<10000x128xf32, #tpu.memory_space<vmem>>, vector<10000x128xf32>,
    return
  }
}

module attributes {stable_mosaic.version = 14 : i64} {
  func.func @_t3_body(%arg0: memref<2x10112x128xf32, #tpu.memory_space<vmem>>, %arg1: memref<10000x128xf32, #tpu.memory_space<vmem>>, %arg2: memref<10000x1xf32, #tpu.memory_space<vmem>>, %arg3: memref<128xf32, #tpu.memory_space<vmem>>, %arg4: memref<128x2xf32, #tpu.memory_space<vmem>>, %arg5: memref<2xf32, #tpu.memory_space<vmem>>, %arg6: memref<10000x2xf32, #tpu.memory_space<vmem>>) attributes {dimension_semantics = [], scalar_prefetch = 0 : i64, scratch_operands = 0 : i64, tpu.core_type = #tpu.core_type<tc>} {
    %get3A = arith.constant 0 : index
    %get3A_0 = arith.constant 0 : index
    %get3A_1 = vector.load %arg2[%get3A, %get3A_0] : memref<10000x1xf32, #tpu.memory_space<vmem>>, vector<10000x1xf32>
    %get3A_2 = arith.constant 0 : index
    %get3A_3 = arith.constant 0 : index
    %get3A_4 = arith.constant 0 : index
    %get3A_5 = vector.load %arg0[%get3A_2, %get3A_3, %get3A_4] : memref<2x10112x128xf32, #tpu.memory_space<vmem>>, vector<1x10000x128xf32>
    %get3A_6 = vector.shape_cast %get3A_5 : vector<1x10000x128xf32> to vector<10000x128xf32>
    %get3A_7 = arith.constant 1 : index
    %get3A_8 = arith.constant 0 : index
    %get3A_9 = arith.constant 0 : index
    %get3A_10 = vector.load %arg0[%get3A_7, %get3A_8, %get3A_9] : memref<2x10112x128xf32, #tpu.memory_space<vmem>>, vector<1x10000x128xf32>
    %get3A_11 = vector.shape_cast %get3A_10 : vector<1x10000x128xf32> to vector<10000x128xf32>
    %add3A = arith.addf %get3A_6, %get3A_11 : vector<10000x128xf32>
    %get3A_12 = arith.constant 0 : index
    %get3A_13 = arith.constant 0 : index
    %get3A_14 = vector.load %arg1[%get3A_12, %get3A_13] : memref<10000x128xf32, #tpu.memory_space<vmem>>, vector<10000x128xf32>
    %add3A_15 = arith.addf %add3A, %get3A_14 : vector<10000x128xf32>
    %mul3A = vector.broadcast %get3A_1 : vector<10000x1xf32> to vector<10000x128xf32>
    %mul3A_16 = arith.mulf %mul3A, %add3A_15 : vector<10000x128xf32>
    %get3A_17 = arith.constant 0 : index
    %get3A_18 = vector.load %arg3[%get3A_17] : memref<128xf32, #tpu.memory_space<vmem>>, vector<128xf32>
    %broadcast_in_dim3A = vector.shape_cast %get3A_18 : vector<128xf32> to vector<1x128xf32>
    %add3A_19 = vector.broadcast %broadcast_in_dim3A : vector<1x128xf32> to vector<10000x128xf32>
    %add3A_20 = arith.addf %mul3A_16, %add3A_19 : vector<10000x128xf32>
    %max3A = arith.constant 0.000000e+00 : f32
    %max3A_21 = vector.broadcast %max3A : f32 to vector<10000x128xf32>
    %max3A_22 = arith.maximumf %add3A_20, %max3A_21 : vector<10000x128xf32>
    %get3A_23 = arith.constant 0 : index
    %get3A_24 = arith.constant 0 : index
    %get3A_25 = vector.load %arg4[%get3A_23, %get3A_24] : memref<128x2xf32, #tpu.memory_space<vmem>>, vector<128x2xf32>
    %dot_general3A = arith.constant dense<0.000000e+00> : vector<10000x2xf32>
    %dot_general3A_26 = tpu.matmul %max3A_22, %get3A_25, %dot_general3A {dimension_numbers = #tpu.dot_dimension_numbers<[1], [0], [0], [1], [0, 0, 1, 1], [], []>, transpose_lhs_hint = false} : vector<10000x128xf32>, vector<128x2xf32>, vector<10000x2xf32> -> vector<10000x2xf32>
    %get3A_27 = arith.constant 0 : index
    %get3A_28 = vector.load %arg5[%get3A_27] : memref<2xf32, #tpu.memory_space<vmem>>, vector<2xf32>
    %broadcast_in_dim3A_29 = vector.shape_cast %get3A_28 : vector<2xf32> to vector<1x2xf32>
    %add3A_30 = vector.broadcast %broadcast_in_dim3A_29 : vector<1x2xf32> to vector<10000x2xf32>
    %add3A_31 = arith.addf %dot_general3A_26, %add3A_30 : vector<10000x2xf32>
    %swap3A = arith.constant 0 : index
    %swap3A_32 = arith.constant 0 : index
    %swap3A_33 = vector.load %arg6[%swap3A, %swap3A_32] : memref<10000x2xf32, #tpu.memory_space<vmem>>, vector<10000x2xf32>
    tpu.vector_store %arg6[%swap3A, %swap3A_32], %add3A_31 {strides = array<i32>} : memref<10000x2xf32, #tpu.memory_space<vmem>>, vector<10000x2xf32>,
    return
  }
}

</mosaic_0001>

<sc_bundles>
// kernel: kernel.12.cloned.1.call-start
scs
__scs_entry_jumppad:
0x0: {  	(pc) =	sbr.rel $0x88, $3  }
0x1: {  	(tag) =	ssettag $0x0;
	lr =	simm.s32 $0x1  }
0x2: {  	[smem:$0x3F99] =	sst lr;
	_ =	strace $0xD0000000  }
0x3: {  	_ = 	snop  }
0x4: {  	_ = 	snop  }
0x5: {  	_ = 	snop  }
0x6: {  	_ = 	snop  }
0x7: {  	_ = 	snop  }
__scs_overlays_trampoline_lowered:
0x8: {  	[smem:$0x3FA8] =	sst s0  }
0x9: {  	[smem:$0x3FA9] =	sst s1  }
0xa: {  	[smem:$0x3FAA] =	sst s2  }
0xb: {  	[smem:$0x3FAB] =	sst s3  }
0xc: {  	[smem:$0x3FAC] =	sst s4  }
0xd: {  	[smem:$0x3FAD] =	sst s5  }
0xe: {  	[smem:$0x3FAE] =	sst s6  }
0xf: {  	[smem:$0x3FAF] =	sst s7  }
0x10: {  	[smem:$0x3FB0] =	sst s8  }
0x11: {  	[smem:$0x3FB1] =	sst s9;
	s0 =	simm.s32 @!p0 $0x0  }
0x12: {  	s1 =	sld [smem:$0x3F97];
	s0 =	simm.s32 @p0 $0x1  }
0x13: {  	[smem:$0x3FB2] =	sst s0;
	s0 =	simm.s32 @!p1 $0x0  }
0x14: {  	s2 =	sld [smem:$0x3F96];
	s0 =	simm.s32 @p1 $0x1  }
0x15: {  	[smem:$0x3FB3] =	sst s0;
	s0 =	simm.s32 @!p2 $0x0  }
0x16: {  	s3 =	sld [smem:$0x3FDB];
	s0 =	simm.s32 @p2 $0x1  }
0x17: {  	s4 =	simm.s32 $0x1BF5;
	[smem:$0x3FB5] =	sst s0  }
0x18: {  	s0 =	sld [smem:$0x3F98];
	_ =	swait.ge [sflag:s4], $0x0  }
0x19: {  	s7 =	sld [smem:$0x3F99]  }
0x1a: {  	s8 =	sadd.s32 $0xFFFFE003, lr  }
0x1b: {  	s9 =	sadd.s32 $0xFFFFFEF7, lr;
	s5 =	simm.s32 $0xFFFFFFFF;
	p2 =	slt.u32 s8, $0xFFFFF086  }
0x1c: {  	p1 =	slt.u32 s9, $0xF7A;
	s5 =	simm.s32 @!p2 $0x0  }
0x1d: {  	s5 =	simm.s32 @p1 $0x1;
	p0 =	seq.s32 s7, s2  }
0x1e: {  	s7 =	smul.u32 @!p0 $0xF7A, s2;
	p2 =	seq.s32 @!p0 s5, $0x0  }
0x1f: {  	s9 =	smul.u32 $0xF7A, s1;
	s8 =	simm.s32 @!p0 $0x1BF5;
	p2 =	por !p2, p0  }
0x20: {  	[sflag:s8] =	ssyncset.s32 @!p0 $0xFFFFF086;
	s6 =	sadd.s32 @!p0 s3, s7;
	s7 =	simm.s32 @!p0 $0x108  }
0x21: {  	s3 =	sadd.s32 s3, s9;
	s6 =	sadd.s32 @!p0 $0x88, s6;
	s7 =	simm.s32 @p2 $0x1082  }
0x22: {  	[simem:s7], [sflag:s8] =	dma.local @!p0 [hbm:s6], $0xF7A  }
0x23: {  	s9 =	sor.u32 $0xD0000000, s2;
	s6 =	simm.s32 $0x108;
	_ =	swait.ge @!p0 [sflag:s8], $0x0  }
0x24: {  	s3 =	sadd.s32 $0x88, s3;
	s6 =	simm.s32 @!p1 $0x1082;
	[sflag:s4] =	ssyncset.s32 $0xFFFFF086  }
0x25: {  	[simem:s6], [sflag:s4] =	dma.local [hbm:s3], $0xF7A  }
0x26: {  	[smem:$0x3F99] =	sst s1;
	(tag) =	ssettag s2;
	_ =	strace s9  }
0x27: {  	s1 =	sld [smem:$0x3FA9]  }
0x28: {  	s2 =	sld [smem:$0x3FAA]  }
0x29: {  	s4 =	sld [smem:$0x3FAC]  }
0x2a: {  	p0 =	seq.s32 s5, $0x0;
	s5 =	sld [smem:$0x3FAD]  }
0x2b: {  	s6 =	sld [smem:$0x3FAE]  }
0x2c: {  	s7 =	sld [smem:$0x3FAF]  }
0x2d: {  	s3 =	simm.s32 $0x108;
	s8 =	sld [smem:$0x3FB0]  }
0x2e: {  	s3 =	simm.s32 @!p0 $0x1082;
	s9 =	sld [smem:$0x3FB1]  }
0x2f: {  	lr =	sadd.s32 s0, s3;
	s0 =	sld [smem:$0x3FA8]  }
0x30: {  	s3 =	sld [smem:$0x3FAB]  }
0x31: {  	[smem:$0x3FB4] =	sst s10  }
0x32: {  	s10 =	sld [smem:$0x3FB2];
	_ =	sdelay $0x3  }
0x33: {  	p0 =	seq.s32 s10, $0x1;
	s10 =	sld [smem:$0x3FB4];
	_ =	sdelay $0x3  }
0x34: {  	[smem:$0x3FB4] =	sst s10  }
0x35: {  	s10 =	sld [smem:$0x3FB3];
	_ =	sdelay $0x3  }
0x36: {  	p1 =	seq.s32 s10, $0x1;
	s10 =	sld [smem:$0x3FB4];
	_ =	sdelay $0x3  }
0x37: {  	[smem:$0x3FB4] =	sst s10  }
0x38: {  	s10 =	sld [smem:$0x3FB5]  }
0x39: {  	_ = 	snop;
	(pc) =	sbr.ind lr, $3  }
0x3a: {  	_ = 	snop  }
0x3b: {  	_ = 	snop  }
0x3c: {  	p2 =	seq.s32 s10, $0x1;
	s10 =	sld [smem:$0x3FB4]  }
0x3d: {  	_ =	shalt  }
0x3e: {  	_ =	shalt  }
0x3f: {  	_ =	shalt  }
0x40: {  	_ =	shalt  }
0x41: {  	_ =	shalt  }
0x42: {  	_ =	shalt  }
0x43: {  	_ =	shalt  }
0x44: {  	_ =	shalt  }
0x45: {  	_ =	shalt  }
0x46: {  	_ =	shalt  }
0x47: {  	_ =	shalt  }
0x48: {  	_ =	shalt  }
0x49: {  	_ =	shalt  }
0x4a: {  	_ =	shalt  }
0x4b: {  	_ =	shalt  }
0x4c: {  	_ =	shalt  }
0x4d: {  	_ =	shalt  }
0x4e: {  	_ =	shalt  }
0x4f: {  	_ =	shalt  }
0x50: {  	_ =	shalt  }
0x51: {  	_ =	shalt  }
0x52: {  	_ =	shalt  }
0x53: {  	_ =	shalt  }
0x54: {  	_ =	shalt  }
0x55: {  	_ =	shalt  }
0x56: {  	_ =	shalt  }
0x57: {  	_ =	shalt  }
0x58: {  	_ =	shalt  }
0x59: {  	_ =	shalt  }
0x5a: {  	_ =	shalt  }
0x5b: {  	_ =	shalt  }
0x5c: {  	_ =	shalt  }
0x5d: {  	_ =	shalt  }
0x5e: {  	_ =	shalt  }
0x5f: {  	_ =	shalt  }
0x60: {  	_ =	shalt  }
0x61: {  	_ =	shalt  }
0x62: {  	_ =	shalt  }
0x63: {  	_ =	shalt  }
0x64: {  	_ =	shalt  }
0x65: {  	_ =	shalt  }
0x66: {  	_ =	shalt  }
0x67: {  	_ =	shalt  }
0x68: {  	_ =	shalt  }
0x69: {  	_ =	shalt  }
0x6a: {  	_ =	shalt  }
0x6b: {  	_ =	shalt  }
0x6c: {  	_ =	shalt  }
0x6d: {  	_ =	shalt  }
0x6e: {  	_ =	shalt  }
0x6f: {  	_ =	shalt  }
0x70: {  	_ =	shalt  }
0x71: {  	_ =	shalt  }
0x72: {  	_ =	shalt  }
0x73: {  	_ =	shalt  }
0x74: {  	_ =	shalt  }
0x75: {  	_ =	shalt  }
0x76: {  	_ =	shalt  }
0x77: {  	_ =	shalt  }
0x78: {  	_ =	shalt  }
0x79: {  	_ =	shalt  }
0x7a: {  	_ =	shalt  }
0x7b: {  	_ =	shalt  }
0x7c: {  	_ =	shalt  }
0x7d: {  	_ =	shalt  }
0x7e: {  	_ =	shalt  }
0x7f: {  	_ =	shalt  }
0x80: {  	_ =	shalt  }
0x81: {  	_ =	shalt  }
0x82: {  	_ =	shalt  }
0x83: {  	_ =	shalt  }
0x84: {  	_ =	shalt  }
0x85: {  	_ =	shalt  }
0x86: {  	_ =	shalt  }
0x87: {  	_ =	shalt  }
.Lfunc_end0:
.L_simem_size_0:
called_computation.1_lowered:
.L_overlay_start_0:
0x88: {  	s2 =	sld [smem:$0x3FD9]  }
0x89: {  	s3 =	sld [smem:$0x3FFE];
	_ =	sdelay $0x1  }
0x8a: {  	s1 =	srdreg.scid  }
0x8b: {  	s0 =	sand.u32 $0x1, s1  }
0x8c: {  	s16 =	sshll.u32 s0, $0xA;
	s2 =	sadd.s32 s3, s2  }
0x8d: {  	s2 =	sadd.s32 s2, s16  }
0x8e: {  	[smem:$0x3FC0] =	sst s2  }
0x8f: {  	_ = 	snop  }
0x90: {  	(tm) =	ssettm $0x1  }
0x91: {  	s17 =	sld [smem:$0x3FFB];
	_ =	sdelay $0x3  }
0x92: {  	_ =	strace s17  }
0x93: {  	s2 =	sld [smem:$0x3FFC];
	_ =	sdelay $0x3  }
0x94: {  	_ =	strace s2  }
0x95: {  	s2 =	sld [smem:$0x3FFD];
	_ =	sdelay $0x3  }
0x96: {  	_ =	strace s2  }
0x97: {  	_ =	strace $0x8FFFFFFF  }
0x98: {  	s18 =	sld [smem:$0x3FDB];
	_ =	sdelay $0x1  }
0x99: {  	s19 =	simm.s32 $_scs_section_size  }
0x9a: {  	s4 =	simm.s32 $_size__tile_overlayer_lowered;
	s5 =	simm.s32 $_tile_overlayer_lowered  }
0x9b: {  	s22 =	simm.s32 $0x1BFF;
	s21 =	sshll.u32 s5, $0x1;
	s2 =	sadd.s32 s19, s18  }
0x9c: {  	s6 =	simm.s32 $0x0;
	s20 =	sshll.u32 s4, $0x1;
	s4 =	sadd.s32 s21, s2  }
0x9d: {  	[timem:s6], [sflag:s22] =	dma.local [hbm:s4], s20  }
0x9e: {  	_ =	swait.ge [sflag:s22], s20  }
0x9f: {  	s3 =	ssub.s32 $0x0, s20;
	[sflag:s22] =	ssyncset.done $0x0  }
0xa0: {  	[sflag:s22] =	ssyncadd.s32 s3;
	_ =	sdelay $0x1  }
0xa1: {  	s23 =	simm.s32 $0x1B8B  }
0xa2: {  	_ =	swait.ge [sflag:s23], $0x1  }
0xa3: {  	[sflag:s23] =	ssyncset.done $0x0  }
0xa4: {  	s25 =	simm.s32 $0x1B8E;
	s24 =	sld [smem:$0x3FFE];
	[sflag:s23] =	ssyncadd.s32 $0xFFFFFFFF  }
0xa5: {  	s26 =	simm.s32 $execute0_lowered;
	[smem:$0x3FD2] =	sst s25  }
0xa6: {  	s4 =	sshll.u32 s26, $0x1;
	_ =	strace $0x80000049;
	[dreg:$0x1] =	wrdreg $0xFFFFFFFF  }
0xa7: {  	s28 =	simm.s32 $_size_execute0_lowered;
	s2 =	sadd.s32 s2, s4;
	[dreg:$0x0] =	wrdreg $0x0  }
0xa8: {  	s4 =	sshll.u32 s28, $0x1;
	[dreg:$0x2] =	wrdreg s2  }
0xa9: {  	[dreg:$0x3] =	wrdreg s4  }
0xaa: {  	[dreg:$0x4] =	wrdreg $0xC0  }
0xab: {  	_ =	task [dreg:s6], $0x5FFFF  }
0xac: {  	[dreg:$0x1] =	wrdreg $0xFFFFFFFF  }
0xad: {  	[dreg:$0x0] =	wrdreg $0x60  }
0xae: {  	[dreg:$0x2] =	wrdreg s24  }
0xaf: {  	[dreg:$0x3] =	wrdreg $0x8D000  }
0xb0: {  	[dreg:$0x4] =	wrdreg $0x9  }
0xb1: {  	_ =	task.clear_ibuf [dreg:s6], $0x5FFFF;
	_ =	strace $0x90000049  }
0xb2: {  	s29 =	simm.s32 $0x9;
	_ =	strace $0x8000004B  }
0xb3: {  	_ =	swait.ge [sflag:s29], $0x1  }
0xb4: {  	[sflag:s29] =	ssyncadd.s32 $0xFFFFFFFF  }
0xb5: {  	_ =	strace $0x9000004B  }
0xb6: {  	_ =	sfence  }
0xb7: {  	s30 =	sld [smem:$0x0];
	_ =	sdelay $0x2  }
0xb8: {  	s31 =	sshll.u32 s1, $0xD;
	s1 =	sshrl.u32 s1, $0x2  }
0xb9: {  	s3 =	sand.u32 $0x4000, s31;
	s1 =	sadd.s32 s1, s30  }
0xba: {  	s0 =	sor.u32 s3, s0;
	s1 =	sshll.u32 s1, $0x11  }
0xbb: {  	s0 =	sor.u32 s1, s0  }
0xbc: {  	s0 =	sadd.s32 $0x8F2B, s0  }
0xbd: {  	[sflag:s0] =	ssyncadd.remote.s32 $0x1  }
0xbe: {  	_ =	sfence.sel $0xFFFF  }
0xbf: {  	[dreg:$0x0] =	wrdreg $0xFFFFFFFF;
	(pc) =	sbr.abs _section_cstart, $3  }
0xc0: {  	[dreg:$0x1] =	wrdreg $0xFFFFFFFF  }
0xc1: {  	_ =	task.clear_ibuf [dreg:s6], $0x2FFFF;
	_ =	strace $0x9FFFFFFF  }
0xc2: {  	(tm) =	ssettm $0x7FFFFFFF  }
0xc3: {  	_ =	shalt  }
tec
execute0_lowered:
.L_overlay_start_1:
0x0: {  	(tag) =	ssettag $0x1  }
0x1: {  	s5 =	rddreg [dreg:$0x0]  }
0x2: {  	s2 =	rddreg [dreg:$0x1];
	s3 =	simm.s32 $0x0  }
0x3: {  	s0 =	stileid.u32;
	s12 =	simm.s32 $0x80;
	[smem:$0x7FF] =	sst s3  }
0x4: {  	s14 =	simm.s32 $0x100;
	_ =	strace $0x8000004A;
	[dreg:$0x5] =	wrdreg s12  }
0x5: {  	s4 =	srdreg.scid;
	s15 =	simm.s32 $0x880;
	[dreg:$0x6] =	wrdreg s14  }
0x6: {  	s16 =	simm.s32 $0x180;
	s17 =	simm.s32 $0x900;
	[dreg:$0x7] =	wrdreg s15  }
0x7: {  	s19 =	simm.s32 $0x200;
	s20 =	simm.s32 $0x980;
	[dreg:$0x8] =	wrdreg s16  }
0x8: {  	s22 =	simm.s32 $0x280;
	s23 =	simm.s32 $0xA00;
	[dreg:$0x9] =	wrdreg s17  }
0x9: {  	s25 =	simm.s32 $0x300;
	s26 =	simm.s32 $0xA80;
	[dreg:$0xa] =	wrdreg s19  }
0xa: {  	s29 =	simm.s32 $0x380;
	s30 =	simm.s32 $0xB00;
	[dreg:$0xb] =	wrdreg s20  }
0xb: {  	s6 =	sshll.u32 s0, $0x8;
	s7 =	sand.u32 $0x1, s4;
	[dreg:$0xc] =	wrdreg s22  }
0xc: {  	s1 =	smul.u32 $0x13C00, s0;
	s4 =	sadd.s32 $0x25C00, s5;
	[dreg:$0xd] =	wrdreg s23  }
0xd: {  	s24 =	sshll.u32 s0, $0x6;
	s31 =	sadd.s32 s6, s5;
	[dreg:$0xe] =	wrdreg s25  }
0xe: {  	s8 =	sshll.u32 s7, $0x7;
	s11 =	smul.u32 $0x13C000, s7;
	[dreg:$0xf] =	wrdreg s26  }
0xf: {  	s7 =	ssub.s32 $0x2, s7;
	s6 =	sor.u32 $0x1C05, s24;
	[dreg:$0x10] =	wrdreg s29  }
0x10: {  	[dreg:$0x11] =	wrdreg s30;
	s12 =	simm.s32 $0x480;
	s14 =	simm.s32 $0xC80  }
0x11: {  	s15 =	simm.s32 $0x580;
	s16 =	simm.s32 $0xD00;
	s17 =	simm.s32 $0x600  }
0x12: {  	s19 =	simm.s32 $0x680;
	s20 =	simm.s32 $0xC00;
	s22 =	simm.s32 $0xE80  }
0x13: {  	s23 =	simm.s32 $0x780;
	s24 =	simm.s32 $0xF00;
	s25 =	simm.s32 $0xF80  }
0x14: {  	s26 =	simm.s32 $0x0;
	s8 =	sadd.s32 s8, s31;
	[dreg:$0x13] =	wrdreg s12  }
0x15: {  	s9 =	sshrl.u32 s1, $0x3;
	s18 =	sshrl.u32 s7, $0x1;
	[dreg:$0x15] =	wrdreg s14  }
0x16: {  	s21 =	sadd.s32 s1, s2;
	s31 =	simm.s32 $0xB80;
	[dreg:$0x16] =	wrdreg s15  }
0x17: {  	s12 =	simm.s32 $0x7D;
	s14 =	simm.s32 $0x1;
	[dreg:$0x17] =	wrdreg s16  }
0x18: {  	s15 =	simm.s32 $0x1000;
	s16 =	simm.s32 $0x3;
	[dreg:$0x18] =	wrdreg s17  }
0x19: {  	s17 =	simm.s32 $0x2;
	[dreg:$0x1a] =	wrdreg s19;
	s19 =	simm.s32 $0x400  }
0x1a: {  	s10 =	sadd.s32 $0x1BC00, s8;
	s8 =	sadd.s32 $0x2E00, s8;
	[dreg:$0x12] =	wrdreg s31  }
0x1b: {  	s9 =	sadd.s32 s9, s5;
	s13 =	sadd.s32 s1, s11;
	[dreg:$0x3] =	wrdreg s10  }
0x1c: {  	s11 =	simm.s32 $0x800;
	[dreg:$0x4] =	wrdreg s8;
	s10 =	sshrl.u32 s13, $0x3  }
0x1d: {  	s8 =	ssub.s32 s7, s18;
	s1 =	sadd.s32 $0x4CE00, s9;
	s9 =	sshrl.u32 s21, $0x3  }
0x1e: {  	s13 =	simm.s32 $0x500;
	s18 =	simm.s32 $0xD80;
	[dreg:$0x1c] =	wrdreg s1  }
0x1f: {  	s21 =	simm.s32 $0xE00;
	s10 =	sadd.s32 s10, s5;
	[dreg:$0x14] =	wrdreg s13  }
0x20: {  	s8 =	smax.u32 s8, $0x1;
	s13 =	simm.s32 $0x4E80;
	[dreg:$0x19] =	wrdreg s18  }
0x21: {  	s18 =	simm.s32 $0x4;
	[dreg:$0x1b] =	wrdreg s21;
	s28 =	sadd.s32 $0x74600, s10  }
0x22: {  	s21 =	simm.s32 $0x700;
	s10 =	simm.s32 $0x5;
	[dreg:$0x1d] =	wrdreg s28  }
.LBB2_1:
0x23: {  	s0 =	rddreg [dreg:$0x1c]  }
0x24: {  	[spmem:s9], [sflag:s6] =	dma.local [hbm:s0], $0x2780  }
0x25: {  	_ =	swait.ge [sflag:s10], $0x2780  }
0x26: {  	[sflag:s10] =	ssyncset.done $0x0  }
0x27: {  	[sflag:s10] =	ssyncadd.s32 $0xFFFFD880  }
0x28: {  	[bflag:$0x0] =	sbarrier.arrive $0xFFFF  }
0x29: {  	s28 =	rddreg [dreg:$0x3]  }
0x2a: {  	s28 =	sadd.s32 $0x0, s28  }
0x2b: {  	[tilespmem:s3], [sflag:$0x5] =	stream.linear.gather [hbm4b:s28+s3], $0x400, $0x38;
	[tilespmem:$0x1C900] =	vst v63  }
0x2c: {  	_ =	swait.ge [sflag:s10], $0x400  }
0x2d: {  	s29 =	rddreg [dreg:$0x4];
	[sflag:s10] =	ssyncset.done $0x0  }
0x2e: {  	[sflag:s10] =	ssyncadd.s32 $0xFFFFFC00;
	s29 =	sadd.s32 $0x0, s29  }
0x2f: {  	[tilespmem:s11], [sflag:$0x5] =	stream.linear.gather [hbm4b:s29+s3], $0x400, $0x38;
	[tilespmem:$0x1C900] =	vst v63  }
0x30: {  	p0 =	por $0x1, $0x1;
	_ =	swait.ge [sflag:s10], $0x400  }
0x31: {  	s30 =	simm.s32 @p0 $0x7D;
	[sflag:s10] =	ssyncset.done $0x0  }
0x32: {  	s31 =	simm.s32 @p0 $0x0;
	s0 =	simm.s32 @p0 $0x1000;
	[sflag:s10] =	ssyncadd.s32 $0xFFFFFC00  }
0x33: {  	[tilespmem:s0], [sflag:$0x1] =	stream.indirect.gather @p0 [hbm4b:s4+s30], $0x80, s31, s30, $0xb8;
	[tilespmem:$0x1C900] =	vst v63  }
0x34: {  	s0 =	simm.s32 @!p0 $0x3  }
0x35: {  	_ =	swait.ge @!p0 [sflag:s0], $0x3E80  }
0x36: {  	s30 =	simm.s32 @!p0 $0x1000;
	[sflag:s0] =	ssyncset.done @!p0 $0x0  }
0x37: {  	s31 =	simm.s32 @!p0 $0x7D;
	[sflag:s0] =	ssyncadd.s32 @!p0 $0xFFFFC180;
	s0 =	simm.s32 @!p0 $0x0  }
0x38: {  	[tilespmem:s30], [sflag:$0x1] =	stream.indirect.gather @!p0 [hbm4b:s4+s31], $0x80, s0, s31, $0xb8;
	[tilespmem:$0x1C900] =	vst v63  }
0x39: {  	s0 =	simm.s32 @!p0 $0x4  }
0x3a: {  	_ =	swait.ge @!p0 [sflag:s0], $0x3E80  }
0x3b: {  	[sflag:s0] =	ssyncset.done @!p0 $0x0  }
0x3c: {  	s30 =	rddreg [dreg:$0x5];
	[sflag:s0] =	ssyncadd.s32 @!p0 $0xFFFFC180  }
0x3d: {  	[tilespmem:s13], [sflag:$0x2] =	stream.indirect.gather [hbm4b:s4+s12], $0x80, s30, s12, $0xb8;
	[tilespmem:$0x1C900] =	vst v63  }
0x3e: {  	_ =	swait.ge [sflag:s14], $0x3E80  }
0x3f: {  	[sflag:s14] =	ssyncset.done $0x0  }
0x40: {  	[sflag:s14] =	ssyncadd.s32 $0xFFFFC180  }
0x41: {  	[spmem:s2] =	stream.indirect.scatter.add.f32 [tilespmem:s15], [sflag:$0x3], $0x80, s11, s12, $0xb8;
	[tilespmem:$0x1C900] =	vst v63  }
0x42: {  	_ =	swait.ge [sflag:s16], $0x3E80  }
0x43: {  	[sflag:s16] =	ssyncset.done $0x0  }
0x44: {  	s1 =	rddreg [dreg:$0x6];
	[sflag:s16] =	ssyncadd.s32 $0xFFFFC180  }
0x45: {  	[tilespmem:s15], [sflag:$0x1] =	stream.indirect.gather [hbm4b:s4+s12], $0x80, s1, s12, $0xb8;
	[tilespmem:$0x1C900] =	vst v63  }
0x46: {  	_ =	swait.ge [sflag:s17], $0x3E80  }
0x47: {  	[sflag:s17] =	ssyncset.done $0x0  }
0x48: {  	s5 =	rddreg [dreg:$0x7];
	[sflag:s17] =	ssyncadd.s32 $0xFFFFC180  }
0x49: {  	[spmem:s2] =	stream.indirect.scatter.add.f32 [tilespmem:s13], [sflag:$0x4], $0x80, s5, s12, $0xb8;
	[tilespmem:$0x1C900] =	vst v63  }
0x4a: {  	_ =	swait.ge [sflag:s18], $0x3E80  }
0x4b: {  	[sflag:s18] =	ssyncset.done $0x0  }
0x4c: {  	s7 =	rddreg [dreg:$0x8];
	[sflag:s18] =	ssyncadd.s32 $0xFFFFC180  }
0x4d: {  	[tilespmem:s13], [sflag:$0x2] =	stream.indirect.gather [hbm4b:s4+s12], $0x80, s7, s12, $0xb8;
	[tilespmem:$0x1C900] =	vst v63  }
0x4e: {  	_ =	swait.ge [sflag:s14], $0x3E80  }
0x4f: {  	[sflag:s14] =	ssyncset.done $0x0  }
0x50: {  	s31 =	rddreg [dreg:$0x9];
	[sflag:s14] =	ssyncadd.s32 $0xFFFFC180  }
0x51: {  	[spmem:s2] =	stream.indirect.scatter.add.f32 [tilespmem:s15], [sflag:$0x3], $0x80, s31, s12, $0xb8;
	[tilespmem:$0x1C900] =	vst v63  }
0x52: {  	_ =	swait.ge [sflag:s16], $0x3E80  }
0x53: {  	[sflag:s16] =	ssyncset.done $0x0  }
0x54: {  	s1 =	rddreg [dreg:$0xa];
	[sflag:s16] =	ssyncadd.s32 $0xFFFFC180  }
0x55: {  	[tilespmem:s15], [sflag:$0x1] =	stream.indirect.gather [hbm4b:s4+s12], $0x80, s1, s12, $0xb8;
	[tilespmem:$0x1C900] =	vst v63  }
0x56: {  	_ =	swait.ge [sflag:s17], $0x3E80  }
0x57: {  	[sflag:s17] =	ssyncset.done $0x0  }
0x58: {  	s5 =	rddreg [dreg:$0xb];
	[sflag:s17] =	ssyncadd.s32 $0xFFFFC180  }
0x59: {  	[spmem:s2] =	stream.indirect.scatter.add.f32 [tilespmem:s13], [sflag:$0x4], $0x80, s5, s12, $0xb8;
	[tilespmem:$0x1C900] =	vst v63  }
0x5a: {  	_ =	swait.ge [sflag:s18], $0x3E80  }
0x5b: {  	[sflag:s18] =	ssyncset.done $0x0  }
0x5c: {  	s7 =	rddreg [dreg:$0xc];
	[sflag:s18] =	ssyncadd.s32 $0xFFFFC180  }
0x5d: {  	[tilespmem:s13], [sflag:$0x2] =	stream.indirect.gather [hbm4b:s4+s12], $0x80, s7, s12, $0xb8;
	[tilespmem:$0x1C900] =	vst v63  }
0x5e: {  	_ =	swait.ge [sflag:s14], $0x3E80  }
0x5f: {  	[sflag:s14] =	ssyncset.done $0x0  }
0x60: {  	s31 =	rddreg [dreg:$0xd];
	[sflag:s14] =	ssyncadd.s32 $0xFFFFC180  }
0x61: {  	[spmem:s2] =	stream.indirect.scatter.add.f32 [tilespmem:s15], [sflag:$0x3], $0x80, s31, s12, $0xb8;
	[tilespmem:$0x1C900] =	vst v63  }
0x62: {  	_ =	swait.ge [sflag:s16], $0x3E80  }
0x63: {  	[sflag:s16] =	ssyncset.done $0x0  }
0x64: {  	s1 =	rddreg [dreg:$0xe];
	[sflag:s16] =	ssyncadd.s32 $0xFFFFC180  }
0x65: {  	[tilespmem:s15], [sflag:$0x1] =	stream.indirect.gather [hbm4b:s4+s12], $0x80, s1, s12, $0xb8;
	[tilespmem:$0x1C900] =	vst v63  }
0x66: {  	_ =	swait.ge [sflag:s17], $0x3E80  }
0x67: {  	[sflag:s17] =	ssyncset.done $0x0  }
0x68: {  	s5 =	rddreg [dreg:$0xf];
	[sflag:s17] =	ssyncadd.s32 $0xFFFFC180  }
0x69: {  	[spmem:s2] =	stream.indirect.scatter.add.f32 [tilespmem:s13], [sflag:$0x4], $0x80, s5, s12, $0xb8;
	[tilespmem:$0x1C900] =	vst v63  }
0x6a: {  	_ =	swait.ge [sflag:s18], $0x3E80  }
0x6b: {  	[sflag:s18] =	ssyncset.done $0x0  }
0x6c: {  	s7 =	rddreg [dreg:$0x10];
	[sflag:s18] =	ssyncadd.s32 $0xFFFFC180  }
0x6d: {  	[tilespmem:s13], [sflag:$0x2] =	stream.indirect.gather [hbm4b:s4+s12], $0x80, s7, s12, $0xb8;
	[tilespmem:$0x1C900] =	vst v63  }
0x6e: {  	_ =	swait.ge [sflag:s14], $0x3E80  }
0x6f: {  	[sflag:s14] =	ssyncset.done $0x0  }
0x70: {  	s31 =	rddreg [dreg:$0x11];
	[sflag:s14] =	ssyncadd.s32 $0xFFFFC180  }
0x71: {  	[spmem:s2] =	stream.indirect.scatter.add.f32 [tilespmem:s15], [sflag:$0x3], $0x80, s31, s12, $0xb8;
	[tilespmem:$0x1C900] =	vst v63  }
0x72: {  	_ =	swait.ge [sflag:s17], $0x3E80  }
0x73: {  	[sflag:s17] =	ssyncset.done $0x0  }
0x74: {  	s1 =	rddreg [dreg:$0x12];
	[sflag:s17] =	ssyncadd.s32 $0xFFFFC180  }
0x75: {  	[spmem:s2] =	stream.indirect.scatter.add.f32 [tilespmem:s13], [sflag:$0x4], $0x80, s1, s12, $0xb8;
	[tilespmem:$0x1C900] =	vst v63  }
0x76: {  	s5 =	sadd.s32 $0x1000, s28  }
0x77: {  	[tilespmem:s19], [sflag:$0x5] =	stream.linear.gather [hbm4b:s5+s3], $0x400, $0x38;
	[tilespmem:$0x1C900] =	vst v63  }
0x78: {  	_ =	swait.ge [sflag:s10], $0x400  }
0x79: {  	[sflag:s10] =	ssyncset.done $0x0  }
0x7a: {  	s7 =	sadd.s32 $0x1000, s29;
	[sflag:s10] =	ssyncadd.s32 $0xFFFFFC00  }
0x7b: {  	[tilespmem:s20], [sflag:$0x5] =	stream.linear.gather [hbm4b:s7+s3], $0x400, $0x38;
	[tilespmem:$0x1C900] =	vst v63  }
0x7c: {  	_ =	swait.ge [sflag:s10], $0x400  }
0x7d: {  	[sflag:s10] =	ssyncset.done $0x0  }
0x7e: {  	[sflag:s10] =	ssyncadd.s32 $0xFFFFFC00  }
0x7f: {  	_ =	swait.ge [sflag:s16], $0x3E80  }
0x80: {  	[sflag:s16] =	ssyncset.done $0x0  }
0x81: {  	[sflag:s16] =	ssyncadd.s32 $0xFFFFC180  }
0x82: {  	[tilespmem:s15], [sflag:$0x1] =	stream.indirect.gather [hbm4b:s4+s12], $0x80, s19, s12, $0xb8;
	[tilespmem:$0x1C900] =	vst v63  }
0x83: {  	_ =	swait.ge [sflag:s18], $0x3E80  }
0x84: {  	[sflag:s18] =	ssyncset.done $0x0  }
0x85: {  	s31 =	rddreg [dreg:$0x13];
	[sflag:s18] =	ssyncadd.s32 $0xFFFFC180  }
0x86: {  	[tilespmem:s13], [sflag:$0x2] =	stream.indirect.gather [hbm4b:s4+s12], $0x80, s31, s12, $0xb8;
	[tilespmem:$0x1C900] =	vst v63  }
0x87: {  	_ =	swait.ge [sflag:s14], $0x3E80  }
0x88: {  	[sflag:s14] =	ssyncset.done $0x0  }
0x89: {  	[sflag:s14] =	ssyncadd.s32 $0xFFFFC180  }
0x8a: {  	[spmem:s2] =	stream.indirect.scatter.add.f32 [tilespmem:s15], [sflag:$0x3], $0x80, s20, s12, $0xb8;
	[tilespmem:$0x1C900] =	vst v63  }
0x8b: {  	_ =	swait.ge [sflag:s16], $0x3E80  }
0x8c: {  	[sflag:s16] =	ssyncset.done $0x0  }
0x8d: {  	s1 =	rddreg [dreg:$0x14];
	[sflag:s16] =	ssyncadd.s32 $0xFFFFC180  }
0x8e: {  	[tilespmem:s15], [sflag:$0x1] =	stream.indirect.gather [hbm4b:s4+s12], $0x80, s1, s12, $0xb8;
	[tilespmem:$0x1C900] =	vst v63  }
0x8f: {  	_ =	swait.ge [sflag:s17], $0x3E80  }
0x90: {  	[sflag:s17] =	ssyncset.done $0x0  }
0x91: {  	s5 =	rddreg [dreg:$0x15];
	[sflag:s17] =	ssyncadd.s32 $0xFFFFC180  }
0x92: {  	[spmem:s2] =	stream.indirect.scatter.add.f32 [tilespmem:s13], [sflag:$0x4], $0x80, s5, s12, $0xb8;
	[tilespmem:$0x1C900] =	vst v63  }
0x93: {  	_ =	swait.ge [sflag:s18], $0x3E80  }
0x94: {  	[sflag:s18] =	ssyncset.done $0x0  }
0x95: {  	s7 =	rddreg [dreg:$0x16];
	[sflag:s18] =	ssyncadd.s32 $0xFFFFC180  }
0x96: {  	[tilespmem:s13], [sflag:$0x2] =	stream.indirect.gather [hbm4b:s4+s12], $0x80, s7, s12, $0xb8;
	[tilespmem:$0x1C900] =	vst v63  }
0x97: {  	_ =	swait.ge [sflag:s14], $0x3E80  }
0x98: {  	[sflag:s14] =	ssyncset.done $0x0  }
0x99: {  	s31 =	rddreg [dreg:$0x17];
	[sflag:s14] =	ssyncadd.s32 $0xFFFFC180  }
0x9a: {  	[spmem:s2] =	stream.indirect.scatter.add.f32 [tilespmem:s15], [sflag:$0x3], $0x80, s31, s12, $0xb8;
	[tilespmem:$0x1C900] =	vst v63  }
0x9b: {  	_ =	swait.ge [sflag:s16], $0x3E80  }
0x9c: {  	[sflag:s16] =	ssyncset.done $0x0  }
0x9d: {  	s1 =	rddreg [dreg:$0x18];
	[sflag:s16] =	ssyncadd.s32 $0xFFFFC180  }
0x9e: {  	[tilespmem:s15], [sflag:$0x1] =	stream.indirect.gather [hbm4b:s4+s12], $0x80, s1, s12, $0xb8;
	[tilespmem:$0x1C900] =	vst v63  }
0x9f: {  	_ =	swait.ge [sflag:s17], $0x3E80  }
0xa0: {  	[sflag:s17] =	ssyncset.done $0x0  }
0xa1: {  	s5 =	rddreg [dreg:$0x19];
	[sflag:s17] =	ssyncadd.s32 $0xFFFFC180  }
0xa2: {  	[spmem:s2] =	stream.indirect.scatter.add.f32 [tilespmem:s13], [sflag:$0x4], $0x80, s5, s12, $0xb8;
	[tilespmem:$0x1C900] =	vst v63  }
0xa3: {  	_ =	swait.ge [sflag:s18], $0x3E80  }
0xa4: {  	[sflag:s18] =	ssyncset.done $0x0  }
0xa5: {  	s7 =	rddreg [dreg:$0x1a];
	[sflag:s18] =	ssyncadd.s32 $0xFFFFC180  }
0xa6: {  	[tilespmem:s13], [sflag:$0x2] =	stream.indirect.gather [hbm4b:s4+s12], $0x80, s7, s12, $0xb8;
	[tilespmem:$0x1C900] =	vst v63  }
0xa7: {  	_ =	swait.ge [sflag:s14], $0x3E80  }
0xa8: {  	[sflag:s14] =	ssyncset.done $0x0  }
0xa9: {  	s31 =	rddreg [dreg:$0x1b];
	[sflag:s14] =	ssyncadd.s32 $0xFFFFC180  }
0xaa: {  	[spmem:s2] =	stream.indirect.scatter.add.f32 [tilespmem:s15], [sflag:$0x3], $0x80, s31, s12, $0xb8;
	[tilespmem:$0x1C900] =	vst v63  }
0xab: {  	_ =	swait.ge [sflag:s16], $0x3E80  }
0xac: {  	[sflag:s16] =	ssyncset.done $0x0  }
0xad: {  	[sflag:s16] =	ssyncadd.s32 $0xFFFFC180  }
0xae: {  	[tilespmem:s15], [sflag:$0x1] =	stream.indirect.gather [hbm4b:s4+s12], $0x80, s21, s12, $0xb8;
	[tilespmem:$0x1C900] =	vst v63  }
0xaf: {  	_ =	swait.ge [sflag:s17], $0x3E80  }
0xb0: {  	[sflag:s17] =	ssyncset.done $0x0  }
0xb1: {  	[sflag:s17] =	ssyncadd.s32 $0xFFFFC180  }
0xb2: {  	[spmem:s2] =	stream.indirect.scatter.add.f32 [tilespmem:s13], [sflag:$0x4], $0x80, s22, s12, $0xb8;
	[tilespmem:$0x1C900] =	vst v63  }
0xb3: {  	_ =	swait.ge [sflag:s18], $0x3E80  }
0xb4: {  	[sflag:s18] =	ssyncset.done $0x0  }
0xb5: {  	[sflag:s18] =	ssyncadd.s32 $0xFFFFC180  }
0xb6: {  	[tilespmem:s13], [sflag:$0x2] =	stream.indirect.gather [hbm4b:s4+s12], $0x80, s23, s12, $0xb8;
	[tilespmem:$0x1C900] =	vst v63  }
0xb7: {  	_ =	swait.ge [sflag:s14], $0x3E80  }
0xb8: {  	[sflag:s14] =	ssyncset.done $0x0  }
0xb9: {  	[sflag:s14] =	ssyncadd.s32 $0xFFFFC180  }
0xba: {  	[spmem:s2] =	stream.indirect.scatter.add.f32 [tilespmem:s15], [sflag:$0x3], $0x80, s24, s12, $0xb8;
	[tilespmem:$0x1C900] =	vst v63  }
0xbb: {  	s28 =	simm.s32 $0x2000;
	_ =	swait.ge [sflag:s17], $0x3E80  }
0xbc: {  	s29 =	simm.s32 $0x4000;
	s30 =	rddreg [dreg:$0x3];
	[sflag:s17] =	ssyncset.done $0x0  }
.LBB2_2:
0xbd: {  	[sflag:s17] =	ssyncadd.s32 $0xFFFFC180  }
0xbe: {  	[spmem:s2] =	stream.indirect.scatter.add.f32 [tilespmem:s13], [sflag:$0x4], $0x80, s25, s12, $0xb8;
	[tilespmem:$0x1C900] =	vst v63  }
0xbf: {  	s30 =	sadd.s32 s28, s30  }
0xc0: {  	[tilespmem:s3], [sflag:$0x5] =	stream.linear.gather [hbm4b:s30+s3], $0x400, $0x38;
	[tilespmem:$0x1C900] =	vst v63  }
0xc1: {  	_ =	swait.ge [sflag:s10], $0x400  }
0xc2: {  	s31 =	rddreg [dreg:$0x4];
	[sflag:s10] =	ssyncset.done $0x0  }
0xc3: {  	p1 =	seq.s32 s28, $0x0;
	[sflag:s10] =	ssyncadd.s32 $0xFFFFFC00;
	s31 =	sadd.s32 s28, s31  }
0xc4: {  	[tilespmem:s11], [sflag:$0x5] =	stream.linear.gather [hbm4b:s31+s3], $0x400, $0x38;
	[tilespmem:$0x1C900] =	vst v63  }
0xc5: {  	s0 =	smov.u32 s29;
	s1 =	simm.s32 @p1 $0x0;
	_ =	swait.ge [sflag:s10], $0x400  }
0xc6: {  	s5 =	simm.s32 @p1 $0x1000;
	s7 =	simm.s32 @!p1 $0x3;
	[sflag:s10] =	ssyncset.done $0x0  }
0xc7: {  	s28 =	smov.u32 s0;
	s0 =	simm.s32 @p1 $0x7D;
	[sflag:s10] =	ssyncadd.s32 $0xFFFFFC00  }
0xc8: {  	[tilespmem:s5], [sflag:$0x1] =	stream.indirect.gather @p1 [hbm4b:s4+s0], $0x80, s1, s0, $0xb8;
	[tilespmem:$0x1C900] =	vst v63  }
0xc9: {  	_ =	swait.ge @!p1 [sflag:s7], $0x3E80  }
0xca: {  	s0 =	simm.s32 @!p1 $0x1000;
	s1 =	simm.s32 @!p1 $0x7D;
	[sflag:s7] =	ssyncset.done @!p1 $0x0  }
0xcb: {  	s5 =	simm.s32 @!p1 $0x0;
	[sflag:s7] =	ssyncadd.s32 @!p1 $0xFFFFC180;
	s7 =	simm.s32 @!p1 $0x4  }
0xcc: {  	[tilespmem:s0], [sflag:$0x1] =	stream.indirect.gather @!p1 [hbm4b:s4+s1], $0x80, s5, s1, $0xb8;
	[tilespmem:$0x1C900] =	vst v63  }
0xcd: {  	_ =	swait.ge @!p1 [sflag:s7], $0x3E80  }
0xce: {  	[sflag:s7] =	ssyncset.done @!p1 $0x0  }
0xcf: {  	s5 =	rddreg [dreg:$0x5];
	[sflag:s7] =	ssyncadd.s32 @!p1 $0xFFFFC180  }
0xd0: {  	[tilespmem:s13], [sflag:$0x2] =	stream.indirect.gather [hbm4b:s4+s12], $0x80, s5, s12, $0xb8;
	[tilespmem:$0x1C900] =	vst v63  }
0xd1: {  	_ =	swait.ge [sflag:s14], $0x3E80  }
0xd2: {  	[sflag:s14] =	ssyncset.done $0x0  }
0xd3: {  	[sflag:s14] =	ssyncadd.s32 $0xFFFFC180  }
0xd4: {  	[spmem:s2] =	stream.indirect.scatter.add.f32 [tilespmem:s15], [sflag:$0x3], $0x80, s11, s12, $0xb8;
	[tilespmem:$0x1C900] =	vst v63  }
0xd5: {  	_ =	swait.ge [sflag:s16], $0x3E80  }
0xd6: {  	[sflag:s16] =	ssyncset.done $0x0  }
0xd7: {  	s1 =	rddreg [dreg:$0x6];
	[sflag:s16] =	ssyncadd.s32 $0xFFFFC180  }
0xd8: {  	[tilespmem:s15], [sflag:$0x1] =	stream.indirect.gather [hbm4b:s4+s12], $0x80, s1, s12, $0xb8;
	[tilespmem:$0x1C900] =	vst v63  }
0xd9: {  	_ =	swait.ge [sflag:s17], $0x3E80  }
0xda: {  	[sflag:s17] =	ssyncset.done $0x0  }
0xdb: {  	s5 =	rddreg [dreg:$0x7];
	[sflag:s17] =	ssyncadd.s32 $0xFFFFC180  }
0xdc: {  	[spmem:s2] =	stream.indirect.scatter.add.f32 [tilespmem:s13], [sflag:$0x4], $0x80, s5, s12, $0xb8;
	[tilespmem:$0x1C900] =	vst v63  }
0xdd: {  	_ =	swait.ge [sflag:s18], $0x3E80  }
0xde: {  	[sflag:s18] =	ssyncset.done $0x0  }
0xdf: {  	s7 =	rddreg [dreg:$0x8];
	[sflag:s18] =	ssyncadd.s32 $0xFFFFC180  }
0xe0: {  	[tilespmem:s13], [sflag:$0x2] =	stream.indirect.gather [hbm4b:s4+s12], $0x80, s7, s12, $0xb8;
	[tilespmem:$0x1C900] =	vst v63  }
0xe1: {  	_ =	swait.ge [sflag:s14], $0x3E80  }
0xe2: {  	[sflag:s14] =	ssyncset.done $0x0  }
0xe3: {  	s1 =	rddreg [dreg:$0x9];
	[sflag:s14] =	ssyncadd.s32 $0xFFFFC180  }
0xe4: {  	[spmem:s2] =	stream.indirect.scatter.add.f32 [tilespmem:s15], [sflag:$0x3], $0x80, s1, s12, $0xb8;
	[tilespmem:$0x1C900] =	vst v63  }
0xe5: {  	_ =	swait.ge [sflag:s16], $0x3E80  }
0xe6: {  	[sflag:s16] =	ssyncset.done $0x0  }
0xe7: {  	s5 =	rddreg [dreg:$0xa];
	[sflag:s16] =	ssyncadd.s32 $0xFFFFC180  }
0xe8: {  	[tilespmem:s15], [sflag:$0x1] =	stream.indirect.gather [hbm4b:s4+s12], $0x80, s5, s12, $0xb8;
	[tilespmem:$0x1C900] =	vst v63  }
0xe9: {  	_ =	swait.ge [sflag:s17], $0x3E80  }
0xea: {  	[sflag:s17] =	ssyncset.done $0x0  }
0xeb: {  	s7 =	rddreg [dreg:$0xb];
	[sflag:s17] =	ssyncadd.s32 $0xFFFFC180  }
0xec: {  	[spmem:s2] =	stream.indirect.scatter.add.f32 [tilespmem:s13], [sflag:$0x4], $0x80, s7, s12, $0xb8;
	[tilespmem:$0x1C900] =	vst v63  }
0xed: {  	_ =	swait.ge [sflag:s18], $0x3E80  }
0xee: {  	[sflag:s18] =	ssyncset.done $0x0  }
0xef: {  	s1 =	rddreg [dreg:$0xc];
	[sflag:s18] =	ssyncadd.s32 $0xFFFFC180  }
0xf0: {  	[tilespmem:s13], [sflag:$0x2] =	stream.indirect.gather [hbm4b:s4+s12], $0x80, s1, s12, $0xb8;
	[tilespmem:$0x1C900] =	vst v63  }
0xf1: {  	_ =	swait.ge [sflag:s14], $0x3E80  }
0xf2: {  	[sflag:s14] =	ssyncset.done $0x0  }
0xf3: {  	s5 =	rddreg [dreg:$0xd];
	[sflag:s14] =	ssyncadd.s32 $0xFFFFC180  }
0xf4: {  	[spmem:s2] =	stream.indirect.scatter.add.f32 [tilespmem:s15], [sflag:$0x3], $0x80, s5, s12, $0xb8;
	[tilespmem:$0x1C900] =	vst v63  }
0xf5: {  	_ =	swait.ge [sflag:s16], $0x3E80  }
0xf6: {  	[sflag:s16] =	ssyncset.done $0x0  }
0xf7: {  	s7 =	rddreg [dreg:$0xe];
	[sflag:s16] =	ssyncadd.s32 $0xFFFFC180  }
0xf8: {  	[tilespmem:s15], [sflag:$0x1] =	stream.indirect.gather [hbm4b:s4+s12], $0x80, s7, s12, $0xb8;
	[tilespmem:$0x1C900] =	vst v63  }
0xf9: {  	_ =	swait.ge [sflag:s17], $0x3E80  }
0xfa: {  	[sflag:s17] =	ssyncset.done $0x0  }
0xfb: {  	s1 =	rddreg [dreg:$0xf];
	[sflag:s17] =	ssyncadd.s32 $0xFFFFC180  }
0xfc: {  	[spmem:s2] =	stream.indirect.scatter.add.f32 [tilespmem:s13], [sflag:$0x4], $0x80, s1, s12, $0xb8;
	[tilespmem:$0x1C900] =	vst v63  }
0xfd: {  	_ =	swait.ge [sflag:s18], $0x3E80  }
0xfe: {  	[sflag:s18] =	ssyncset.done $0x0  }
0xff: {  	s5 =	rddreg [dreg:$0x10];
	[sflag:s18] =	ssyncadd.s32 $0xFFFFC180  }
0x100: {  	[tilespmem:s13], [sflag:$0x2] =	stream.indirect.gather [hbm4b:s4+s12], $0x80, s5, s12, $0xb8;
	[tilespmem:$0x1C900] =	vst v63  }
0x101: {  	_ =	swait.ge [sflag:s14], $0x3E80  }
0x102: {  	[sflag:s14] =	ssyncset.done $0x0  }
0x103: {  	s7 =	rddreg [dreg:$0x11];
	[sflag:s14] =	ssyncadd.s32 $0xFFFFC180  }
0x104: {  	[spmem:s2] =	stream.indirect.scatter.add.f32 [tilespmem:s15], [sflag:$0x3], $0x80, s7, s12, $0xb8;
	[tilespmem:$0x1C900] =	vst v63  }
0x105: {  	_ =	swait.ge [sflag:s17], $0x3E80  }
0x106: {  	[sflag:s17] =	ssyncset.done $0x0  }
0x107: {  	s1 =	rddreg [dreg:$0x12];
	[sflag:s17] =	ssyncadd.s32 $0xFFFFC180  }
0x108: {  	[spmem:s2] =	stream.indirect.scatter.add.f32 [tilespmem:s13], [sflag:$0x4], $0x80, s1, s12, $0xb8;
	[tilespmem:$0x1C900] =	vst v63  }
0x109: {  	s5 =	sadd.s32 $0x1000, s30  }
0x10a: {  	[tilespmem:s19], [sflag:$0x5] =	stream.linear.gather [hbm4b:s5+s3], $0x400, $0x38;
	[tilespmem:$0x1C900] =	vst v63  }
0x10b: {  	_ =	swait.ge [sflag:s10], $0x400  }
0x10c: {  	[sflag:s10] =	ssyncset.done $0x0  }
0x10d: {  	s7 =	sadd.s32 $0x1000, s31;
	[sflag:s10] =	ssyncadd.s32 $0xFFFFFC00  }
0x10e: {  	[tilespmem:s20], [sflag:$0x5] =	stream.linear.gather [hbm4b:s7+s3], $0x400, $0x38;
	[tilespmem:$0x1C900] =	vst v63  }
0x10f: {  	_ =	swait.ge [sflag:s10], $0x400  }
0x110: {  	[sflag:s10] =	ssyncset.done $0x0  }
0x111: {  	[sflag:s10] =	ssyncadd.s32 $0xFFFFFC00  }
0x112: {  	_ =	swait.ge [sflag:s16], $0x3E80  }
0x113: {  	[sflag:s16] =	ssyncset.done $0x0  }
0x114: {  	[sflag:s16] =	ssyncadd.s32 $0xFFFFC180  }
0x115: {  	[tilespmem:s15], [sflag:$0x1] =	stream.indirect.gather [hbm4b:s4+s12], $0x80, s19, s12, $0xb8;
	[tilespmem:$0x1C900] =	vst v63  }
0x116: {  	_ =	swait.ge [sflag:s18], $0x3E80  }
0x117: {  	[sflag:s18] =	ssyncset.done $0x0  }
0x118: {  	s31 =	rddreg [dreg:$0x13];
	[sflag:s18] =	ssyncadd.s32 $0xFFFFC180  }
0x119: {  	[tilespmem:s13], [sflag:$0x2] =	stream.indirect.gather [hbm4b:s4+s12], $0x80, s31, s12, $0xb8;
	[tilespmem:$0x1C900] =	vst v63  }
0x11a: {  	_ =	swait.ge [sflag:s14], $0x3E80  }
0x11b: {  	[sflag:s14] =	ssyncset.done $0x0  }
0x11c: {  	[sflag:s14] =	ssyncadd.s32 $0xFFFFC180  }
0x11d: {  	[spmem:s2] =	stream.indirect.scatter.add.f32 [tilespmem:s15], [sflag:$0x3], $0x80, s20, s12, $0xb8;
	[tilespmem:$0x1C900] =	vst v63  }
0x11e: {  	_ =	swait.ge [sflag:s16], $0x3E80  }
0x11f: {  	[sflag:s16] =	ssyncset.done $0x0  }
0x120: {  	s1 =	rddreg [dreg:$0x14];
	[sflag:s16] =	ssyncadd.s32 $0xFFFFC180  }
0x121: {  	[tilespmem:s15], [sflag:$0x1] =	stream.indirect.gather [hbm4b:s4+s12], $0x80, s1, s12, $0xb8;
	[tilespmem:$0x1C900] =	vst v63  }
0x122: {  	_ =	swait.ge [sflag:s17], $0x3E80  }
0x123: {  	[sflag:s17] =	ssyncset.done $0x0  }
0x124: {  	s5 =	rddreg [dreg:$0x15];
	[sflag:s17] =	ssyncadd.s32 $0xFFFFC180  }
0x125: {  	[spmem:s2] =	stream.indirect.scatter.add.f32 [tilespmem:s13], [sflag:$0x4], $0x80, s5, s12, $0xb8;
	[tilespmem:$0x1C900] =	vst v63  }
0x126: {  	_ =	swait.ge [sflag:s18], $0x3E80  }
0x127: {  	[sflag:s18] =	ssyncset.done $0x0  }
0x128: {  	s7 =	rddreg [dreg:$0x16];
	[sflag:s18] =	ssyncadd.s32 $0xFFFFC180  }
0x129: {  	[tilespmem:s13], [sflag:$0x2] =	stream.indirect.gather [hbm4b:s4+s12], $0x80, s7, s12, $0xb8;
	[tilespmem:$0x1C900] =	vst v63  }
0x12a: {  	_ =	swait.ge [sflag:s14], $0x3E80  }
0x12b: {  	[sflag:s14] =	ssyncset.done $0x0  }
0x12c: {  	s31 =	rddreg [dreg:$0x17];
	[sflag:s14] =	ssyncadd.s32 $0xFFFFC180  }
0x12d: {  	[spmem:s2] =	stream.indirect.scatter.add.f32 [tilespmem:s15], [sflag:$0x3], $0x80, s31, s12, $0xb8;
	[tilespmem:$0x1C900] =	vst v63  }
0x12e: {  	_ =	swait.ge [sflag:s16], $0x3E80  }
0x12f: {  	[sflag:s16] =	ssyncset.done $0x0  }
0x130: {  	s1 =	rddreg [dreg:$0x18];
	[sflag:s16] =	ssyncadd.s32 $0xFFFFC180  }
0x131: {  	[tilespmem:s15], [sflag:$0x1] =	stream.indirect.gather [hbm4b:s4+s12], $0x80, s1, s12, $0xb8;
	[tilespmem:$0x1C900] =	vst v63  }
0x132: {  	_ =	swait.ge [sflag:s17], $0x3E80  }
0x133: {  	[sflag:s17] =	ssyncset.done $0x0  }
0x134: {  	s5 =	rddreg [dreg:$0x19];
	[sflag:s17] =	ssyncadd.s32 $0xFFFFC180  }
0x135: {  	[spmem:s2] =	stream.indirect.scatter.add.f32 [tilespmem:s13], [sflag:$0x4], $0x80, s5, s12, $0xb8;
	[tilespmem:$0x1C900] =	vst v63  }
0x136: {  	_ =	swait.ge [sflag:s18], $0x3E80  }
0x137: {  	[sflag:s18] =	ssyncset.done $0x0  }
0x138: {  	s7 =	rddreg [dreg:$0x1a];
	[sflag:s18] =	ssyncadd.s32 $0xFFFFC180  }
0x139: {  	[tilespmem:s13], [sflag:$0x2] =	stream.indirect.gather [hbm4b:s4+s12], $0x80, s7, s12, $0xb8;
	[tilespmem:$0x1C900] =	vst v63  }
0x13a: {  	_ =	swait.ge [sflag:s14], $0x3E80  }
0x13b: {  	[sflag:s14] =	ssyncset.done $0x0  }
0x13c: {  	s31 =	rddreg [dreg:$0x1b];
	[sflag:s14] =	ssyncadd.s32 $0xFFFFC180  }
0x13d: {  	[spmem:s2] =	stream.indirect.scatter.add.f32 [tilespmem:s15], [sflag:$0x3], $0x80, s31, s12, $0xb8;
	[tilespmem:$0x1C900] =	vst v63  }
0x13e: {  	_ =	swait.ge [sflag:s16], $0x3E80  }
0x13f: {  	[sflag:s16] =	ssyncset.done $0x0  }
0x140: {  	[sflag:s16] =	ssyncadd.s32 $0xFFFFC180  }
0x141: {  	[tilespmem:s15], [sflag:$0x1] =	stream.indirect.gather [hbm4b:s4+s12], $0x80, s21, s12, $0xb8;
	[tilespmem:$0x1C900] =	vst v63  }
0x142: {  	_ =	swait.ge [sflag:s17], $0x3E80  }
0x143: {  	[sflag:s17] =	ssyncset.done $0x0  }
0x144: {  	[sflag:s17] =	ssyncadd.s32 $0xFFFFC180  }
0x145: {  	[spmem:s2] =	stream.indirect.scatter.add.f32 [tilespmem:s13], [sflag:$0x4], $0x80, s22, s12, $0xb8;
	[tilespmem:$0x1C900] =	vst v63  }
0x146: {  	_ =	swait.ge [sflag:s18], $0x3E80  }
0x147: {  	[sflag:s18] =	ssyncset.done $0x0  }
0x148: {  	s29 =	sadd.s32 $0x2000, s29;
	[sflag:s18] =	ssyncadd.s32 $0xFFFFC180  }
0x149: {  	[tilespmem:s13], [sflag:$0x2] =	stream.indirect.gather [hbm4b:s4+s12], $0x80, s23, s12, $0xb8;
	[tilespmem:$0x1C900] =	vst v63  }
0x14a: {  	p0 =	sne.s32 s29, $0xA000;
	_ =	swait.ge [sflag:s14], $0x3E80  }
.Ltmp0:
0x14b: {  	[sflag:s14] =	ssyncset.done $0x0;
	(pc) =	sbr.rel @p0 .LBB2_2-.Ltmp0, $4  }
0x14c: {  	[sflag:s14] =	ssyncadd.s32 $0xFFFFC180  }
0x14d: {  	[spmem:s2] =	stream.indirect.scatter.add.f32 [tilespmem:s15], [sflag:$0x3], $0x80, s24, s12, $0xb8;
	[tilespmem:$0x1C900] =	vst v63  }
0x14e: {  	_ =	swait.ge [sflag:s17], $0x3E80  }
0x14f: {  	s30 =	rddreg [dreg:$0x3];
	[sflag:s17] =	ssyncset.done $0x0  }
0x150: {  	[sflag:s17] =	ssyncadd.s32 $0xFFFFC180  }
0x151: {  	[spmem:s2] =	stream.indirect.scatter.add.f32 [tilespmem:s13], [sflag:$0x4], $0x80, s25, s12, $0xb8;
	[tilespmem:$0x1C900] =	vst v63  }
0x152: {  	s29 =	sadd.s32 s28, s30  }
0x153: {  	[tilespmem:s3], [sflag:$0x5] =	stream.linear.gather [hbm4b:s29+s3], $0x400, $0x38;
	[tilespmem:$0x1C900] =	vst v63  }
0x154: {  	_ =	swait.ge [sflag:s10], $0x400  }
0x155: {  	s0 =	rddreg [dreg:$0x4];
	[sflag:s10] =	ssyncset.done $0x0  }
0x156: {  	[sflag:s10] =	ssyncadd.s32 $0xFFFFFC00;
	s30 =	sadd.s32 s28, s0  }
0x157: {  	[tilespmem:s11], [sflag:$0x5] =	stream.linear.gather [hbm4b:s30+s3], $0x400, $0x38;
	[tilespmem:$0x1C900] =	vst v63  }
0x158: {  	p0 =	seq.s32 s28, $0x0;
	_ =	swait.ge [sflag:s10], $0x400  }
0x159: {  	s1 =	simm.s32 @p0 $0x0;
	[sflag:s10] =	ssyncset.done $0x0  }
0x15a: {  	s5 =	simm.s32 @p0 $0x1000;
	s0 =	simm.s32 @p0 $0x7D;
	[sflag:s10] =	ssyncadd.s32 $0xFFFFFC00  }
0x15b: {  	[tilespmem:s5], [sflag:$0x1] =	stream.indirect.gather @p0 [hbm4b:s4+s0], $0x80, s1, s0, $0xb8;
	[tilespmem:$0x1C900] =	vst v63  }
0x15c: {  	s0 =	simm.s32 @!p0 $0x3  }
0x15d: {  	_ =	swait.ge @!p0 [sflag:s0], $0x3E80  }
0x15e: {  	s1 =	simm.s32 @!p0 $0x1000;
	[sflag:s0] =	ssyncset.done @!p0 $0x0  }
0x15f: {  	s5 =	simm.s32 @!p0 $0x7D;
	[sflag:s0] =	ssyncadd.s32 @!p0 $0xFFFFC180;
	s0 =	simm.s32 @!p0 $0x0  }
0x160: {  	[tilespmem:s1], [sflag:$0x1] =	stream.indirect.gather @!p0 [hbm4b:s4+s5], $0x80, s0, s5, $0xb8;
	[tilespmem:$0x1C900] =	vst v63  }
0x161: {  	s0 =	simm.s32 @!p0 $0x4  }
0x162: {  	_ =	swait.ge @!p0 [sflag:s0], $0x3E80  }
0x163: {  	[sflag:s0] =	ssyncset.done @!p0 $0x0  }
0x164: {  	s28 =	rddreg [dreg:$0x5];
	[sflag:s0] =	ssyncadd.s32 @!p0 $0xFFFFC180  }
0x165: {  	[tilespmem:s13], [sflag:$0x2] =	stream.indirect.gather [hbm4b:s4+s12], $0x80, s28, s12, $0xb8;
	[tilespmem:$0x1C900] =	vst v63  }
0x166: {  	_ =	swait.ge [sflag:s14], $0x3E80  }
0x167: {  	[sflag:s14] =	ssyncset.done $0x0  }
0x168: {  	[sflag:s14] =	ssyncadd.s32 $0xFFFFC180  }
0x169: {  	[spmem:s2] =	stream.indirect.scatter.add.f32 [tilespmem:s15], [sflag:$0x3], $0x80, s11, s12, $0xb8;
	[tilespmem:$0x1C900] =	vst v63  }
0x16a: {  	_ =	swait.ge [sflag:s16], $0x3E80  }
0x16b: {  	[sflag:s16] =	ssyncset.done $0x0  }
0x16c: {  	s31 =	rddreg [dreg:$0x6];
	[sflag:s16] =	ssyncadd.s32 $0xFFFFC180  }
0x16d: {  	[tilespmem:s15], [sflag:$0x1] =	stream.indirect.gather [hbm4b:s4+s12], $0x80, s31, s12, $0xb8;
	[tilespmem:$0x1C900] =	vst v63  }
0x16e: {  	_ =	swait.ge [sflag:s17], $0x3E80  }
0x16f: {  	[sflag:s17] =	ssyncset.done $0x0  }
0x170: {  	s1 =	rddreg [dreg:$0x7];
	[sflag:s17] =	ssyncadd.s32 $0xFFFFC180  }
0x171: {  	[spmem:s2] =	stream.indirect.scatter.add.f32 [tilespmem:s13], [sflag:$0x4], $0x80, s1, s12, $0xb8;
	[tilespmem:$0x1C900] =	vst v63  }
0x172: {  	_ =	swait.ge [sflag:s18], $0x3E80  }
0x173: {  	[sflag:s18] =	ssyncset.done $0x0  }
0x174: {  	s5 =	rddreg [dreg:$0x8];
	[sflag:s18] =	ssyncadd.s32 $0xFFFFC180  }
0x175: {  	[tilespmem:s13], [sflag:$0x2] =	stream.indirect.gather [hbm4b:s4+s12], $0x80, s5, s12, $0xb8;
	[tilespmem:$0x1C900] =	vst v63  }
0x176: {  	_ =	swait.ge [sflag:s14], $0x3E80  }
0x177: {  	[sflag:s14] =	ssyncset.done $0x0  }
0x178: {  	s7 =	rddreg [dreg:$0x9];
	[sflag:s14] =	ssyncadd.s32 $0xFFFFC180  }
0x179: {  	[spmem:s2] =	stream.indirect.scatter.add.f32 [tilespmem:s15], [sflag:$0x3], $0x80, s7, s12, $0xb8;
	[tilespmem:$0x1C900] =	vst v63  }
0x17a: {  	_ =	swait.ge [sflag:s16], $0x3E80  }
0x17b: {  	[sflag:s16] =	ssyncset.done $0x0  }
0x17c: {  	s28 =	rddreg [dreg:$0xa];
	[sflag:s16] =	ssyncadd.s32 $0xFFFFC180  }
0x17d: {  	[tilespmem:s15], [sflag:$0x1] =	stream.indirect.gather [hbm4b:s4+s12], $0x80, s28, s12, $0xb8;
	[tilespmem:$0x1C900] =	vst v63  }
0x17e: {  	_ =	swait.ge [sflag:s17], $0x3E80  }
0x17f: {  	[sflag:s17] =	ssyncset.done $0x0  }
0x180: {  	s31 =	rddreg [dreg:$0xb];
	[sflag:s17] =	ssyncadd.s32 $0xFFFFC180  }
0x181: {  	[spmem:s2] =	stream.indirect.scatter.add.f32 [tilespmem:s13], [sflag:$0x4], $0x80, s31, s12, $0xb8;
	[tilespmem:$0x1C900] =	vst v63  }
0x182: {  	_ =	swait.ge [sflag:s18], $0x3E80  }
0x183: {  	[sflag:s18] =	ssyncset.done $0x0  }
0x184: {  	s1 =	rddreg [dreg:$0xc];
	[sflag:s18] =	ssyncadd.s32 $0xFFFFC180  }
0x185: {  	[tilespmem:s13], [sflag:$0x2] =	stream.indirect.gather [hbm4b:s4+s12], $0x80, s1, s12, $0xb8;
	[tilespmem:$0x1C900] =	vst v63  }
0x186: {  	_ =	swait.ge [sflag:s14], $0x3E80  }
0x187: {  	[sflag:s14] =	ssyncset.done $0x0  }
0x188: {  	s5 =	rddreg [dreg:$0xd];
	[sflag:s14] =	ssyncadd.s32 $0xFFFFC180  }
0x189: {  	[spmem:s2] =	stream.indirect.scatter.add.f32 [tilespmem:s15], [sflag:$0x3], $0x80, s5, s12, $0xb8;
	[tilespmem:$0x1C900] =	vst v63  }
0x18a: {  	_ =	swait.ge [sflag:s16], $0x3E80  }
0x18b: {  	[sflag:s16] =	ssyncset.done $0x0  }
0x18c: {  	s7 =	rddreg [dreg:$0xe];
	[sflag:s16] =	ssyncadd.s32 $0xFFFFC180  }
0x18d: {  	[tilespmem:s15], [sflag:$0x1] =	stream.indirect.gather [hbm4b:s4+s12], $0x80, s7, s12, $0xb8;
	[tilespmem:$0x1C900] =	vst v63  }
0x18e: {  	_ =	swait.ge [sflag:s17], $0x3E80  }
0x18f: {  	[sflag:s17] =	ssyncset.done $0x0  }
0x190: {  	s28 =	rddreg [dreg:$0xf];
	[sflag:s17] =	ssyncadd.s32 $0xFFFFC180  }
0x191: {  	[spmem:s2] =	stream.indirect.scatter.add.f32 [tilespmem:s13], [sflag:$0x4], $0x80, s28, s12, $0xb8;
	[tilespmem:$0x1C900] =	vst v63  }
0x192: {  	_ =	swait.ge [sflag:s18], $0x3E80  }
0x193: {  	[sflag:s18] =	ssyncset.done $0x0  }
0x194: {  	s31 =	rddreg [dreg:$0x10];
	[sflag:s18] =	ssyncadd.s32 $0xFFFFC180  }
0x195: {  	[tilespmem:s13], [sflag:$0x2] =	stream.indirect.gather [hbm4b:s4+s12], $0x80, s31, s12, $0xb8;
	[tilespmem:$0x1C900] =	vst v63  }
0x196: {  	_ =	swait.ge [sflag:s14], $0x3E80  }
0x197: {  	[sflag:s14] =	ssyncset.done $0x0  }
0x198: {  	s1 =	rddreg [dreg:$0x11];
	[sflag:s14] =	ssyncadd.s32 $0xFFFFC180  }
0x199: {  	[spmem:s2] =	stream.indirect.scatter.add.f32 [tilespmem:s15], [sflag:$0x3], $0x80, s1, s12, $0xb8;
	[tilespmem:$0x1C900] =	vst v63  }
0x19a: {  	_ =	swait.ge [sflag:s17], $0x3E80  }
0x19b: {  	[sflag:s17] =	ssyncset.done $0x0  }
0x19c: {  	s5 =	rddreg [dreg:$0x12];
	[sflag:s17] =	ssyncadd.s32 $0xFFFFC180  }
0x19d: {  	[spmem:s2] =	stream.indirect.scatter.add.f32 [tilespmem:s13], [sflag:$0x4], $0x80, s5, s12, $0xb8;
	[tilespmem:$0x1C900] =	vst v63  }
0x19e: {  	s7 =	sadd.s32 $0x1000, s29  }
0x19f: {  	[tilespmem:s19], [sflag:$0x5] =	stream.linear.gather [hbm4b:s7+s3], $0x400, $0x38;
	[tilespmem:$0x1C900] =	vst v63  }
0x1a0: {  	_ =	swait.ge [sflag:s10], $0x400  }
0x1a1: {  	[sflag:s10] =	ssyncset.done $0x0  }
0x1a2: {  	s28 =	sadd.s32 $0x1000, s30;
	[sflag:s10] =	ssyncadd.s32 $0xFFFFFC00  }
0x1a3: {  	[tilespmem:s20], [sflag:$0x5] =	stream.linear.gather [hbm4b:s28+s3], $0x400, $0x38;
	[tilespmem:$0x1C900] =	vst v63  }
0x1a4: {  	_ =	swait.ge [sflag:s10], $0x400  }
0x1a5: {  	[sflag:s10] =	ssyncset.done $0x0  }
0x1a6: {  	[sflag:s10] =	ssyncadd.s32 $0xFFFFFC00  }
0x1a7: {  	_ =	swait.ge [sflag:s16], $0x3E80  }
0x1a8: {  	[sflag:s16] =	ssyncset.done $0x0  }
0x1a9: {  	[sflag:s16] =	ssyncadd.s32 $0xFFFFC180  }
0x1aa: {  	[tilespmem:s15], [sflag:$0x1] =	stream.indirect.gather [hbm4b:s4+s12], $0x80, s19, s12, $0xb8;
	[tilespmem:$0x1C900] =	vst v63  }
0x1ab: {  	_ =	swait.ge [sflag:s18], $0x3E80  }
0x1ac: {  	[sflag:s18] =	ssyncset.done $0x0  }
0x1ad: {  	s29 =	rddreg [dreg:$0x13];
	[sflag:s18] =	ssyncadd.s32 $0xFFFFC180  }
0x1ae: {  	[tilespmem:s13], [sflag:$0x2] =	stream.indirect.gather [hbm4b:s4+s12], $0x80, s29, s12, $0xb8;
	[tilespmem:$0x1C900] =	vst v63  }
0x1af: {  	_ =	swait.ge [sflag:s14], $0x3E80  }
0x1b0: {  	[sflag:s14] =	ssyncset.done $0x0  }
0x1b1: {  	[sflag:s14] =	ssyncadd.s32 $0xFFFFC180  }
0x1b2: {  	[spmem:s2] =	stream.indirect.scatter.add.f32 [tilespmem:s15], [sflag:$0x3], $0x80, s20, s12, $0xb8;
	[tilespmem:$0x1C900] =	vst v63  }
0x1b3: {  	_ =	swait.ge [sflag:s16], $0x3E80  }
0x1b4: {  	[sflag:s16] =	ssyncset.done $0x0  }
0x1b5: {  	s30 =	rddreg [dreg:$0x14];
	[sflag:s16] =	ssyncadd.s32 $0xFFFFC180  }
0x1b6: {  	[tilespmem:s15], [sflag:$0x1] =	stream.indirect.gather [hbm4b:s4+s12], $0x80, s30, s12, $0xb8;
	[tilespmem:$0x1C900] =	vst v63  }
0x1b7: {  	_ =	swait.ge [sflag:s17], $0x3E80  }
0x1b8: {  	[sflag:s17] =	ssyncset.done $0x0  }
0x1b9: {  	s31 =	rddreg [dreg:$0x15];
	[sflag:s17] =	ssyncadd.s32 $0xFFFFC180  }
0x1ba: {  	[spmem:s2] =	stream.indirect.scatter.add.f32 [tilespmem:s13], [sflag:$0x4], $0x80, s31, s12, $0xb8;
	[tilespmem:$0x1C900] =	vst v63  }
0x1bb: {  	_ =	swait.ge [sflag:s18], $0x3E80  }
0x1bc: {  	[sflag:s18] =	ssyncset.done $0x0  }
0x1bd: {  	s1 =	rddreg [dreg:$0x16];
	[sflag:s18] =	ssyncadd.s32 $0xFFFFC180  }
0x1be: {  	[tilespmem:s13], [sflag:$0x2] =	stream.indirect.gather [hbm4b:s4+s12], $0x80, s1, s12, $0xb8;
	[tilespmem:$0x1C900] =	vst v63  }
0x1bf: {  	_ =	swait.ge [sflag:s14], $0x3E80  }
0x1c0: {  	[sflag:s14] =	ssyncset.done $0x0  }
0x1c1: {  	s5 =	rddreg [dreg:$0x17];
	[sflag:s14] =	ssyncadd.s32 $0xFFFFC180  }
0x1c2: {  	[spmem:s2] =	stream.indirect.scatter.add.f32 [tilespmem:s15], [sflag:$0x3], $0x80, s5, s12, $0xb8;
	[tilespmem:$0x1C900] =	vst v63  }
0x1c3: {  	_ =	swait.ge [sflag:s16], $0x3E80  }
0x1c4: {  	[sflag:s16] =	ssyncset.done $0x0  }
0x1c5: {  	s7 =	rddreg [dreg:$0x18];
	[sflag:s16] =	ssyncadd.s32 $0xFFFFC180  }
0x1c6: {  	[tilespmem:s15], [sflag:$0x1] =	stream.indirect.gather [hbm4b:s4+s12], $0x80, s7, s12, $0xb8;
	[tilespmem:$0x1C900] =	vst v63  }
0x1c7: {  	_ =	swait.ge [sflag:s17], $0x3E80  }
0x1c8: {  	[sflag:s17] =	ssyncset.done $0x0  }
0x1c9: {  	s28 =	rddreg [dreg:$0x19];
	[sflag:s17] =	ssyncadd.s32 $0xFFFFC180  }
0x1ca: {  	[spmem:s2] =	stream.indirect.scatter.add.f32 [tilespmem:s13], [sflag:$0x4], $0x80, s28, s12, $0xb8;
	[tilespmem:$0x1C900] =	vst v63  }
0x1cb: {  	_ =	swait.ge [sflag:s18], $0x3E80  }
0x1cc: {  	[sflag:s18] =	ssyncset.done $0x0  }
0x1cd: {  	s29 =	rddreg [dreg:$0x1a];
	[sflag:s18] =	ssyncadd.s32 $0xFFFFC180  }
0x1ce: {  	[tilespmem:s13], [sflag:$0x2] =	stream.indirect.gather [hbm4b:s4+s12], $0x80, s29, s12, $0xb8;
	[tilespmem:$0x1C900] =	vst v63  }
0x1cf: {  	_ =	swait.ge [sflag:s14], $0x3E80  }
0x1d0: {  	[sflag:s14] =	ssyncset.done $0x0  }
0x1d1: {  	s30 =	rddreg [dreg:$0x1b];
	[sflag:s14] =	ssyncadd.s32 $0xFFFFC180  }
0x1d2: {  	[spmem:s2] =	stream.indirect.scatter.add.f32 [tilespmem:s15], [sflag:$0x3], $0x80, s30, s12, $0xb8;
	[tilespmem:$0x1C900] =	vst v63  }
0x1d3: {  	_ =	swait.ge [sflag:s16], $0x3E80  }
0x1d4: {  	[sflag:s16] =	ssyncset.done $0x0  }
0x1d5: {  	[sflag:s16] =	ssyncadd.s32 $0xFFFFC180  }
0x1d6: {  	[tilespmem:s15], [sflag:$0x1] =	stream.indirect.gather [hbm4b:s4+s12], $0x80, s21, s12, $0xb8;
	[tilespmem:$0x1C900] =	vst v63  }
0x1d7: {  	_ =	swait.ge [sflag:s17], $0x3E80  }
0x1d8: {  	[sflag:s17] =	ssyncset.done $0x0  }
0x1d9: {  	[sflag:s17] =	ssyncadd.s32 $0xFFFFC180  }
0x1da: {  	[spmem:s2] =	stream.indirect.scatter.add.f32 [tilespmem:s13], [sflag:$0x4], $0x80, s22, s12, $0xb8;
	[tilespmem:$0x1C900] =	vst v63  }
0x1db: {  	_ =	swait.ge [sflag:s18], $0x3E80  }
0x1dc: {  	[sflag:s18] =	ssyncset.done $0x0  }
0x1dd: {  	[sflag:s18] =	ssyncadd.s32 $0xFFFFC180  }
0x1de: {  	[tilespmem:s13], [sflag:$0x2] =	stream.indirect.gather [hbm4b:s4+s12], $0x80, s23, s12, $0xb8;
	[tilespmem:$0x1C900] =	vst v63  }
0x1df: {  	_ =	swait.ge [sflag:s14], $0x3E80  }
0x1e0: {  	[sflag:s14] =	ssyncset.done $0x0  }
0x1e1: {  	[sflag:s14] =	ssyncadd.s32 $0xFFFFC180  }
0x1e2: {  	[spmem:s2] =	stream.indirect.scatter.add.f32 [tilespmem:s15], [sflag:$0x3], $0x80, s24, s12, $0xb8;
	[tilespmem:$0x1C900] =	vst v63  }
0x1e3: {  	_ =	swait.ge [sflag:s17], $0x3E80  }
0x1e4: {  	[sflag:s17] =	ssyncset.done $0x0  }
0x1e5: {  	[sflag:s17] =	ssyncadd.s32 $0xFFFFC180  }
0x1e6: {  	[spmem:s2] =	stream.indirect.scatter.add.f32 [tilespmem:s13], [sflag:$0x4], $0x80, s25, s12, $0xb8;
	[tilespmem:$0x1C900] =	vst v63  }
0x1e7: {  	_ =	swait.ge [sflag:s16], $0x3E80  }
0x1e8: {  	[sflag:s16] =	ssyncset.done $0x0  }
0x1e9: {  	[sflag:s16] =	ssyncadd.s32 $0xFFFFC180  }
0x1ea: {  	_ =	swait.ge [sflag:s18], $0x3E80  }
0x1eb: {  	[sflag:s18] =	ssyncset.done $0x0  }
0x1ec: {  	s26 =	sadd.s32 $0x1, s26;
	[sflag:s18] =	ssyncadd.s32 $0xFFFFC180  }
0x1ed: {  	p0 =	sne.s32 s26, s8;
	[bflag:$0x0] =	sbarrier.arrive $0xFFFF  }
.Ltmp1:
0x1ee: {  	s31 =	rddreg [dreg:$0x1d];
	(pc) =	sbr.rel @p0 .LBB2_1-.Ltmp1, $4  }
0x1ef: {  	[hbm:s31], [sflag:s6] =	dma.local [spmem:s9], $0x2780  }
0x1f0: {  	_ =	swait.ge [sflag:s10], $0x2780  }
0x1f1: {  	[sflag:s10] =	ssyncset.done $0x0  }
0x1f2: {  	[sflag:s10] =	ssyncadd.s32 $0xFFFFD880  }
0x1f3: {  	_ =	sfence.sel $0x180000  }
0x1f4: {  	[bflag:$0x0] =	sbarrier.arrive $0xFFFF  }
0x1f5: {  	_ =	strace $0x9000004A  }
0x1f6: {  	s0 =	stileid.u32;
	[bflag:$0x2] =	sbarrier.arrive $0xFFFF  }
0x1f7: {  	p0 =	sne.s32 s0, $0x0;
	s0 =	rddreg [dreg:$0x2]  }
0x1f8: {  	s0 =	sadd.s32 @!p0 $0x100000, s0  }
0x1f9: {  	[sflag:s0] =	ssyncadd.tile.s32 @!p0 $0x1;
	_ =	shalt  }
.Lfunc_end2:
_tile_overlayer_lowered:
.L_overlay_start_2:
0x1fa: {  	(tag) =	ssettag $0x2  }
0x1fb: {  	s0 =	rddreg [dreg:$0x0];
	s2 =	stileid.u32  }
0x1fc: {  	s1 =	rddreg [dreg:$0x1];
	p0 =	sne.s32 s2, $0x0  }
0x1fd: {  	s3 =	rddreg [dreg:$0x2];
	[bflag:$0x3] =	sbarrier.arrive $0xFFFF;
	s2 =	simm.s32 @!p0 $0x1C05  }
0x1fe: {  	[timem:s3], [sflag:s2] =	dma.local @!p0 [hbm:s0], s1  }
0x1ff: {  	s0 =	simm.s32 @!p0 $0x5  }
0x200: {  	_ =	swait.ge @!p0 [sflag:s0], s1  }
0x201: {  	s1 =	ssub.s32 @!p0 $0x0, s1;
	[sflag:s0] =	ssyncset.done @!p0 $0x0  }
0x202: {  	[sflag:s0] =	ssyncadd.s32 @!p0 s1  }
0x203: {  	[bflag:$0x3] =	sbarrier.arrive $0xFFFF  }
0x204: {  	_ =	shalt  }

// kernel: kernel.15.cloned.1.call-start
scs
__scs_entry_jumppad:
0x0: {  	(pc) =	sbr.rel $0x88, $3  }
0x1: {  	(tag) =	ssettag $0x0;
	lr =	simm.s32 $0x1  }
0x2: {  	[smem:$0x3F99] =	sst lr;
	_ =	strace $0xD0000000  }
0x3: {  	_ = 	snop  }
0x4: {  	_ = 	snop  }
0x5: {  	_ = 	snop  }
0x6: {  	_ = 	snop  }
0x7: {  	_ = 	snop  }
__scs_overlays_trampoline_lowered:
0x8: {  	[smem:$0x3FA8] =	sst s0  }
0x9: {  	[smem:$0x3FA9] =	sst s1  }
0xa: {  	[smem:$0x3FAA] =	sst s2  }
0xb: {  	[smem:$0x3FAB] =	sst s3  }
0xc: {  	[smem:$0x3FAC] =	sst s4  }
0xd: {  	[smem:$0x3FAD] =	sst s5  }
0xe: {  	[smem:$0x3FAE] =	sst s6  }
0xf: {  	[smem:$0x3FAF] =	sst s7  }
0x10: {  	[smem:$0x3FB0] =	sst s8  }
0x11: {  	[smem:$0x3FB1] =	sst s9;
	s0 =	simm.s32 @!p0 $0x0  }
0x12: {  	s1 =	sld [smem:$0x3F97];
	s0 =	simm.s32 @p0 $0x1  }
0x13: {  	[smem:$0x3FB2] =	sst s0;
	s0 =	simm.s32 @!p1 $0x0  }
0x14: {  	s2 =	sld [smem:$0x3F96];
	s0 =	simm.s32 @p1 $0x1  }
0x15: {  	[smem:$0x3FB3] =	sst s0;
	s0 =	simm.s32 @!p2 $0x0  }
0x16: {  	s3 =	sld [smem:$0x3FDB];
	s0 =	simm.s32 @p2 $0x1  }
0x17: {  	s4 =	simm.s32 $0x1BF5;
	[smem:$0x3FB5] =	sst s0  }
0x18: {  	s0 =	sld [smem:$0x3F98];
	_ =	swait.ge [sflag:s4], $0x0  }
0x19: {  	s7 =	sld [smem:$0x3F99]  }
0x1a: {  	s8 =	sadd.s32 $0xFFFFE003, lr  }
0x1b: {  	s9 =	sadd.s32 $0xFFFFFEF7, lr;
	s5 =	simm.s32 $0xFFFFFFFF;
	p2 =	slt.u32 s8, $0xFFFFF086  }
0x1c: {  	p1 =	slt.u32 s9, $0xF7A;
	s5 =	simm.s32 @!p2 $0x0  }
0x1d: {  	s5 =	simm.s32 @p1 $0x1;
	p0 =	seq.s32 s7, s2  }
0x1e: {  	s7 =	smul.u32 @!p0 $0xF7A, s2;
	p2 =	seq.s32 @!p0 s5, $0x0  }
0x1f: {  	s9 =	smul.u32 $0xF7A, s1;
	s8 =	simm.s32 @!p0 $0x1BF5;
	p2 =	por !p2, p0  }
0x20: {  	[sflag:s8] =	ssyncset.s32 @!p0 $0xFFFFF086;
	s6 =	sadd.s32 @!p0 s3, s7;
	s7 =	simm.s32 @!p0 $0x108  }
0x21: {  	s3 =	sadd.s32 s3, s9;
	s6 =	sadd.s32 @!p0 $0x88, s6;
	s7 =	simm.s32 @p2 $0x1082  }
0x22: {  	[simem:s7], [sflag:s8] =	dma.local @!p0 [hbm:s6], $0xF7A  }
0x23: {  	s9 =	sor.u32 $0xD0000000, s2;
	s6 =	simm.s32 $0x108;
	_ =	swait.ge @!p0 [sflag:s8], $0x0  }
0x24: {  	s3 =	sadd.s32 $0x88, s3;
	s6 =	simm.s32 @!p1 $0x1082;
	[sflag:s4] =	ssyncset.s32 $0xFFFFF086  }
0x25: {  	[simem:s6], [sflag:s4] =	dma.local [hbm:s3], $0xF7A  }
0x26: {  	[smem:$0x3F99] =	sst s1;
	(tag) =	ssettag s2;
	_ =	strace s9  }
0x27: {  	s1 =	sld [smem:$0x3FA9]  }
0x28: {  	s2 =	sld [smem:$0x3FAA]  }
0x29: {  	s4 =	sld [smem:$0x3FAC]  }
0x2a: {  	p0 =	seq.s32 s5, $0x0;
	s5 =	sld [smem:$0x3FAD]  }
0x2b: {  	s6 =	sld [smem:$0x3FAE]  }
0x2c: {  	s7 =	sld [smem:$0x3FAF]  }
0x2d: {  	s3 =	simm.s32 $0x108;
	s8 =	sld [smem:$0x3FB0]  }
0x2e: {  	s3 =	simm.s32 @!p0 $0x1082;
	s9 =	sld [smem:$0x3FB1]  }
0x2f: {  	lr =	sadd.s32 s0, s3;
	s0 =	sld [smem:$0x3FA8]  }
0x30: {  	s3 =	sld [smem:$0x3FAB]  }
0x31: {  	[smem:$0x3FB4] =	sst s10  }
0x32: {  	s10 =	sld [smem:$0x3FB2];
	_ =	sdelay $0x3  }
0x33: {  	p0 =	seq.s32 s10, $0x1;
	s10 =	sld [smem:$0x3FB4];
	_ =	sdelay $0x3  }
0x34: {  	[smem:$0x3FB4] =	sst s10  }
0x35: {  	s10 =	sld [smem:$0x3FB3];
	_ =	sdelay $0x3  }
0x36: {  	p1 =	seq.s32 s10, $0x1;
	s10 =	sld [smem:$0x3FB4];
	_ =	sdelay $0x3  }
0x37: {  	[smem:$0x3FB4] =	sst s10  }
0x38: {  	s10 =	sld [smem:$0x3FB5]  }
0x39: {  	_ = 	snop;
	(pc) =	sbr.ind lr, $3  }
0x3a: {  	_ = 	snop  }
0x3b: {  	_ = 	snop  }
0x3c: {  	p2 =	seq.s32 s10, $0x1;
	s10 =	sld [smem:$0x3FB4]  }
0x3d: {  	_ =	shalt  }
0x3e: {  	_ =	shalt  }
0x3f: {  	_ =	shalt  }
0x40: {  	_ =	shalt  }
0x41: {  	_ =	shalt  }
0x42: {  	_ =	shalt  }
0x43: {  	_ =	shalt  }
0x44: {  	_ =	shalt  }
0x45: {  	_ =	shalt  }
0x46: {  	_ =	shalt  }
0x47: {  	_ =	shalt  }
0x48: {  	_ =	shalt  }
0x49: {  	_ =	shalt  }
0x4a: {  	_ =	shalt  }
0x4b: {  	_ =	shalt  }
0x4c: {  	_ =	shalt  }
0x4d: {  	_ =	shalt  }
0x4e: {  	_ =	shalt  }
0x4f: {  	_ =	shalt  }
0x50: {  	_ =	shalt  }
0x51: {  	_ =	shalt  }
0x52: {  	_ =	shalt  }
0x53: {  	_ =	shalt  }
0x54: {  	_ =	shalt  }
0x55: {  	_ =	shalt  }
0x56: {  	_ =	shalt  }
0x57: {  	_ =	shalt  }
0x58: {  	_ =	shalt  }
0x59: {  	_ =	shalt  }
0x5a: {  	_ =	shalt  }
0x5b: {  	_ =	shalt  }
0x5c: {  	_ =	shalt  }
0x5d: {  	_ =	shalt  }
0x5e: {  	_ =	shalt  }
0x5f: {  	_ =	shalt  }
0x60: {  	_ =	shalt  }
0x61: {  	_ =	shalt  }
0x62: {  	_ =	shalt  }
0x63: {  	_ =	shalt  }
0x64: {  	_ =	shalt  }
0x65: {  	_ =	shalt  }
0x66: {  	_ =	shalt  }
0x67: {  	_ =	shalt  }
0x68: {  	_ =	shalt  }
0x69: {  	_ =	shalt  }
0x6a: {  	_ =	shalt  }
0x6b: {  	_ =	shalt  }
0x6c: {  	_ =	shalt  }
0x6d: {  	_ =	shalt  }
0x6e: {  	_ =	shalt  }
0x6f: {  	_ =	shalt  }
0x70: {  	_ =	shalt  }
0x71: {  	_ =	shalt  }
0x72: {  	_ =	shalt  }
0x73: {  	_ =	shalt  }
0x74: {  	_ =	shalt  }
0x75: {  	_ =	shalt  }
0x76: {  	_ =	shalt  }
0x77: {  	_ =	shalt  }
0x78: {  	_ =	shalt  }
0x79: {  	_ =	shalt  }
0x7a: {  	_ =	shalt  }
0x7b: {  	_ =	shalt  }
0x7c: {  	_ =	shalt  }
0x7d: {  	_ =	shalt  }
0x7e: {  	_ =	shalt  }
0x7f: {  	_ =	shalt  }
0x80: {  	_ =	shalt  }
0x81: {  	_ =	shalt  }
0x82: {  	_ =	shalt  }
0x83: {  	_ =	shalt  }
0x84: {  	_ =	shalt  }
0x85: {  	_ =	shalt  }
0x86: {  	_ =	shalt  }
0x87: {  	_ =	shalt  }
.Lfunc_end0:
.L_simem_size_0:
called_computation.2_lowered:
.L_overlay_start_0:
0x88: {  	s2 =	sld [smem:$0x3FD9]  }
0x89: {  	s3 =	sld [smem:$0x3FFE];
	_ =	sdelay $0x1  }
0x8a: {  	s1 =	srdreg.scid  }
0x8b: {  	s0 =	sand.u32 $0x1, s1  }
0x8c: {  	s16 =	sshll.u32 s0, $0xA;
	s2 =	sadd.s32 s3, s2  }
0x8d: {  	s2 =	sadd.s32 s2, s16  }
0x8e: {  	[smem:$0x3FC0] =	sst s2  }
0x8f: {  	_ = 	snop  }
0x90: {  	(tm) =	ssettm $0x1  }
0x91: {  	s17 =	sld [smem:$0x3FFB];
	_ =	sdelay $0x3  }
0x92: {  	_ =	strace s17  }
0x93: {  	s2 =	sld [smem:$0x3FFC];
	_ =	sdelay $0x3  }
0x94: {  	_ =	strace s2  }
0x95: {  	s2 =	sld [smem:$0x3FFD];
	_ =	sdelay $0x3  }
0x96: {  	_ =	strace s2  }
0x97: {  	_ =	strace $0x8FFFFFFF  }
0x98: {  	s18 =	sld [smem:$0x3FDB];
	_ =	sdelay $0x1  }
0x99: {  	s19 =	simm.s32 $_scs_section_size  }
0x9a: {  	s4 =	simm.s32 $_size__tile_overlayer_lowered;
	s5 =	simm.s32 $_tile_overlayer_lowered  }
0x9b: {  	s22 =	simm.s32 $0x1BFF;
	s21 =	sshll.u32 s5, $0x1;
	s2 =	sadd.s32 s19, s18  }
0x9c: {  	s6 =	simm.s32 $0x0;
	s20 =	sshll.u32 s4, $0x1;
	s4 =	sadd.s32 s21, s2  }
0x9d: {  	[timem:s6], [sflag:s22] =	dma.local [hbm:s4], s20  }
0x9e: {  	_ =	swait.ge [sflag:s22], s20  }
0x9f: {  	s3 =	ssub.s32 $0x0, s20;
	[sflag:s22] =	ssyncset.done $0x0  }
0xa0: {  	[sflag:s22] =	ssyncadd.s32 s3;
	_ =	sdelay $0x1  }
0xa1: {  	s23 =	simm.s32 $0x1B8B  }
0xa2: {  	_ =	swait.ge [sflag:s23], $0x1  }
0xa3: {  	[sflag:s23] =	ssyncset.done $0x0  }
0xa4: {  	s25 =	simm.s32 $0x1B8E;
	s24 =	sld [smem:$0x3FFE];
	[sflag:s23] =	ssyncadd.s32 $0xFFFFFFFF  }
0xa5: {  	s26 =	simm.s32 $execute0_lowered;
	[smem:$0x3FD2] =	sst s25  }
0xa6: {  	s4 =	sshll.u32 s26, $0x1;
	_ =	strace $0x8000004C;
	[dreg:$0x1] =	wrdreg $0xFFFFFFFF  }
0xa7: {  	s28 =	simm.s32 $_size_execute0_lowered;
	s2 =	sadd.s32 s2, s4;
	[dreg:$0x0] =	wrdreg $0x0  }
0xa8: {  	s4 =	sshll.u32 s28, $0x1;
	[dreg:$0x2] =	wrdreg s2  }
0xa9: {  	[dreg:$0x3] =	wrdreg s4  }
0xaa: {  	[dreg:$0x4] =	wrdreg $0xC0  }
0xab: {  	_ =	task [dreg:s6], $0x5FFFF  }
0xac: {  	[dreg:$0x1] =	wrdreg $0xFFFFFFFF  }
0xad: {  	[dreg:$0x0] =	wrdreg $0x60  }
0xae: {  	[dreg:$0x2] =	wrdreg s24  }
0xaf: {  	[dreg:$0x3] =	wrdreg $0x8D000  }
0xb0: {  	[dreg:$0x4] =	wrdreg $0x9  }
0xb1: {  	_ =	task.clear_ibuf [dreg:s6], $0x5FFFF;
	_ =	strace $0x9000004C  }
0xb2: {  	s29 =	simm.s32 $0x9;
	_ =	strace $0x8000004E  }
0xb3: {  	_ =	swait.ge [sflag:s29], $0x1  }
0xb4: {  	[sflag:s29] =	ssyncadd.s32 $0xFFFFFFFF  }
0xb5: {  	_ =	strace $0x9000004E  }
0xb6: {  	_ =	sfence  }
0xb7: {  	s30 =	sld [smem:$0x0];
	_ =	sdelay $0x2  }
0xb8: {  	s31 =	sshll.u32 s1, $0xD;
	s1 =	sshrl.u32 s1, $0x2  }
0xb9: {  	s3 =	sand.u32 $0x4000, s31;
	s1 =	sadd.s32 s1, s30  }
0xba: {  	s0 =	sor.u32 s3, s0;
	s1 =	sshll.u32 s1, $0x11  }
0xbb: {  	s0 =	sor.u32 s1, s0  }
0xbc: {  	s0 =	sadd.s32 $0x8F2B, s0  }
0xbd: {  	[sflag:s0] =	ssyncadd.remote.s32 $0x1  }
0xbe: {  	_ =	sfence.sel $0xFFFF  }
0xbf: {  	[dreg:$0x0] =	wrdreg $0xFFFFFFFF;
	(pc) =	sbr.abs _section_cstart, $3  }
0xc0: {  	[dreg:$0x1] =	wrdreg $0xFFFFFFFF  }
0xc1: {  	_ =	task.clear_ibuf [dreg:s6], $0x2FFFF;
	_ =	strace $0x9FFFFFFF  }
0xc2: {  	(tm) =	ssettm $0x7FFFFFFF  }
0xc3: {  	_ =	shalt  }
tec
execute0_lowered:
.L_overlay_start_1:
0x0: {  	(tag) =	ssettag $0x1  }
0x1: {  	s5 =	rddreg [dreg:$0x0]  }
0x2: {  	s2 =	rddreg [dreg:$0x1];
	s3 =	simm.s32 $0x0  }
0x3: {  	s0 =	stileid.u32;
	s12 =	simm.s32 $0x80;
	[smem:$0x7FF] =	sst s3  }
0x4: {  	s14 =	simm.s32 $0x100;
	_ =	strace $0x8000004D;
	[dreg:$0x5] =	wrdreg s12  }
0x5: {  	s4 =	srdreg.scid;
	s15 =	simm.s32 $0x880;
	[dreg:$0x6] =	wrdreg s14  }
0x6: {  	s16 =	simm.s32 $0x180;
	s17 =	simm.s32 $0x900;
	[dreg:$0x7] =	wrdreg s15  }
0x7: {  	s19 =	simm.s32 $0x200;
	s20 =	simm.s32 $0x980;
	[dreg:$0x8] =	wrdreg s16  }
0x8: {  	s22 =	simm.s32 $0x280;
	s23 =	simm.s32 $0xA00;
	[dreg:$0x9] =	wrdreg s17  }
0x9: {  	s25 =	simm.s32 $0x300;
	s26 =	simm.s32 $0xA80;
	[dreg:$0xa] =	wrdreg s19  }
0xa: {  	s29 =	simm.s32 $0x380;
	s30 =	simm.s32 $0xB00;
	[dreg:$0xb] =	wrdreg s20  }
0xb: {  	s6 =	sshll.u32 s0, $0x8;
	s7 =	sand.u32 $0x1, s4;
	[dreg:$0xc] =	wrdreg s22  }
0xc: {  	s1 =	smul.u32 $0x13C00, s0;
	s4 =	sadd.s32 $0x25C00, s5;
	[dreg:$0xd] =	wrdreg s23  }
0xd: {  	s24 =	sshll.u32 s0, $0x6;
	s31 =	sadd.s32 s6, s5;
	[dreg:$0xe] =	wrdreg s25  }
0xe: {  	s8 =	sshll.u32 s7, $0x7;
	s11 =	smul.u32 $0x13C000, s7;
	[dreg:$0xf] =	wrdreg s26  }
0xf: {  	s7 =	ssub.s32 $0x2, s7;
	s6 =	sor.u32 $0x1C05, s24;
	[dreg:$0x10] =	wrdreg s29  }
0x10: {  	[dreg:$0x11] =	wrdreg s30;
	s12 =	simm.s32 $0x480;
	s14 =	simm.s32 $0xC80  }
0x11: {  	s15 =	simm.s32 $0x580;
	s16 =	simm.s32 $0xD00;
	s17 =	simm.s32 $0x600  }
0x12: {  	s19 =	simm.s32 $0x680;
	s20 =	simm.s32 $0xC00;
	s22 =	simm.s32 $0xE80  }
0x13: {  	s23 =	simm.s32 $0x780;
	s24 =	simm.s32 $0xF00;
	s25 =	simm.s32 $0xF80  }
0x14: {  	s26 =	simm.s32 $0x0;
	s8 =	sadd.s32 s8, s31;
	[dreg:$0x13] =	wrdreg s12  }
0x15: {  	s9 =	sshrl.u32 s1, $0x3;
	s18 =	sshrl.u32 s7, $0x1;
	[dreg:$0x15] =	wrdreg s14  }
0x16: {  	s21 =	sadd.s32 s1, s2;
	s31 =	simm.s32 $0xB80;
	[dreg:$0x16] =	wrdreg s15  }
0x17: {  	s12 =	simm.s32 $0x7D;
	s14 =	simm.s32 $0x1;
	[dreg:$0x17] =	wrdreg s16  }
0x18: {  	s15 =	simm.s32 $0x1000;
	s16 =	simm.s32 $0x3;
	[dreg:$0x18] =	wrdreg s17  }
0x19: {  	s17 =	simm.s32 $0x2;
	[dreg:$0x1a] =	wrdreg s19;
	s19 =	simm.s32 $0x400  }
0x1a: {  	s10 =	sadd.s32 $0x1BC00, s8;
	s8 =	sadd.s32 $0x2E00, s8;
	[dreg:$0x12] =	wrdreg s31  }
0x1b: {  	s9 =	sadd.s32 s9, s5;
	s13 =	sadd.s32 s1, s11;
	[dreg:$0x3] =	wrdreg s10  }
0x1c: {  	s11 =	simm.s32 $0x800;
	[dreg:$0x4] =	wrdreg s8;
	s10 =	sshrl.u32 s13, $0x3  }
0x1d: {  	s8 =	ssub.s32 s7, s18;
	s1 =	sadd.s32 $0x4CE00, s9;
	s9 =	sshrl.u32 s21, $0x3  }
0x1e: {  	s13 =	simm.s32 $0x500;
	s18 =	simm.s32 $0xD80;
	[dreg:$0x1c] =	wrdreg s1  }
0x1f: {  	s21 =	simm.s32 $0xE00;
	s10 =	sadd.s32 s10, s5;
	[dreg:$0x14] =	wrdreg s13  }
0x20: {  	s8 =	smax.u32 s8, $0x1;
	s13 =	simm.s32 $0x4E80;
	[dreg:$0x19] =	wrdreg s18  }
0x21: {  	s18 =	simm.s32 $0x4;
	[dreg:$0x1b] =	wrdreg s21;
	s28 =	sadd.s32 $0x74600, s10  }
0x22: {  	s21 =	simm.s32 $0x700;
	s10 =	simm.s32 $0x5;
	[dreg:$0x1d] =	wrdreg s28  }
.LBB2_1:
0x23: {  	s0 =	rddreg [dreg:$0x1c]  }
0x24: {  	[spmem:s9], [sflag:s6] =	dma.local [hbm:s0], $0x2780  }
0x25: {  	_ =	swait.ge [sflag:s10], $0x2780  }
0x26: {  	[sflag:s10] =	ssyncset.done $0x0  }
0x27: {  	[sflag:s10] =	ssyncadd.s32 $0xFFFFD880  }
0x28: {  	[bflag:$0x0] =	sbarrier.arrive $0xFFFF  }
0x29: {  	s28 =	rddreg [dreg:$0x3]  }
0x2a: {  	s28 =	sadd.s32 $0x0, s28  }
0x2b: {  	[tilespmem:s3], [sflag:$0x5] =	stream.linear.gather [hbm4b:s28+s3], $0x400, $0x38;
	[tilespmem:$0x1C900] =	vst v63  }
0x2c: {  	_ =	swait.ge [sflag:s10], $0x400  }
0x2d: {  	s29 =	rddreg [dreg:$0x4];
	[sflag:s10] =	ssyncset.done $0x0  }
0x2e: {  	[sflag:s10] =	ssyncadd.s32 $0xFFFFFC00;
	s29 =	sadd.s32 $0x0, s29  }
0x2f: {  	[tilespmem:s11], [sflag:$0x5] =	stream.linear.gather [hbm4b:s29+s3], $0x400, $0x38;
	[tilespmem:$0x1C900] =	vst v63  }
0x30: {  	p0 =	por $0x1, $0x1;
	_ =	swait.ge [sflag:s10], $0x400  }
0x31: {  	s30 =	simm.s32 @p0 $0x7D;
	[sflag:s10] =	ssyncset.done $0x0  }
0x32: {  	s31 =	simm.s32 @p0 $0x0;
	s0 =	simm.s32 @p0 $0x1000;
	[sflag:s10] =	ssyncadd.s32 $0xFFFFFC00  }
0x33: {  	[tilespmem:s0], [sflag:$0x1] =	stream.indirect.gather @p0 [hbm4b:s4+s30], $0x80, s31, s30, $0xb8;
	[tilespmem:$0x1C900] =	vst v63  }
0x34: {  	s0 =	simm.s32 @!p0 $0x3  }
0x35: {  	_ =	swait.ge @!p0 [sflag:s0], $0x3E80  }
0x36: {  	s30 =	simm.s32 @!p0 $0x1000;
	[sflag:s0] =	ssyncset.done @!p0 $0x0  }
0x37: {  	s31 =	simm.s32 @!p0 $0x7D;
	[sflag:s0] =	ssyncadd.s32 @!p0 $0xFFFFC180;
	s0 =	simm.s32 @!p0 $0x0  }
0x38: {  	[tilespmem:s30], [sflag:$0x1] =	stream.indirect.gather @!p0 [hbm4b:s4+s31], $0x80, s0, s31, $0xb8;
	[tilespmem:$0x1C900] =	vst v63  }
0x39: {  	s0 =	simm.s32 @!p0 $0x4  }
0x3a: {  	_ =	swait.ge @!p0 [sflag:s0], $0x3E80  }
0x3b: {  	[sflag:s0] =	ssyncset.done @!p0 $0x0  }
0x3c: {  	s30 =	rddreg [dreg:$0x5];
	[sflag:s0] =	ssyncadd.s32 @!p0 $0xFFFFC180  }
0x3d: {  	[tilespmem:s13], [sflag:$0x2] =	stream.indirect.gather [hbm4b:s4+s12], $0x80, s30, s12, $0xb8;
	[tilespmem:$0x1C900] =	vst v63  }
0x3e: {  	_ =	swait.ge [sflag:s14], $0x3E80  }
0x3f: {  	[sflag:s14] =	ssyncset.done $0x0  }
0x40: {  	[sflag:s14] =	ssyncadd.s32 $0xFFFFC180  }
0x41: {  	[spmem:s2] =	stream.indirect.scatter.add.f32 [tilespmem:s15], [sflag:$0x3], $0x80, s11, s12, $0xb8;
	[tilespmem:$0x1C900] =	vst v63  }
0x42: {  	_ =	swait.ge [sflag:s16], $0x3E80  }
0x43: {  	[sflag:s16] =	ssyncset.done $0x0  }
0x44: {  	s1 =	rddreg [dreg:$0x6];
	[sflag:s16] =	ssyncadd.s32 $0xFFFFC180  }
0x45: {  	[tilespmem:s15], [sflag:$0x1] =	stream.indirect.gather [hbm4b:s4+s12], $0x80, s1, s12, $0xb8;
	[tilespmem:$0x1C900] =	vst v63  }
0x46: {  	_ =	swait.ge [sflag:s17], $0x3E80  }
0x47: {  	[sflag:s17] =	ssyncset.done $0x0  }
0x48: {  	s5 =	rddreg [dreg:$0x7];
	[sflag:s17] =	ssyncadd.s32 $0xFFFFC180  }
0x49: {  	[spmem:s2] =	stream.indirect.scatter.add.f32 [tilespmem:s13], [sflag:$0x4], $0x80, s5, s12, $0xb8;
	[tilespmem:$0x1C900] =	vst v63  }
0x4a: {  	_ =	swait.ge [sflag:s18], $0x3E80  }
0x4b: {  	[sflag:s18] =	ssyncset.done $0x0  }
0x4c: {  	s7 =	rddreg [dreg:$0x8];
	[sflag:s18] =	ssyncadd.s32 $0xFFFFC180  }
0x4d: {  	[tilespmem:s13], [sflag:$0x2] =	stream.indirect.gather [hbm4b:s4+s12], $0x80, s7, s12, $0xb8;
	[tilespmem:$0x1C900] =	vst v63  }
0x4e: {  	_ =	swait.ge [sflag:s14], $0x3E80  }
0x4f: {  	[sflag:s14] =	ssyncset.done $0x0  }
0x50: {  	s31 =	rddreg [dreg:$0x9];
	[sflag:s14] =	ssyncadd.s32 $0xFFFFC180  }
0x51: {  	[spmem:s2] =	stream.indirect.scatter.add.f32 [tilespmem:s15], [sflag:$0x3], $0x80, s31, s12, $0xb8;
	[tilespmem:$0x1C900] =	vst v63  }
0x52: {  	_ =	swait.ge [sflag:s16], $0x3E80  }
0x53: {  	[sflag:s16] =	ssyncset.done $0x0  }
0x54: {  	s1 =	rddreg [dreg:$0xa];
	[sflag:s16] =	ssyncadd.s32 $0xFFFFC180  }
0x55: {  	[tilespmem:s15], [sflag:$0x1] =	stream.indirect.gather [hbm4b:s4+s12], $0x80, s1, s12, $0xb8;
	[tilespmem:$0x1C900] =	vst v63  }
0x56: {  	_ =	swait.ge [sflag:s17], $0x3E80  }
0x57: {  	[sflag:s17] =	ssyncset.done $0x0  }
0x58: {  	s5 =	rddreg [dreg:$0xb];
	[sflag:s17] =	ssyncadd.s32 $0xFFFFC180  }
0x59: {  	[spmem:s2] =	stream.indirect.scatter.add.f32 [tilespmem:s13], [sflag:$0x4], $0x80, s5, s12, $0xb8;
	[tilespmem:$0x1C900] =	vst v63  }
0x5a: {  	_ =	swait.ge [sflag:s18], $0x3E80  }
0x5b: {  	[sflag:s18] =	ssyncset.done $0x0  }
0x5c: {  	s7 =	rddreg [dreg:$0xc];
	[sflag:s18] =	ssyncadd.s32 $0xFFFFC180  }
0x5d: {  	[tilespmem:s13], [sflag:$0x2] =	stream.indirect.gather [hbm4b:s4+s12], $0x80, s7, s12, $0xb8;
	[tilespmem:$0x1C900] =	vst v63  }
0x5e: {  	_ =	swait.ge [sflag:s14], $0x3E80  }
0x5f: {  	[sflag:s14] =	ssyncset.done $0x0  }
0x60: {  	s31 =	rddreg [dreg:$0xd];
	[sflag:s14] =	ssyncadd.s32 $0xFFFFC180  }
0x61: {  	[spmem:s2] =	stream.indirect.scatter.add.f32 [tilespmem:s15], [sflag:$0x3], $0x80, s31, s12, $0xb8;
	[tilespmem:$0x1C900] =	vst v63  }
0x62: {  	_ =	swait.ge [sflag:s16], $0x3E80  }
0x63: {  	[sflag:s16] =	ssyncset.done $0x0  }
0x64: {  	s1 =	rddreg [dreg:$0xe];
	[sflag:s16] =	ssyncadd.s32 $0xFFFFC180  }
0x65: {  	[tilespmem:s15], [sflag:$0x1] =	stream.indirect.gather [hbm4b:s4+s12], $0x80, s1, s12, $0xb8;
	[tilespmem:$0x1C900] =	vst v63  }
0x66: {  	_ =	swait.ge [sflag:s17], $0x3E80  }
0x67: {  	[sflag:s17] =	ssyncset.done $0x0  }
0x68: {  	s5 =	rddreg [dreg:$0xf];
	[sflag:s17] =	ssyncadd.s32 $0xFFFFC180  }
0x69: {  	[spmem:s2] =	stream.indirect.scatter.add.f32 [tilespmem:s13], [sflag:$0x4], $0x80, s5, s12, $0xb8;
	[tilespmem:$0x1C900] =	vst v63  }
0x6a: {  	_ =	swait.ge [sflag:s18], $0x3E80  }
0x6b: {  	[sflag:s18] =	ssyncset.done $0x0  }
0x6c: {  	s7 =	rddreg [dreg:$0x10];
	[sflag:s18] =	ssyncadd.s32 $0xFFFFC180  }
0x6d: {  	[tilespmem:s13], [sflag:$0x2] =	stream.indirect.gather [hbm4b:s4+s12], $0x80, s7, s12, $0xb8;
	[tilespmem:$0x1C900] =	vst v63  }
0x6e: {  	_ =	swait.ge [sflag:s14], $0x3E80  }
0x6f: {  	[sflag:s14] =	ssyncset.done $0x0  }
0x70: {  	s31 =	rddreg [dreg:$0x11];
	[sflag:s14] =	ssyncadd.s32 $0xFFFFC180  }
0x71: {  	[spmem:s2] =	stream.indirect.scatter.add.f32 [tilespmem:s15], [sflag:$0x3], $0x80, s31, s12, $0xb8;
	[tilespmem:$0x1C900] =	vst v63  }
0x72: {  	_ =	swait.ge [sflag:s17], $0x3E80  }
0x73: {  	[sflag:s17] =	ssyncset.done $0x0  }
0x74: {  	s1 =	rddreg [dreg:$0x12];
	[sflag:s17] =	ssyncadd.s32 $0xFFFFC180  }
0x75: {  	[spmem:s2] =	stream.indirect.scatter.add.f32 [tilespmem:s13], [sflag:$0x4], $0x80, s1, s12, $0xb8;
	[tilespmem:$0x1C900] =	vst v63  }
0x76: {  	s5 =	sadd.s32 $0x1000, s28  }
0x77: {  	[tilespmem:s19], [sflag:$0x5] =	stream.linear.gather [hbm4b:s5+s3], $0x400, $0x38;
	[tilespmem:$0x1C900] =	vst v63  }
0x78: {  	_ =	swait.ge [sflag:s10], $0x400  }
0x79: {  	[sflag:s10] =	ssyncset.done $0x0  }
0x7a: {  	s7 =	sadd.s32 $0x1000, s29;
	[sflag:s10] =	ssyncadd.s32 $0xFFFFFC00  }
0x7b: {  	[tilespmem:s20], [sflag:$0x5] =	stream.linear.gather [hbm4b:s7+s3], $0x400, $0x38;
	[tilespmem:$0x1C900] =	vst v63  }
0x7c: {  	_ =	swait.ge [sflag:s10], $0x400  }
0x7d: {  	[sflag:s10] =	ssyncset.done $0x0  }
0x7e: {  	[sflag:s10] =	ssyncadd.s32 $0xFFFFFC00  }
0x7f: {  	_ =	swait.ge [sflag:s16], $0x3E80  }
0x80: {  	[sflag:s16] =	ssyncset.done $0x0  }
0x81: {  	[sflag:s16] =	ssyncadd.s32 $0xFFFFC180  }
0x82: {  	[tilespmem:s15], [sflag:$0x1] =	stream.indirect.gather [hbm4b:s4+s12], $0x80, s19, s12, $0xb8;
	[tilespmem:$0x1C900] =	vst v63  }
0x83: {  	_ =	swait.ge [sflag:s18], $0x3E80  }
0x84: {  	[sflag:s18] =	ssyncset.done $0x0  }
0x85: {  	s31 =	rddreg [dreg:$0x13];
	[sflag:s18] =	ssyncadd.s32 $0xFFFFC180  }
0x86: {  	[tilespmem:s13], [sflag:$0x2] =	stream.indirect.gather [hbm4b:s4+s12], $0x80, s31, s12, $0xb8;
	[tilespmem:$0x1C900] =	vst v63  }
0x87: {  	_ =	swait.ge [sflag:s14], $0x3E80  }
0x88: {  	[sflag:s14] =	ssyncset.done $0x0  }
0x89: {  	[sflag:s14] =	ssyncadd.s32 $0xFFFFC180  }
0x8a: {  	[spmem:s2] =	stream.indirect.scatter.add.f32 [tilespmem:s15], [sflag:$0x3], $0x80, s20, s12, $0xb8;
	[tilespmem:$0x1C900] =	vst v63  }
0x8b: {  	_ =	swait.ge [sflag:s16], $0x3E80  }
0x8c: {  	[sflag:s16] =	ssyncset.done $0x0  }
0x8d: {  	s1 =	rddreg [dreg:$0x14];
	[sflag:s16] =	ssyncadd.s32 $0xFFFFC180  }
0x8e: {  	[tilespmem:s15], [sflag:$0x1] =	stream.indirect.gather [hbm4b:s4+s12], $0x80, s1, s12, $0xb8;
	[tilespmem:$0x1C900] =	vst v63  }
0x8f: {  	_ =	swait.ge [sflag:s17], $0x3E80  }
0x90: {  	[sflag:s17] =	ssyncset.done $0x0  }
0x91: {  	s5 =	rddreg [dreg:$0x15];
	[sflag:s17] =	ssyncadd.s32 $0xFFFFC180  }
0x92: {  	[spmem:s2] =	stream.indirect.scatter.add.f32 [tilespmem:s13], [sflag:$0x4], $0x80, s5, s12, $0xb8;
	[tilespmem:$0x1C900] =	vst v63  }
0x93: {  	_ =	swait.ge [sflag:s18], $0x3E80  }
0x94: {  	[sflag:s18] =	ssyncset.done $0x0  }
0x95: {  	s7 =	rddreg [dreg:$0x16];
	[sflag:s18] =	ssyncadd.s32 $0xFFFFC180  }
0x96: {  	[tilespmem:s13], [sflag:$0x2] =	stream.indirect.gather [hbm4b:s4+s12], $0x80, s7, s12, $0xb8;
	[tilespmem:$0x1C900] =	vst v63  }
0x97: {  	_ =	swait.ge [sflag:s14], $0x3E80  }
0x98: {  	[sflag:s14] =	ssyncset.done $0x0  }
0x99: {  	s31 =	rddreg [dreg:$0x17];
	[sflag:s14] =	ssyncadd.s32 $0xFFFFC180  }
0x9a: {  	[spmem:s2] =	stream.indirect.scatter.add.f32 [tilespmem:s15], [sflag:$0x3], $0x80, s31, s12, $0xb8;
	[tilespmem:$0x1C900] =	vst v63  }
0x9b: {  	_ =	swait.ge [sflag:s16], $0x3E80  }
0x9c: {  	[sflag:s16] =	ssyncset.done $0x0  }
0x9d: {  	s1 =	rddreg [dreg:$0x18];
	[sflag:s16] =	ssyncadd.s32 $0xFFFFC180  }
0x9e: {  	[tilespmem:s15], [sflag:$0x1] =	stream.indirect.gather [hbm4b:s4+s12], $0x80, s1, s12, $0xb8;
	[tilespmem:$0x1C900] =	vst v63  }
0x9f: {  	_ =	swait.ge [sflag:s17], $0x3E80  }
0xa0: {  	[sflag:s17] =	ssyncset.done $0x0  }
0xa1: {  	s5 =	rddreg [dreg:$0x19];
	[sflag:s17] =	ssyncadd.s32 $0xFFFFC180  }
0xa2: {  	[spmem:s2] =	stream.indirect.scatter.add.f32 [tilespmem:s13], [sflag:$0x4], $0x80, s5, s12, $0xb8;
	[tilespmem:$0x1C900] =	vst v63  }
0xa3: {  	_ =	swait.ge [sflag:s18], $0x3E80  }
0xa4: {  	[sflag:s18] =	ssyncset.done $0x0  }
0xa5: {  	s7 =	rddreg [dreg:$0x1a];
	[sflag:s18] =	ssyncadd.s32 $0xFFFFC180  }
0xa6: {  	[tilespmem:s13], [sflag:$0x2] =	stream.indirect.gather [hbm4b:s4+s12], $0x80, s7, s12, $0xb8;
	[tilespmem:$0x1C900] =	vst v63  }
0xa7: {  	_ =	swait.ge [sflag:s14], $0x3E80  }
0xa8: {  	[sflag:s14] =	ssyncset.done $0x0  }
0xa9: {  	s31 =	rddreg [dreg:$0x1b];
	[sflag:s14] =	ssyncadd.s32 $0xFFFFC180  }
0xaa: {  	[spmem:s2] =	stream.indirect.scatter.add.f32 [tilespmem:s15], [sflag:$0x3], $0x80, s31, s12, $0xb8;
	[tilespmem:$0x1C900] =	vst v63  }
0xab: {  	_ =	swait.ge [sflag:s16], $0x3E80  }
0xac: {  	[sflag:s16] =	ssyncset.done $0x0  }
0xad: {  	[sflag:s16] =	ssyncadd.s32 $0xFFFFC180  }
0xae: {  	[tilespmem:s15], [sflag:$0x1] =	stream.indirect.gather [hbm4b:s4+s12], $0x80, s21, s12, $0xb8;
	[tilespmem:$0x1C900] =	vst v63  }
0xaf: {  	_ =	swait.ge [sflag:s17], $0x3E80  }
0xb0: {  	[sflag:s17] =	ssyncset.done $0x0  }
0xb1: {  	[sflag:s17] =	ssyncadd.s32 $0xFFFFC180  }
0xb2: {  	[spmem:s2] =	stream.indirect.scatter.add.f32 [tilespmem:s13], [sflag:$0x4], $0x80, s22, s12, $0xb8;
	[tilespmem:$0x1C900] =	vst v63  }
0xb3: {  	_ =	swait.ge [sflag:s18], $0x3E80  }
0xb4: {  	[sflag:s18] =	ssyncset.done $0x0  }
0xb5: {  	[sflag:s18] =	ssyncadd.s32 $0xFFFFC180  }
0xb6: {  	[tilespmem:s13], [sflag:$0x2] =	stream.indirect.gather [hbm4b:s4+s12], $0x80, s23, s12, $0xb8;
	[tilespmem:$0x1C900] =	vst v63  }
0xb7: {  	_ =	swait.ge [sflag:s14], $0x3E80  }
0xb8: {  	[sflag:s14] =	ssyncset.done $0x0  }
0xb9: {  	[sflag:s14] =	ssyncadd.s32 $0xFFFFC180  }
0xba: {  	[spmem:s2] =	stream.indirect.scatter.add.f32 [tilespmem:s15], [sflag:$0x3], $0x80, s24, s12, $0xb8;
	[tilespmem:$0x1C900] =	vst v63  }
0xbb: {  	s28 =	simm.s32 $0x2000;
	_ =	swait.ge [sflag:s17], $0x3E80  }
0xbc: {  	s29 =	simm.s32 $0x4000;
	s30 =	rddreg [dreg:$0x3];
	[sflag:s17] =	ssyncset.done $0x0  }
.LBB2_2:
0xbd: {  	[sflag:s17] =	ssyncadd.s32 $0xFFFFC180  }
0xbe: {  	[spmem:s2] =	stream.indirect.scatter.add.f32 [tilespmem:s13], [sflag:$0x4], $0x80, s25, s12, $0xb8;
	[tilespmem:$0x1C900] =	vst v63  }
0xbf: {  	s30 =	sadd.s32 s28, s30  }
0xc0: {  	[tilespmem:s3], [sflag:$0x5] =	stream.linear.gather [hbm4b:s30+s3], $0x400, $0x38;
	[tilespmem:$0x1C900] =	vst v63  }
0xc1: {  	_ =	swait.ge [sflag:s10], $0x400  }
0xc2: {  	s31 =	rddreg [dreg:$0x4];
	[sflag:s10] =	ssyncset.done $0x0  }
0xc3: {  	p1 =	seq.s32 s28, $0x0;
	[sflag:s10] =	ssyncadd.s32 $0xFFFFFC00;
	s31 =	sadd.s32 s28, s31  }
0xc4: {  	[tilespmem:s11], [sflag:$0x5] =	stream.linear.gather [hbm4b:s31+s3], $0x400, $0x38;
	[tilespmem:$0x1C900] =	vst v63  }
0xc5: {  	s0 =	smov.u32 s29;
	s1 =	simm.s32 @p1 $0x0;
	_ =	swait.ge [sflag:s10], $0x400  }
0xc6: {  	s5 =	simm.s32 @p1 $0x1000;
	s7 =	simm.s32 @!p1 $0x3;
	[sflag:s10] =	ssyncset.done $0x0  }
0xc7: {  	s28 =	smov.u32 s0;
	s0 =	simm.s32 @p1 $0x7D;
	[sflag:s10] =	ssyncadd.s32 $0xFFFFFC00  }
0xc8: {  	[tilespmem:s5], [sflag:$0x1] =	stream.indirect.gather @p1 [hbm4b:s4+s0], $0x80, s1, s0, $0xb8;
	[tilespmem:$0x1C900] =	vst v63  }
0xc9: {  	_ =	swait.ge @!p1 [sflag:s7], $0x3E80  }
0xca: {  	s0 =	simm.s32 @!p1 $0x1000;
	s1 =	simm.s32 @!p1 $0x7D;
	[sflag:s7] =	ssyncset.done @!p1 $0x0  }
0xcb: {  	s5 =	simm.s32 @!p1 $0x0;
	[sflag:s7] =	ssyncadd.s32 @!p1 $0xFFFFC180;
	s7 =	simm.s32 @!p1 $0x4  }
0xcc: {  	[tilespmem:s0], [sflag:$0x1] =	stream.indirect.gather @!p1 [hbm4b:s4+s1], $0x80, s5, s1, $0xb8;
	[tilespmem:$0x1C900] =	vst v63  }
0xcd: {  	_ =	swait.ge @!p1 [sflag:s7], $0x3E80  }
0xce: {  	[sflag:s7] =	ssyncset.done @!p1 $0x0  }
0xcf: {  	s5 =	rddreg [dreg:$0x5];
	[sflag:s7] =	ssyncadd.s32 @!p1 $0xFFFFC180  }
0xd0: {  	[tilespmem:s13], [sflag:$0x2] =	stream.indirect.gather [hbm4b:s4+s12], $0x80, s5, s12, $0xb8;
	[tilespmem:$0x1C900] =	vst v63  }
0xd1: {  	_ =	swait.ge [sflag:s14], $0x3E80  }
0xd2: {  	[sflag:s14] =	ssyncset.done $0x0  }
0xd3: {  	[sflag:s14] =	ssyncadd.s32 $0xFFFFC180  }
0xd4: {  	[spmem:s2] =	stream.indirect.scatter.add.f32 [tilespmem:s15], [sflag:$0x3], $0x80, s11, s12, $0xb8;
	[tilespmem:$0x1C900] =	vst v63  }
0xd5: {  	_ =	swait.ge [sflag:s16], $0x3E80  }
0xd6: {  	[sflag:s16] =	ssyncset.done $0x0  }
0xd7: {  	s1 =	rddreg [dreg:$0x6];
	[sflag:s16] =	ssyncadd.s32 $0xFFFFC180  }
0xd8: {  	[tilespmem:s15], [sflag:$0x1] =	stream.indirect.gather [hbm4b:s4+s12], $0x80, s1, s12, $0xb8;
	[tilespmem:$0x1C900] =	vst v63  }
0xd9: {  	_ =	swait.ge [sflag:s17], $0x3E80  }
0xda: {  	[sflag:s17] =	ssyncset.done $0x0  }
0xdb: {  	s5 =	rddreg [dreg:$0x7];
	[sflag:s17] =	ssyncadd.s32 $0xFFFFC180  }
0xdc: {  	[spmem:s2] =	stream.indirect.scatter.add.f32 [tilespmem:s13], [sflag:$0x4], $0x80, s5, s12, $0xb8;
	[tilespmem:$0x1C900] =	vst v63  }
0xdd: {  	_ =	swait.ge [sflag:s18], $0x3E80  }
0xde: {  	[sflag:s18] =	ssyncset.done $0x0  }
0xdf: {  	s7 =	rddreg [dreg:$0x8];
	[sflag:s18] =	ssyncadd.s32 $0xFFFFC180  }
0xe0: {  	[tilespmem:s13], [sflag:$0x2] =	stream.indirect.gather [hbm4b:s4+s12], $0x80, s7, s12, $0xb8;
	[tilespmem:$0x1C900] =	vst v63  }
0xe1: {  	_ =	swait.ge [sflag:s14], $0x3E80  }
0xe2: {  	[sflag:s14] =	ssyncset.done $0x0  }
0xe3: {  	s1 =	rddreg [dreg:$0x9];
	[sflag:s14] =	ssyncadd.s32 $0xFFFFC180  }
0xe4: {  	[spmem:s2] =	stream.indirect.scatter.add.f32 [tilespmem:s15], [sflag:$0x3], $0x80, s1, s12, $0xb8;
	[tilespmem:$0x1C900] =	vst v63  }
0xe5: {  	_ =	swait.ge [sflag:s16], $0x3E80  }
0xe6: {  	[sflag:s16] =	ssyncset.done $0x0  }
0xe7: {  	s5 =	rddreg [dreg:$0xa];
	[sflag:s16] =	ssyncadd.s32 $0xFFFFC180  }
0xe8: {  	[tilespmem:s15], [sflag:$0x1] =	stream.indirect.gather [hbm4b:s4+s12], $0x80, s5, s12, $0xb8;
	[tilespmem:$0x1C900] =	vst v63  }
0xe9: {  	_ =	swait.ge [sflag:s17], $0x3E80  }
0xea: {  	[sflag:s17] =	ssyncset.done $0x0  }
0xeb: {  	s7 =	rddreg [dreg:$0xb];
	[sflag:s17] =	ssyncadd.s32 $0xFFFFC180  }
0xec: {  	[spmem:s2] =	stream.indirect.scatter.add.f32 [tilespmem:s13], [sflag:$0x4], $0x80, s7, s12, $0xb8;
	[tilespmem:$0x1C900] =	vst v63  }
0xed: {  	_ =	swait.ge [sflag:s18], $0x3E80  }
0xee: {  	[sflag:s18] =	ssyncset.done $0x0  }
0xef: {  	s1 =	rddreg [dreg:$0xc];
	[sflag:s18] =	ssyncadd.s32 $0xFFFFC180  }
0xf0: {  	[tilespmem:s13], [sflag:$0x2] =	stream.indirect.gather [hbm4b:s4+s12], $0x80, s1, s12, $0xb8;
	[tilespmem:$0x1C900] =	vst v63  }
0xf1: {  	_ =	swait.ge [sflag:s14], $0x3E80  }
0xf2: {  	[sflag:s14] =	ssyncset.done $0x0  }
0xf3: {  	s5 =	rddreg [dreg:$0xd];
	[sflag:s14] =	ssyncadd.s32 $0xFFFFC180  }
0xf4: {  	[spmem:s2] =	stream.indirect.scatter.add.f32 [tilespmem:s15], [sflag:$0x3], $0x80, s5, s12, $0xb8;
	[tilespmem:$0x1C900] =	vst v63  }
0xf5: {  	_ =	swait.ge [sflag:s16], $0x3E80  }
0xf6: {  	[sflag:s16] =	ssyncset.done $0x0  }
0xf7: {  	s7 =	rddreg [dreg:$0xe];
	[sflag:s16] =	ssyncadd.s32 $0xFFFFC180  }
0xf8: {  	[tilespmem:s15], [sflag:$0x1] =	stream.indirect.gather [hbm4b:s4+s12], $0x80, s7, s12, $0xb8;
	[tilespmem:$0x1C900] =	vst v63  }
0xf9: {  	_ =	swait.ge [sflag:s17], $0x3E80  }
0xfa: {  	[sflag:s17] =	ssyncset.done $0x0  }
0xfb: {  	s1 =	rddreg [dreg:$0xf];
	[sflag:s17] =	ssyncadd.s32 $0xFFFFC180  }
0xfc: {  	[spmem:s2] =	stream.indirect.scatter.add.f32 [tilespmem:s13], [sflag:$0x4], $0x80, s1, s12, $0xb8;
	[tilespmem:$0x1C900] =	vst v63  }
0xfd: {  	_ =	swait.ge [sflag:s18], $0x3E80  }
0xfe: {  	[sflag:s18] =	ssyncset.done $0x0  }
0xff: {  	s5 =	rddreg [dreg:$0x10];
	[sflag:s18] =	ssyncadd.s32 $0xFFFFC180  }
0x100: {  	[tilespmem:s13], [sflag:$0x2] =	stream.indirect.gather [hbm4b:s4+s12], $0x80, s5, s12, $0xb8;
	[tilespmem:$0x1C900] =	vst v63  }
0x101: {  	_ =	swait.ge [sflag:s14], $0x3E80  }
0x102: {  	[sflag:s14] =	ssyncset.done $0x0  }
0x103: {  	s7 =	rddreg [dreg:$0x11];
	[sflag:s14] =	ssyncadd.s32 $0xFFFFC180  }
0x104: {  	[spmem:s2] =	stream.indirect.scatter.add.f32 [tilespmem:s15], [sflag:$0x3], $0x80, s7, s12, $0xb8;
	[tilespmem:$0x1C900] =	vst v63  }
0x105: {  	_ =	swait.ge [sflag:s17], $0x3E80  }
0x106: {  	[sflag:s17] =	ssyncset.done $0x0  }
0x107: {  	s1 =	rddreg [dreg:$0x12];
	[sflag:s17] =	ssyncadd.s32 $0xFFFFC180  }
0x108: {  	[spmem:s2] =	stream.indirect.scatter.add.f32 [tilespmem:s13], [sflag:$0x4], $0x80, s1, s12, $0xb8;
	[tilespmem:$0x1C900] =	vst v63  }
0x109: {  	s5 =	sadd.s32 $0x1000, s30  }
0x10a: {  	[tilespmem:s19], [sflag:$0x5] =	stream.linear.gather [hbm4b:s5+s3], $0x400, $0x38;
	[tilespmem:$0x1C900] =	vst v63  }
0x10b: {  	_ =	swait.ge [sflag:s10], $0x400  }
0x10c: {  	[sflag:s10] =	ssyncset.done $0x0  }
0x10d: {  	s7 =	sadd.s32 $0x1000, s31;
	[sflag:s10] =	ssyncadd.s32 $0xFFFFFC00  }
0x10e: {  	[tilespmem:s20], [sflag:$0x5] =	stream.linear.gather [hbm4b:s7+s3], $0x400, $0x38;
	[tilespmem:$0x1C900] =	vst v63  }
0x10f: {  	_ =	swait.ge [sflag:s10], $0x400  }
0x110: {  	[sflag:s10] =	ssyncset.done $0x0  }
0x111: {  	[sflag:s10] =	ssyncadd.s32 $0xFFFFFC00  }
0x112: {  	_ =	swait.ge [sflag:s16], $0x3E80  }
0x113: {  	[sflag:s16] =	ssyncset.done $0x0  }
0x114: {  	[sflag:s16] =	ssyncadd.s32 $0xFFFFC180  }
0x115: {  	[tilespmem:s15], [sflag:$0x1] =	stream.indirect.gather [hbm4b:s4+s12], $0x80, s19, s12, $0xb8;
	[tilespmem:$0x1C900] =	vst v63  }
0x116: {  	_ =	swait.ge [sflag:s18], $0x3E80  }
0x117: {  	[sflag:s18] =	ssyncset.done $0x0  }
0x118: {  	s31 =	rddreg [dreg:$0x13];
	[sflag:s18] =	ssyncadd.s32 $0xFFFFC180  }
0x119: {  	[tilespmem:s13], [sflag:$0x2] =	stream.indirect.gather [hbm4b:s4+s12], $0x80, s31, s12, $0xb8;
	[tilespmem:$0x1C900] =	vst v63  }
0x11a: {  	_ =	swait.ge [sflag:s14], $0x3E80  }
0x11b: {  	[sflag:s14] =	ssyncset.done $0x0  }
0x11c: {  	[sflag:s14] =	ssyncadd.s32 $0xFFFFC180  }
0x11d: {  	[spmem:s2] =	stream.indirect.scatter.add.f32 [tilespmem:s15], [sflag:$0x3], $0x80, s20, s12, $0xb8;
	[tilespmem:$0x1C900] =	vst v63  }
0x11e: {  	_ =	swait.ge [sflag:s16], $0x3E80  }
0x11f: {  	[sflag:s16] =	ssyncset.done $0x0  }
0x120: {  	s1 =	rddreg [dreg:$0x14];
	[sflag:s16] =	ssyncadd.s32 $0xFFFFC180  }
0x121: {  	[tilespmem:s15], [sflag:$0x1] =	stream.indirect.gather [hbm4b:s4+s12], $0x80, s1, s12, $0xb8;
	[tilespmem:$0x1C900] =	vst v63  }
0x122: {  	_ =	swait.ge [sflag:s17], $0x3E80  }
0x123: {  	[sflag:s17] =	ssyncset.done $0x0  }
0x124: {  	s5 =	rddreg [dreg:$0x15];
	[sflag:s17] =	ssyncadd.s32 $0xFFFFC180  }
0x125: {  	[spmem:s2] =	stream.indirect.scatter.add.f32 [tilespmem:s13], [sflag:$0x4], $0x80, s5, s12, $0xb8;
	[tilespmem:$0x1C900] =	vst v63  }
0x126: {  	_ =	swait.ge [sflag:s18], $0x3E80  }
0x127: {  	[sflag:s18] =	ssyncset.done $0x0  }
0x128: {  	s7 =	rddreg [dreg:$0x16];
	[sflag:s18] =	ssyncadd.s32 $0xFFFFC180  }
0x129: {  	[tilespmem:s13], [sflag:$0x2] =	stream.indirect.gather [hbm4b:s4+s12], $0x80, s7, s12, $0xb8;
	[tilespmem:$0x1C900] =	vst v63  }
0x12a: {  	_ =	swait.ge [sflag:s14], $0x3E80  }
0x12b: {  	[sflag:s14] =	ssyncset.done $0x0  }
0x12c: {  	s31 =	rddreg [dreg:$0x17];
	[sflag:s14] =	ssyncadd.s32 $0xFFFFC180  }
0x12d: {  	[spmem:s2] =	stream.indirect.scatter.add.f32 [tilespmem:s15], [sflag:$0x3], $0x80, s31, s12, $0xb8;
	[tilespmem:$0x1C900] =	vst v63  }
0x12e: {  	_ =	swait.ge [sflag:s16], $0x3E80  }
0x12f: {  	[sflag:s16] =	ssyncset.done $0x0  }
0x130: {  	s1 =	rddreg [dreg:$0x18];
	[sflag:s16] =	ssyncadd.s32 $0xFFFFC180  }
0x131: {  	[tilespmem:s15], [sflag:$0x1] =	stream.indirect.gather [hbm4b:s4+s12], $0x80, s1, s12, $0xb8;
	[tilespmem:$0x1C900] =	vst v63  }
0x132: {  	_ =	swait.ge [sflag:s17], $0x3E80  }
0x133: {  	[sflag:s17] =	ssyncset.done $0x0  }
0x134: {  	s5 =	rddreg [dreg:$0x19];
	[sflag:s17] =	ssyncadd.s32 $0xFFFFC180  }
0x135: {  	[spmem:s2] =	stream.indirect.scatter.add.f32 [tilespmem:s13], [sflag:$0x4], $0x80, s5, s12, $0xb8;
	[tilespmem:$0x1C900] =	vst v63  }
0x136: {  	_ =	swait.ge [sflag:s18], $0x3E80  }
0x137: {  	[sflag:s18] =	ssyncset.done $0x0  }
0x138: {  	s7 =	rddreg [dreg:$0x1a];
	[sflag:s18] =	ssyncadd.s32 $0xFFFFC180  }
0x139: {  	[tilespmem:s13], [sflag:$0x2] =	stream.indirect.gather [hbm4b:s4+s12], $0x80, s7, s12, $0xb8;
	[tilespmem:$0x1C900] =	vst v63  }
0x13a: {  	_ =	swait.ge [sflag:s14], $0x3E80  }
0x13b: {  	[sflag:s14] =	ssyncset.done $0x0  }
0x13c: {  	s31 =	rddreg [dreg:$0x1b];
	[sflag:s14] =	ssyncadd.s32 $0xFFFFC180  }
0x13d: {  	[spmem:s2] =	stream.indirect.scatter.add.f32 [tilespmem:s15], [sflag:$0x3], $0x80, s31, s12, $0xb8;
	[tilespmem:$0x1C900] =	vst v63  }
0x13e: {  	_ =	swait.ge [sflag:s16], $0x3E80  }
0x13f: {  	[sflag:s16] =	ssyncset.done $0x0  }
0x140: {  	[sflag:s16] =	ssyncadd.s32 $0xFFFFC180  }
0x141: {  	[tilespmem:s15], [sflag:$0x1] =	stream.indirect.gather [hbm4b:s4+s12], $0x80, s21, s12, $0xb8;
	[tilespmem:$0x1C900] =	vst v63  }
0x142: {  	_ =	swait.ge [sflag:s17], $0x3E80  }
0x143: {  	[sflag:s17] =	ssyncset.done $0x0  }
0x144: {  	[sflag:s17] =	ssyncadd.s32 $0xFFFFC180  }
0x145: {  	[spmem:s2] =	stream.indirect.scatter.add.f32 [tilespmem:s13], [sflag:$0x4], $0x80, s22, s12, $0xb8;
	[tilespmem:$0x1C900] =	vst v63  }
0x146: {  	_ =	swait.ge [sflag:s18], $0x3E80  }
0x147: {  	[sflag:s18] =	ssyncset.done $0x0  }
0x148: {  	s29 =	sadd.s32 $0x2000, s29;
	[sflag:s18] =	ssyncadd.s32 $0xFFFFC180  }
0x149: {  	[tilespmem:s13], [sflag:$0x2] =	stream.indirect.gather [hbm4b:s4+s12], $0x80, s23, s12, $0xb8;
	[tilespmem:$0x1C900] =	vst v63  }
0x14a: {  	p0 =	sne.s32 s29, $0xA000;
	_ =	swait.ge [sflag:s14], $0x3E80  }
.Ltmp0:
0x14b: {  	[sflag:s14] =	ssyncset.done $0x0;
	(pc) =	sbr.rel @p0 .LBB2_2-.Ltmp0, $4  }
0x14c: {  	[sflag:s14] =	ssyncadd.s32 $0xFFFFC180  }
0x14d: {  	[spmem:s2] =	stream.indirect.scatter.add.f32 [tilespmem:s15], [sflag:$0x3], $0x80, s24, s12, $0xb8;
	[tilespmem:$0x1C900] =	vst v63  }
0x14e: {  	_ =	swait.ge [sflag:s17], $0x3E80  }
0x14f: {  	s30 =	rddreg [dreg:$0x3];
	[sflag:s17] =	ssyncset.done $0x0  }
0x150: {  	[sflag:s17] =	ssyncadd.s32 $0xFFFFC180  }
0x151: {  	[spmem:s2] =	stream.indirect.scatter.add.f32 [tilespmem:s13], [sflag:$0x4], $0x80, s25, s12, $0xb8;
	[tilespmem:$0x1C900] =	vst v63  }
0x152: {  	s29 =	sadd.s32 s28, s30  }
0x153: {  	[tilespmem:s3], [sflag:$0x5] =	stream.linear.gather [hbm4b:s29+s3], $0x400, $0x38;
	[tilespmem:$0x1C900] =	vst v63  }
0x154: {  	_ =	swait.ge [sflag:s10], $0x400  }
0x155: {  	s0 =	rddreg [dreg:$0x4];
	[sflag:s10] =	ssyncset.done $0x0  }
0x156: {  	[sflag:s10] =	ssyncadd.s32 $0xFFFFFC00;
	s30 =	sadd.s32 s28, s0  }
0x157: {  	[tilespmem:s11], [sflag:$0x5] =	stream.linear.gather [hbm4b:s30+s3], $0x400, $0x38;
	[tilespmem:$0x1C900] =	vst v63  }
0x158: {  	p0 =	seq.s32 s28, $0x0;
	_ =	swait.ge [sflag:s10], $0x400  }
0x159: {  	s1 =	simm.s32 @p0 $0x0;
	[sflag:s10] =	ssyncset.done $0x0  }
0x15a: {  	s5 =	simm.s32 @p0 $0x1000;
	s0 =	simm.s32 @p0 $0x7D;
	[sflag:s10] =	ssyncadd.s32 $0xFFFFFC00  }
0x15b: {  	[tilespmem:s5], [sflag:$0x1] =	stream.indirect.gather @p0 [hbm4b:s4+s0], $0x80, s1, s0, $0xb8;
	[tilespmem:$0x1C900] =	vst v63  }
0x15c: {  	s0 =	simm.s32 @!p0 $0x3  }
0x15d: {  	_ =	swait.ge @!p0 [sflag:s0], $0x3E80  }
0x15e: {  	s1 =	simm.s32 @!p0 $0x1000;
	[sflag:s0] =	ssyncset.done @!p0 $0x0  }
0x15f: {  	s5 =	simm.s32 @!p0 $0x7D;
	[sflag:s0] =	ssyncadd.s32 @!p0 $0xFFFFC180;
	s0 =	simm.s32 @!p0 $0x0  }
0x160: {  	[tilespmem:s1], [sflag:$0x1] =	stream.indirect.gather @!p0 [hbm4b:s4+s5], $0x80, s0, s5, $0xb8;
	[tilespmem:$0x1C900] =	vst v63  }
0x161: {  	s0 =	simm.s32 @!p0 $0x4  }
0x162: {  	_ =	swait.ge @!p0 [sflag:s0], $0x3E80  }
0x163: {  	[sflag:s0] =	ssyncset.done @!p0 $0x0  }
0x164: {  	s28 =	rddreg [dreg:$0x5];
	[sflag:s0] =	ssyncadd.s32 @!p0 $0xFFFFC180  }
0x165: {  	[tilespmem:s13], [sflag:$0x2] =	stream.indirect.gather [hbm4b:s4+s12], $0x80, s28, s12, $0xb8;
	[tilespmem:$0x1C900] =	vst v63  }
0x166: {  	_ =	swait.ge [sflag:s14], $0x3E80  }
0x167: {  	[sflag:s14] =	ssyncset.done $0x0  }
0x168: {  	[sflag:s14] =	ssyncadd.s32 $0xFFFFC180  }
0x169: {  	[spmem:s2] =	stream.indirect.scatter.add.f32 [tilespmem:s15], [sflag:$0x3], $0x80, s11, s12, $0xb8;
	[tilespmem:$0x1C900] =	vst v63  }
0x16a: {  	_ =	swait.ge [sflag:s16], $0x3E80  }
0x16b: {  	[sflag:s16] =	ssyncset.done $0x0  }
0x16c: {  	s31 =	rddreg [dreg:$0x6];
	[sflag:s16] =	ssyncadd.s32 $0xFFFFC180  }
0x16d: {  	[tilespmem:s15], [sflag:$0x1] =	stream.indirect.gather [hbm4b:s4+s12], $0x80, s31, s12, $0xb8;
	[tilespmem:$0x1C900] =	vst v63  }
0x16e: {  	_ =	swait.ge [sflag:s17], $0x3E80  }
0x16f: {  	[sflag:s17] =	ssyncset.done $0x0  }
0x170: {  	s1 =	rddreg [dreg:$0x7];
	[sflag:s17] =	ssyncadd.s32 $0xFFFFC180  }
0x171: {  	[spmem:s2] =	stream.indirect.scatter.add.f32 [tilespmem:s13], [sflag:$0x4], $0x80, s1, s12, $0xb8;
	[tilespmem:$0x1C900] =	vst v63  }
0x172: {  	_ =	swait.ge [sflag:s18], $0x3E80  }
0x173: {  	[sflag:s18] =	ssyncset.done $0x0  }
0x174: {  	s5 =	rddreg [dreg:$0x8];
	[sflag:s18] =	ssyncadd.s32 $0xFFFFC180  }
0x175: {  	[tilespmem:s13], [sflag:$0x2] =	stream.indirect.gather [hbm4b:s4+s12], $0x80, s5, s12, $0xb8;
	[tilespmem:$0x1C900] =	vst v63  }
0x176: {  	_ =	swait.ge [sflag:s14], $0x3E80  }
0x177: {  	[sflag:s14] =	ssyncset.done $0x0  }
0x178: {  	s7 =	rddreg [dreg:$0x9];
	[sflag:s14] =	ssyncadd.s32 $0xFFFFC180  }
0x179: {  	[spmem:s2] =	stream.indirect.scatter.add.f32 [tilespmem:s15], [sflag:$0x3], $0x80, s7, s12, $0xb8;
	[tilespmem:$0x1C900] =	vst v63  }
0x17a: {  	_ =	swait.ge [sflag:s16], $0x3E80  }
0x17b: {  	[sflag:s16] =	ssyncset.done $0x0  }
0x17c: {  	s28 =	rddreg [dreg:$0xa];
	[sflag:s16] =	ssyncadd.s32 $0xFFFFC180  }
0x17d: {  	[tilespmem:s15], [sflag:$0x1] =	stream.indirect.gather [hbm4b:s4+s12], $0x80, s28, s12, $0xb8;
	[tilespmem:$0x1C900] =	vst v63  }
0x17e: {  	_ =	swait.ge [sflag:s17], $0x3E80  }
0x17f: {  	[sflag:s17] =	ssyncset.done $0x0  }
0x180: {  	s31 =	rddreg [dreg:$0xb];
	[sflag:s17] =	ssyncadd.s32 $0xFFFFC180  }
0x181: {  	[spmem:s2] =	stream.indirect.scatter.add.f32 [tilespmem:s13], [sflag:$0x4], $0x80, s31, s12, $0xb8;
	[tilespmem:$0x1C900] =	vst v63  }
0x182: {  	_ =	swait.ge [sflag:s18], $0x3E80  }
0x183: {  	[sflag:s18] =	ssyncset.done $0x0  }
0x184: {  	s1 =	rddreg [dreg:$0xc];
	[sflag:s18] =	ssyncadd.s32 $0xFFFFC180  }
0x185: {  	[tilespmem:s13], [sflag:$0x2] =	stream.indirect.gather [hbm4b:s4+s12], $0x80, s1, s12, $0xb8;
	[tilespmem:$0x1C900] =	vst v63  }
0x186: {  	_ =	swait.ge [sflag:s14], $0x3E80  }
0x187: {  	[sflag:s14] =	ssyncset.done $0x0  }
0x188: {  	s5 =	rddreg [dreg:$0xd];
	[sflag:s14] =	ssyncadd.s32 $0xFFFFC180  }
0x189: {  	[spmem:s2] =	stream.indirect.scatter.add.f32 [tilespmem:s15], [sflag:$0x3], $0x80, s5, s12, $0xb8;
	[tilespmem:$0x1C900] =	vst v63  }
0x18a: {  	_ =	swait.ge [sflag:s16], $0x3E80  }
0x18b: {  	[sflag:s16] =	ssyncset.done $0x0  }
0x18c: {  	s7 =	rddreg [dreg:$0xe];
	[sflag:s16] =	ssyncadd.s32 $0xFFFFC180  }
0x18d: {  	[tilespmem:s15], [sflag:$0x1] =	stream.indirect.gather [hbm4b:s4+s12], $0x80, s7, s12, $0xb8;
	[tilespmem:$0x1C900] =	vst v63  }
0x18e: {  	_ =	swait.ge [sflag:s17], $0x3E80  }
0x18f: {  	[sflag:s17] =	ssyncset.done $0x0  }
0x190: {  	s28 =	rddreg [dreg:$0xf];
	[sflag:s17] =	ssyncadd.s32 $0xFFFFC180  }
0x191: {  	[spmem:s2] =	stream.indirect.scatter.add.f32 [tilespmem:s13], [sflag:$0x4], $0x80, s28, s12, $0xb8;
	[tilespmem:$0x1C900] =	vst v63  }
0x192: {  	_ =	swait.ge [sflag:s18], $0x3E80  }
0x193: {  	[sflag:s18] =	ssyncset.done $0x0  }
0x194: {  	s31 =	rddreg [dreg:$0x10];
	[sflag:s18] =	ssyncadd.s32 $0xFFFFC180  }
0x195: {  	[tilespmem:s13], [sflag:$0x2] =	stream.indirect.gather [hbm4b:s4+s12], $0x80, s31, s12, $0xb8;
	[tilespmem:$0x1C900] =	vst v63  }
0x196: {  	_ =	swait.ge [sflag:s14], $0x3E80  }
0x197: {  	[sflag:s14] =	ssyncset.done $0x0  }
0x198: {  	s1 =	rddreg [dreg:$0x11];
	[sflag:s14] =	ssyncadd.s32 $0xFFFFC180  }
0x199: {  	[spmem:s2] =	stream.indirect.scatter.add.f32 [tilespmem:s15], [sflag:$0x3], $0x80, s1, s12, $0xb8;
	[tilespmem:$0x1C900] =	vst v63  }
0x19a: {  	_ =	swait.ge [sflag:s17], $0x3E80  }
0x19b: {  	[sflag:s17] =	ssyncset.done $0x0  }
0x19c: {  	s5 =	rddreg [dreg:$0x12];
	[sflag:s17] =	ssyncadd.s32 $0xFFFFC180  }
0x19d: {  	[spmem:s2] =	stream.indirect.scatter.add.f32 [tilespmem:s13], [sflag:$0x4], $0x80, s5, s12, $0xb8;
	[tilespmem:$0x1C900] =	vst v63  }
0x19e: {  	s7 =	sadd.s32 $0x1000, s29  }
0x19f: {  	[tilespmem:s19], [sflag:$0x5] =	stream.linear.gather [hbm4b:s7+s3], $0x400, $0x38;
	[tilespmem:$0x1C900] =	vst v63  }
0x1a0: {  	_ =	swait.ge [sflag:s10], $0x400  }
0x1a1: {  	[sflag:s10] =	ssyncset.done $0x0  }
0x1a2: {  	s28 =	sadd.s32 $0x1000, s30;
	[sflag:s10] =	ssyncadd.s32 $0xFFFFFC00  }
0x1a3: {  	[tilespmem:s20], [sflag:$0x5] =	stream.linear.gather [hbm4b:s28+s3], $0x400, $0x38;
	[tilespmem:$0x1C900] =	vst v63  }
0x1a4: {  	_ =	swait.ge [sflag:s10], $0x400  }
0x1a5: {  	[sflag:s10] =	ssyncset.done $0x0  }
0x1a6: {  	[sflag:s10] =	ssyncadd.s32 $0xFFFFFC00  }
0x1a7: {  	_ =	swait.ge [sflag:s16], $0x3E80  }
0x1a8: {  	[sflag:s16] =	ssyncset.done $0x0  }
0x1a9: {  	[sflag:s16] =	ssyncadd.s32 $0xFFFFC180  }
0x1aa: {  	[tilespmem:s15], [sflag:$0x1] =	stream.indirect.gather [hbm4b:s4+s12], $0x80, s19, s12, $0xb8;
	[tilespmem:$0x1C900] =	vst v63  }
0x1ab: {  	_ =	swait.ge [sflag:s18], $0x3E80  }
0x1ac: {  	[sflag:s18] =	ssyncset.done $0x0  }
0x1ad: {  	s29 =	rddreg [dreg:$0x13];
	[sflag:s18] =	ssyncadd.s32 $0xFFFFC180  }
0x1ae: {  	[tilespmem:s13], [sflag:$0x2] =	stream.indirect.gather [hbm4b:s4+s12], $0x80, s29, s12, $0xb8;
	[tilespmem:$0x1C900] =	vst v63  }
0x1af: {  	_ =	swait.ge [sflag:s14], $0x3E80  }
0x1b0: {  	[sflag:s14] =	ssyncset.done $0x0  }
0x1b1: {  	[sflag:s14] =	ssyncadd.s32 $0xFFFFC180  }
0x1b2: {  	[spmem:s2] =	stream.indirect.scatter.add.f32 [tilespmem:s15], [sflag:$0x3], $0x80, s20, s12, $0xb8;
	[tilespmem:$0x1C900] =	vst v63  }
0x1b3: {  	_ =	swait.ge [sflag:s16], $0x3E80  }
0x1b4: {  	[sflag:s16] =	ssyncset.done $0x0  }
0x1b5: {  	s30 =	rddreg [dreg:$0x14];
	[sflag:s16] =	ssyncadd.s32 $0xFFFFC180  }
0x1b6: {  	[tilespmem:s15], [sflag:$0x1] =	stream.indirect.gather [hbm4b:s4+s12], $0x80, s30, s12, $0xb8;
	[tilespmem:$0x1C900] =	vst v63  }
0x1b7: {  	_ =	swait.ge [sflag:s17], $0x3E80  }
0x1b8: {  	[sflag:s17] =	ssyncset.done $0x0  }
0x1b9: {  	s31 =	rddreg [dreg:$0x15];
	[sflag:s17] =	ssyncadd.s32 $0xFFFFC180  }
0x1ba: {  	[spmem:s2] =	stream.indirect.scatter.add.f32 [tilespmem:s13], [sflag:$0x4], $0x80, s31, s12, $0xb8;
	[tilespmem:$0x1C900] =	vst v63  }
0x1bb: {  	_ =	swait.ge [sflag:s18], $0x3E80  }
0x1bc: {  	[sflag:s18] =	ssyncset.done $0x0  }
0x1bd: {  	s1 =	rddreg [dreg:$0x16];
	[sflag:s18] =	ssyncadd.s32 $0xFFFFC180  }
0x1be: {  	[tilespmem:s13], [sflag:$0x2] =	stream.indirect.gather [hbm4b:s4+s12], $0x80, s1, s12, $0xb8;
	[tilespmem:$0x1C900] =	vst v63  }
0x1bf: {  	_ =	swait.ge [sflag:s14], $0x3E80  }
0x1c0: {  	[sflag:s14] =	ssyncset.done $0x0  }
0x1c1: {  	s5 =	rddreg [dreg:$0x17];
	[sflag:s14] =	ssyncadd.s32 $0xFFFFC180  }
0x1c2: {  	[spmem:s2] =	stream.indirect.scatter.add.f32 [tilespmem:s15], [sflag:$0x3], $0x80, s5, s12, $0xb8;
	[tilespmem:$0x1C900] =	vst v63  }
0x1c3: {  	_ =	swait.ge [sflag:s16], $0x3E80  }
0x1c4: {  	[sflag:s16] =	ssyncset.done $0x0  }
0x1c5: {  	s7 =	rddreg [dreg:$0x18];
	[sflag:s16] =	ssyncadd.s32 $0xFFFFC180  }
0x1c6: {  	[tilespmem:s15], [sflag:$0x1] =	stream.indirect.gather [hbm4b:s4+s12], $0x80, s7, s12, $0xb8;
	[tilespmem:$0x1C900] =	vst v63  }
0x1c7: {  	_ =	swait.ge [sflag:s17], $0x3E80  }
0x1c8: {  	[sflag:s17] =	ssyncset.done $0x0  }
0x1c9: {  	s28 =	rddreg [dreg:$0x19];
	[sflag:s17] =	ssyncadd.s32 $0xFFFFC180  }
0x1ca: {  	[spmem:s2] =	stream.indirect.scatter.add.f32 [tilespmem:s13], [sflag:$0x4], $0x80, s28, s12, $0xb8;
	[tilespmem:$0x1C900] =	vst v63  }
0x1cb: {  	_ =	swait.ge [sflag:s18], $0x3E80  }
0x1cc: {  	[sflag:s18] =	ssyncset.done $0x0  }
0x1cd: {  	s29 =	rddreg [dreg:$0x1a];
	[sflag:s18] =	ssyncadd.s32 $0xFFFFC180  }
0x1ce: {  	[tilespmem:s13], [sflag:$0x2] =	stream.indirect.gather [hbm4b:s4+s12], $0x80, s29, s12, $0xb8;
	[tilespmem:$0x1C900] =	vst v63  }
0x1cf: {  	_ =	swait.ge [sflag:s14], $0x3E80  }
0x1d0: {  	[sflag:s14] =	ssyncset.done $0x0  }
0x1d1: {  	s30 =	rddreg [dreg:$0x1b];
	[sflag:s14] =	ssyncadd.s32 $0xFFFFC180  }
0x1d2: {  	[spmem:s2] =	stream.indirect.scatter.add.f32 [tilespmem:s15], [sflag:$0x3], $0x80, s30, s12, $0xb8;
	[tilespmem:$0x1C900] =	vst v63  }
0x1d3: {  	_ =	swait.ge [sflag:s16], $0x3E80  }
0x1d4: {  	[sflag:s16] =	ssyncset.done $0x0  }
0x1d5: {  	[sflag:s16] =	ssyncadd.s32 $0xFFFFC180  }
0x1d6: {  	[tilespmem:s15], [sflag:$0x1] =	stream.indirect.gather [hbm4b:s4+s12], $0x80, s21, s12, $0xb8;
	[tilespmem:$0x1C900] =	vst v63  }
0x1d7: {  	_ =	swait.ge [sflag:s17], $0x3E80  }
0x1d8: {  	[sflag:s17] =	ssyncset.done $0x0  }
0x1d9: {  	[sflag:s17] =	ssyncadd.s32 $0xFFFFC180  }
0x1da: {  	[spmem:s2] =	stream.indirect.scatter.add.f32 [tilespmem:s13], [sflag:$0x4], $0x80, s22, s12, $0xb8;
	[tilespmem:$0x1C900] =	vst v63  }
0x1db: {  	_ =	swait.ge [sflag:s18], $0x3E80  }
0x1dc: {  	[sflag:s18] =	ssyncset.done $0x0  }
0x1dd: {  	[sflag:s18] =	ssyncadd.s32 $0xFFFFC180  }
0x1de: {  	[tilespmem:s13], [sflag:$0x2] =	stream.indirect.gather [hbm4b:s4+s12], $0x80, s23, s12, $0xb8;
	[tilespmem:$0x1C900] =	vst v63  }
0x1df: {  	_ =	swait.ge [sflag:s14], $0x3E80  }
0x1e0: {  	[sflag:s14] =	ssyncset.done $0x0  }
0x1e1: {  	[sflag:s14] =	ssyncadd.s32 $0xFFFFC180  }
0x1e2: {  	[spmem:s2] =	stream.indirect.scatter.add.f32 [tilespmem:s15], [sflag:$0x3], $0x80, s24, s12, $0xb8;
	[tilespmem:$0x1C900] =	vst v63  }
0x1e3: {  	_ =	swait.ge [sflag:s17], $0x3E80  }
0x1e4: {  	[sflag:s17] =	ssyncset.done $0x0  }
0x1e5: {  	[sflag:s17] =	ssyncadd.s32 $0xFFFFC180  }
0x1e6: {  	[spmem:s2] =	stream.indirect.scatter.add.f32 [tilespmem:s13], [sflag:$0x4], $0x80, s25, s12, $0xb8;
	[tilespmem:$0x1C900] =	vst v63  }
0x1e7: {  	_ =	swait.ge [sflag:s16], $0x3E80  }
0x1e8: {  	[sflag:s16] =	ssyncset.done $0x0  }
0x1e9: {  	[sflag:s16] =	ssyncadd.s32 $0xFFFFC180  }
0x1ea: {  	_ =	swait.ge [sflag:s18], $0x3E80  }
0x1eb: {  	[sflag:s18] =	ssyncset.done $0x0  }
0x1ec: {  	s26 =	sadd.s32 $0x1, s26;
	[sflag:s18] =	ssyncadd.s32 $0xFFFFC180  }
0x1ed: {  	p0 =	sne.s32 s26, s8;
	[bflag:$0x0] =	sbarrier.arrive $0xFFFF  }
.Ltmp1:
0x1ee: {  	s31 =	rddreg [dreg:$0x1d];
	(pc) =	sbr.rel @p0 .LBB2_1-.Ltmp1, $4  }
0x1ef: {  	[hbm:s31], [sflag:s6] =	dma.local [spmem:s9], $0x2780  }
0x1f0: {  	_ =	swait.ge [sflag:s10], $0x2780  }
0x1f1: {  	[sflag:s10] =	ssyncset.done $0x0  }
0x1f2: {  	[sflag:s10] =	ssyncadd.s32 $0xFFFFD880  }
0x1f3: {  	_ =	sfence.sel $0x180000  }
0x1f4: {  	[bflag:$0x0] =	sbarrier.arrive $0xFFFF  }
0x1f5: {  	_ =	strace $0x9000004D  }
0x1f6: {  	s0 =	stileid.u32;
	[bflag:$0x2] =	sbarrier.arrive $0xFFFF  }
0x1f7: {  	p0 =	sne.s32 s0, $0x0;
	s0 =	rddreg [dreg:$0x2]  }
0x1f8: {  	s0 =	sadd.s32 @!p0 $0x100000, s0  }
0x1f9: {  	[sflag:s0] =	ssyncadd.tile.s32 @!p0 $0x1;
	_ =	shalt  }
.Lfunc_end2:
_tile_overlayer_lowered:
.L_overlay_start_2:
0x1fa: {  	(tag) =	ssettag $0x2  }
0x1fb: {  	s0 =	rddreg [dreg:$0x0];
	s2 =	stileid.u32  }
0x1fc: {  	s1 =	rddreg [dreg:$0x1];
	p0 =	sne.s32 s2, $0x0  }
0x1fd: {  	s3 =	rddreg [dreg:$0x2];
	[bflag:$0x3] =	sbarrier.arrive $0xFFFF;
	s2 =	simm.s32 @!p0 $0x1C05  }
0x1fe: {  	[timem:s3], [sflag:s2] =	dma.local @!p0 [hbm:s0], s1  }
0x1ff: {  	s0 =	simm.s32 @!p0 $0x5  }
0x200: {  	_ =	swait.ge @!p0 [sflag:s0], s1  }
0x201: {  	s1 =	ssub.s32 @!p0 $0x0, s1;
	[sflag:s0] =	ssyncset.done @!p0 $0x0  }
0x202: {  	[sflag:s0] =	ssyncadd.s32 @!p0 s1  }
0x203: {  	[bflag:$0x3] =	sbarrier.arrive $0xFFFF  }
0x204: {  	_ =	shalt  }

// kernel: kernel.9.cloned.1.call-start
scs
__scs_entry_jumppad:
0x0: {  	(pc) =	sbr.rel $0x88, $3  }
0x1: {  	(tag) =	ssettag $0x0;
	lr =	simm.s32 $0x1  }
0x2: {  	[smem:$0x3F99] =	sst lr;
	_ =	strace $0xD0000000  }
0x3: {  	_ = 	snop  }
0x4: {  	_ = 	snop  }
0x5: {  	_ = 	snop  }
0x6: {  	_ = 	snop  }
0x7: {  	_ = 	snop  }
__scs_overlays_trampoline_lowered:
0x8: {  	[smem:$0x3FA8] =	sst s0  }
0x9: {  	[smem:$0x3FA9] =	sst s1  }
0xa: {  	[smem:$0x3FAA] =	sst s2  }
0xb: {  	[smem:$0x3FAB] =	sst s3  }
0xc: {  	[smem:$0x3FAC] =	sst s4  }
0xd: {  	[smem:$0x3FAD] =	sst s5  }
0xe: {  	[smem:$0x3FAE] =	sst s6  }
0xf: {  	[smem:$0x3FAF] =	sst s7  }
0x10: {  	[smem:$0x3FB0] =	sst s8  }
0x11: {  	[smem:$0x3FB1] =	sst s9;
	s0 =	simm.s32 @!p0 $0x0  }
0x12: {  	s1 =	sld [smem:$0x3F97];
	s0 =	simm.s32 @p0 $0x1  }
0x13: {  	[smem:$0x3FB2] =	sst s0;
	s0 =	simm.s32 @!p1 $0x0  }
0x14: {  	s2 =	sld [smem:$0x3F96];
	s0 =	simm.s32 @p1 $0x1  }
0x15: {  	[smem:$0x3FB3] =	sst s0;
	s0 =	simm.s32 @!p2 $0x0  }
0x16: {  	s3 =	sld [smem:$0x3FDB];
	s0 =	simm.s32 @p2 $0x1  }
0x17: {  	s4 =	simm.s32 $0x1BF5;
	[smem:$0x3FB5] =	sst s0  }
0x18: {  	s0 =	sld [smem:$0x3F98];
	_ =	swait.ge [sflag:s4], $0x0  }
0x19: {  	s7 =	sld [smem:$0x3F99]  }
0x1a: {  	s8 =	sadd.s32 $0xFFFFE003, lr  }
0x1b: {  	s9 =	sadd.s32 $0xFFFFFEF7, lr;
	s5 =	simm.s32 $0xFFFFFFFF;
	p2 =	slt.u32 s8, $0xFFFFF086  }
0x1c: {  	p1 =	slt.u32 s9, $0xF7A;
	s5 =	simm.s32 @!p2 $0x0  }
0x1d: {  	s5 =	simm.s32 @p1 $0x1;
	p0 =	seq.s32 s7, s2  }
0x1e: {  	s7 =	smul.u32 @!p0 $0xF7A, s2;
	p2 =	seq.s32 @!p0 s5, $0x0  }
0x1f: {  	s9 =	smul.u32 $0xF7A, s1;
	s8 =	simm.s32 @!p0 $0x1BF5;
	p2 =	por !p2, p0  }
0x20: {  	[sflag:s8] =	ssyncset.s32 @!p0 $0xFFFFF086;
	s6 =	sadd.s32 @!p0 s3, s7;
	s7 =	simm.s32 @!p0 $0x108  }
0x21: {  	s3 =	sadd.s32 s3, s9;
	s6 =	sadd.s32 @!p0 $0x88, s6;
	s7 =	simm.s32 @p2 $0x1082  }
0x22: {  	[simem:s7], [sflag:s8] =	dma.local @!p0 [hbm:s6], $0xF7A  }
0x23: {  	s9 =	sor.u32 $0xD0000000, s2;
	s6 =	simm.s32 $0x108;
	_ =	swait.ge @!p0 [sflag:s8], $0x0  }
0x24: {  	s3 =	sadd.s32 $0x88, s3;
	s6 =	simm.s32 @!p1 $0x1082;
	[sflag:s4] =	ssyncset.s32 $0xFFFFF086  }
0x25: {  	[simem:s6], [sflag:s4] =	dma.local [hbm:s3], $0xF7A  }
0x26: {  	[smem:$0x3F99] =	sst s1;
	(tag) =	ssettag s2;
	_ =	strace s9  }
0x27: {  	s1 =	sld [smem:$0x3FA9]  }
0x28: {  	s2 =	sld [smem:$0x3FAA]  }
0x29: {  	s4 =	sld [smem:$0x3FAC]  }
0x2a: {  	p0 =	seq.s32 s5, $0x0;
	s5 =	sld [smem:$0x3FAD]  }
0x2b: {  	s6 =	sld [smem:$0x3FAE]  }
0x2c: {  	s7 =	sld [smem:$0x3FAF]  }
0x2d: {  	s3 =	simm.s32 $0x108;
	s8 =	sld [smem:$0x3FB0]  }
0x2e: {  	s3 =	simm.s32 @!p0 $0x1082;
	s9 =	sld [smem:$0x3FB1]  }
0x2f: {  	lr =	sadd.s32 s0, s3;
	s0 =	sld [smem:$0x3FA8]  }
0x30: {  	s3 =	sld [smem:$0x3FAB]  }
0x31: {  	[smem:$0x3FB4] =	sst s10  }
0x32: {  	s10 =	sld [smem:$0x3FB2];
	_ =	sdelay $0x3  }
0x33: {  	p0 =	seq.s32 s10, $0x1;
	s10 =	sld [smem:$0x3FB4];
	_ =	sdelay $0x3  }
0x34: {  	[smem:$0x3FB4] =	sst s10  }
0x35: {  	s10 =	sld [smem:$0x3FB3];
	_ =	sdelay $0x3  }
0x36: {  	p1 =	seq.s32 s10, $0x1;
	s10 =	sld [smem:$0x3FB4];
	_ =	sdelay $0x3  }
0x37: {  	[smem:$0x3FB4] =	sst s10  }
0x38: {  	s10 =	sld [smem:$0x3FB5]  }
0x39: {  	_ = 	snop;
	(pc) =	sbr.ind lr, $3  }
0x3a: {  	_ = 	snop  }
0x3b: {  	_ = 	snop  }
0x3c: {  	p2 =	seq.s32 s10, $0x1;
	s10 =	sld [smem:$0x3FB4]  }
0x3d: {  	_ =	shalt  }
0x3e: {  	_ =	shalt  }
0x3f: {  	_ =	shalt  }
0x40: {  	_ =	shalt  }
0x41: {  	_ =	shalt  }
0x42: {  	_ =	shalt  }
0x43: {  	_ =	shalt  }
0x44: {  	_ =	shalt  }
0x45: {  	_ =	shalt  }
0x46: {  	_ =	shalt  }
0x47: {  	_ =	shalt  }
0x48: {  	_ =	shalt  }
0x49: {  	_ =	shalt  }
0x4a: {  	_ =	shalt  }
0x4b: {  	_ =	shalt  }
0x4c: {  	_ =	shalt  }
0x4d: {  	_ =	shalt  }
0x4e: {  	_ =	shalt  }
0x4f: {  	_ =	shalt  }
0x50: {  	_ =	shalt  }
0x51: {  	_ =	shalt  }
0x52: {  	_ =	shalt  }
0x53: {  	_ =	shalt  }
0x54: {  	_ =	shalt  }
0x55: {  	_ =	shalt  }
0x56: {  	_ =	shalt  }
0x57: {  	_ =	shalt  }
0x58: {  	_ =	shalt  }
0x59: {  	_ =	shalt  }
0x5a: {  	_ =	shalt  }
0x5b: {  	_ =	shalt  }
0x5c: {  	_ =	shalt  }
0x5d: {  	_ =	shalt  }
0x5e: {  	_ =	shalt  }
0x5f: {  	_ =	shalt  }
0x60: {  	_ =	shalt  }
0x61: {  	_ =	shalt  }
0x62: {  	_ =	shalt  }
0x63: {  	_ =	shalt  }
0x64: {  	_ =	shalt  }
0x65: {  	_ =	shalt  }
0x66: {  	_ =	shalt  }
0x67: {  	_ =	shalt  }
0x68: {  	_ =	shalt  }
0x69: {  	_ =	shalt  }
0x6a: {  	_ =	shalt  }
0x6b: {  	_ =	shalt  }
0x6c: {  	_ =	shalt  }
0x6d: {  	_ =	shalt  }
0x6e: {  	_ =	shalt  }
0x6f: {  	_ =	shalt  }
0x70: {  	_ =	shalt  }
0x71: {  	_ =	shalt  }
0x72: {  	_ =	shalt  }
0x73: {  	_ =	shalt  }
0x74: {  	_ =	shalt  }
0x75: {  	_ =	shalt  }
0x76: {  	_ =	shalt  }
0x77: {  	_ =	shalt  }
0x78: {  	_ =	shalt  }
0x79: {  	_ =	shalt  }
0x7a: {  	_ =	shalt  }
0x7b: {  	_ =	shalt  }
0x7c: {  	_ =	shalt  }
0x7d: {  	_ =	shalt  }
0x7e: {  	_ =	shalt  }
0x7f: {  	_ =	shalt  }
0x80: {  	_ =	shalt  }
0x81: {  	_ =	shalt  }
0x82: {  	_ =	shalt  }
0x83: {  	_ =	shalt  }
0x84: {  	_ =	shalt  }
0x85: {  	_ =	shalt  }
0x86: {  	_ =	shalt  }
0x87: {  	_ =	shalt  }
.Lfunc_end0:
.L_simem_size_0:
called_computation_lowered:
.L_overlay_start_0:
0x88: {  	s2 =	sld [smem:$0x3FD9]  }
0x89: {  	s3 =	sld [smem:$0x3FFE];
	_ =	sdelay $0x1  }
0x8a: {  	s1 =	srdreg.scid  }
0x8b: {  	s0 =	sand.u32 $0x1, s1  }
0x8c: {  	s17 =	sshll.u32 s0, $0xA;
	s2 =	sadd.s32 s3, s2  }
0x8d: {  	s2 =	sadd.s32 s2, s17  }
0x8e: {  	[smem:$0x3FC0] =	sst s2  }
0x8f: {  	_ = 	snop  }
0x90: {  	s2 =	sld [smem:$0x3FD0];
	(tm) =	ssettm $0x1  }
0x91: {  	s18 =	sld [smem:$0x3FFB];
	_ =	sdelay $0x3  }
0x92: {  	_ =	strace s18  }
0x93: {  	s3 =	sld [smem:$0x3FFC];
	_ =	sdelay $0x3  }
0x94: {  	_ =	strace s3  }
0x95: {  	s3 =	sld [smem:$0x3FFD];
	_ =	sdelay $0x3  }
0x96: {  	_ =	strace s3  }
0x97: {  	_ =	strace $0x8FFFFFFF  }
0x98: {  	s19 =	sld [smem:$0x3FDB];
	_ =	sdelay $0x1  }
0x99: {  	s4 =	simm.s32 $_scs_section_size  }
0x9a: {  	s5 =	simm.s32 $_size__tile_overlayer_lowered;
	s6 =	simm.s32 $_tile_overlayer_lowered  }
0x9b: {  	s22 =	simm.s32 $0x1BFF;
	s21 =	sshll.u32 s6, $0x1;
	s3 =	sadd.s32 s4, s19  }
0x9c: {  	s7 =	simm.s32 $0x0;
	s20 =	sshll.u32 s5, $0x1;
	s5 =	sadd.s32 s21, s3  }
0x9d: {  	[timem:s7], [sflag:s22] =	dma.local [hbm:s5], s20  }
0x9e: {  	_ =	swait.ge [sflag:s22], s20  }
0x9f: {  	s4 =	ssub.s32 $0x0, s20;
	[sflag:s22] =	ssyncset.done $0x0  }
0xa0: {  	[sflag:s22] =	ssyncadd.s32 s4;
	_ =	sdelay $0x1  }
0xa1: {  	s23 =	simm.s32 $0x1B8B  }
0xa2: {  	_ =	swait.ge [sflag:s23], $0x1  }
0xa3: {  	[sflag:s23] =	ssyncset.done $0x0  }
0xa4: {  	s25 =	simm.s32 $0x1B8E;
	s24 =	sld [smem:$0x3FFE];
	[sflag:s23] =	ssyncadd.s32 $0xFFFFFFFF  }
0xa5: {  	s26 =	simm.s32 $execute0_lowered;
	[smem:$0x3FD2] =	sst s25  }
0xa6: {  	s5 =	sshll.u32 s26, $0x1;
	_ =	strace $0x80000046;
	[dreg:$0x1] =	wrdreg $0xFFFFFFFF  }
0xa7: {  	s28 =	simm.s32 $_size_execute0_lowered;
	s3 =	sadd.s32 s3, s5;
	[dreg:$0x0] =	wrdreg $0x0  }
0xa8: {  	s5 =	sshll.u32 s28, $0x1;
	[dreg:$0x2] =	wrdreg s3  }
0xa9: {  	[dreg:$0x3] =	wrdreg s5  }
0xaa: {  	[dreg:$0x4] =	wrdreg $0xC0  }
0xab: {  	_ =	task [dreg:s7], $0x5FFFF  }
0xac: {  	[dreg:$0x1] =	wrdreg $0xFFFFFFFF  }
0xad: {  	[dreg:$0x0] =	wrdreg $0x60  }
0xae: {  	[dreg:$0x2] =	wrdreg s24  }
0xaf: {  	[dreg:$0x3] =	wrdreg s2  }
0xb0: {  	[dreg:$0x4] =	wrdreg $0xFD00  }
0xb1: {  	[dreg:$0x5] =	wrdreg $0x9  }
0xb2: {  	_ =	task.clear_ibuf [dreg:s7], $0x6FFFF;
	_ =	strace $0x90000046  }
0xb3: {  	s29 =	simm.s32 $0x9;
	_ =	strace $0x80000048  }
0xb4: {  	_ =	swait.ge [sflag:s29], $0x1  }
0xb5: {  	[sflag:s29] =	ssyncadd.s32 $0xFFFFFFFF  }
0xb6: {  	_ =	strace $0x90000048  }
0xb7: {  	_ =	sfence  }
0xb8: {  	s30 =	sld [smem:$0x0];
	_ =	sdelay $0x2  }
0xb9: {  	s31 =	sshll.u32 s1, $0xD;
	s1 =	sshrl.u32 s1, $0x2  }
0xba: {  	s3 =	sand.u32 $0x4000, s31;
	s1 =	sadd.s32 s1, s30  }
0xbb: {  	s0 =	sor.u32 s3, s0;
	s1 =	sshll.u32 s1, $0x11  }
0xbc: {  	s0 =	sor.u32 s1, s0  }
0xbd: {  	s0 =	sadd.s32 $0x8F2B, s0  }
0xbe: {  	[sflag:s0] =	ssyncadd.remote.s32 $0x1  }
0xbf: {  	_ =	sfence.sel $0xFFFF  }
0xc0: {  	[dreg:$0x0] =	wrdreg $0xFFFFFFFF;
	(pc) =	sbr.abs _section_cstart, $3  }
0xc1: {  	[dreg:$0x1] =	wrdreg $0xFFFFFFFF  }
0xc2: {  	_ =	task.clear_ibuf [dreg:s7], $0x2FFFF;
	_ =	strace $0x9FFFFFFF  }
0xc3: {  	(tm) =	ssettm $0x7FFFFFFF  }
tec
execute0_lowered:
.L_overlay_start_1:
0x0: {  	(tag) =	ssettag $0x1  }
0x1: {  	s0 =	rddreg [dreg:$0x0]  }
0x2: {  	s3 =	rddreg [dreg:$0x2]  }
0x3: {  	s10 =	stileid.u32;
	s1 =	srdreg.scid;
	s4 =	simm.s32 $0x0  }
0x4: {  	s11 =	simm.s32 $0x3;
	s12 =	simm.s32 $0x800;
	s13 =	simm.s32 $0x7D  }
0x5: {  	s14 =	simm.s32 $0x80;
	s15 =	simm.s32 $0x100;
	s16 =	simm.s32 $0x180  }
0x6: {  	s17 =	simm.s32 $0x200;
	s18 =	simm.s32 $0x280;
	s19 =	simm.s32 $0x300  }
0x7: {  	s20 =	simm.s32 $0x380;
	s21 =	simm.s32 $0x400;
	s22 =	simm.s32 $0x480  }
0x8: {  	s23 =	simm.s32 $0x500;
	s28 =	simm.s32 $0x700;
	s29 =	simm.s32 $0x780  }
0x9: {  	s30 =	simm.s32 $0x1;
	s31 =	simm.s32 $0x2;
	s2 =	smul.u32 $0x2780, s10  }
0xa: {  	s1 =	sand.u32 $0x1, s1;
	[smem:$0x7FF] =	sst s4;
	s5 =	sshll.u32 s10, $0x8  }
0xb: {  	s25 =	sshll.u32 s10, $0x6;
	s6 =	smul.u32 $0x27800, s1;
	_ =	strace $0x80000047  }
0xc: {  	s5 =	sadd.s32 s5, s0;
	s8 =	ssub.s32 $0x2, s1;
	s1 =	sshll.u32 s1, $0x7  }
0xd: {  	s7 =	sshrl.u32 s2, $0x3;
	s9 =	sshrl.u32 s8, $0x1;
	s26 =	sadd.s32 s1, s5  }
0xe: {  	s6 =	sadd.s32 s2, s6;
	s7 =	sadd.s32 s7, s0;
	s8 =	ssub.s32 s8, s9  }
0xf: {  	s2 =	sadd.s32 s2, s3;
	s9 =	sadd.s32 $0x2E00, s26;
	s26 =	simm.s32 $0x680  }
0x10: {  	s6 =	sshrl.u32 s6, $0x3;
	s24 =	sadd.s32 $0xCE00, s7;
	s8 =	smax.u32 s8, $0x1  }
0x11: {  	s10 =	sshrl.u32 s2, $0x3;
	s0 =	sadd.s32 s6, s0;
	[dreg:$0x4] =	wrdreg s24  }
0x12: {  	s6 =	sor.u32 $0x1C03, s25;
	s24 =	simm.s32 $0x580;
	s0 =	sadd.s32 $0x11E00, s0  }
0x13: {  	s25 =	simm.s32 $0x600;
	[dreg:$0x5] =	wrdreg s0;
	s0 =	simm.s32 $0x0  }
.LBB2_1:
0x14: {  	s1 =	rddreg [dreg:$0x4]  }
0x15: {  	[spmem:s10], [sflag:s6] =	dma.local [hbm:s1], $0x4F0  }
0x16: {  	_ =	swait.ge [sflag:s11], $0x4F0  }
0x17: {  	[sflag:s11] =	ssyncset.done $0x0  }
0x18: {  	[sflag:s11] =	ssyncadd.s32 $0xFFFFFB10  }
0x19: {  	s5 =	rddreg [dreg:$0x1]  }
0x1a: {  	[tilespmem:s12], [sflag:$0x3] =	stream.linear.gather [hbm4b:s5+s4], $0x7D0, $0x38;
	[tilespmem:$0x3750] =	vst v63  }
0x1b: {  	_ =	swait.ge [sflag:s11], $0x7D0  }
0x1c: {  	p0 =	por $0x1, $0x1;
	[sflag:s11] =	ssyncset.done $0x0  }
0x1d: {  	p0 =	por p0, p0;
	[sflag:s11] =	ssyncadd.s32 $0xFFFFF830  }
0x1e: {  	s1 =	simm.s32 @!p0 $0x1;
	[bflag:$0x0] =	sbarrier.arrive $0xFFFF  }
0x1f: {  	_ =	swait.ge @!p0 [sflag:s1], $0x7D0  }
0x20: {  	[sflag:s1] =	ssyncset.done @!p0 $0x0  }
0x21: {  	[sflag:s1] =	ssyncadd.s32 @!p0 $0xFFFFF830  }
0x22: {  	_ =	swait.ge @!p0 [sflag:s1], $0x7D0  }
0x23: {  	[sflag:s1] =	ssyncset.done @!p0 $0x0  }
0x24: {  	[sflag:s1] =	ssyncadd.s32 @!p0 $0xFFFFF830  }
0x25: {  	_ =	swait.ge @!p0 [sflag:s1], $0x7D0  }
0x26: {  	[sflag:s1] =	ssyncset.done @!p0 $0x0  }
0x27: {  	[sflag:s1] =	ssyncadd.s32 @!p0 $0xFFFFF830  }
0x28: {  	_ =	swait.ge @!p0 [sflag:s1], $0x7D0  }
0x29: {  	[sflag:s1] =	ssyncset.done @!p0 $0x0  }
0x2a: {  	[sflag:s1] =	ssyncadd.s32 @!p0 $0xFFFFF830  }
0x2b: {  	_ =	swait.ge @!p0 [sflag:s1], $0x7D0  }
0x2c: {  	[sflag:s1] =	ssyncset.done @!p0 $0x0  }
0x2d: {  	[sflag:s1] =	ssyncadd.s32 @!p0 $0xFFFFF830  }
0x2e: {  	_ =	swait.ge @!p0 [sflag:s1], $0x7D0  }
0x2f: {  	[sflag:s1] =	ssyncset.done @!p0 $0x0  }
0x30: {  	[sflag:s1] =	ssyncadd.s32 @!p0 $0xFFFFF830  }
0x31: {  	_ =	swait.ge @!p0 [sflag:s1], $0x7D0  }
0x32: {  	[sflag:s1] =	ssyncset.done @!p0 $0x0  }
0x33: {  	[sflag:s1] =	ssyncadd.s32 @!p0 $0xFFFFF830  }
0x34: {  	_ =	swait.ge @!p0 [sflag:s1], $0x7D0  }
0x35: {  	[sflag:s1] =	ssyncset.done @!p0 $0x0  }
0x36: {  	s7 =	sadd.s32 $0x0, s9;
	[sflag:s1] =	ssyncadd.s32 @!p0 $0xFFFFF830  }
0x37: {  	[tilespmem:s4], [sflag:$0x3] =	stream.linear.gather [hbm4b:s7+s4], $0x400, $0x38;
	[tilespmem:$0x3750] =	vst v63  }
0x38: {  	_ =	swait.ge [sflag:s11], $0x400  }
0x39: {  	[sflag:s11] =	ssyncset.done $0x0  }
0x3a: {  	[sflag:s11] =	ssyncadd.s32 $0xFFFFFC00  }
0x3b: {  	[spmem:s3] =	stream.indirect.scatter.add.f32 [tilespmem:s12], [sflag:$0x1], $0x10, s4, s13, $0xb8;
	[tilespmem:$0x3750] =	vst v63  }
0x3c: {  	_ = 	snop  }
0x3d: {  	[spmem:s3] =	stream.indirect.scatter.add.f32 [tilespmem:s12], [sflag:$0x1], $0x10, s14, s13, $0xb8;
	[tilespmem:$0x3750] =	vst v63  }
0x3e: {  	_ = 	snop  }
0x3f: {  	[spmem:s3] =	stream.indirect.scatter.add.f32 [tilespmem:s12], [sflag:$0x1], $0x10, s15, s13, $0xb8;
	[tilespmem:$0x3750] =	vst v63  }
0x40: {  	_ = 	snop  }
0x41: {  	[spmem:s3] =	stream.indirect.scatter.add.f32 [tilespmem:s12], [sflag:$0x1], $0x10, s16, s13, $0xb8;
	[tilespmem:$0x3750] =	vst v63  }
0x42: {  	_ = 	snop  }
0x43: {  	[spmem:s3] =	stream.indirect.scatter.add.f32 [tilespmem:s12], [sflag:$0x1], $0x10, s17, s13, $0xb8;
	[tilespmem:$0x3750] =	vst v63  }
0x44: {  	_ = 	snop  }
0x45: {  	[spmem:s3] =	stream.indirect.scatter.add.f32 [tilespmem:s12], [sflag:$0x1], $0x10, s18, s13, $0xb8;
	[tilespmem:$0x3750] =	vst v63  }
0x46: {  	_ = 	snop  }
0x47: {  	[spmem:s3] =	stream.indirect.scatter.add.f32 [tilespmem:s12], [sflag:$0x1], $0x10, s19, s13, $0xb8;
	[tilespmem:$0x3750] =	vst v63  }
0x48: {  	s2 =	simm.s32 @!p0 $0x2  }
0x49: {  	[spmem:s3] =	stream.indirect.scatter.add.f32 [tilespmem:s12], [sflag:$0x1], $0x10, s20, s13, $0xb8;
	[tilespmem:$0x3750] =	vst v63  }
0x4a: {  	_ =	swait.ge @!p0 [sflag:s2], $0x7D0  }
0x4b: {  	[sflag:s2] =	ssyncset.done @!p0 $0x0  }
0x4c: {  	[sflag:s2] =	ssyncadd.s32 @!p0 $0xFFFFF830  }
0x4d: {  	_ =	swait.ge @!p0 [sflag:s2], $0x7D0  }
0x4e: {  	[sflag:s2] =	ssyncset.done @!p0 $0x0  }
0x4f: {  	[sflag:s2] =	ssyncadd.s32 @!p0 $0xFFFFF830  }
0x50: {  	_ =	swait.ge @!p0 [sflag:s2], $0x7D0  }
0x51: {  	[sflag:s2] =	ssyncset.done @!p0 $0x0  }
0x52: {  	[sflag:s2] =	ssyncadd.s32 @!p0 $0xFFFFF830  }
0x53: {  	_ =	swait.ge @!p0 [sflag:s2], $0x7D0  }
0x54: {  	[sflag:s2] =	ssyncset.done @!p0 $0x0  }
0x55: {  	[sflag:s2] =	ssyncadd.s32 @!p0 $0xFFFFF830  }
0x56: {  	_ =	swait.ge @!p0 [sflag:s2], $0x7D0  }
0x57: {  	[sflag:s2] =	ssyncset.done @!p0 $0x0  }
0x58: {  	[sflag:s2] =	ssyncadd.s32 @!p0 $0xFFFFF830  }
0x59: {  	_ =	swait.ge @!p0 [sflag:s2], $0x7D0  }
0x5a: {  	[sflag:s2] =	ssyncset.done @!p0 $0x0  }
0x5b: {  	[sflag:s2] =	ssyncadd.s32 @!p0 $0xFFFFF830  }
0x5c: {  	_ =	swait.ge @!p0 [sflag:s2], $0x7D0  }
0x5d: {  	[sflag:s2] =	ssyncset.done @!p0 $0x0  }
0x5e: {  	[sflag:s2] =	ssyncadd.s32 @!p0 $0xFFFFF830  }
0x5f: {  	_ =	swait.ge @!p0 [sflag:s2], $0x7D0  }
0x60: {  	[sflag:s2] =	ssyncset.done @!p0 $0x0  }
0x61: {  	s1 =	sadd.s32 $0x1000, s7;
	[sflag:s2] =	ssyncadd.s32 @!p0 $0xFFFFF830  }
0x62: {  	[tilespmem:s21], [sflag:$0x3] =	stream.linear.gather [hbm4b:s1+s4], $0x400, $0x38;
	[tilespmem:$0x3750] =	vst v63  }
0x63: {  	_ =	swait.ge [sflag:s11], $0x400  }
0x64: {  	[sflag:s11] =	ssyncset.done $0x0  }
0x65: {  	[sflag:s11] =	ssyncadd.s32 $0xFFFFFC00  }
0x66: {  	[spmem:s3] =	stream.indirect.scatter.add.f32 [tilespmem:s12], [sflag:$0x2], $0x10, s21, s13, $0xb8;
	[tilespmem:$0x3750] =	vst v63  }
0x67: {  	_ = 	snop  }
0x68: {  	[spmem:s3] =	stream.indirect.scatter.add.f32 [tilespmem:s12], [sflag:$0x2], $0x10, s22, s13, $0xb8;
	[tilespmem:$0x3750] =	vst v63  }
0x69: {  	_ = 	snop  }
0x6a: {  	[spmem:s3] =	stream.indirect.scatter.add.f32 [tilespmem:s12], [sflag:$0x2], $0x10, s23, s13, $0xb8;
	[tilespmem:$0x3750] =	vst v63  }
0x6b: {  	_ = 	snop  }
0x6c: {  	[spmem:s3] =	stream.indirect.scatter.add.f32 [tilespmem:s12], [sflag:$0x2], $0x10, s24, s13, $0xb8;
	[tilespmem:$0x3750] =	vst v63  }
0x6d: {  	_ = 	snop  }
0x6e: {  	[spmem:s3] =	stream.indirect.scatter.add.f32 [tilespmem:s12], [sflag:$0x2], $0x10, s25, s13, $0xb8;
	[tilespmem:$0x3750] =	vst v63  }
0x6f: {  	p6 =	por $0x0, $0x0  }
0x70: {  	[spmem:s3] =	stream.indirect.scatter.add.f32 [tilespmem:s12], [sflag:$0x2], $0x10, s26, s13, $0xb8;
	[tilespmem:$0x3750] =	vst v63  }
0x71: {  	s2 =	simm.s32 $0x4000;
	p0 =	por p6, p6;
	s1 =	simm.s32 $0x2000  }
0x72: {  	[spmem:s3] =	stream.indirect.scatter.add.f32 [tilespmem:s12], [sflag:$0x2], $0x10, s28, s13, $0xb8;
	[tilespmem:$0x3750] =	vst v63  }
.LBB2_2:
0x73: {  	[spmem:s3] =	stream.indirect.scatter.add.f32 [tilespmem:s12], [sflag:$0x2], $0x10, s29, s13, $0xb8;
	[tilespmem:$0x3750] =	vst v63  }
0x74: {  	s7 =	smov.u32 s2  }
0x75: {  	s2 =	sadd.s32 $0x2000, s2;
	s5 =	simm.s32 @!p0 $0x1;
	p2 =	seq.s32 s7, $0x0  }
0x76: {  	p1 =	sne.s32 s2, $0xA000;
	_ =	swait.ge @!p0 [sflag:s5], $0x7D0  }
0x77: {  	[sflag:s5] =	ssyncset.done @!p0 $0x0  }
0x78: {  	[sflag:s5] =	ssyncadd.s32 @!p0 $0xFFFFF830  }
0x79: {  	_ =	swait.ge @!p0 [sflag:s5], $0x7D0  }
0x7a: {  	[sflag:s5] =	ssyncset.done @!p0 $0x0  }
0x7b: {  	[sflag:s5] =	ssyncadd.s32 @!p0 $0xFFFFF830  }
0x7c: {  	_ =	swait.ge @!p0 [sflag:s5], $0x7D0  }
0x7d: {  	[sflag:s5] =	ssyncset.done @!p0 $0x0  }
0x7e: {  	[sflag:s5] =	ssyncadd.s32 @!p0 $0xFFFFF830  }
0x7f: {  	_ =	swait.ge @!p0 [sflag:s5], $0x7D0  }
0x80: {  	[sflag:s5] =	ssyncset.done @!p0 $0x0  }
0x81: {  	[sflag:s5] =	ssyncadd.s32 @!p0 $0xFFFFF830  }
0x82: {  	_ =	swait.ge @!p0 [sflag:s5], $0x7D0  }
0x83: {  	[sflag:s5] =	ssyncset.done @!p0 $0x0  }
0x84: {  	[sflag:s5] =	ssyncadd.s32 @!p0 $0xFFFFF830  }
0x85: {  	_ =	swait.ge @!p0 [sflag:s5], $0x7D0  }
0x86: {  	[sflag:s5] =	ssyncset.done @!p0 $0x0  }
0x87: {  	[sflag:s5] =	ssyncadd.s32 @!p0 $0xFFFFF830  }
0x88: {  	_ =	swait.ge @!p0 [sflag:s5], $0x7D0  }
0x89: {  	[sflag:s5] =	ssyncset.done @!p0 $0x0  }
0x8a: {  	[sflag:s5] =	ssyncadd.s32 @!p0 $0xFFFFF830  }
0x8b: {  	_ =	swait.ge @!p0 [sflag:s5], $0x7D0  }
0x8c: {  	[sflag:s5] =	ssyncset.done @!p0 $0x0  }
0x8d: {  	[sflag:s5] =	ssyncadd.s32 @!p0 $0xFFFFF830;
	s5 =	sadd.s32 s1, s9;
	s1 =	smov.u32 s7  }
0x8e: {  	[tilespmem:s4], [sflag:$0x3] =	stream.linear.gather [hbm4b:s5+s4], $0x400, $0x38;
	[tilespmem:$0x3750] =	vst v63  }
0x8f: {  	_ =	swait.ge [sflag:s11], $0x400  }
0x90: {  	[sflag:s11] =	ssyncset.done $0x0  }
0x91: {  	[sflag:s11] =	ssyncadd.s32 $0xFFFFFC00  }
0x92: {  	[spmem:s3] =	stream.indirect.scatter.add.f32 [tilespmem:s12], [sflag:$0x1], $0x10, s4, s13, $0xb8;
	[tilespmem:$0x3750] =	vst v63  }
0x93: {  	_ = 	snop  }
0x94: {  	[spmem:s3] =	stream.indirect.scatter.add.f32 [tilespmem:s12], [sflag:$0x1], $0x10, s14, s13, $0xb8;
	[tilespmem:$0x3750] =	vst v63  }
0x95: {  	_ = 	snop  }
0x96: {  	[spmem:s3] =	stream.indirect.scatter.add.f32 [tilespmem:s12], [sflag:$0x1], $0x10, s15, s13, $0xb8;
	[tilespmem:$0x3750] =	vst v63  }
0x97: {  	_ = 	snop  }
0x98: {  	[spmem:s3] =	stream.indirect.scatter.add.f32 [tilespmem:s12], [sflag:$0x1], $0x10, s16, s13, $0xb8;
	[tilespmem:$0x3750] =	vst v63  }
0x99: {  	_ = 	snop  }
0x9a: {  	[spmem:s3] =	stream.indirect.scatter.add.f32 [tilespmem:s12], [sflag:$0x1], $0x10, s17, s13, $0xb8;
	[tilespmem:$0x3750] =	vst v63  }
0x9b: {  	_ = 	snop  }
0x9c: {  	[spmem:s3] =	stream.indirect.scatter.add.f32 [tilespmem:s12], [sflag:$0x1], $0x10, s18, s13, $0xb8;
	[tilespmem:$0x3750] =	vst v63  }
0x9d: {  	_ = 	snop  }
0x9e: {  	[spmem:s3] =	stream.indirect.scatter.add.f32 [tilespmem:s12], [sflag:$0x1], $0x10, s19, s13, $0xb8;
	[tilespmem:$0x3750] =	vst v63  }
0x9f: {  	s7 =	simm.s32 @!p0 $0x2  }
0xa0: {  	[spmem:s3] =	stream.indirect.scatter.add.f32 [tilespmem:s12], [sflag:$0x1], $0x10, s20, s13, $0xb8;
	[tilespmem:$0x3750] =	vst v63  }
0xa1: {  	_ =	swait.ge @!p0 [sflag:s7], $0x7D0  }
0xa2: {  	[sflag:s7] =	ssyncset.done @!p0 $0x0  }
0xa3: {  	[sflag:s7] =	ssyncadd.s32 @!p0 $0xFFFFF830  }
0xa4: {  	_ =	swait.ge @!p0 [sflag:s7], $0x7D0  }
0xa5: {  	[sflag:s7] =	ssyncset.done @!p0 $0x0  }
0xa6: {  	[sflag:s7] =	ssyncadd.s32 @!p0 $0xFFFFF830  }
0xa7: {  	_ =	swait.ge @!p0 [sflag:s7], $0x7D0  }
0xa8: {  	[sflag:s7] =	ssyncset.done @!p0 $0x0  }
0xa9: {  	[sflag:s7] =	ssyncadd.s32 @!p0 $0xFFFFF830  }
0xaa: {  	_ =	swait.ge @!p0 [sflag:s7], $0x7D0  }
0xab: {  	[sflag:s7] =	ssyncset.done @!p0 $0x0  }
0xac: {  	[sflag:s7] =	ssyncadd.s32 @!p0 $0xFFFFF830  }
0xad: {  	_ =	swait.ge @!p0 [sflag:s7], $0x7D0  }
0xae: {  	[sflag:s7] =	ssyncset.done @!p0 $0x0  }
0xaf: {  	[sflag:s7] =	ssyncadd.s32 @!p0 $0xFFFFF830  }
0xb0: {  	_ =	swait.ge @!p0 [sflag:s7], $0x7D0  }
0xb1: {  	[sflag:s7] =	ssyncset.done @!p0 $0x0  }
0xb2: {  	[sflag:s7] =	ssyncadd.s32 @!p0 $0xFFFFF830  }
0xb3: {  	_ =	swait.ge @!p0 [sflag:s7], $0x7D0  }
0xb4: {  	[sflag:s7] =	ssyncset.done @!p0 $0x0  }
0xb5: {  	[sflag:s7] =	ssyncadd.s32 @!p0 $0xFFFFF830  }
0xb6: {  	_ =	swait.ge @!p0 [sflag:s7], $0x7D0  }
0xb7: {  	[sflag:s7] =	ssyncset.done @!p0 $0x0  }
0xb8: {  	s5 =	sadd.s32 $0x1000, s5;
	[sflag:s7] =	ssyncadd.s32 @!p0 $0xFFFFF830;
	p0 =	por p2, p2  }
0xb9: {  	[tilespmem:s21], [sflag:$0x3] =	stream.linear.gather [hbm4b:s5+s4], $0x400, $0x38;
	[tilespmem:$0x3750] =	vst v63  }
0xba: {  	_ =	swait.ge [sflag:s11], $0x400  }
0xbb: {  	[sflag:s11] =	ssyncset.done $0x0  }
0xbc: {  	[sflag:s11] =	ssyncadd.s32 $0xFFFFFC00  }
0xbd: {  	[spmem:s3] =	stream.indirect.scatter.add.f32 [tilespmem:s12], [sflag:$0x2], $0x10, s21, s13, $0xb8;
	[tilespmem:$0x3750] =	vst v63  }
0xbe: {  	_ = 	snop  }
0xbf: {  	[spmem:s3] =	stream.indirect.scatter.add.f32 [tilespmem:s12], [sflag:$0x2], $0x10, s22, s13, $0xb8;
	[tilespmem:$0x3750] =	vst v63  }
0xc0: {  	_ = 	snop  }
0xc1: {  	[spmem:s3] =	stream.indirect.scatter.add.f32 [tilespmem:s12], [sflag:$0x2], $0x10, s23, s13, $0xb8;
	[tilespmem:$0x3750] =	vst v63  }
0xc2: {  	_ = 	snop  }
0xc3: {  	[spmem:s3] =	stream.indirect.scatter.add.f32 [tilespmem:s12], [sflag:$0x2], $0x10, s24, s13, $0xb8;
	[tilespmem:$0x3750] =	vst v63  }
0xc4: {  	_ = 	snop  }
0xc5: {  	[spmem:s3] =	stream.indirect.scatter.add.f32 [tilespmem:s12], [sflag:$0x2], $0x10, s25, s13, $0xb8;
	[tilespmem:$0x3750] =	vst v63  }
.Ltmp0:
0xc6: {  	_ = 	snop;
	(pc) =	sbr.rel @p1 .LBB2_2-.Ltmp0, $4  }
0xc7: {  	_ = 	snop  }
0xc8: {  	[spmem:s3] =	stream.indirect.scatter.add.f32 [tilespmem:s12], [sflag:$0x2], $0x10, s26, s13, $0xb8;
	[tilespmem:$0x3750] =	vst v63  }
0xc9: {  	_ = 	snop  }
0xca: {  	[spmem:s3] =	stream.indirect.scatter.add.f32 [tilespmem:s12], [sflag:$0x2], $0x10, s28, s13, $0xb8;
	[tilespmem:$0x3750] =	vst v63  }
0xcb: {  	[spmem:s3] =	stream.indirect.scatter.add.f32 [tilespmem:s12], [sflag:$0x2], $0x10, s29, s13, $0xb8;
	[tilespmem:$0x3750] =	vst v63  }
0xcc: {  	s2 =	simm.s32 @!p0 $0x1  }
0xcd: {  	_ =	swait.ge @!p0 [sflag:s2], $0x7D0  }
0xce: {  	[sflag:s2] =	ssyncset.done @!p0 $0x0  }
0xcf: {  	[sflag:s2] =	ssyncadd.s32 @!p0 $0xFFFFF830  }
0xd0: {  	_ =	swait.ge @!p0 [sflag:s2], $0x7D0  }
0xd1: {  	[sflag:s2] =	ssyncset.done @!p0 $0x0  }
0xd2: {  	[sflag:s2] =	ssyncadd.s32 @!p0 $0xFFFFF830  }
0xd3: {  	_ =	swait.ge @!p0 [sflag:s2], $0x7D0  }
0xd4: {  	[sflag:s2] =	ssyncset.done @!p0 $0x0  }
0xd5: {  	[sflag:s2] =	ssyncadd.s32 @!p0 $0xFFFFF830  }
0xd6: {  	_ =	swait.ge @!p0 [sflag:s2], $0x7D0  }
0xd7: {  	[sflag:s2] =	ssyncset.done @!p0 $0x0  }
0xd8: {  	[sflag:s2] =	ssyncadd.s32 @!p0 $0xFFFFF830  }
0xd9: {  	_ =	swait.ge @!p0 [sflag:s2], $0x7D0  }
0xda: {  	[sflag:s2] =	ssyncset.done @!p0 $0x0  }
0xdb: {  	[sflag:s2] =	ssyncadd.s32 @!p0 $0xFFFFF830  }
0xdc: {  	_ =	swait.ge @!p0 [sflag:s2], $0x7D0  }
0xdd: {  	[sflag:s2] =	ssyncset.done @!p0 $0x0  }
0xde: {  	[sflag:s2] =	ssyncadd.s32 @!p0 $0xFFFFF830  }
0xdf: {  	_ =	swait.ge @!p0 [sflag:s2], $0x7D0  }
0xe0: {  	[sflag:s2] =	ssyncset.done @!p0 $0x0  }
0xe1: {  	[sflag:s2] =	ssyncadd.s32 @!p0 $0xFFFFF830  }
0xe2: {  	_ =	swait.ge @!p0 [sflag:s2], $0x7D0  }
0xe3: {  	[sflag:s2] =	ssyncset.done @!p0 $0x0  }
0xe4: {  	s1 =	sadd.s32 s1, s9;
	[sflag:s2] =	ssyncadd.s32 @!p0 $0xFFFFF830  }
0xe5: {  	[tilespmem:s4], [sflag:$0x3] =	stream.linear.gather [hbm4b:s1+s4], $0x400, $0x38;
	[tilespmem:$0x3750] =	vst v63  }
0xe6: {  	_ =	swait.ge [sflag:s11], $0x400  }
0xe7: {  	[sflag:s11] =	ssyncset.done $0x0  }
0xe8: {  	[sflag:s11] =	ssyncadd.s32 $0xFFFFFC00  }
0xe9: {  	[spmem:s3] =	stream.indirect.scatter.add.f32 [tilespmem:s12], [sflag:$0x1], $0x10, s4, s13, $0xb8;
	[tilespmem:$0x3750] =	vst v63  }
0xea: {  	_ = 	snop  }
0xeb: {  	[spmem:s3] =	stream.indirect.scatter.add.f32 [tilespmem:s12], [sflag:$0x1], $0x10, s14, s13, $0xb8;
	[tilespmem:$0x3750] =	vst v63  }
0xec: {  	_ = 	snop  }
0xed: {  	[spmem:s3] =	stream.indirect.scatter.add.f32 [tilespmem:s12], [sflag:$0x1], $0x10, s15, s13, $0xb8;
	[tilespmem:$0x3750] =	vst v63  }
0xee: {  	_ = 	snop  }
0xef: {  	[spmem:s3] =	stream.indirect.scatter.add.f32 [tilespmem:s12], [sflag:$0x1], $0x10, s16, s13, $0xb8;
	[tilespmem:$0x3750] =	vst v63  }
0xf0: {  	_ = 	snop  }
0xf1: {  	[spmem:s3] =	stream.indirect.scatter.add.f32 [tilespmem:s12], [sflag:$0x1], $0x10, s17, s13, $0xb8;
	[tilespmem:$0x3750] =	vst v63  }
0xf2: {  	_ = 	snop  }
0xf3: {  	[spmem:s3] =	stream.indirect.scatter.add.f32 [tilespmem:s12], [sflag:$0x1], $0x10, s18, s13, $0xb8;
	[tilespmem:$0x3750] =	vst v63  }
0xf4: {  	_ = 	snop  }
0xf5: {  	[spmem:s3] =	stream.indirect.scatter.add.f32 [tilespmem:s12], [sflag:$0x1], $0x10, s19, s13, $0xb8;
	[tilespmem:$0x3750] =	vst v63  }
0xf6: {  	s2 =	simm.s32 @!p0 $0x2  }
0xf7: {  	[spmem:s3] =	stream.indirect.scatter.add.f32 [tilespmem:s12], [sflag:$0x1], $0x10, s20, s13, $0xb8;
	[tilespmem:$0x3750] =	vst v63  }
0xf8: {  	_ =	swait.ge @!p0 [sflag:s2], $0x7D0  }
0xf9: {  	[sflag:s2] =	ssyncset.done @!p0 $0x0  }
0xfa: {  	[sflag:s2] =	ssyncadd.s32 @!p0 $0xFFFFF830  }
0xfb: {  	_ =	swait.ge @!p0 [sflag:s2], $0x7D0  }
0xfc: {  	[sflag:s2] =	ssyncset.done @!p0 $0x0  }
0xfd: {  	[sflag:s2] =	ssyncadd.s32 @!p0 $0xFFFFF830  }
0xfe: {  	_ =	swait.ge @!p0 [sflag:s2], $0x7D0  }
0xff: {  	[sflag:s2] =	ssyncset.done @!p0 $0x0  }
0x100: {  	[sflag:s2] =	ssyncadd.s32 @!p0 $0xFFFFF830  }
0x101: {  	_ =	swait.ge @!p0 [sflag:s2], $0x7D0  }
0x102: {  	[sflag:s2] =	ssyncset.done @!p0 $0x0  }
0x103: {  	[sflag:s2] =	ssyncadd.s32 @!p0 $0xFFFFF830  }
0x104: {  	_ =	swait.ge @!p0 [sflag:s2], $0x7D0  }
0x105: {  	[sflag:s2] =	ssyncset.done @!p0 $0x0  }
0x106: {  	[sflag:s2] =	ssyncadd.s32 @!p0 $0xFFFFF830  }
0x107: {  	_ =	swait.ge @!p0 [sflag:s2], $0x7D0  }
0x108: {  	[sflag:s2] =	ssyncset.done @!p0 $0x0  }
0x109: {  	[sflag:s2] =	ssyncadd.s32 @!p0 $0xFFFFF830  }
0x10a: {  	_ =	swait.ge @!p0 [sflag:s2], $0x7D0  }
0x10b: {  	[sflag:s2] =	ssyncset.done @!p0 $0x0  }
0x10c: {  	[sflag:s2] =	ssyncadd.s32 @!p0 $0xFFFFF830  }
0x10d: {  	_ =	swait.ge @!p0 [sflag:s2], $0x7D0  }
0x10e: {  	[sflag:s2] =	ssyncset.done @!p0 $0x0  }
0x10f: {  	s1 =	sadd.s32 $0x1000, s1;
	[sflag:s2] =	ssyncadd.s32 @!p0 $0xFFFFF830  }
0x110: {  	[tilespmem:s21], [sflag:$0x3] =	stream.linear.gather [hbm4b:s1+s4], $0x400, $0x38;
	[tilespmem:$0x3750] =	vst v63  }
0x111: {  	_ =	swait.ge [sflag:s11], $0x400  }
0x112: {  	[sflag:s11] =	ssyncset.done $0x0  }
0x113: {  	[sflag:s11] =	ssyncadd.s32 $0xFFFFFC00  }
0x114: {  	[spmem:s3] =	stream.indirect.scatter.add.f32 [tilespmem:s12], [sflag:$0x2], $0x10, s21, s13, $0xb8;
	[tilespmem:$0x3750] =	vst v63  }
0x115: {  	_ = 	snop  }
0x116: {  	[spmem:s3] =	stream.indirect.scatter.add.f32 [tilespmem:s12], [sflag:$0x2], $0x10, s22, s13, $0xb8;
	[tilespmem:$0x3750] =	vst v63  }
0x117: {  	_ = 	snop  }
0x118: {  	[spmem:s3] =	stream.indirect.scatter.add.f32 [tilespmem:s12], [sflag:$0x2], $0x10, s23, s13, $0xb8;
	[tilespmem:$0x3750] =	vst v63  }
0x119: {  	_ = 	snop  }
0x11a: {  	[spmem:s3] =	stream.indirect.scatter.add.f32 [tilespmem:s12], [sflag:$0x2], $0x10, s24, s13, $0xb8;
	[tilespmem:$0x3750] =	vst v63  }
0x11b: {  	_ = 	snop  }
0x11c: {  	[spmem:s3] =	stream.indirect.scatter.add.f32 [tilespmem:s12], [sflag:$0x2], $0x10, s25, s13, $0xb8;
	[tilespmem:$0x3750] =	vst v63  }
0x11d: {  	_ = 	snop  }
0x11e: {  	[spmem:s3] =	stream.indirect.scatter.add.f32 [tilespmem:s12], [sflag:$0x2], $0x10, s26, s13, $0xb8;
	[tilespmem:$0x3750] =	vst v63  }
0x11f: {  	_ = 	snop  }
0x120: {  	[spmem:s3] =	stream.indirect.scatter.add.f32 [tilespmem:s12], [sflag:$0x2], $0x10, s28, s13, $0xb8;
	[tilespmem:$0x3750] =	vst v63  }
0x121: {  	_ = 	snop  }
0x122: {  	[spmem:s3] =	stream.indirect.scatter.add.f32 [tilespmem:s12], [sflag:$0x2], $0x10, s29, s13, $0xb8;
	[tilespmem:$0x3750] =	vst v63  }
0x123: {  	_ =	swait.ge [sflag:s30], $0x7D0  }
0x124: {  	[sflag:s30] =	ssyncset.done $0x0  }
0x125: {  	[sflag:s30] =	ssyncadd.s32 $0xFFFFF830  }
0x126: {  	_ =	swait.ge [sflag:s30], $0x7D0  }
0x127: {  	[sflag:s30] =	ssyncset.done $0x0  }
0x128: {  	[sflag:s30] =	ssyncadd.s32 $0xFFFFF830  }
0x129: {  	_ =	swait.ge [sflag:s30], $0x7D0  }
0x12a: {  	[sflag:s30] =	ssyncset.done $0x0  }
0x12b: {  	[sflag:s30] =	ssyncadd.s32 $0xFFFFF830  }
0x12c: {  	_ =	swait.ge [sflag:s30], $0x7D0  }
0x12d: {  	[sflag:s30] =	ssyncset.done $0x0  }
0x12e: {  	[sflag:s30] =	ssyncadd.s32 $0xFFFFF830  }
0x12f: {  	_ =	swait.ge [sflag:s30], $0x7D0  }
0x130: {  	[sflag:s30] =	ssyncset.done $0x0  }
0x131: {  	[sflag:s30] =	ssyncadd.s32 $0xFFFFF830  }
0x132: {  	_ =	swait.ge [sflag:s30], $0x7D0  }
0x133: {  	[sflag:s30] =	ssyncset.done $0x0  }
0x134: {  	[sflag:s30] =	ssyncadd.s32 $0xFFFFF830  }
0x135: {  	_ =	swait.ge [sflag:s30], $0x7D0  }
0x136: {  	[sflag:s30] =	ssyncset.done $0x0  }
0x137: {  	[sflag:s30] =	ssyncadd.s32 $0xFFFFF830  }
0x138: {  	_ =	swait.ge [sflag:s30], $0x7D0  }
0x139: {  	[sflag:s30] =	ssyncset.done $0x0  }
0x13a: {  	[sflag:s30] =	ssyncadd.s32 $0xFFFFF830  }
0x13b: {  	_ =	swait.ge [sflag:s31], $0x7D0  }
0x13c: {  	[sflag:s31] =	ssyncset.done $0x0  }
0x13d: {  	[sflag:s31] =	ssyncadd.s32 $0xFFFFF830  }
0x13e: {  	_ =	swait.ge [sflag:s31], $0x7D0  }
0x13f: {  	[sflag:s31] =	ssyncset.done $0x0  }
0x140: {  	[sflag:s31] =	ssyncadd.s32 $0xFFFFF830  }
0x141: {  	_ =	swait.ge [sflag:s31], $0x7D0  }
0x142: {  	[sflag:s31] =	ssyncset.done $0x0  }
0x143: {  	[sflag:s31] =	ssyncadd.s32 $0xFFFFF830  }
0x144: {  	_ =	swait.ge [sflag:s31], $0x7D0  }
0x145: {  	[sflag:s31] =	ssyncset.done $0x0  }
0x146: {  	[sflag:s31] =	ssyncadd.s32 $0xFFFFF830  }
0x147: {  	_ =	swait.ge [sflag:s31], $0x7D0  }
0x148: {  	[sflag:s31] =	ssyncset.done $0x0  }
0x149: {  	[sflag:s31] =	ssyncadd.s32 $0xFFFFF830  }
0x14a: {  	_ =	swait.ge [sflag:s31], $0x7D0  }
0x14b: {  	[sflag:s31] =	ssyncset.done $0x0  }
0x14c: {  	[sflag:s31] =	ssyncadd.s32 $0xFFFFF830  }
0x14d: {  	_ =	swait.ge [sflag:s31], $0x7D0  }
0x14e: {  	[sflag:s31] =	ssyncset.done $0x0  }
0x14f: {  	[sflag:s31] =	ssyncadd.s32 $0xFFFFF830  }
0x150: {  	_ =	swait.ge [sflag:s31], $0x7D0  }
0x151: {  	[sflag:s31] =	ssyncset.done $0x0  }
0x152: {  	s0 =	sadd.s32 $0x1, s0;
	[sflag:s31] =	ssyncadd.s32 $0xFFFFF830  }
0x153: {  	p0 =	sne.s32 s0, s8;
	[bflag:$0x0] =	sbarrier.arrive $0xFFFF  }
.Ltmp1:
0x154: {  	s7 =	rddreg [dreg:$0x5];
	(pc) =	sbr.rel @p0 .LBB2_1-.Ltmp1, $4  }
0x155: {  	[hbm:s7], [sflag:s6] =	dma.local [spmem:s10], $0x4F0  }
0x156: {  	_ =	swait.ge [sflag:s11], $0x4F0  }
0x157: {  	[sflag:s11] =	ssyncset.done $0x0  }
0x158: {  	[sflag:s11] =	ssyncadd.s32 $0xFFFFFB10  }
0x159: {  	_ =	sfence.sel $0x180000  }
0x15a: {  	[bflag:$0x0] =	sbarrier.arrive $0xFFFF  }
0x15b: {  	_ =	strace $0x90000047  }
0x15c: {  	s0 =	stileid.u32;
	[bflag:$0x2] =	sbarrier.arrive $0xFFFF  }
0x15d: {  	p0 =	sne.s32 s0, $0x0;
	s0 =	rddreg [dreg:$0x3]  }
0x15e: {  	s0 =	sadd.s32 @!p0 $0x100000, s0  }
0x15f: {  	[sflag:s0] =	ssyncadd.tile.s32 @!p0 $0x1;
	_ =	shalt  }
.Lfunc_end2:
_tile_overlayer_lowered:
.L_overlay_start_2:
0x160: {  	(tag) =	ssettag $0x2  }
0x161: {  	s0 =	rddreg [dreg:$0x0];
	s2 =	stileid.u32  }
0x162: {  	s1 =	rddreg [dreg:$0x1];
	p0 =	sne.s32 s2, $0x0  }
0x163: {  	s3 =	rddreg [dreg:$0x2];
	[bflag:$0x3] =	sbarrier.arrive $0xFFFF;
	s2 =	simm.s32 @!p0 $0x1C03  }
0x164: {  	[timem:s3], [sflag:s2] =	dma.local @!p0 [hbm:s0], s1  }
0x165: {  	s0 =	simm.s32 @!p0 $0x3  }
0x166: {  	_ =	swait.ge @!p0 [sflag:s0], s1  }
0x167: {  	s1 =	ssub.s32 @!p0 $0x0, s1;
	[sflag:s0] =	ssyncset.done @!p0 $0x0  }
0x168: {  	[sflag:s0] =	ssyncadd.s32 @!p0 s1  }
0x169: {  	[bflag:$0x3] =	sbarrier.arrive $0xFFFF  }
0x16a: {  	_ =	shalt  }

</sc_bundles>
